<compile_context>
chip_gen: v7x
topology: tpu7x:2x2x1
jax: 0.10.2.dev20260603
libtpu: 0.0.44.dev20260713+nightly
codegen_flags: <defaults>
</compile_context>

<pallas_src>
import jax
import jax.numpy as jnp
from jax import lax
from jax.experimental import pallas as pl
from jax.experimental.pallas import tpu as pltpu
from jax.experimental.pallas import tpu_sc as plsc

_N = 10000
_E = 320000
_D_IN = 128
_D_HID = 256
_D_OUT = 64

_NC = 2
_NS = 16
_NW = _NC * _NS

_CHUNK = 128
_EPT_ROWS = 80
_E_PAD = _NW * _EPT_ROWS * _CHUNK
_ROWS_PER_TILE_N = 640
_N_PAD = _NS * _ROWS_PER_TILE_N
_CNT_W = 16

def _sc_mesh():
    return plsc.VectorSubcoreMesh(
        core_axis_name="c", subcore_axis_name="s",
        num_cores=_NC, num_subcores=_NS,
    )


def _make_sc_agg_fs(width, edge_split=False):
    half = width if edge_split else width // 2
    chunk = _CHUNK
    rows_t = _E_PAD // ((_NW if edge_split else _NS) * chunk)
    n_ph = 4
    ph = rows_t // n_ph
    rpt_tab = _N // _NS
    out_type = jax.ShapeDtypeStruct((_NC, _N_PAD, half), jnp.float32)
    scratch = [
        pltpu.VMEM((ph, chunk), jnp.int32),
        pltpu.VMEM((ph, chunk), jnp.int32),
        [pltpu.VMEM((chunk, half), jnp.float32) for _ in range(4)],
        pltpu.VMEM_SHARED((_N, half), jnp.float32),
        pltpu.VMEM_SHARED((_N_PAD, half), jnp.float32),
        [pltpu.SemaphoreType.DMA for _ in range(4)],
        [pltpu.SemaphoreType.DMA for _ in range(4)],
    ]

    def body(tabh, srcm, dstm, zrow, acc_out, src_v, dst_v, bufs, tab_sh,
             acc_sh, gsems, ssems):
        cid = lax.axis_index("c")
        sid = lax.axis_index("s")
        row0 = sid * _ROWS_PER_TILE_N
        sl = pl.ds(row0, _ROWS_PER_TILE_N)

        def gather(j, b):
            pltpu.async_copy(tab_sh.at[dst_v.at[j]], bufs[b], gsems[b])

        def gather_wait(b):
            pltpu.make_async_copy(tab_sh.at[dst_v.at[0]], bufs[b],
                                  gsems[b]).wait()

        def scatter(j, b):
            pltpu.async_copy(bufs[b], acc_sh.at[src_v.at[j]], ssems[b],
                             add=True)

        def scatter_wait(b):
            pltpu.make_async_copy(bufs[b], acc_sh.at[src_v.at[0]],
                                  ssems[b]).wait()

        tsl = pl.ds(sid * rpt_tab, rpt_tab)
        if edge_split:
            pltpu.sync_copy(tabh.at[tsl], tab_sh.at[tsl])
        else:
            pltpu.sync_copy(tabh.at[cid, tsl], tab_sh.at[tsl])
        pltpu.sync_copy(zrow, acc_sh.at[sl])
        plsc.subcore_barrier()

        wid = sid * _NC + cid
        for p in range(n_ph):
            base = (wid if edge_split else sid) * rows_t + p * ph
            pltpu.sync_copy(srcm.at[pl.ds(base, ph)], src_v)
            pltpu.sync_copy(dstm.at[pl.ds(base, ph)], dst_v)
            for b in range(4):
                gather(b, b)
            for i in range(2):
                gather_wait(i)
                scatter(i, i)

            def step(k, carry):
                for b4 in range(4):
                    i = 4 * k + 2 + b4
                    b = (2 + b4) % 4
                    gather_wait(b)
                    scatter(i, b)
                    bn = b4 % 4
                    scatter_wait(bn)
                    gather(jnp.minimum(i + 2, ph - 1), bn)
                return carry

            lax.fori_loop(0, (ph - 4) // 4, step, 0)
            for i in (ph - 2, ph - 1):
                b = i % 4
                gather_wait(b)
                scatter(i, b)
            for i in range(ph - 4, ph):
                scatter_wait(i % 4)

        plsc.subcore_barrier()
        pltpu.sync_copy(acc_sh.at[sl], acc_out.at[cid, sl])

    return pl.kernel(
        body, out_type=out_type, mesh=_sc_mesh(), scratch_types=scratch,
        compiler_params=pltpu.CompilerParams(use_tc_tiling_on_sc=False))


def _make_sc_counts():
    out_type = jax.ShapeDtypeStruct((_NC, _N_PAD, _CNT_W), jnp.float32)
    scratch = [
        pltpu.VMEM((_EPT_ROWS, _CHUNK), jnp.int32),
        pltpu.VMEM((_CHUNK, _CNT_W), jnp.float32),
        pltpu.VMEM_SHARED((_N_PAD, _CNT_W), jnp.float32),
    ]

    def body(srcm, zcnt, ones_hbm, cnt_out, src_v, ones_v, cnt_sh):
        cid = lax.axis_index("c")
        sid = lax.axis_index("s")
        wid = sid * _NC + cid
        row0 = sid * _ROWS_PER_TILE_N
        sl = pl.ds(row0, _ROWS_PER_TILE_N)

        pltpu.sync_copy(zcnt, cnt_sh.at[sl])
        pltpu.sync_copy(ones_hbm, ones_v)
        pltpu.sync_copy(srcm.at[pl.ds(wid * _EPT_ROWS, _EPT_ROWS)], src_v)
        plsc.subcore_barrier()

        def step(j, carry):
            pltpu.sync_copy(ones_v, cnt_sh.at[src_v.at[j]], add=True)
            return carry

        lax.fori_loop(0, _EPT_ROWS, step, 0)
        plsc.subcore_barrier()
        pltpu.sync_copy(cnt_sh.at[sl], cnt_out.at[cid, sl])

    return pl.kernel(
        body, out_type=out_type, mesh=_sc_mesh(), scratch_types=scratch,
        compiler_params=pltpu.CompilerParams(use_tc_tiling_on_sc=False))


def _tc1_body(acc_ref, cnt_ref, x_ref, w1_ref, w2_ref, b1_ref, g_ref):
    c = cnt_ref[0, :, 0:1] + cnt_ref[1, :, 0:1] + 1.0
    s = jnp.concatenate([acc_ref[0], acc_ref[1]], axis=1) + x_ref[...]
    agg = s / c
    h = lax.dot_general(agg, w1_ref[...], (((1,), (1,)), ((), ())),
                        preferred_element_type=jnp.float32)
    h = jnp.maximum(h + b1_ref[...], 0.0)
    gg = lax.dot_general(h, w2_ref[...], (((1,), (1,)), ((), ())),
                         preferred_element_type=jnp.float32)
    g_ref[0] = gg[:, : _D_OUT // 2]
    g_ref[1] = gg[:, _D_OUT // 2:]


def _tc2_body(acc_ref, cnt_ref, g_ref, b2_ref, out_ref):
    c = cnt_ref[0, :, 0:1] + cnt_ref[1, :, 0:1] + 1.0
    s = jnp.concatenate([acc_ref[0], acc_ref[1]], axis=1)
    g = jnp.concatenate([g_ref[0], g_ref[1]], axis=1)
    z = (s + g) / c + b2_ref[...]
    m = jnp.max(z, axis=1, keepdims=True)
    lse = jnp.log(jnp.sum(jnp.exp(z - m), axis=1, keepdims=True)) + m
    out_ref[...] = z - lse


_R = 1000


def kernel(x, edge_index, W1, b1, W2, b2):
    src = edge_index[0]
    dst = edge_index[1]
    pad = _E_PAD - _E
    src_p = jnp.concatenate([src, jnp.full((pad,), _N, jnp.int32)])
    dst_p = jnp.concatenate([dst, jnp.zeros((pad,), jnp.int32)])
    srcm = src_p.reshape(_E_PAD // _CHUNK, _CHUNK)
    dstm = dst_p.reshape(_E_PAD // _CHUNK, _CHUNK)
    zrow = jnp.zeros((_ROWS_PER_TILE_N, _D_IN // 2), jnp.float32)
    zrow64 = jnp.zeros((_ROWS_PER_TILE_N, _D_OUT // 2), jnp.float32)
    zcnt = jnp.zeros((_ROWS_PER_TILE_N, _CNT_W), jnp.float32)

    ones = jnp.ones((_CHUNK, _CNT_W), jnp.float32)
    cnt = _make_sc_counts()(srcm, zcnt, ones)
    xh = jnp.stack([x[:, : _D_IN // 2], x[:, _D_IN // 2:]])
    acc1 = _make_sc_agg_fs(_D_IN)(xh, srcm, dstm, zrow)

    grid = (_N // _R,)
    gh = pl.pallas_call(
        _tc1_body,
        grid=grid,
        in_specs=[
            pl.BlockSpec((_NC, _R, _D_IN // 2), lambda i: (0, i, 0)),
            pl.BlockSpec((_NC, _R, _CNT_W), lambda i: (0, i, 0)),
            pl.BlockSpec((_R, _D_IN), lambda i: (i, 0)),
            pl.BlockSpec((_D_HID, _D_IN), lambda i: (0, 0)),
            pl.BlockSpec((_D_OUT, _D_HID), lambda i: (0, 0)),
            pl.BlockSpec((1, _D_HID), lambda i: (0, 0)),
        ],
        out_specs=pl.BlockSpec((_NC, _R, _D_OUT // 2), lambda i: (0, i, 0)),
        out_shape=jax.ShapeDtypeStruct((_NC, _N, _D_OUT // 2), jnp.float32),
    )(acc1, cnt, x, W1, W2, b1.reshape(1, _D_HID))

    acc2 = _make_sc_agg_fs(_D_OUT)(gh, srcm, dstm, zrow64)

    out = pl.pallas_call(
        _tc2_body,
        grid=grid,
        in_specs=[
            pl.BlockSpec((_NC, _R, _D_OUT // 2), lambda i: (0, i, 0)),
            pl.BlockSpec((_NC, _R, _CNT_W), lambda i: (0, i, 0)),
            pl.BlockSpec((_NC, _R, _D_OUT // 2), lambda i: (0, i, 0)),
            pl.BlockSpec((1, _D_OUT), lambda i: (0, 0)),
        ],
        out_specs=pl.BlockSpec((_R, _D_OUT), lambda i: (i, 0)),
        out_shape=jax.ShapeDtypeStruct((_N, _D_OUT), jnp.float32),
    )(acc2, cnt, gh, b2.reshape(1, _D_OUT))

    return out

# --- scband reference (transcript-rebuilt; emitter-appended) ---
"""Pipeline reference for scband-graph-sage-basic-20469814133413 (READ-ONLY COPY).

The authoritative reference and input builder live on the scoring server;
editing this copy changes nothing except your own understanding.
"""

import jax, jax.numpy as jnp
import numpy as np

N = 10000
E = 320000
D_IN = 128
D_HID = 256
D_OUT = 64


def _segment_mean(vals, idx, num_segments):
    s = jax.ops.segment_sum(vals, idx, num_segments=num_segments)
    c = jax.ops.segment_sum(jnp.ones((idx.shape[0],), vals.dtype), idx, num_segments=num_segments)
    return s / jnp.maximum(c, 1.0)[:, None]


def setup_inputs(seed: int = 0):
    key = jax.random.key(seed)
    k1, k2, k3, k4, k5, k6 = jax.random.split(key, 6)
    x = jax.random.normal(k1, (N, D_IN), dtype=jnp.float32)
    edge_index = jax.random.randint(k2, (2, E), 0, N, dtype=jnp.int32)
    # Linear layer params (torch Linear: y = x @ W.T + b)
    W1 = jax.random.uniform(k3, (D_HID, D_IN), dtype=jnp.float32,
                            minval=-1.0 / np.sqrt(D_IN), maxval=1.0 / np.sqrt(D_IN))
    b1 = jax.random.uniform(k4, (D_HID,), dtype=jnp.float32,
                            minval=-1.0 / np.sqrt(D_IN), maxval=1.0 / np.sqrt(D_IN))
    W2 = jax.random.uniform(k5, (D_OUT, D_HID), dtype=jnp.float32,
                            minval=-1.0 / np.sqrt(D_HID), maxval=1.0 / np.sqrt(D_HID))
    b2 = jax.random.uniform(k6, (D_OUT,), dtype=jnp.float32,
                            minval=-1.0 / np.sqrt(D_HID), maxval=1.0 / np.sqrt(D_HID))
    return {"x": x, "edge_index": edge_index, "W1": W1, "b1": b1, "W2": W2, "b2": b2}


def reference(x, edge_index, W1, b1, W2, b2):
    n = x.shape[0]
    # add_self_loops
    loops = jnp.arange(n, dtype=edge_index.dtype)
    ei = jnp.concatenate([edge_index, jnp.stack([loops, loops], axis=0)], axis=1)
    src = ei[0]
    dst = ei[1]
    # conv1: mean-aggregate x[dst] into buckets keyed by src
    h = _segment_mean(x[dst], src, n)
    h = jax.nn.relu(h @ W1.T + b1)
    # dropout is identity in eval mode
    # conv2: mean-aggregate h[dst] into buckets keyed by src
    h2 = _segment_mean(h[dst], src, n)
    out = h2 @ W2.T + b2
    return jax.nn.log_softmax(out, axis=1)

if __name__ == "__main__":
    import jax
    _d = setup_inputs()
    print(jax.jit(kernel)(*tuple(_d.values())))

</pallas_src>

<mosaic_0001>
#map = affine_map<(d0, d1) -> (0, 0)>
#map1 = affine_map<(d0, d1) -> (0, 0, 0)>
module attributes {stable_mosaic.version = 14 : i64} {
  func.func @body(%arg0: i32, %arg1: i32, %arg2: memref<2560x128xi32, #tpu.memory_space<hbm>>, %arg3: memref<640x16xf32, #tpu.memory_space<hbm>>, %arg4: memref<128x16xf32, #tpu.memory_space<hbm>>, %arg5: memref<2x10240x16xf32, #tpu.memory_space<hbm>>, %arg6: memref<80x128xi32, #tpu.memory_space<vmem>>, %arg7: memref<128x16xf32, #tpu.memory_space<vmem>>, %arg8: memref<10240x16xf32, #tpu.memory_space<vmem_shared>>) attributes {dimension_semantics = [#tpu.dimension_semantics<core_parallel>, #tpu.dimension_semantics<subcore_parallel>], iteration_bounds = array<i64: 2, 16>, scalar_prefetch = 0 : i64, scratch_operands = 3 : i64, tpu.core_type = #tpu.core_type<sc_vector_subcore>, window_params = [{transform_indices = #map}, {transform_indices = #map}, {transform_indices = #map}, {transform_indices = #map1}]} {
    %mul3A = arith.constant 2 : i32
    %mul3A_0 = arith.muli %arg1, %mul3A : i32
    %add3A = arith.addi %mul3A_0, %arg0 : i32
    %mul3A_1 = arith.constant 640 : i32
    %mul3A_2 = arith.muli %arg1, %mul3A_1 : i32
    "tpu.region"() ({
      %run_scoped3A = tpu.sem_alloc : memref<!tpu.dma_semaphore, #tpu.memory_space<semaphore_mem>>
      %dma_start3A = arith.constant 0 : i32
      %dma_start3A_11 = tpu.memref_slice %arg8[%mul3A_2, %dma_start3A] : memref<10240x16xf32, #tpu.memory_space<vmem_shared>> -> memref<640x16xf32, #tpu.memory_space<vmem_shared>>
      tpu.enqueue_dma source(%arg3 : memref<640x16xf32, #tpu.memory_space<hbm>>) target(%dma_start3A_11 : memref<640x16xf32, #tpu.memory_space<vmem_shared>>) target_semaphore(%run_scoped3A : memref<!tpu.dma_semaphore, #tpu.memory_space<semaphore_mem>>)
      %dma_wait3A = arith.constant 0 : i32
      %dma_wait3A_12 = tpu.memref_slice %arg8[%mul3A_2, %dma_wait3A] : memref<10240x16xf32, #tpu.memory_space<vmem_shared>> -> memref<640x16xf32, #tpu.memory_space<vmem_shared>>
      tpu.wait_dma2 semaphore(%run_scoped3A : memref<!tpu.dma_semaphore, #tpu.memory_space<semaphore_mem>>) src(%arg3 : memref<640x16xf32, #tpu.memory_space<hbm>>) dst(%dma_wait3A_12 : memref<640x16xf32, #tpu.memory_space<vmem_shared>>)
      tpu.yield
    }) : () -> ()
    "tpu.region"() ({
      %run_scoped3A = tpu.sem_alloc : memref<!tpu.dma_semaphore, #tpu.memory_space<semaphore_mem>>
      tpu.enqueue_dma source(%arg4 : memref<128x16xf32, #tpu.memory_space<hbm>>) target(%arg7 : memref<128x16xf32, #tpu.memory_space<vmem>>) target_semaphore(%run_scoped3A : memref<!tpu.dma_semaphore, #tpu.memory_space<semaphore_mem>>)
      tpu.wait_dma2 semaphore(%run_scoped3A : memref<!tpu.dma_semaphore, #tpu.memory_space<semaphore_mem>>) src(%arg4 : memref<128x16xf32, #tpu.memory_space<hbm>>) dst(%arg7 : memref<128x16xf32, #tpu.memory_space<vmem>>)
      tpu.yield
    }) : () -> ()
    %mul3A_3 = arith.constant 80 : i32
    %mul3A_4 = arith.muli %add3A, %mul3A_3 : i32
    "tpu.region"() ({
      %run_scoped3A = tpu.sem_alloc : memref<!tpu.dma_semaphore, #tpu.memory_space<semaphore_mem>>
      %dma_start3A = arith.constant 0 : i32
      %dma_start3A_11 = tpu.memref_slice %arg2[%mul3A_4, %dma_start3A] : memref<2560x128xi32, #tpu.memory_space<hbm>> -> memref<80x128xi32, #tpu.memory_space<hbm>>
      %dma_start3A_12 = arith.constant 0 : i32
      %dma_start3A_13 = tpu.memref_slice %arg2[%mul3A_4, %dma_start3A_12] : memref<2560x128xi32, #tpu.memory_space<hbm>> -> memref<80x128xi32, #tpu.memory_space<hbm>>
      tpu.enqueue_dma source(%dma_start3A_13 : memref<80x128xi32, #tpu.memory_space<hbm>>) target(%arg6 : memref<80x128xi32, #tpu.memory_space<vmem>>) target_semaphore(%run_scoped3A : memref<!tpu.dma_semaphore, #tpu.memory_space<semaphore_mem>>)
      %dma_wait3A = arith.constant 0 : i32
      %dma_wait3A_14 = tpu.memref_slice %arg2[%mul3A_4, %dma_wait3A] : memref<2560x128xi32, #tpu.memory_space<hbm>> -> memref<80x128xi32, #tpu.memory_space<hbm>>
      %dma_wait3A_15 = arith.constant 0 : i32
      %dma_wait3A_16 = tpu.memref_slice %arg2[%mul3A_4, %dma_wait3A_15] : memref<2560x128xi32, #tpu.memory_space<hbm>> -> memref<80x128xi32, #tpu.memory_space<hbm>>
      tpu.wait_dma2 semaphore(%run_scoped3A : memref<!tpu.dma_semaphore, #tpu.memory_space<semaphore_mem>>) src(%dma_wait3A_16 : memref<80x128xi32, #tpu.memory_space<hbm>>) dst(%arg6 : memref<80x128xi32, #tpu.memory_space<vmem>>)
      tpu.yield
    }) : () -> ()
    %barrier3A = arith.constant 0 : index
    tpu.barrier barrier_id(%barrier3A)
    %scan3A = arith.constant 0 : i32
    %scan3A_5 = arith.constant 0 : i32
    %scan3A_6 = arith.constant 80 : i32
    %scan3A_7 = arith.addi %scan3A_5, %scan3A_6 : i32
    %scan3A_8 = arith.constant 1 : i32
    scf.for %scan3A_11 = %scan3A_5 to %scan3A_7 step %scan3A_8  : i32 {
      "tpu.region"() ({
        %run_scoped3A = tpu.sem_alloc : memref<!tpu.dma_semaphore, #tpu.memory_space<semaphore_mem>>
        %dma_start3A = arith.constant 0 : i32
        %dma_start3A_12 = tpu.memref_slice %arg6[%scan3A_11, %dma_start3A] : memref<80x128xi32, #tpu.memory_space<vmem>> -> memref<1x128xi32, #tpu.memory_space<vmem>>
        %dma_start3A_13 = tpu.memref_squeeze %dma_start3A_12 : memref<1x128xi32, #tpu.memory_space<vmem>> -> memref<128xi32, #tpu.memory_space<vmem>>
        %dma_start3A_14 = arith.constant 0 : i32
        %dma_start3A_15 = arith.constant 0 : i32
        %dma_start3A_16 = tpu.memref_slice %arg8[%dma_start3A_14, %dma_start3A_15] : memref<10240x16xf32, #tpu.memory_space<vmem_shared>> -> memref<10240x16xf32, #tpu.memory_space<vmem_shared>>
        tpu.enqueue_indirect_dma source(%arg7 : memref<128x16xf32, #tpu.memory_space<vmem>>) target(%dma_start3A_16 : memref<10240x16xf32, #tpu.memory_space<vmem_shared>>) offsets(%dma_start3A_13 : memref<128xi32, #tpu.memory_space<vmem>>) semaphore(%run_scoped3A : memref<!tpu.dma_semaphore, #tpu.memory_space<semaphore_mem>>) {add = true}
        %dma_wait3A = arith.constant 0 : i32
        %dma_wait3A_17 = tpu.memref_slice %arg6[%scan3A_11, %dma_wait3A] : memref<80x128xi32, #tpu.memory_space<vmem>> -> memref<1x128xi32, #tpu.memory_space<vmem>>
        %dma_wait3A_18 = tpu.memref_squeeze %dma_wait3A_17 : memref<1x128xi32, #tpu.memory_space<vmem>> -> memref<128xi32, #tpu.memory_space<vmem>>
        %dma_wait3A_19 = arith.constant 0 : i32
        %dma_wait3A_20 = arith.constant 0 : i32
        %dma_wait3A_21 = tpu.memref_slice %arg8[%dma_wait3A_19, %dma_wait3A_20] : memref<10240x16xf32, #tpu.memory_space<vmem_shared>> -> memref<10240x16xf32, #tpu.memory_space<vmem_shared>>
        tpu.wait_indirect_dma semaphore(%run_scoped3A : memref<!tpu.dma_semaphore, #tpu.memory_space<semaphore_mem>>) src(%arg7 : memref<128x16xf32, #tpu.memory_space<vmem>>) dst(%dma_wait3A_21 : memref<10240x16xf32, #tpu.memory_space<vmem_shared>>)
        tpu.yield
      }) : () -> ()
    }
    %scan3A_9 = arith.constant 80 : i32
    %barrier3A_10 = arith.constant 0 : index
    tpu.barrier barrier_id(%barrier3A_10)
    "tpu.region"() ({
      %run_scoped3A = tpu.sem_alloc : memref<!tpu.dma_semaphore, #tpu.memory_space<semaphore_mem>>
      %dma_start3A = arith.constant 0 : i32
      %dma_start3A_11 = tpu.memref_slice %arg5[%arg0, %mul3A_2, %dma_start3A] : memref<2x10240x16xf32, #tpu.memory_space<hbm>> -> memref<1x640x16xf32, #tpu.memory_space<hbm>>
      %dma_start3A_12 = tpu.memref_squeeze %dma_start3A_11 : memref<1x640x16xf32, #tpu.memory_space<hbm>> -> memref<640x16xf32, #tpu.memory_space<hbm>>
      %dma_start3A_13 = arith.constant 0 : i32
      %dma_start3A_14 = tpu.memref_slice %arg8[%mul3A_2, %dma_start3A_13] : memref<10240x16xf32, #tpu.memory_space<vmem_shared>> -> memref<640x16xf32, #tpu.memory_space<vmem_shared>>
      tpu.enqueue_dma source(%dma_start3A_14 : memref<640x16xf32, #tpu.memory_space<vmem_shared>>) target(%dma_start3A_12 : memref<640x16xf32, #tpu.memory_space<hbm>>) target_semaphore(%run_scoped3A : memref<!tpu.dma_semaphore, #tpu.memory_space<semaphore_mem>>)
      %dma_wait3A = arith.constant 0 : i32
      %dma_wait3A_15 = tpu.memref_slice %arg5[%arg0, %mul3A_2, %dma_wait3A] : memref<2x10240x16xf32, #tpu.memory_space<hbm>> -> memref<1x640x16xf32, #tpu.memory_space<hbm>>
      %dma_wait3A_16 = tpu.memref_squeeze %dma_wait3A_15 : memref<1x640x16xf32, #tpu.memory_space<hbm>> -> memref<640x16xf32, #tpu.memory_space<hbm>>
      %dma_wait3A_17 = arith.constant 0 : i32
      %dma_wait3A_18 = tpu.memref_slice %arg8[%mul3A_2, %dma_wait3A_17] : memref<10240x16xf32, #tpu.memory_space<vmem_shared>> -> memref<640x16xf32, #tpu.memory_space<vmem_shared>>
      tpu.wait_dma2 semaphore(%run_scoped3A : memref<!tpu.dma_semaphore, #tpu.memory_space<semaphore_mem>>) src(%dma_wait3A_18 : memref<640x16xf32, #tpu.memory_space<vmem_shared>>) dst(%dma_wait3A_16 : memref<640x16xf32, #tpu.memory_space<hbm>>)
      tpu.yield
    }) : () -> ()
    return
  }
}

#map = affine_map<(d0, d1) -> (0, 0, 0)>
#map1 = affine_map<(d0, d1) -> (0, 0)>
module attributes {stable_mosaic.version = 14 : i64} {
  func.func @body(%arg0: i32, %arg1: i32, %arg2: memref<2x10000x64xf32, #tpu.memory_space<hbm>>, %arg3: memref<2560x128xi32, #tpu.memory_space<hbm>>, %arg4: memref<2560x128xi32, #tpu.memory_space<hbm>>, %arg5: memref<640x64xf32, #tpu.memory_space<hbm>>, %arg6: memref<2x10240x64xf32, #tpu.memory_space<hbm>>, %arg7: memref<40x128xi32, #tpu.memory_space<vmem>>, %arg8: memref<40x128xi32, #tpu.memory_space<vmem>>, %arg9: memref<128x64xf32, #tpu.memory_space<vmem>>, %arg10: memref<128x64xf32, #tpu.memory_space<vmem>>, %arg11: memref<128x64xf32, #tpu.memory_space<vmem>>, %arg12: memref<128x64xf32, #tpu.memory_space<vmem>>, %arg13: memref<10000x64xf32, #tpu.memory_space<vmem_shared>>, %arg14: memref<10240x64xf32, #tpu.memory_space<vmem_shared>>, %arg15: memref<!tpu.dma_semaphore, #tpu.memory_space<semaphore_mem>>, %arg16: memref<!tpu.dma_semaphore, #tpu.memory_space<semaphore_mem>>, %arg17: memref<!tpu.dma_semaphore, #tpu.memory_space<semaphore_mem>>, %arg18: memref<!tpu.dma_semaphore, #tpu.memory_space<semaphore_mem>>, %arg19: memref<!tpu.dma_semaphore, #tpu.memory_space<semaphore_mem>>, %arg20: memref<!tpu.dma_semaphore, #tpu.memory_space<semaphore_mem>>, %arg21: memref<!tpu.dma_semaphore, #tpu.memory_space<semaphore_mem>>, %arg22: memref<!tpu.dma_semaphore, #tpu.memory_space<semaphore_mem>>) attributes {dimension_semantics = [#tpu.dimension_semantics<core_parallel>, #tpu.dimension_semantics<subcore_parallel>], iteration_bounds = array<i64: 2, 16>, scalar_prefetch = 0 : i64, scratch_operands = 16 : i64, tpu.core_type = #tpu.core_type<sc_vector_subcore>, window_params = [{transform_indices = #map}, {transform_indices = #map1}, {transform_indices = #map1}, {transform_indices = #map1}, {transform_indices = #map}]} {
    %mul3A = arith.constant 640 : i32
    %mul3A_0 = arith.muli %arg1, %mul3A : i32
    %mul3A_1 = arith.constant 625 : i32
    %mul3A_2 = arith.muli %arg1, %mul3A_1 : i32
    "tpu.region"() ({
      %run_scoped3A = tpu.sem_alloc : memref<!tpu.dma_semaphore, #tpu.memory_space<semaphore_mem>>
      %dma_start3A_491 = arith.constant 0 : i32
      %dma_start3A_492 = tpu.memref_slice %arg13[%mul3A_2, %dma_start3A_491] : memref<10000x64xf32, #tpu.memory_space<vmem_shared>> -> memref<625x64xf32, #tpu.memory_space<vmem_shared>>
      %dma_start3A_493 = arith.constant 0 : i32
      %dma_start3A_494 = tpu.memref_slice %arg2[%arg0, %mul3A_2, %dma_start3A_493] : memref<2x10000x64xf32, #tpu.memory_space<hbm>> -> memref<1x625x64xf32, #tpu.memory_space<hbm>>
      %dma_start3A_495 = tpu.memref_squeeze %dma_start3A_494 : memref<1x625x64xf32, #tpu.memory_space<hbm>> -> memref<625x64xf32, #tpu.memory_space<hbm>>
      tpu.enqueue_dma source(%dma_start3A_495 : memref<625x64xf32, #tpu.memory_space<hbm>>) target(%dma_start3A_492 : memref<625x64xf32, #tpu.memory_space<vmem_shared>>) target_semaphore(%run_scoped3A : memref<!tpu.dma_semaphore, #tpu.memory_space<semaphore_mem>>)
      %dma_wait3A_496 = arith.constant 0 : i32
      %dma_wait3A_497 = tpu.memref_slice %arg13[%mul3A_2, %dma_wait3A_496] : memref<10000x64xf32, #tpu.memory_space<vmem_shared>> -> memref<625x64xf32, #tpu.memory_space<vmem_shared>>
      %dma_wait3A_498 = arith.constant 0 : i32
      %dma_wait3A_499 = tpu.memref_slice %arg2[%arg0, %mul3A_2, %dma_wait3A_498] : memref<2x10000x64xf32, #tpu.memory_space<hbm>> -> memref<1x625x64xf32, #tpu.memory_space<hbm>>
      %dma_wait3A_500 = tpu.memref_squeeze %dma_wait3A_499 : memref<1x625x64xf32, #tpu.memory_space<hbm>> -> memref<625x64xf32, #tpu.memory_space<hbm>>
      tpu.wait_dma2 semaphore(%run_scoped3A : memref<!tpu.dma_semaphore, #tpu.memory_space<semaphore_mem>>) src(%dma_wait3A_500 : memref<625x64xf32, #tpu.memory_space<hbm>>) dst(%dma_wait3A_497 : memref<625x64xf32, #tpu.memory_space<vmem_shared>>)
      tpu.yield
    }) : () -> ()
    "tpu.region"() ({
      %run_scoped3A = tpu.sem_alloc : memref<!tpu.dma_semaphore, #tpu.memory_space<semaphore_mem>>
      %dma_start3A_491 = arith.constant 0 : i32
      %dma_start3A_492 = tpu.memref_slice %arg14[%mul3A_0, %dma_start3A_491] : memref<10240x64xf32, #tpu.memory_space<vmem_shared>> -> memref<640x64xf32, #tpu.memory_space<vmem_shared>>
      tpu.enqueue_dma source(%arg5 : memref<640x64xf32, #tpu.memory_space<hbm>>) target(%dma_start3A_492 : memref<640x64xf32, #tpu.memory_space<vmem_shared>>) target_semaphore(%run_scoped3A : memref<!tpu.dma_semaphore, #tpu.memory_space<semaphore_mem>>)
      %dma_wait3A_493 = arith.constant 0 : i32
      %dma_wait3A_494 = tpu.memref_slice %arg14[%mul3A_0, %dma_wait3A_493] : memref<10240x64xf32, #tpu.memory_space<vmem_shared>> -> memref<640x64xf32, #tpu.memory_space<vmem_shared>>
      tpu.wait_dma2 semaphore(%run_scoped3A : memref<!tpu.dma_semaphore, #tpu.memory_space<semaphore_mem>>) src(%arg5 : memref<640x64xf32, #tpu.memory_space<hbm>>) dst(%dma_wait3A_494 : memref<640x64xf32, #tpu.memory_space<vmem_shared>>)
      tpu.yield
    }) : () -> ()
    %barrier3A = arith.constant 0 : index
    tpu.barrier barrier_id(%barrier3A)
    %mul3A_3 = arith.constant 2 : i32
    %mul3A_4 = arith.muli %arg1, %mul3A_3 : i32
    %add3A = arith.addi %mul3A_4, %arg0 : i32
    %mul3A_5 = arith.constant 160 : i32
    %mul3A_6 = arith.muli %arg1, %mul3A_5 : i32
    %add3A_7 = arith.constant 0 : i32
    %add3A_8 = arith.addi %mul3A_6, %add3A_7 : i32
    "tpu.region"() ({
      %run_scoped3A = tpu.sem_alloc : memref<!tpu.dma_semaphore, #tpu.memory_space<semaphore_mem>>
      %dma_start3A_491 = arith.constant 0 : i32
      %dma_start3A_492 = tpu.memref_slice %arg3[%add3A_8, %dma_start3A_491] : memref<2560x128xi32, #tpu.memory_space<hbm>> -> memref<40x128xi32, #tpu.memory_space<hbm>>
      %dma_start3A_493 = arith.constant 0 : i32
      %dma_start3A_494 = tpu.memref_slice %arg3[%add3A_8, %dma_start3A_493] : memref<2560x128xi32, #tpu.memory_space<hbm>> -> memref<40x128xi32, #tpu.memory_space<hbm>>
      tpu.enqueue_dma source(%dma_start3A_494 : memref<40x128xi32, #tpu.memory_space<hbm>>) target(%arg7 : memref<40x128xi32, #tpu.memory_space<vmem>>) target_semaphore(%run_scoped3A : memref<!tpu.dma_semaphore, #tpu.memory_space<semaphore_mem>>)
      %dma_wait3A_495 = arith.constant 0 : i32
      %dma_wait3A_496 = tpu.memref_slice %arg3[%add3A_8, %dma_wait3A_495] : memref<2560x128xi32, #tpu.memory_space<hbm>> -> memref<40x128xi32, #tpu.memory_space<hbm>>
      %dma_wait3A_497 = arith.constant 0 : i32
      %dma_wait3A_498 = tpu.memref_slice %arg3[%add3A_8, %dma_wait3A_497] : memref<2560x128xi32, #tpu.memory_space<hbm>> -> memref<40x128xi32, #tpu.memory_space<hbm>>
      tpu.wait_dma2 semaphore(%run_scoped3A : memref<!tpu.dma_semaphore, #tpu.memory_space<semaphore_mem>>) src(%dma_wait3A_498 : memref<40x128xi32, #tpu.memory_space<hbm>>) dst(%arg7 : memref<40x128xi32, #tpu.memory_space<vmem>>)
      tpu.yield
    }) : () -> ()
    "tpu.region"() ({
      %run_scoped3A = tpu.sem_alloc : memref<!tpu.dma_semaphore, #tpu.memory_space<semaphore_mem>>
      %dma_start3A_491 = arith.constant 0 : i32
      %dma_start3A_492 = tpu.memref_slice %arg4[%add3A_8, %dma_start3A_491] : memref<2560x128xi32, #tpu.memory_space<hbm>> -> memref<40x128xi32, #tpu.memory_space<hbm>>
      %dma_start3A_493 = arith.constant 0 : i32
      %dma_start3A_494 = tpu.memref_slice %arg4[%add3A_8, %dma_start3A_493] : memref<2560x128xi32, #tpu.memory_space<hbm>> -> memref<40x128xi32, #tpu.memory_space<hbm>>
      tpu.enqueue_dma source(%dma_start3A_494 : memref<40x128xi32, #tpu.memory_space<hbm>>) target(%arg8 : memref<40x128xi32, #tpu.memory_space<vmem>>) target_semaphore(%run_scoped3A : memref<!tpu.dma_semaphore, #tpu.memory_space<semaphore_mem>>)
      %dma_wait3A_495 = arith.constant 0 : i32
      %dma_wait3A_496 = tpu.memref_slice %arg4[%add3A_8, %dma_wait3A_495] : memref<2560x128xi32, #tpu.memory_space<hbm>> -> memref<40x128xi32, #tpu.memory_space<hbm>>
      %dma_wait3A_497 = arith.constant 0 : i32
      %dma_wait3A_498 = tpu.memref_slice %arg4[%add3A_8, %dma_wait3A_497] : memref<2560x128xi32, #tpu.memory_space<hbm>> -> memref<40x128xi32, #tpu.memory_space<hbm>>
      tpu.wait_dma2 semaphore(%run_scoped3A : memref<!tpu.dma_semaphore, #tpu.memory_space<semaphore_mem>>) src(%dma_wait3A_498 : memref<40x128xi32, #tpu.memory_space<hbm>>) dst(%arg8 : memref<40x128xi32, #tpu.memory_space<vmem>>)
      tpu.yield
    }) : () -> ()
    %dma_start3A = arith.constant 0 : i32
    %dma_start3A_9 = arith.constant 0 : i32
    %dma_start3A_10 = tpu.memref_slice %arg8[%dma_start3A, %dma_start3A_9] : memref<40x128xi32, #tpu.memory_space<vmem>> -> memref<1x128xi32, #tpu.memory_space<vmem>>
    %dma_start3A_11 = tpu.memref_squeeze %dma_start3A_10 : memref<1x128xi32, #tpu.memory_space<vmem>> -> memref<128xi32, #tpu.memory_space<vmem>>
    %dma_start3A_12 = arith.constant 0 : i32
    %dma_start3A_13 = arith.constant 0 : i32
    %dma_start3A_14 = tpu.memref_slice %arg13[%dma_start3A_12, %dma_start3A_13] : memref<10000x64xf32, #tpu.memory_space<vmem_shared>> -> memref<10000x64xf32, #tpu.memory_space<vmem_shared>>
    tpu.enqueue_indirect_dma source(%dma_start3A_14 : memref<10000x64xf32, #tpu.memory_space<vmem_shared>>) target(%arg9 : memref<128x64xf32, #tpu.memory_space<vmem>>) offsets(%dma_start3A_11 : memref<128xi32, #tpu.memory_space<vmem>>) semaphore(%arg15 : memref<!tpu.dma_semaphore, #tpu.memory_space<semaphore_mem>>)
    %dma_start3A_15 = arith.constant 1 : i32
    %dma_start3A_16 = arith.constant 0 : i32
    %dma_start3A_17 = tpu.memref_slice %arg8[%dma_start3A_15, %dma_start3A_16] : memref<40x128xi32, #tpu.memory_space<vmem>> -> memref<1x128xi32, #tpu.memory_space<vmem>>
    %dma_start3A_18 = tpu.memref_squeeze %dma_start3A_17 : memref<1x128xi32, #tpu.memory_space<vmem>> -> memref<128xi32, #tpu.memory_space<vmem>>
    %dma_start3A_19 = arith.constant 0 : i32
    %dma_start3A_20 = arith.constant 0 : i32
    %dma_start3A_21 = tpu.memref_slice %arg13[%dma_start3A_19, %dma_start3A_20] : memref<10000x64xf32, #tpu.memory_space<vmem_shared>> -> memref<10000x64xf32, #tpu.memory_space<vmem_shared>>
    tpu.enqueue_indirect_dma source(%dma_start3A_21 : memref<10000x64xf32, #tpu.memory_space<vmem_shared>>) target(%arg10 : memref<128x64xf32, #tpu.memory_space<vmem>>) offsets(%dma_start3A_18 : memref<128xi32, #tpu.memory_space<vmem>>) semaphore(%arg16 : memref<!tpu.dma_semaphore, #tpu.memory_space<semaphore_mem>>)
    %dma_start3A_22 = arith.constant 2 : i32
    %dma_start3A_23 = arith.constant 0 : i32
    %dma_start3A_24 = tpu.memref_slice %arg8[%dma_start3A_22, %dma_start3A_23] : memref<40x128xi32, #tpu.memory_space<vmem>> -> memref<1x128xi32, #tpu.memory_space<vmem>>
    %dma_start3A_25 = tpu.memref_squeeze %dma_start3A_24 : memref<1x128xi32, #tpu.memory_space<vmem>> -> memref<128xi32, #tpu.memory_space<vmem>>
    %dma_start3A_26 = arith.constant 0 : i32
    %dma_start3A_27 = arith.constant 0 : i32
    %dma_start3A_28 = tpu.memref_slice %arg13[%dma_start3A_26, %dma_start3A_27] : memref<10000x64xf32, #tpu.memory_space<vmem_shared>> -> memref<10000x64xf32, #tpu.memory_space<vmem_shared>>
    tpu.enqueue_indirect_dma source(%dma_start3A_28 : memref<10000x64xf32, #tpu.memory_space<vmem_shared>>) target(%arg11 : memref<128x64xf32, #tpu.memory_space<vmem>>) offsets(%dma_start3A_25 : memref<128xi32, #tpu.memory_space<vmem>>) semaphore(%arg17 : memref<!tpu.dma_semaphore, #tpu.memory_space<semaphore_mem>>)
    %dma_start3A_29 = arith.constant 3 : i32
    %dma_start3A_30 = arith.constant 0 : i32
    %dma_start3A_31 = tpu.memref_slice %arg8[%dma_start3A_29, %dma_start3A_30] : memref<40x128xi32, #tpu.memory_space<vmem>> -> memref<1x128xi32, #tpu.memory_space<vmem>>
    %dma_start3A_32 = tpu.memref_squeeze %dma_start3A_31 : memref<1x128xi32, #tpu.memory_space<vmem>> -> memref<128xi32, #tpu.memory_space<vmem>>
    %dma_start3A_33 = arith.constant 0 : i32
    %dma_start3A_34 = arith.constant 0 : i32
    %dma_start3A_35 = tpu.memref_slice %arg13[%dma_start3A_33, %dma_start3A_34] : memref<10000x64xf32, #tpu.memory_space<vmem_shared>> -> memref<10000x64xf32, #tpu.memory_space<vmem_shared>>
    tpu.enqueue_indirect_dma source(%dma_start3A_35 : memref<10000x64xf32, #tpu.memory_space<vmem_shared>>) target(%arg12 : memref<128x64xf32, #tpu.memory_space<vmem>>) offsets(%dma_start3A_32 : memref<128xi32, #tpu.memory_space<vmem>>) semaphore(%arg18 : memref<!tpu.dma_semaphore, #tpu.memory_space<semaphore_mem>>)
    %dma_wait3A = arith.constant 0 : i32
    %dma_wait3A_36 = arith.constant 0 : i32
    %dma_wait3A_37 = tpu.memref_slice %arg8[%dma_wait3A, %dma_wait3A_36] : memref<40x128xi32, #tpu.memory_space<vmem>> -> memref<1x128xi32, #tpu.memory_space<vmem>>
    %dma_wait3A_38 = tpu.memref_squeeze %dma_wait3A_37 : memref<1x128xi32, #tpu.memory_space<vmem>> -> memref<128xi32, #tpu.memory_space<vmem>>
    %dma_wait3A_39 = arith.constant 0 : i32
    %dma_wait3A_40 = arith.constant 0 : i32
    %dma_wait3A_41 = tpu.memref_slice %arg13[%dma_wait3A_39, %dma_wait3A_40] : memref<10000x64xf32, #tpu.memory_space<vmem_shared>> -> memref<10000x64xf32, #tpu.memory_space<vmem_shared>>
    tpu.wait_indirect_dma semaphore(%arg15 : memref<!tpu.dma_semaphore, #tpu.memory_space<semaphore_mem>>) src(%dma_wait3A_41 : memref<10000x64xf32, #tpu.memory_space<vmem_shared>>) dst(%arg9 : memref<128x64xf32, #tpu.memory_space<vmem>>)
    %dma_start3A_42 = arith.constant 0 : i32
    %dma_start3A_43 = arith.constant 0 : i32
    %dma_start3A_44 = tpu.memref_slice %arg7[%dma_start3A_42, %dma_start3A_43] : memref<40x128xi32, #tpu.memory_space<vmem>> -> memref<1x128xi32, #tpu.memory_space<vmem>>
    %dma_start3A_45 = tpu.memref_squeeze %dma_start3A_44 : memref<1x128xi32, #tpu.memory_space<vmem>> -> memref<128xi32, #tpu.memory_space<vmem>>
    %dma_start3A_46 = arith.constant 0 : i32
    %dma_start3A_47 = arith.constant 0 : i32
    %dma_start3A_48 = tpu.memref_slice %arg14[%dma_start3A_46, %dma_start3A_47] : memref<10240x64xf32, #tpu.memory_space<vmem_shared>> -> memref<10240x64xf32, #tpu.memory_space<vmem_shared>>
    tpu.enqueue_indirect_dma source(%arg9 : memref<128x64xf32, #tpu.memory_space<vmem>>) target(%dma_start3A_48 : memref<10240x64xf32, #tpu.memory_space<vmem_shared>>) offsets(%dma_start3A_45 : memref<128xi32, #tpu.memory_space<vmem>>) semaphore(%arg19 : memref<!tpu.dma_semaphore, #tpu.memory_space<semaphore_mem>>) {add = true}
    %dma_wait3A_49 = arith.constant 0 : i32
    %dma_wait3A_50 = arith.constant 0 : i32
    %dma_wait3A_51 = tpu.memref_slice %arg8[%dma_wait3A_49, %dma_wait3A_50] : memref<40x128xi32, #tpu.memory_space<vmem>> -> memref<1x128xi32, #tpu.memory_space<vmem>>
    %dma_wait3A_52 = tpu.memref_squeeze %dma_wait3A_51 : memref<1x128xi32, #tpu.memory_space<vmem>> -> memref<128xi32, #tpu.memory_space<vmem>>
    %dma_wait3A_53 = arith.constant 0 : i32
    %dma_wait3A_54 = arith.constant 0 : i32
    %dma_wait3A_55 = tpu.memref_slice %arg13[%dma_wait3A_53, %dma_wait3A_54] : memref<10000x64xf32, #tpu.memory_space<vmem_shared>> -> memref<10000x64xf32, #tpu.memory_space<vmem_shared>>
    tpu.wait_indirect_dma semaphore(%arg16 : memref<!tpu.dma_semaphore, #tpu.memory_space<semaphore_mem>>) src(%dma_wait3A_55 : memref<10000x64xf32, #tpu.memory_space<vmem_shared>>) dst(%arg10 : memref<128x64xf32, #tpu.memory_space<vmem>>)
    %dma_start3A_56 = arith.constant 1 : i32
    %dma_start3A_57 = arith.constant 0 : i32
    %dma_start3A_58 = tpu.memref_slice %arg7[%dma_start3A_56, %dma_start3A_57] : memref<40x128xi32, #tpu.memory_space<vmem>> -> memref<1x128xi32, #tpu.memory_space<vmem>>
    %dma_start3A_59 = tpu.memref_squeeze %dma_start3A_58 : memref<1x128xi32, #tpu.memory_space<vmem>> -> memref<128xi32, #tpu.memory_space<vmem>>
    %dma_start3A_60 = arith.constant 0 : i32
    %dma_start3A_61 = arith.constant 0 : i32
    %dma_start3A_62 = tpu.memref_slice %arg14[%dma_start3A_60, %dma_start3A_61] : memref<10240x64xf32, #tpu.memory_space<vmem_shared>> -> memref<10240x64xf32, #tpu.memory_space<vmem_shared>>
    tpu.enqueue_indirect_dma source(%arg10 : memref<128x64xf32, #tpu.memory_space<vmem>>) target(%dma_start3A_62 : memref<10240x64xf32, #tpu.memory_space<vmem_shared>>) offsets(%dma_start3A_59 : memref<128xi32, #tpu.memory_space<vmem>>) semaphore(%arg20 : memref<!tpu.dma_semaphore, #tpu.memory_space<semaphore_mem>>) {add = true}
    %scan3A = arith.constant 0 : i32
    %scan3A_63 = arith.constant 0 : i32
    %scan3A_64 = arith.constant 9 : i32
    %scan3A_65 = arith.addi %scan3A_63, %scan3A_64 : i32
    %scan3A_66 = arith.constant 1 : i32
    scf.for %scan3A_491 = %scan3A_63 to %scan3A_65 step %scan3A_66  : i32 {
      %mul3A_492 = arith.constant 4 : i32
      %mul3A_493 = arith.muli %mul3A_492, %scan3A_491 : i32
      %add3A_494 = arith.constant 2 : i32
      %add3A_495 = arith.addi %mul3A_493, %add3A_494 : i32
      %add3A_496 = arith.constant 0 : i32
      %add3A_497 = arith.addi %add3A_495, %add3A_496 : i32
      %dma_wait3A_498 = arith.constant 0 : i32
      %dma_wait3A_499 = arith.constant 0 : i32
      %dma_wait3A_500 = tpu.memref_slice %arg8[%dma_wait3A_498, %dma_wait3A_499] : memref<40x128xi32, #tpu.memory_space<vmem>> -> memref<1x128xi32, #tpu.memory_space<vmem>>
      %dma_wait3A_501 = tpu.memref_squeeze %dma_wait3A_500 : memref<1x128xi32, #tpu.memory_space<vmem>> -> memref<128xi32, #tpu.memory_space<vmem>>
      %dma_wait3A_502 = arith.constant 0 : i32
      %dma_wait3A_503 = arith.constant 0 : i32
      %dma_wait3A_504 = tpu.memref_slice %arg13[%dma_wait3A_502, %dma_wait3A_503] : memref<10000x64xf32, #tpu.memory_space<vmem_shared>> -> memref<10000x64xf32, #tpu.memory_space<vmem_shared>>
      tpu.wait_indirect_dma semaphore(%arg17 : memref<!tpu.dma_semaphore, #tpu.memory_space<semaphore_mem>>) src(%dma_wait3A_504 : memref<10000x64xf32, #tpu.memory_space<vmem_shared>>) dst(%arg11 : memref<128x64xf32, #tpu.memory_space<vmem>>)
      %dma_start3A_505 = arith.constant 0 : i32
      %dma_start3A_506 = tpu.memref_slice %arg7[%add3A_497, %dma_start3A_505] : memref<40x128xi32, #tpu.memory_space<vmem>> -> memref<1x128xi32, #tpu.memory_space<vmem>>
      %dma_start3A_507 = tpu.memref_squeeze %dma_start3A_506 : memref<1x128xi32, #tpu.memory_space<vmem>> -> memref<128xi32, #tpu.memory_space<vmem>>
      %dma_start3A_508 = arith.constant 0 : i32
      %dma_start3A_509 = arith.constant 0 : i32
      %dma_start3A_510 = tpu.memref_slice %arg14[%dma_start3A_508, %dma_start3A_509] : memref<10240x64xf32, #tpu.memory_space<vmem_shared>> -> memref<10240x64xf32, #tpu.memory_space<vmem_shared>>
      tpu.enqueue_indirect_dma source(%arg11 : memref<128x64xf32, #tpu.memory_space<vmem>>) target(%dma_start3A_510 : memref<10240x64xf32, #tpu.memory_space<vmem_shared>>) offsets(%dma_start3A_507 : memref<128xi32, #tpu.memory_space<vmem>>) semaphore(%arg21 : memref<!tpu.dma_semaphore, #tpu.memory_space<semaphore_mem>>) {add = true}
      %dma_wait3A_511 = arith.constant 0 : i32
      %dma_wait3A_512 = arith.constant 0 : i32
      %dma_wait3A_513 = tpu.memref_slice %arg7[%dma_wait3A_511, %dma_wait3A_512] : memref<40x128xi32, #tpu.memory_space<vmem>> -> memref<1x128xi32, #tpu.memory_space<vmem>>
      %dma_wait3A_514 = tpu.memref_squeeze %dma_wait3A_513 : memref<1x128xi32, #tpu.memory_space<vmem>> -> memref<128xi32, #tpu.memory_space<vmem>>
      %dma_wait3A_515 = arith.constant 0 : i32
      %dma_wait3A_516 = arith.constant 0 : i32
      %dma_wait3A_517 = tpu.memref_slice %arg14[%dma_wait3A_515, %dma_wait3A_516] : memref<10240x64xf32, #tpu.memory_space<vmem_shared>> -> memref<10240x64xf32, #tpu.memory_space<vmem_shared>>
      tpu.wait_indirect_dma semaphore(%arg19 : memref<!tpu.dma_semaphore, #tpu.memory_space<semaphore_mem>>) src(%arg9 : memref<128x64xf32, #tpu.memory_space<vmem>>) dst(%dma_wait3A_517 : memref<10240x64xf32, #tpu.memory_space<vmem_shared>>)
      %add3A_518 = arith.constant 2 : i32
      %add3A_519 = arith.addi %add3A_497, %add3A_518 : i32
      %min3A = arith.constant 39 : i32
      %min3A_520 = arith.minsi %add3A_519, %min3A : i32
      %dma_start3A_521 = arith.constant 0 : i32
      %dma_start3A_522 = tpu.memref_slice %arg8[%min3A_520, %dma_start3A_521] : memref<40x128xi32, #tpu.memory_space<vmem>> -> memref<1x128xi32, #tpu.memory_space<vmem>>
      %dma_start3A_523 = tpu.memref_squeeze %dma_start3A_522 : memref<1x128xi32, #tpu.memory_space<vmem>> -> memref<128xi32, #tpu.memory_space<vmem>>
      %dma_start3A_524 = arith.constant 0 : i32
      %dma_start3A_525 = arith.constant 0 : i32
      %dma_start3A_526 = tpu.memref_slice %arg13[%dma_start3A_524, %dma_start3A_525] : memref<10000x64xf32, #tpu.memory_space<vmem_shared>> -> memref<10000x64xf32, #tpu.memory_space<vmem_shared>>
      tpu.enqueue_indirect_dma source(%dma_start3A_526 : memref<10000x64xf32, #tpu.memory_space<vmem_shared>>) target(%arg9 : memref<128x64xf32, #tpu.memory_space<vmem>>) offsets(%dma_start3A_523 : memref<128xi32, #tpu.memory_space<vmem>>) semaphore(%arg15 : memref<!tpu.dma_semaphore, #tpu.memory_space<semaphore_mem>>)
      %mul3A_527 = arith.constant 4 : i32
      %mul3A_528 = arith.muli %mul3A_527, %scan3A_491 : i32
      %add3A_529 = arith.constant 2 : i32
      %add3A_530 = arith.addi %mul3A_528, %add3A_529 : i32
      %add3A_531 = arith.constant 1 : i32
      %add3A_532 = arith.addi %add3A_530, %add3A_531 : i32
      %dma_wait3A_533 = arith.constant 0 : i32
      %dma_wait3A_534 = arith.constant 0 : i32
      %dma_wait3A_535 = tpu.memref_slice %arg8[%dma_wait3A_533, %dma_wait3A_534] : memref<40x128xi32, #tpu.memory_space<vmem>> -> memref<1x128xi32, #tpu.memory_space<vmem>>
      %dma_wait3A_536 = tpu.memref_squeeze %dma_wait3A_535 : memref<1x128xi32, #tpu.memory_space<vmem>> -> memref<128xi32, #tpu.memory_space<vmem>>
      %dma_wait3A_537 = arith.constant 0 : i32
      %dma_wait3A_538 = arith.constant 0 : i32
      %dma_wait3A_539 = tpu.memref_slice %arg13[%dma_wait3A_537, %dma_wait3A_538] : memref<10000x64xf32, #tpu.memory_space<vmem_shared>> -> memref<10000x64xf32, #tpu.memory_space<vmem_shared>>
      tpu.wait_indirect_dma semaphore(%arg18 : memref<!tpu.dma_semaphore, #tpu.memory_space<semaphore_mem>>) src(%dma_wait3A_539 : memref<10000x64xf32, #tpu.memory_space<vmem_shared>>) dst(%arg12 : memref<128x64xf32, #tpu.memory_space<vmem>>)
      %dma_start3A_540 = arith.constant 0 : i32
      %dma_start3A_541 = tpu.memref_slice %arg7[%add3A_532, %dma_start3A_540] : memref<40x128xi32, #tpu.memory_space<vmem>> -> memref<1x128xi32, #tpu.memory_space<vmem>>
      %dma_start3A_542 = tpu.memref_squeeze %dma_start3A_541 : memref<1x128xi32, #tpu.memory_space<vmem>> -> memref<128xi32, #tpu.memory_space<vmem>>
      %dma_start3A_543 = arith.constant 0 : i32
      %dma_start3A_544 = arith.constant 0 : i32
      %dma_start3A_545 = tpu.memref_slice %arg14[%dma_start3A_543, %dma_start3A_544] : memref<10240x64xf32, #tpu.memory_space<vmem_shared>> -> memref<10240x64xf32, #tpu.memory_space<vmem_shared>>
      tpu.enqueue_indirect_dma source(%arg12 : memref<128x64xf32, #tpu.memory_space<vmem>>) target(%dma_start3A_545 : memref<10240x64xf32, #tpu.memory_space<vmem_shared>>) offsets(%dma_start3A_542 : memref<128xi32, #tpu.memory_space<vmem>>) semaphore(%arg22 : memref<!tpu.dma_semaphore, #tpu.memory_space<semaphore_mem>>) {add = true}
      %dma_wait3A_546 = arith.constant 0 : i32
      %dma_wait3A_547 = arith.constant 0 : i32
      %dma_wait3A_548 = tpu.memref_slice %arg7[%dma_wait3A_546, %dma_wait3A_547] : memref<40x128xi32, #tpu.memory_space<vmem>> -> memref<1x128xi32, #tpu.memory_space<vmem>>
      %dma_wait3A_549 = tpu.memref_squeeze %dma_wait3A_548 : memref<1x128xi32, #tpu.memory_space<vmem>> -> memref<128xi32, #tpu.memory_space<vmem>>
      %dma_wait3A_550 = arith.constant 0 : i32
      %dma_wait3A_551 = arith.constant 0 : i32
      %dma_wait3A_552 = tpu.memref_slice %arg14[%dma_wait3A_550, %dma_wait3A_551] : memref<10240x64xf32, #tpu.memory_space<vmem_shared>> -> memref<10240x64xf32, #tpu.memory_space<vmem_shared>>
      tpu.wait_indirect_dma semaphore(%arg20 : memref<!tpu.dma_semaphore, #tpu.memory_space<semaphore_mem>>) src(%arg10 : memref<128x64xf32, #tpu.memory_space<vmem>>) dst(%dma_wait3A_552 : memref<10240x64xf32, #tpu.memory_space<vmem_shared>>)
      %add3A_553 = arith.constant 2 : i32
      %add3A_554 = arith.addi %add3A_532, %add3A_553 : i32
      %min3A_555 = arith.constant 39 : i32
      %min3A_556 = arith.minsi %add3A_554, %min3A_555 : i32
      %dma_start3A_557 = arith.constant 0 : i32
      %dma_start3A_558 = tpu.memref_slice %arg8[%min3A_556, %dma_start3A_557] : memref<40x128xi32, #tpu.memory_space<vmem>> -> memref<1x128xi32, #tpu.memory_space<vmem>>
      %dma_start3A_559 = tpu.memref_squeeze %dma_start3A_558 : memref<1x128xi32, #tpu.memory_space<vmem>> -> memref<128xi32, #tpu.memory_space<vmem>>
      %dma_start3A_560 = arith.constant 0 : i32
      %dma_start3A_561 = arith.constant 0 : i32
      %dma_start3A_562 = tpu.memref_slice %arg13[%dma_start3A_560, %dma_start3A_561] : memref<10000x64xf32, #tpu.memory_space<vmem_shared>> -> memref<10000x64xf32, #tpu.memory_space<vmem_shared>>
      tpu.enqueue_indirect_dma source(%dma_start3A_562 : memref<10000x64xf32, #tpu.memory_space<vmem_shared>>) target(%arg10 : memref<128x64xf32, #tpu.memory_space<vmem>>) offsets(%dma_start3A_559 : memref<128xi32, #tpu.memory_space<vmem>>) semaphore(%arg16 : memref<!tpu.dma_semaphore, #tpu.memory_space<semaphore_mem>>)
      %mul3A_563 = arith.constant 4 : i32
      %mul3A_564 = arith.muli %mul3A_563, %scan3A_491 : i32
      %add3A_565 = arith.constant 2 : i32
      %add3A_566 = arith.addi %mul3A_564, %add3A_565 : i32
      %add3A_567 = arith.constant 2 : i32
      %add3A_568 = arith.addi %add3A_566, %add3A_567 : i32
      %dma_wait3A_569 = arith.constant 0 : i32
      %dma_wait3A_570 = arith.constant 0 : i32
      %dma_wait3A_571 = tpu.memref_slice %arg8[%dma_wait3A_569, %dma_wait3A_570] : memref<40x128xi32, #tpu.memory_space<vmem>> -> memref<1x128xi32, #tpu.memory_space<vmem>>
      %dma_wait3A_572 = tpu.memref_squeeze %dma_wait3A_571 : memref<1x128xi32, #tpu.memory_space<vmem>> -> memref<128xi32, #tpu.memory_space<vmem>>
      %dma_wait3A_573 = arith.constant 0 : i32
      %dma_wait3A_574 = arith.constant 0 : i32
      %dma_wait3A_575 = tpu.memref_slice %arg13[%dma_wait3A_573, %dma_wait3A_574] : memref<10000x64xf32, #tpu.memory_space<vmem_shared>> -> memref<10000x64xf32, #tpu.memory_space<vmem_shared>>
      tpu.wait_indirect_dma semaphore(%arg15 : memref<!tpu.dma_semaphore, #tpu.memory_space<semaphore_mem>>) src(%dma_wait3A_575 : memref<10000x64xf32, #tpu.memory_space<vmem_shared>>) dst(%arg9 : memref<128x64xf32, #tpu.memory_space<vmem>>)
      %dma_start3A_576 = arith.constant 0 : i32
      %dma_start3A_577 = tpu.memref_slice %arg7[%add3A_568, %dma_start3A_576] : memref<40x128xi32, #tpu.memory_space<vmem>> -> memref<1x128xi32, #tpu.memory_space<vmem>>
      %dma_start3A_578 = tpu.memref_squeeze %dma_start3A_577 : memref<1x128xi32, #tpu.memory_space<vmem>> -> memref<128xi32, #tpu.memory_space<vmem>>
      %dma_start3A_579 = arith.constant 0 : i32
      %dma_start3A_580 = arith.constant 0 : i32
      %dma_start3A_581 = tpu.memref_slice %arg14[%dma_start3A_579, %dma_start3A_580] : memref<10240x64xf32, #tpu.memory_space<vmem_shared>> -> memref<10240x64xf32, #tpu.memory_space<vmem_shared>>
      tpu.enqueue_indirect_dma source(%arg9 : memref<128x64xf32, #tpu.memory_space<vmem>>) target(%dma_start3A_581 : memref<10240x64xf32, #tpu.memory_space<vmem_shared>>) offsets(%dma_start3A_578 : memref<128xi32, #tpu.memory_space<vmem>>) semaphore(%arg19 : memref<!tpu.dma_semaphore, #tpu.memory_space<semaphore_mem>>) {add = true}
      %dma_wait3A_582 = arith.constant 0 : i32
      %dma_wait3A_583 = arith.constant 0 : i32
      %dma_wait3A_584 = tpu.memref_slice %arg7[%dma_wait3A_582, %dma_wait3A_583] : memref<40x128xi32, #tpu.memory_space<vmem>> -> memref<1x128xi32, #tpu.memory_space<vmem>>
      %dma_wait3A_585 = tpu.memref_squeeze %dma_wait3A_584 : memref<1x128xi32, #tpu.memory_space<vmem>> -> memref<128xi32, #tpu.memory_space<vmem>>
      %dma_wait3A_586 = arith.constant 0 : i32
      %dma_wait3A_587 = arith.constant 0 : i32
      %dma_wait3A_588 = tpu.memref_slice %arg14[%dma_wait3A_586, %dma_wait3A_587] : memref<10240x64xf32, #tpu.memory_space<vmem_shared>> -> memref<10240x64xf32, #tpu.memory_space<vmem_shared>>
      tpu.wait_indirect_dma semaphore(%arg21 : memref<!tpu.dma_semaphore, #tpu.memory_space<semaphore_mem>>) src(%arg11 : memref<128x64xf32, #tpu.memory_space<vmem>>) dst(%dma_wait3A_588 : memref<10240x64xf32, #tpu.memory_space<vmem_shared>>)
      %add3A_589 = arith.constant 2 : i32
      %add3A_590 = arith.addi %add3A_568, %add3A_589 : i32
      %min3A_591 = arith.constant 39 : i32
      %min3A_592 = arith.minsi %add3A_590, %min3A_591 : i32
      %dma_start3A_593 = arith.constant 0 : i32
      %dma_start3A_594 = tpu.memref_slice %arg8[%min3A_592, %dma_start3A_593] : memref<40x128xi32, #tpu.memory_space<vmem>> -> memref<1x128xi32, #tpu.memory_space<vmem>>
      %dma_start3A_595 = tpu.memref_squeeze %dma_start3A_594 : memref<1x128xi32, #tpu.memory_space<vmem>> -> memref<128xi32, #tpu.memory_space<vmem>>
      %dma_start3A_596 = arith.constant 0 : i32
      %dma_start3A_597 = arith.constant 0 : i32
      %dma_start3A_598 = tpu.memref_slice %arg13[%dma_start3A_596, %dma_start3A_597] : memref<10000x64xf32, #tpu.memory_space<vmem_shared>> -> memref<10000x64xf32, #tpu.memory_space<vmem_shared>>
      tpu.enqueue_indirect_dma source(%dma_start3A_598 : memref<10000x64xf32, #tpu.memory_space<vmem_shared>>) target(%arg11 : memref<128x64xf32, #tpu.memory_space<vmem>>) offsets(%dma_start3A_595 : memref<128xi32, #tpu.memory_space<vmem>>) semaphore(%arg17 : memref<!tpu.dma_semaphore, #tpu.memory_space<semaphore_mem>>)
      %mul3A_599 = arith.constant 4 : i32
      %mul3A_600 = arith.muli %mul3A_599, %scan3A_491 : i32
      %add3A_601 = arith.constant 2 : i32
      %add3A_602 = arith.addi %mul3A_600, %add3A_601 : i32
      %add3A_603 = arith.constant 3 : i32
      %add3A_604 = arith.addi %add3A_602, %add3A_603 : i32
      %dma_wait3A_605 = arith.constant 0 : i32
      %dma_wait3A_606 = arith.constant 0 : i32
      %dma_wait3A_607 = tpu.memref_slice %arg8[%dma_wait3A_605, %dma_wait3A_606] : memref<40x128xi32, #tpu.memory_space<vmem>> -> memref<1x128xi32, #tpu.memory_space<vmem>>
      %dma_wait3A_608 = tpu.memref_squeeze %dma_wait3A_607 : memref<1x128xi32, #tpu.memory_space<vmem>> -> memref<128xi32, #tpu.memory_space<vmem>>
      %dma_wait3A_609 = arith.constant 0 : i32
      %dma_wait3A_610 = arith.constant 0 : i32
      %dma_wait3A_611 = tpu.memref_slice %arg13[%dma_wait3A_609, %dma_wait3A_610] : memref<10000x64xf32, #tpu.memory_space<vmem_shared>> -> memref<10000x64xf32, #tpu.memory_space<vmem_shared>>
      tpu.wait_indirect_dma semaphore(%arg16 : memref<!tpu.dma_semaphore, #tpu.memory_space<semaphore_mem>>) src(%dma_wait3A_611 : memref<10000x64xf32, #tpu.memory_space<vmem_shared>>) dst(%arg10 : memref<128x64xf32, #tpu.memory_space<vmem>>)
      %dma_start3A_612 = arith.constant 0 : i32
      %dma_start3A_613 = tpu.memref_slice %arg7[%add3A_604, %dma_start3A_612] : memref<40x128xi32, #tpu.memory_space<vmem>> -> memref<1x128xi32, #tpu.memory_space<vmem>>
      %dma_start3A_614 = tpu.memref_squeeze %dma_start3A_613 : memref<1x128xi32, #tpu.memory_space<vmem>> -> memref<128xi32, #tpu.memory_space<vmem>>
      %dma_start3A_615 = arith.constant 0 : i32
      %dma_start3A_616 = arith.constant 0 : i32
      %dma_start3A_617 = tpu.memref_slice %arg14[%dma_start3A_615, %dma_start3A_616] : memref<10240x64xf32, #tpu.memory_space<vmem_shared>> -> memref<10240x64xf32, #tpu.memory_space<vmem_shared>>
      tpu.enqueue_indirect_dma source(%arg10 : memref<128x64xf32, #tpu.memory_space<vmem>>) target(%dma_start3A_617 : memref<10240x64xf32, #tpu.memory_space<vmem_shared>>) offsets(%dma_start3A_614 : memref<128xi32, #tpu.memory_space<vmem>>) semaphore(%arg20 : memref<!tpu.dma_semaphore, #tpu.memory_space<semaphore_mem>>) {add = true}
      %dma_wait3A_618 = arith.constant 0 : i32
      %dma_wait3A_619 = arith.constant 0 : i32
      %dma_wait3A_620 = tpu.memref_slice %arg7[%dma_wait3A_618, %dma_wait3A_619] : memref<40x128xi32, #tpu.memory_space<vmem>> -> memref<1x128xi32, #tpu.memory_space<vmem>>
      %dma_wait3A_621 = tpu.memref_squeeze %dma_wait3A_620 : memref<1x128xi32, #tpu.memory_space<vmem>> -> memref<128xi32, #tpu.memory_space<vmem>>
      %dma_wait3A_622 = arith.constant 0 : i32
      %dma_wait3A_623 = arith.constant 0 : i32
      %dma_wait3A_624 = tpu.memref_slice %arg14[%dma_wait3A_622, %dma_wait3A_623] : memref<10240x64xf32, #tpu.memory_space<vmem_shared>> -> memref<10240x64xf32, #tpu.memory_space<vmem_shared>>
      tpu.wait_indirect_dma semaphore(%arg22 : memref<!tpu.dma_semaphore, #tpu.memory_space<semaphore_mem>>) src(%arg12 : memref<128x64xf32, #tpu.memory_space<vmem>>) dst(%dma_wait3A_624 : memref<10240x64xf32, #tpu.memory_space<vmem_shared>>)
      %add3A_625 = arith.constant 2 : i32
      %add3A_626 = arith.addi %add3A_604, %add3A_625 : i32
      %min3A_627 = arith.constant 39 : i32
      %min3A_628 = arith.minsi %add3A_626, %min3A_627 : i32
      %dma_start3A_629 = arith.constant 0 : i32
      %dma_start3A_630 = tpu.memref_slice %arg8[%min3A_628, %dma_start3A_629] : memref<40x128xi32, #tpu.memory_space<vmem>> -> memref<1x128xi32, #tpu.memory_space<vmem>>
      %dma_start3A_631 = tpu.memref_squeeze %dma_start3A_630 : memref<1x128xi32, #tpu.memory_space<vmem>> -> memref<128xi32, #tpu.memory_space<vmem>>
      %dma_start3A_632 = arith.constant 0 : i32
      %dma_start3A_633 = arith.constant 0 : i32
      %dma_start3A_634 = tpu.memref_slice %arg13[%dma_start3A_632, %dma_start3A_633] : memref<10000x64xf32, #tpu.memory_space<vmem_shared>> -> memref<10000x64xf32, #tpu.memory_space<vmem_shared>>
      tpu.enqueue_indirect_dma source(%dma_start3A_634 : memref<10000x64xf32, #tpu.memory_space<vmem_shared>>) target(%arg12 : memref<128x64xf32, #tpu.memory_space<vmem>>) offsets(%dma_start3A_631 : memref<128xi32, #tpu.memory_space<vmem>>) semaphore(%arg18 : memref<!tpu.dma_semaphore, #tpu.memory_space<semaphore_mem>>)
    }
    %scan3A_67 = arith.constant 9 : i32
    %dma_wait3A_68 = arith.constant 0 : i32
    %dma_wait3A_69 = arith.constant 0 : i32
    %dma_wait3A_70 = tpu.memref_slice %arg8[%dma_wait3A_68, %dma_wait3A_69] : memref<40x128xi32, #tpu.memory_space<vmem>> -> memref<1x128xi32, #tpu.memory_space<vmem>>
    %dma_wait3A_71 = tpu.memref_squeeze %dma_wait3A_70 : memref<1x128xi32, #tpu.memory_space<vmem>> -> memref<128xi32, #tpu.memory_space<vmem>>
    %dma_wait3A_72 = arith.constant 0 : i32
    %dma_wait3A_73 = arith.constant 0 : i32
    %dma_wait3A_74 = tpu.memref_slice %arg13[%dma_wait3A_72, %dma_wait3A_73] : memref<10000x64xf32, #tpu.memory_space<vmem_shared>> -> memref<10000x64xf32, #tpu.memory_space<vmem_shared>>
    tpu.wait_indirect_dma semaphore(%arg17 : memref<!tpu.dma_semaphore, #tpu.memory_space<semaphore_mem>>) src(%dma_wait3A_74 : memref<10000x64xf32, #tpu.memory_space<vmem_shared>>) dst(%arg11 : memref<128x64xf32, #tpu.memory_space<vmem>>)
    %dma_start3A_75 = arith.constant 38 : i32
    %dma_start3A_76 = arith.constant 0 : i32
    %dma_start3A_77 = tpu.memref_slice %arg7[%dma_start3A_75, %dma_start3A_76] : memref<40x128xi32, #tpu.memory_space<vmem>> -> memref<1x128xi32, #tpu.memory_space<vmem>>
    %dma_start3A_78 = tpu.memref_squeeze %dma_start3A_77 : memref<1x128xi32, #tpu.memory_space<vmem>> -> memref<128xi32, #tpu.memory_space<vmem>>
    %dma_start3A_79 = arith.constant 0 : i32
    %dma_start3A_80 = arith.constant 0 : i32
    %dma_start3A_81 = tpu.memref_slice %arg14[%dma_start3A_79, %dma_start3A_80] : memref<10240x64xf32, #tpu.memory_space<vmem_shared>> -> memref<10240x64xf32, #tpu.memory_space<vmem_shared>>
    tpu.enqueue_indirect_dma source(%arg11 : memref<128x64xf32, #tpu.memory_space<vmem>>) target(%dma_start3A_81 : memref<10240x64xf32, #tpu.memory_space<vmem_shared>>) offsets(%dma_start3A_78 : memref<128xi32, #tpu.memory_space<vmem>>) semaphore(%arg21 : memref<!tpu.dma_semaphore, #tpu.memory_space<semaphore_mem>>) {add = true}
    %dma_wait3A_82 = arith.constant 0 : i32
    %dma_wait3A_83 = arith.constant 0 : i32
    %dma_wait3A_84 = tpu.memref_slice %arg8[%dma_wait3A_82, %dma_wait3A_83] : memref<40x128xi32, #tpu.memory_space<vmem>> -> memref<1x128xi32, #tpu.memory_space<vmem>>
    %dma_wait3A_85 = tpu.memref_squeeze %dma_wait3A_84 : memref<1x128xi32, #tpu.memory_space<vmem>> -> memref<128xi32, #tpu.memory_space<vmem>>
    %dma_wait3A_86 = arith.constant 0 : i32
    %dma_wait3A_87 = arith.constant 0 : i32
    %dma_wait3A_88 = tpu.memref_slice %arg13[%dma_wait3A_86, %dma_wait3A_87] : memref<10000x64xf32, #tpu.memory_space<vmem_shared>> -> memref<10000x64xf32, #tpu.memory_space<vmem_shared>>
    tpu.wait_indirect_dma semaphore(%arg18 : memref<!tpu.dma_semaphore, #tpu.memory_space<semaphore_mem>>) src(%dma_wait3A_88 : memref<10000x64xf32, #tpu.memory_space<vmem_shared>>) dst(%arg12 : memref<128x64xf32, #tpu.memory_space<vmem>>)
    %dma_start3A_89 = arith.constant 39 : i32
    %dma_start3A_90 = arith.constant 0 : i32
    %dma_start3A_91 = tpu.memref_slice %arg7[%dma_start3A_89, %dma_start3A_90] : memref<40x128xi32, #tpu.memory_space<vmem>> -> memref<1x128xi32, #tpu.memory_space<vmem>>
    %dma_start3A_92 = tpu.memref_squeeze %dma_start3A_91 : memref<1x128xi32, #tpu.memory_space<vmem>> -> memref<128xi32, #tpu.memory_space<vmem>>
    %dma_start3A_93 = arith.constant 0 : i32
    %dma_start3A_94 = arith.constant 0 : i32
    %dma_start3A_95 = tpu.memref_slice %arg14[%dma_start3A_93, %dma_start3A_94] : memref<10240x64xf32, #tpu.memory_space<vmem_shared>> -> memref<10240x64xf32, #tpu.memory_space<vmem_shared>>
    tpu.enqueue_indirect_dma source(%arg12 : memref<128x64xf32, #tpu.memory_space<vmem>>) target(%dma_start3A_95 : memref<10240x64xf32, #tpu.memory_space<vmem_shared>>) offsets(%dma_start3A_92 : memref<128xi32, #tpu.memory_space<vmem>>) semaphore(%arg22 : memref<!tpu.dma_semaphore, #tpu.memory_space<semaphore_mem>>) {add = true}
    %dma_wait3A_96 = arith.constant 0 : i32
    %dma_wait3A_97 = arith.constant 0 : i32
    %dma_wait3A_98 = tpu.memref_slice %arg7[%dma_wait3A_96, %dma_wait3A_97] : memref<40x128xi32, #tpu.memory_space<vmem>> -> memref<1x128xi32, #tpu.memory_space<vmem>>
    %dma_wait3A_99 = tpu.memref_squeeze %dma_wait3A_98 : memref<1x128xi32, #tpu.memory_space<vmem>> -> memref<128xi32, #tpu.memory_space<vmem>>
    %dma_wait3A_100 = arith.constant 0 : i32
    %dma_wait3A_101 = arith.constant 0 : i32
    %dma_wait3A_102 = tpu.memref_slice %arg14[%dma_wait3A_100, %dma_wait3A_101] : memref<10240x64xf32, #tpu.memory_space<vmem_shared>> -> memref<10240x64xf32, #tpu.memory_space<vmem_shared>>
    tpu.wait_indirect_dma semaphore(%arg19 : memref<!tpu.dma_semaphore, #tpu.memory_space<semaphore_mem>>) src(%arg9 : memref<128x64xf32, #tpu.memory_space<vmem>>) dst(%dma_wait3A_102 : memref<10240x64xf32, #tpu.memory_space<vmem_shared>>)
    %dma_wait3A_103 = arith.constant 0 : i32
    %dma_wait3A_104 = arith.constant 0 : i32
    %dma_wait3A_105 = tpu.memref_slice %arg7[%dma_wait3A_103, %dma_wait3A_104] : memref<40x128xi32, #tpu.memory_space<vmem>> -> memref<1x128xi32, #tpu.memory_space<vmem>>
    %dma_wait3A_106 = tpu.memref_squeeze %dma_wait3A_105 : memref<1x128xi32, #tpu.memory_space<vmem>> -> memref<128xi32, #tpu.memory_space<vmem>>
    %dma_wait3A_107 = arith.constant 0 : i32
    %dma_wait3A_108 = arith.constant 0 : i32
    %dma_wait3A_109 = tpu.memref_slice %arg14[%dma_wait3A_107, %dma_wait3A_108] : memref<10240x64xf32, #tpu.memory_space<vmem_shared>> -> memref<10240x64xf32, #tpu.memory_space<vmem_shared>>
    tpu.wait_indirect_dma semaphore(%arg20 : memref<!tpu.dma_semaphore, #tpu.memory_space<semaphore_mem>>) src(%arg10 : memref<128x64xf32, #tpu.memory_space<vmem>>) dst(%dma_wait3A_109 : memref<10240x64xf32, #tpu.memory_space<vmem_shared>>)
    %dma_wait3A_110 = arith.constant 0 : i32
    %dma_wait3A_111 = arith.constant 0 : i32
    %dma_wait3A_112 = tpu.memref_slice %arg7[%dma_wait3A_110, %dma_wait3A_111] : memref<40x128xi32, #tpu.memory_space<vmem>> -> memref<1x128xi32, #tpu.memory_space<vmem>>
    %dma_wait3A_113 = tpu.memref_squeeze %dma_wait3A_112 : memref<1x128xi32, #tpu.memory_space<vmem>> -> memref<128xi32, #tpu.memory_space<vmem>>
    %dma_wait3A_114 = arith.constant 0 : i32
    %dma_wait3A_115 = arith.constant 0 : i32
    %dma_wait3A_116 = tpu.memref_slice %arg14[%dma_wait3A_114, %dma_wait3A_115] : memref<10240x64xf32, #tpu.memory_space<vmem_shared>> -> memref<10240x64xf32, #tpu.memory_space<vmem_shared>>
    tpu.wait_indirect_dma semaphore(%arg21 : memref<!tpu.dma_semaphore, #tpu.memory_space<semaphore_mem>>) src(%arg11 : memref<128x64xf32, #tpu.memory_space<vmem>>) dst(%dma_wait3A_116 : memref<10240x64xf32, #tpu.memory_space<vmem_shared>>)
    %dma_wait3A_117 = arith.constant 0 : i32
    %dma_wait3A_118 = arith.constant 0 : i32
    %dma_wait3A_119 = tpu.memref_slice %arg7[%dma_wait3A_117, %dma_wait3A_118] : memref<40x128xi32, #tpu.memory_space<vmem>> -> memref<1x128xi32, #tpu.memory_space<vmem>>
    %dma_wait3A_120 = tpu.memref_squeeze %dma_wait3A_119 : memref<1x128xi32, #tpu.memory_space<vmem>> -> memref<128xi32, #tpu.memory_space<vmem>>
    %dma_wait3A_121 = arith.constant 0 : i32
    %dma_wait3A_122 = arith.constant 0 : i32
    %dma_wait3A_123 = tpu.memref_slice %arg14[%dma_wait3A_121, %dma_wait3A_122] : memref<10240x64xf32, #tpu.memory_space<vmem_shared>> -> memref<10240x64xf32, #tpu.memory_space<vmem_shared>>
    tpu.wait_indirect_dma semaphore(%arg22 : memref<!tpu.dma_semaphore, #tpu.memory_space<semaphore_mem>>) src(%arg12 : memref<128x64xf32, #tpu.memory_space<vmem>>) dst(%dma_wait3A_123 : memref<10240x64xf32, #tpu.memory_space<vmem_shared>>)
    %mul3A_124 = arith.constant 160 : i32
    %mul3A_125 = arith.muli %arg1, %mul3A_124 : i32
    %add3A_126 = arith.constant 40 : i32
    %add3A_127 = arith.addi %mul3A_125, %add3A_126 : i32
    "tpu.region"() ({
      %run_scoped3A = tpu.sem_alloc : memref<!tpu.dma_semaphore, #tpu.memory_space<semaphore_mem>>
      %dma_start3A_491 = arith.constant 0 : i32
      %dma_start3A_492 = tpu.memref_slice %arg3[%add3A_127, %dma_start3A_491] : memref<2560x128xi32, #tpu.memory_space<hbm>> -> memref<40x128xi32, #tpu.memory_space<hbm>>
      %dma_start3A_493 = arith.constant 0 : i32
      %dma_start3A_494 = tpu.memref_slice %arg3[%add3A_127, %dma_start3A_493] : memref<2560x128xi32, #tpu.memory_space<hbm>> -> memref<40x128xi32, #tpu.memory_space<hbm>>
      tpu.enqueue_dma source(%dma_start3A_494 : memref<40x128xi32, #tpu.memory_space<hbm>>) target(%arg7 : memref<40x128xi32, #tpu.memory_space<vmem>>) target_semaphore(%run_scoped3A : memref<!tpu.dma_semaphore, #tpu.memory_space<semaphore_mem>>)
      %dma_wait3A_495 = arith.constant 0 : i32
      %dma_wait3A_496 = tpu.memref_slice %arg3[%add3A_127, %dma_wait3A_495] : memref<2560x128xi32, #tpu.memory_space<hbm>> -> memref<40x128xi32, #tpu.memory_space<hbm>>
      %dma_wait3A_497 = arith.constant 0 : i32
      %dma_wait3A_498 = tpu.memref_slice %arg3[%add3A_127, %dma_wait3A_497] : memref<2560x128xi32, #tpu.memory_space<hbm>> -> memref<40x128xi32, #tpu.memory_space<hbm>>
      tpu.wait_dma2 semaphore(%run_scoped3A : memref<!tpu.dma_semaphore, #tpu.memory_space<semaphore_mem>>) src(%dma_wait3A_498 : memref<40x128xi32, #tpu.memory_space<hbm>>) dst(%arg7 : memref<40x128xi32, #tpu.memory_space<vmem>>)
      tpu.yield
    }) : () -> ()
    "tpu.region"() ({
      %run_scoped3A = tpu.sem_alloc : memref<!tpu.dma_semaphore, #tpu.memory_space<semaphore_mem>>
      %dma_start3A_491 = arith.constant 0 : i32
      %dma_start3A_492 = tpu.memref_slice %arg4[%add3A_127, %dma_start3A_491] : memref<2560x128xi32, #tpu.memory_space<hbm>> -> memref<40x128xi32, #tpu.memory_space<hbm>>
      %dma_start3A_493 = arith.constant 0 : i32
      %dma_start3A_494 = tpu.memref_slice %arg4[%add3A_127, %dma_start3A_493] : memref<2560x128xi32, #tpu.memory_space<hbm>> -> memref<40x128xi32, #tpu.memory_space<hbm>>
      tpu.enqueue_dma source(%dma_start3A_494 : memref<40x128xi32, #tpu.memory_space<hbm>>) target(%arg8 : memref<40x128xi32, #tpu.memory_space<vmem>>) target_semaphore(%run_scoped3A : memref<!tpu.dma_semaphore, #tpu.memory_space<semaphore_mem>>)
      %dma_wait3A_495 = arith.constant 0 : i32
      %dma_wait3A_496 = tpu.memref_slice %arg4[%add3A_127, %dma_wait3A_495] : memref<2560x128xi32, #tpu.memory_space<hbm>> -> memref<40x128xi32, #tpu.memory_space<hbm>>
      %dma_wait3A_497 = arith.constant 0 : i32
      %dma_wait3A_498 = tpu.memref_slice %arg4[%add3A_127, %dma_wait3A_497] : memref<2560x128xi32, #tpu.memory_space<hbm>> -> memref<40x128xi32, #tpu.memory_space<hbm>>
      tpu.wait_dma2 semaphore(%run_scoped3A : memref<!tpu.dma_semaphore, #tpu.memory_space<semaphore_mem>>) src(%dma_wait3A_498 : memref<40x128xi32, #tpu.memory_space<hbm>>) dst(%arg8 : memref<40x128xi32, #tpu.memory_space<vmem>>)
      tpu.yield
    }) : () -> ()
    %dma_start3A_128 = arith.constant 0 : i32
    %dma_start3A_129 = arith.constant 0 : i32
    %dma_start3A_130 = tpu.memref_slice %arg8[%dma_start3A_128, %dma_start3A_129] : memref<40x128xi32, #tpu.memory_space<vmem>> -> memref<1x128xi32, #tpu.memory_space<vmem>>
    %dma_start3A_131 = tpu.memref_squeeze %dma_start3A_130 : memref<1x128xi32, #tpu.memory_space<vmem>> -> memref<128xi32, #tpu.memory_space<vmem>>
    %dma_start3A_132 = arith.constant 0 : i32
    %dma_start3A_133 = arith.constant 0 : i32
    %dma_start3A_134 = tpu.memref_slice %arg13[%dma_start3A_132, %dma_start3A_133] : memref<10000x64xf32, #tpu.memory_space<vmem_shared>> -> memref<10000x64xf32, #tpu.memory_space<vmem_shared>>
    tpu.enqueue_indirect_dma source(%dma_start3A_134 : memref<10000x64xf32, #tpu.memory_space<vmem_shared>>) target(%arg9 : memref<128x64xf32, #tpu.memory_space<vmem>>) offsets(%dma_start3A_131 : memref<128xi32, #tpu.memory_space<vmem>>) semaphore(%arg15 : memref<!tpu.dma_semaphore, #tpu.memory_space<semaphore_mem>>)
    %dma_start3A_135 = arith.constant 1 : i32
    %dma_start3A_136 = arith.constant 0 : i32
    %dma_start3A_137 = tpu.memref_slice %arg8[%dma_start3A_135, %dma_start3A_136] : memref<40x128xi32, #tpu.memory_space<vmem>> -> memref<1x128xi32, #tpu.memory_space<vmem>>
    %dma_start3A_138 = tpu.memref_squeeze %dma_start3A_137 : memref<1x128xi32, #tpu.memory_space<vmem>> -> memref<128xi32, #tpu.memory_space<vmem>>
    %dma_start3A_139 = arith.constant 0 : i32
    %dma_start3A_140 = arith.constant 0 : i32
    %dma_start3A_141 = tpu.memref_slice %arg13[%dma_start3A_139, %dma_start3A_140] : memref<10000x64xf32, #tpu.memory_space<vmem_shared>> -> memref<10000x64xf32, #tpu.memory_space<vmem_shared>>
    tpu.enqueue_indirect_dma source(%dma_start3A_141 : memref<10000x64xf32, #tpu.memory_space<vmem_shared>>) target(%arg10 : memref<128x64xf32, #tpu.memory_space<vmem>>) offsets(%dma_start3A_138 : memref<128xi32, #tpu.memory_space<vmem>>) semaphore(%arg16 : memref<!tpu.dma_semaphore, #tpu.memory_space<semaphore_mem>>)
    %dma_start3A_142 = arith.constant 2 : i32
    %dma_start3A_143 = arith.constant 0 : i32
    %dma_start3A_144 = tpu.memref_slice %arg8[%dma_start3A_142, %dma_start3A_143] : memref<40x128xi32, #tpu.memory_space<vmem>> -> memref<1x128xi32, #tpu.memory_space<vmem>>
    %dma_start3A_145 = tpu.memref_squeeze %dma_start3A_144 : memref<1x128xi32, #tpu.memory_space<vmem>> -> memref<128xi32, #tpu.memory_space<vmem>>
    %dma_start3A_146 = arith.constant 0 : i32
    %dma_start3A_147 = arith.constant 0 : i32
    %dma_start3A_148 = tpu.memref_slice %arg13[%dma_start3A_146, %dma_start3A_147] : memref<10000x64xf32, #tpu.memory_space<vmem_shared>> -> memref<10000x64xf32, #tpu.memory_space<vmem_shared>>
    tpu.enqueue_indirect_dma source(%dma_start3A_148 : memref<10000x64xf32, #tpu.memory_space<vmem_shared>>) target(%arg11 : memref<128x64xf32, #tpu.memory_space<vmem>>) offsets(%dma_start3A_145 : memref<128xi32, #tpu.memory_space<vmem>>) semaphore(%arg17 : memref<!tpu.dma_semaphore, #tpu.memory_space<semaphore_mem>>)
    %dma_start3A_149 = arith.constant 3 : i32
    %dma_start3A_150 = arith.constant 0 : i32
    %dma_start3A_151 = tpu.memref_slice %arg8[%dma_start3A_149, %dma_start3A_150] : memref<40x128xi32, #tpu.memory_space<vmem>> -> memref<1x128xi32, #tpu.memory_space<vmem>>
    %dma_start3A_152 = tpu.memref_squeeze %dma_start3A_151 : memref<1x128xi32, #tpu.memory_space<vmem>> -> memref<128xi32, #tpu.memory_space<vmem>>
    %dma_start3A_153 = arith.constant 0 : i32
    %dma_start3A_154 = arith.constant 0 : i32
    %dma_start3A_155 = tpu.memref_slice %arg13[%dma_start3A_153, %dma_start3A_154] : memref<10000x64xf32, #tpu.memory_space<vmem_shared>> -> memref<10000x64xf32, #tpu.memory_space<vmem_shared>>
    tpu.enqueue_indirect_dma source(%dma_start3A_155 : memref<10000x64xf32, #tpu.memory_space<vmem_shared>>) target(%arg12 : memref<128x64xf32, #tpu.memory_space<vmem>>) offsets(%dma_start3A_152 : memref<128xi32, #tpu.memory_space<vmem>>) semaphore(%arg18 : memref<!tpu.dma_semaphore, #tpu.memory_space<semaphore_mem>>)
    %dma_wait3A_156 = arith.constant 0 : i32
    %dma_wait3A_157 = arith.constant 0 : i32
    %dma_wait3A_158 = tpu.memref_slice %arg8[%dma_wait3A_156, %dma_wait3A_157] : memref<40x128xi32, #tpu.memory_space<vmem>> -> memref<1x128xi32, #tpu.memory_space<vmem>>
    %dma_wait3A_159 = tpu.memref_squeeze %dma_wait3A_158 : memref<1x128xi32, #tpu.memory_space<vmem>> -> memref<128xi32, #tpu.memory_space<vmem>>
    %dma_wait3A_160 = arith.constant 0 : i32
    %dma_wait3A_161 = arith.constant 0 : i32
    %dma_wait3A_162 = tpu.memref_slice %arg13[%dma_wait3A_160, %dma_wait3A_161] : memref<10000x64xf32, #tpu.memory_space<vmem_shared>> -> memref<10000x64xf32, #tpu.memory_space<vmem_shared>>
    tpu.wait_indirect_dma semaphore(%arg15 : memref<!tpu.dma_semaphore, #tpu.memory_space<semaphore_mem>>) src(%dma_wait3A_162 : memref<10000x64xf32, #tpu.memory_space<vmem_shared>>) dst(%arg9 : memref<128x64xf32, #tpu.memory_space<vmem>>)
    %dma_start3A_163 = arith.constant 0 : i32
    %dma_start3A_164 = arith.constant 0 : i32
    %dma_start3A_165 = tpu.memref_slice %arg7[%dma_start3A_163, %dma_start3A_164] : memref<40x128xi32, #tpu.memory_space<vmem>> -> memref<1x128xi32, #tpu.memory_space<vmem>>
    %dma_start3A_166 = tpu.memref_squeeze %dma_start3A_165 : memref<1x128xi32, #tpu.memory_space<vmem>> -> memref<128xi32, #tpu.memory_space<vmem>>
    %dma_start3A_167 = arith.constant 0 : i32
    %dma_start3A_168 = arith.constant 0 : i32
    %dma_start3A_169 = tpu.memref_slice %arg14[%dma_start3A_167, %dma_start3A_168] : memref<10240x64xf32, #tpu.memory_space<vmem_shared>> -> memref<10240x64xf32, #tpu.memory_space<vmem_shared>>
    tpu.enqueue_indirect_dma source(%arg9 : memref<128x64xf32, #tpu.memory_space<vmem>>) target(%dma_start3A_169 : memref<10240x64xf32, #tpu.memory_space<vmem_shared>>) offsets(%dma_start3A_166 : memref<128xi32, #tpu.memory_space<vmem>>) semaphore(%arg19 : memref<!tpu.dma_semaphore, #tpu.memory_space<semaphore_mem>>) {add = true}
    %dma_wait3A_170 = arith.constant 0 : i32
    %dma_wait3A_171 = arith.constant 0 : i32
    %dma_wait3A_172 = tpu.memref_slice %arg8[%dma_wait3A_170, %dma_wait3A_171] : memref<40x128xi32, #tpu.memory_space<vmem>> -> memref<1x128xi32, #tpu.memory_space<vmem>>
    %dma_wait3A_173 = tpu.memref_squeeze %dma_wait3A_172 : memref<1x128xi32, #tpu.memory_space<vmem>> -> memref<128xi32, #tpu.memory_space<vmem>>
    %dma_wait3A_174 = arith.constant 0 : i32
    %dma_wait3A_175 = arith.constant 0 : i32
    %dma_wait3A_176 = tpu.memref_slice %arg13[%dma_wait3A_174, %dma_wait3A_175] : memref<10000x64xf32, #tpu.memory_space<vmem_shared>> -> memref<10000x64xf32, #tpu.memory_space<vmem_shared>>
    tpu.wait_indirect_dma semaphore(%arg16 : memref<!tpu.dma_semaphore, #tpu.memory_space<semaphore_mem>>) src(%dma_wait3A_176 : memref<10000x64xf32, #tpu.memory_space<vmem_shared>>) dst(%arg10 : memref<128x64xf32, #tpu.memory_space<vmem>>)
    %dma_start3A_177 = arith.constant 1 : i32
    %dma_start3A_178 = arith.constant 0 : i32
    %dma_start3A_179 = tpu.memref_slice %arg7[%dma_start3A_177, %dma_start3A_178] : memref<40x128xi32, #tpu.memory_space<vmem>> -> memref<1x128xi32, #tpu.memory_space<vmem>>
    %dma_start3A_180 = tpu.memref_squeeze %dma_start3A_179 : memref<1x128xi32, #tpu.memory_space<vmem>> -> memref<128xi32, #tpu.memory_space<vmem>>
    %dma_start3A_181 = arith.constant 0 : i32
    %dma_start3A_182 = arith.constant 0 : i32
    %dma_start3A_183 = tpu.memref_slice %arg14[%dma_start3A_181, %dma_start3A_182] : memref<10240x64xf32, #tpu.memory_space<vmem_shared>> -> memref<10240x64xf32, #tpu.memory_space<vmem_shared>>
    tpu.enqueue_indirect_dma source(%arg10 : memref<128x64xf32, #tpu.memory_space<vmem>>) target(%dma_start3A_183 : memref<10240x64xf32, #tpu.memory_space<vmem_shared>>) offsets(%dma_start3A_180 : memref<128xi32, #tpu.memory_space<vmem>>) semaphore(%arg20 : memref<!tpu.dma_semaphore, #tpu.memory_space<semaphore_mem>>) {add = true}
    %scan3A_184 = arith.constant 0 : i32
    %scan3A_185 = arith.constant 0 : i32
    %scan3A_186 = arith.constant 9 : i32
    %scan3A_187 = arith.addi %scan3A_185, %scan3A_186 : i32
    %scan3A_188 = arith.constant 1 : i32
    scf.for %scan3A_491 = %scan3A_185 to %scan3A_187 step %scan3A_188  : i32 {
      %mul3A_492 = arith.constant 4 : i32
      %mul3A_493 = arith.muli %mul3A_492, %scan3A_491 : i32
      %add3A_494 = arith.constant 2 : i32
      %add3A_495 = arith.addi %mul3A_493, %add3A_494 : i32
      %add3A_496 = arith.constant 0 : i32
      %add3A_497 = arith.addi %add3A_495, %add3A_496 : i32
      %dma_wait3A_498 = arith.constant 0 : i32
      %dma_wait3A_499 = arith.constant 0 : i32
      %dma_wait3A_500 = tpu.memref_slice %arg8[%dma_wait3A_498, %dma_wait3A_499] : memref<40x128xi32, #tpu.memory_space<vmem>> -> memref<1x128xi32, #tpu.memory_space<vmem>>
      %dma_wait3A_501 = tpu.memref_squeeze %dma_wait3A_500 : memref<1x128xi32, #tpu.memory_space<vmem>> -> memref<128xi32, #tpu.memory_space<vmem>>
      %dma_wait3A_502 = arith.constant 0 : i32
      %dma_wait3A_503 = arith.constant 0 : i32
      %dma_wait3A_504 = tpu.memref_slice %arg13[%dma_wait3A_502, %dma_wait3A_503] : memref<10000x64xf32, #tpu.memory_space<vmem_shared>> -> memref<10000x64xf32, #tpu.memory_space<vmem_shared>>
      tpu.wait_indirect_dma semaphore(%arg17 : memref<!tpu.dma_semaphore, #tpu.memory_space<semaphore_mem>>) src(%dma_wait3A_504 : memref<10000x64xf32, #tpu.memory_space<vmem_shared>>) dst(%arg11 : memref<128x64xf32, #tpu.memory_space<vmem>>)
      %dma_start3A_505 = arith.constant 0 : i32
      %dma_start3A_506 = tpu.memref_slice %arg7[%add3A_497, %dma_start3A_505] : memref<40x128xi32, #tpu.memory_space<vmem>> -> memref<1x128xi32, #tpu.memory_space<vmem>>
      %dma_start3A_507 = tpu.memref_squeeze %dma_start3A_506 : memref<1x128xi32, #tpu.memory_space<vmem>> -> memref<128xi32, #tpu.memory_space<vmem>>
      %dma_start3A_508 = arith.constant 0 : i32
      %dma_start3A_509 = arith.constant 0 : i32
      %dma_start3A_510 = tpu.memref_slice %arg14[%dma_start3A_508, %dma_start3A_509] : memref<10240x64xf32, #tpu.memory_space<vmem_shared>> -> memref<10240x64xf32, #tpu.memory_space<vmem_shared>>
      tpu.enqueue_indirect_dma source(%arg11 : memref<128x64xf32, #tpu.memory_space<vmem>>) target(%dma_start3A_510 : memref<10240x64xf32, #tpu.memory_space<vmem_shared>>) offsets(%dma_start3A_507 : memref<128xi32, #tpu.memory_space<vmem>>) semaphore(%arg21 : memref<!tpu.dma_semaphore, #tpu.memory_space<semaphore_mem>>) {add = true}
      %dma_wait3A_511 = arith.constant 0 : i32
      %dma_wait3A_512 = arith.constant 0 : i32
      %dma_wait3A_513 = tpu.memref_slice %arg7[%dma_wait3A_511, %dma_wait3A_512] : memref<40x128xi32, #tpu.memory_space<vmem>> -> memref<1x128xi32, #tpu.memory_space<vmem>>
      %dma_wait3A_514 = tpu.memref_squeeze %dma_wait3A_513 : memref<1x128xi32, #tpu.memory_space<vmem>> -> memref<128xi32, #tpu.memory_space<vmem>>
      %dma_wait3A_515 = arith.constant 0 : i32
      %dma_wait3A_516 = arith.constant 0 : i32
      %dma_wait3A_517 = tpu.memref_slice %arg14[%dma_wait3A_515, %dma_wait3A_516] : memref<10240x64xf32, #tpu.memory_space<vmem_shared>> -> memref<10240x64xf32, #tpu.memory_space<vmem_shared>>
      tpu.wait_indirect_dma semaphore(%arg19 : memref<!tpu.dma_semaphore, #tpu.memory_space<semaphore_mem>>) src(%arg9 : memref<128x64xf32, #tpu.memory_space<vmem>>) dst(%dma_wait3A_517 : memref<10240x64xf32, #tpu.memory_space<vmem_shared>>)
      %add3A_518 = arith.constant 2 : i32
      %add3A_519 = arith.addi %add3A_497, %add3A_518 : i32
      %min3A = arith.constant 39 : i32
      %min3A_520 = arith.minsi %add3A_519, %min3A : i32
      %dma_start3A_521 = arith.constant 0 : i32
      %dma_start3A_522 = tpu.memref_slice %arg8[%min3A_520, %dma_start3A_521] : memref<40x128xi32, #tpu.memory_space<vmem>> -> memref<1x128xi32, #tpu.memory_space<vmem>>
      %dma_start3A_523 = tpu.memref_squeeze %dma_start3A_522 : memref<1x128xi32, #tpu.memory_space<vmem>> -> memref<128xi32, #tpu.memory_space<vmem>>
      %dma_start3A_524 = arith.constant 0 : i32
      %dma_start3A_525 = arith.constant 0 : i32
      %dma_start3A_526 = tpu.memref_slice %arg13[%dma_start3A_524, %dma_start3A_525] : memref<10000x64xf32, #tpu.memory_space<vmem_shared>> -> memref<10000x64xf32, #tpu.memory_space<vmem_shared>>
      tpu.enqueue_indirect_dma source(%dma_start3A_526 : memref<10000x64xf32, #tpu.memory_space<vmem_shared>>) target(%arg9 : memref<128x64xf32, #tpu.memory_space<vmem>>) offsets(%dma_start3A_523 : memref<128xi32, #tpu.memory_space<vmem>>) semaphore(%arg15 : memref<!tpu.dma_semaphore, #tpu.memory_space<semaphore_mem>>)
      %mul3A_527 = arith.constant 4 : i32
      %mul3A_528 = arith.muli %mul3A_527, %scan3A_491 : i32
      %add3A_529 = arith.constant 2 : i32
      %add3A_530 = arith.addi %mul3A_528, %add3A_529 : i32
      %add3A_531 = arith.constant 1 : i32
      %add3A_532 = arith.addi %add3A_530, %add3A_531 : i32
      %dma_wait3A_533 = arith.constant 0 : i32
      %dma_wait3A_534 = arith.constant 0 : i32
      %dma_wait3A_535 = tpu.memref_slice %arg8[%dma_wait3A_533, %dma_wait3A_534] : memref<40x128xi32, #tpu.memory_space<vmem>> -> memref<1x128xi32, #tpu.memory_space<vmem>>
      %dma_wait3A_536 = tpu.memref_squeeze %dma_wait3A_535 : memref<1x128xi32, #tpu.memory_space<vmem>> -> memref<128xi32, #tpu.memory_space<vmem>>
      %dma_wait3A_537 = arith.constant 0 : i32
      %dma_wait3A_538 = arith.constant 0 : i32
      %dma_wait3A_539 = tpu.memref_slice %arg13[%dma_wait3A_537, %dma_wait3A_538] : memref<10000x64xf32, #tpu.memory_space<vmem_shared>> -> memref<10000x64xf32, #tpu.memory_space<vmem_shared>>
      tpu.wait_indirect_dma semaphore(%arg18 : memref<!tpu.dma_semaphore, #tpu.memory_space<semaphore_mem>>) src(%dma_wait3A_539 : memref<10000x64xf32, #tpu.memory_space<vmem_shared>>) dst(%arg12 : memref<128x64xf32, #tpu.memory_space<vmem>>)
      %dma_start3A_540 = arith.constant 0 : i32
      %dma_start3A_541 = tpu.memref_slice %arg7[%add3A_532, %dma_start3A_540] : memref<40x128xi32, #tpu.memory_space<vmem>> -> memref<1x128xi32, #tpu.memory_space<vmem>>
      %dma_start3A_542 = tpu.memref_squeeze %dma_start3A_541 : memref<1x128xi32, #tpu.memory_space<vmem>> -> memref<128xi32, #tpu.memory_space<vmem>>
      %dma_start3A_543 = arith.constant 0 : i32
      %dma_start3A_544 = arith.constant 0 : i32
      %dma_start3A_545 = tpu.memref_slice %arg14[%dma_start3A_543, %dma_start3A_544] : memref<10240x64xf32, #tpu.memory_space<vmem_shared>> -> memref<10240x64xf32, #tpu.memory_space<vmem_shared>>
      tpu.enqueue_indirect_dma source(%arg12 : memref<128x64xf32, #tpu.memory_space<vmem>>) target(%dma_start3A_545 : memref<10240x64xf32, #tpu.memory_space<vmem_shared>>) offsets(%dma_start3A_542 : memref<128xi32, #tpu.memory_space<vmem>>) semaphore(%arg22 : memref<!tpu.dma_semaphore, #tpu.memory_space<semaphore_mem>>) {add = true}
      %dma_wait3A_546 = arith.constant 0 : i32
      %dma_wait3A_547 = arith.constant 0 : i32
      %dma_wait3A_548 = tpu.memref_slice %arg7[%dma_wait3A_546, %dma_wait3A_547] : memref<40x128xi32, #tpu.memory_space<vmem>> -> memref<1x128xi32, #tpu.memory_space<vmem>>
      %dma_wait3A_549 = tpu.memref_squeeze %dma_wait3A_548 : memref<1x128xi32, #tpu.memory_space<vmem>> -> memref<128xi32, #tpu.memory_space<vmem>>
      %dma_wait3A_550 = arith.constant 0 : i32
      %dma_wait3A_551 = arith.constant 0 : i32
      %dma_wait3A_552 = tpu.memref_slice %arg14[%dma_wait3A_550, %dma_wait3A_551] : memref<10240x64xf32, #tpu.memory_space<vmem_shared>> -> memref<10240x64xf32, #tpu.memory_space<vmem_shared>>
      tpu.wait_indirect_dma semaphore(%arg20 : memref<!tpu.dma_semaphore, #tpu.memory_space<semaphore_mem>>) src(%arg10 : memref<128x64xf32, #tpu.memory_space<vmem>>) dst(%dma_wait3A_552 : memref<10240x64xf32, #tpu.memory_space<vmem_shared>>)
      %add3A_553 = arith.constant 2 : i32
      %add3A_554 = arith.addi %add3A_532, %add3A_553 : i32
      %min3A_555 = arith.constant 39 : i32
      %min3A_556 = arith.minsi %add3A_554, %min3A_555 : i32
      %dma_start3A_557 = arith.constant 0 : i32
      %dma_start3A_558 = tpu.memref_slice %arg8[%min3A_556, %dma_start3A_557] : memref<40x128xi32, #tpu.memory_space<vmem>> -> memref<1x128xi32, #tpu.memory_space<vmem>>
      %dma_start3A_559 = tpu.memref_squeeze %dma_start3A_558 : memref<1x128xi32, #tpu.memory_space<vmem>> -> memref<128xi32, #tpu.memory_space<vmem>>
      %dma_start3A_560 = arith.constant 0 : i32
      %dma_start3A_561 = arith.constant 0 : i32
      %dma_start3A_562 = tpu.memref_slice %arg13[%dma_start3A_560, %dma_start3A_561] : memref<10000x64xf32, #tpu.memory_space<vmem_shared>> -> memref<10000x64xf32, #tpu.memory_space<vmem_shared>>
      tpu.enqueue_indirect_dma source(%dma_start3A_562 : memref<10000x64xf32, #tpu.memory_space<vmem_shared>>) target(%arg10 : memref<128x64xf32, #tpu.memory_space<vmem>>) offsets(%dma_start3A_559 : memref<128xi32, #tpu.memory_space<vmem>>) semaphore(%arg16 : memref<!tpu.dma_semaphore, #tpu.memory_space<semaphore_mem>>)
      %mul3A_563 = arith.constant 4 : i32
      %mul3A_564 = arith.muli %mul3A_563, %scan3A_491 : i32
      %add3A_565 = arith.constant 2 : i32
      %add3A_566 = arith.addi %mul3A_564, %add3A_565 : i32
      %add3A_567 = arith.constant 2 : i32
      %add3A_568 = arith.addi %add3A_566, %add3A_567 : i32
      %dma_wait3A_569 = arith.constant 0 : i32
      %dma_wait3A_570 = arith.constant 0 : i32
      %dma_wait3A_571 = tpu.memref_slice %arg8[%dma_wait3A_569, %dma_wait3A_570] : memref<40x128xi32, #tpu.memory_space<vmem>> -> memref<1x128xi32, #tpu.memory_space<vmem>>
      %dma_wait3A_572 = tpu.memref_squeeze %dma_wait3A_571 : memref<1x128xi32, #tpu.memory_space<vmem>> -> memref<128xi32, #tpu.memory_space<vmem>>
      %dma_wait3A_573 = arith.constant 0 : i32
      %dma_wait3A_574 = arith.constant 0 : i32
      %dma_wait3A_575 = tpu.memref_slice %arg13[%dma_wait3A_573, %dma_wait3A_574] : memref<10000x64xf32, #tpu.memory_space<vmem_shared>> -> memref<10000x64xf32, #tpu.memory_space<vmem_shared>>
      tpu.wait_indirect_dma semaphore(%arg15 : memref<!tpu.dma_semaphore, #tpu.memory_space<semaphore_mem>>) src(%dma_wait3A_575 : memref<10000x64xf32, #tpu.memory_space<vmem_shared>>) dst(%arg9 : memref<128x64xf32, #tpu.memory_space<vmem>>)
      %dma_start3A_576 = arith.constant 0 : i32
      %dma_start3A_577 = tpu.memref_slice %arg7[%add3A_568, %dma_start3A_576] : memref<40x128xi32, #tpu.memory_space<vmem>> -> memref<1x128xi32, #tpu.memory_space<vmem>>
      %dma_start3A_578 = tpu.memref_squeeze %dma_start3A_577 : memref<1x128xi32, #tpu.memory_space<vmem>> -> memref<128xi32, #tpu.memory_space<vmem>>
      %dma_start3A_579 = arith.constant 0 : i32
      %dma_start3A_580 = arith.constant 0 : i32
      %dma_start3A_581 = tpu.memref_slice %arg14[%dma_start3A_579, %dma_start3A_580] : memref<10240x64xf32, #tpu.memory_space<vmem_shared>> -> memref<10240x64xf32, #tpu.memory_space<vmem_shared>>
      tpu.enqueue_indirect_dma source(%arg9 : memref<128x64xf32, #tpu.memory_space<vmem>>) target(%dma_start3A_581 : memref<10240x64xf32, #tpu.memory_space<vmem_shared>>) offsets(%dma_start3A_578 : memref<128xi32, #tpu.memory_space<vmem>>) semaphore(%arg19 : memref<!tpu.dma_semaphore, #tpu.memory_space<semaphore_mem>>) {add = true}
      %dma_wait3A_582 = arith.constant 0 : i32
      %dma_wait3A_583 = arith.constant 0 : i32
      %dma_wait3A_584 = tpu.memref_slice %arg7[%dma_wait3A_582, %dma_wait3A_583] : memref<40x128xi32, #tpu.memory_space<vmem>> -> memref<1x128xi32, #tpu.memory_space<vmem>>
      %dma_wait3A_585 = tpu.memref_squeeze %dma_wait3A_584 : memref<1x128xi32, #tpu.memory_space<vmem>> -> memref<128xi32, #tpu.memory_space<vmem>>
      %dma_wait3A_586 = arith.constant 0 : i32
      %dma_wait3A_587 = arith.constant 0 : i32
      %dma_wait3A_588 = tpu.memref_slice %arg14[%dma_wait3A_586, %dma_wait3A_587] : memref<10240x64xf32, #tpu.memory_space<vmem_shared>> -> memref<10240x64xf32, #tpu.memory_space<vmem_shared>>
      tpu.wait_indirect_dma semaphore(%arg21 : memref<!tpu.dma_semaphore, #tpu.memory_space<semaphore_mem>>) src(%arg11 : memref<128x64xf32, #tpu.memory_space<vmem>>) dst(%dma_wait3A_588 : memref<10240x64xf32, #tpu.memory_space<vmem_shared>>)
      %add3A_589 = arith.constant 2 : i32
      %add3A_590 = arith.addi %add3A_568, %add3A_589 : i32
      %min3A_591 = arith.constant 39 : i32
      %min3A_592 = arith.minsi %add3A_590, %min3A_591 : i32
      %dma_start3A_593 = arith.constant 0 : i32
      %dma_start3A_594 = tpu.memref_slice %arg8[%min3A_592, %dma_start3A_593] : memref<40x128xi32, #tpu.memory_space<vmem>> -> memref<1x128xi32, #tpu.memory_space<vmem>>
      %dma_start3A_595 = tpu.memref_squeeze %dma_start3A_594 : memref<1x128xi32, #tpu.memory_space<vmem>> -> memref<128xi32, #tpu.memory_space<vmem>>
      %dma_start3A_596 = arith.constant 0 : i32
      %dma_start3A_597 = arith.constant 0 : i32
      %dma_start3A_598 = tpu.memref_slice %arg13[%dma_start3A_596, %dma_start3A_597] : memref<10000x64xf32, #tpu.memory_space<vmem_shared>> -> memref<10000x64xf32, #tpu.memory_space<vmem_shared>>
      tpu.enqueue_indirect_dma source(%dma_start3A_598 : memref<10000x64xf32, #tpu.memory_space<vmem_shared>>) target(%arg11 : memref<128x64xf32, #tpu.memory_space<vmem>>) offsets(%dma_start3A_595 : memref<128xi32, #tpu.memory_space<vmem>>) semaphore(%arg17 : memref<!tpu.dma_semaphore, #tpu.memory_space<semaphore_mem>>)
      %mul3A_599 = arith.constant 4 : i32
      %mul3A_600 = arith.muli %mul3A_599, %scan3A_491 : i32
      %add3A_601 = arith.constant 2 : i32
      %add3A_602 = arith.addi %mul3A_600, %add3A_601 : i32
      %add3A_603 = arith.constant 3 : i32
      %add3A_604 = arith.addi %add3A_602, %add3A_603 : i32
      %dma_wait3A_605 = arith.constant 0 : i32
      %dma_wait3A_606 = arith.constant 0 : i32
      %dma_wait3A_607 = tpu.memref_slice %arg8[%dma_wait3A_605, %dma_wait3A_606] : memref<40x128xi32, #tpu.memory_space<vmem>> -> memref<1x128xi32, #tpu.memory_space<vmem>>
      %dma_wait3A_608 = tpu.memref_squeeze %dma_wait3A_607 : memref<1x128xi32, #tpu.memory_space<vmem>> -> memref<128xi32, #tpu.memory_space<vmem>>
      %dma_wait3A_609 = arith.constant 0 : i32
      %dma_wait3A_610 = arith.constant 0 : i32
      %dma_wait3A_611 = tpu.memref_slice %arg13[%dma_wait3A_609, %dma_wait3A_610] : memref<10000x64xf32, #tpu.memory_space<vmem_shared>> -> memref<10000x64xf32, #tpu.memory_space<vmem_shared>>
      tpu.wait_indirect_dma semaphore(%arg16 : memref<!tpu.dma_semaphore, #tpu.memory_space<semaphore_mem>>) src(%dma_wait3A_611 : memref<10000x64xf32, #tpu.memory_space<vmem_shared>>) dst(%arg10 : memref<128x64xf32, #tpu.memory_space<vmem>>)
      %dma_start3A_612 = arith.constant 0 : i32
      %dma_start3A_613 = tpu.memref_slice %arg7[%add3A_604, %dma_start3A_612] : memref<40x128xi32, #tpu.memory_space<vmem>> -> memref<1x128xi32, #tpu.memory_space<vmem>>
      %dma_start3A_614 = tpu.memref_squeeze %dma_start3A_613 : memref<1x128xi32, #tpu.memory_space<vmem>> -> memref<128xi32, #tpu.memory_space<vmem>>
      %dma_start3A_615 = arith.constant 0 : i32
      %dma_start3A_616 = arith.constant 0 : i32
      %dma_start3A_617 = tpu.memref_slice %arg14[%dma_start3A_615, %dma_start3A_616] : memref<10240x64xf32, #tpu.memory_space<vmem_shared>> -> memref<10240x64xf32, #tpu.memory_space<vmem_shared>>
      tpu.enqueue_indirect_dma source(%arg10 : memref<128x64xf32, #tpu.memory_space<vmem>>) target(%dma_start3A_617 : memref<10240x64xf32, #tpu.memory_space<vmem_shared>>) offsets(%dma_start3A_614 : memref<128xi32, #tpu.memory_space<vmem>>) semaphore(%arg20 : memref<!tpu.dma_semaphore, #tpu.memory_space<semaphore_mem>>) {add = true}
      %dma_wait3A_618 = arith.constant 0 : i32
      %dma_wait3A_619 = arith.constant 0 : i32
      %dma_wait3A_620 = tpu.memref_slice %arg7[%dma_wait3A_618, %dma_wait3A_619] : memref<40x128xi32, #tpu.memory_space<vmem>> -> memref<1x128xi32, #tpu.memory_space<vmem>>
      %dma_wait3A_621 = tpu.memref_squeeze %dma_wait3A_620 : memref<1x128xi32, #tpu.memory_space<vmem>> -> memref<128xi32, #tpu.memory_space<vmem>>
      %dma_wait3A_622 = arith.constant 0 : i32
      %dma_wait3A_623 = arith.constant 0 : i32
      %dma_wait3A_624 = tpu.memref_slice %arg14[%dma_wait3A_622, %dma_wait3A_623] : memref<10240x64xf32, #tpu.memory_space<vmem_shared>> -> memref<10240x64xf32, #tpu.memory_space<vmem_shared>>
      tpu.wait_indirect_dma semaphore(%arg22 : memref<!tpu.dma_semaphore, #tpu.memory_space<semaphore_mem>>) src(%arg12 : memref<128x64xf32, #tpu.memory_space<vmem>>) dst(%dma_wait3A_624 : memref<10240x64xf32, #tpu.memory_space<vmem_shared>>)
      %add3A_625 = arith.constant 2 : i32
      %add3A_626 = arith.addi %add3A_604, %add3A_625 : i32
      %min3A_627 = arith.constant 39 : i32
      %min3A_628 = arith.minsi %add3A_626, %min3A_627 : i32
      %dma_start3A_629 = arith.constant 0 : i32
      %dma_start3A_630 = tpu.memref_slice %arg8[%min3A_628, %dma_start3A_629] : memref<40x128xi32, #tpu.memory_space<vmem>> -> memref<1x128xi32, #tpu.memory_space<vmem>>
      %dma_start3A_631 = tpu.memref_squeeze %dma_start3A_630 : memref<1x128xi32, #tpu.memory_space<vmem>> -> memref<128xi32, #tpu.memory_space<vmem>>
      %dma_start3A_632 = arith.constant 0 : i32
      %dma_start3A_633 = arith.constant 0 : i32
      %dma_start3A_634 = tpu.memref_slice %arg13[%dma_start3A_632, %dma_start3A_633] : memref<10000x64xf32, #tpu.memory_space<vmem_shared>> -> memref<10000x64xf32, #tpu.memory_space<vmem_shared>>
      tpu.enqueue_indirect_dma source(%dma_start3A_634 : memref<10000x64xf32, #tpu.memory_space<vmem_shared>>) target(%arg12 : memref<128x64xf32, #tpu.memory_space<vmem>>) offsets(%dma_start3A_631 : memref<128xi32, #tpu.memory_space<vmem>>) semaphore(%arg18 : memref<!tpu.dma_semaphore, #tpu.memory_space<semaphore_mem>>)
    }
    %scan3A_189 = arith.constant 9 : i32
    %dma_wait3A_190 = arith.constant 0 : i32
    %dma_wait3A_191 = arith.constant 0 : i32
    %dma_wait3A_192 = tpu.memref_slice %arg8[%dma_wait3A_190, %dma_wait3A_191] : memref<40x128xi32, #tpu.memory_space<vmem>> -> memref<1x128xi32, #tpu.memory_space<vmem>>
    %dma_wait3A_193 = tpu.memref_squeeze %dma_wait3A_192 : memref<1x128xi32, #tpu.memory_space<vmem>> -> memref<128xi32, #tpu.memory_space<vmem>>
    %dma_wait3A_194 = arith.constant 0 : i32
    %dma_wait3A_195 = arith.constant 0 : i32
    %dma_wait3A_196 = tpu.memref_slice %arg13[%dma_wait3A_194, %dma_wait3A_195] : memref<10000x64xf32, #tpu.memory_space<vmem_shared>> -> memref<10000x64xf32, #tpu.memory_space<vmem_shared>>
    tpu.wait_indirect_dma semaphore(%arg17 : memref<!tpu.dma_semaphore, #tpu.memory_space<semaphore_mem>>) src(%dma_wait3A_196 : memref<10000x64xf32, #tpu.memory_space<vmem_shared>>) dst(%arg11 : memref<128x64xf32, #tpu.memory_space<vmem>>)
    %dma_start3A_197 = arith.constant 38 : i32
    %dma_start3A_198 = arith.constant 0 : i32
    %dma_start3A_199 = tpu.memref_slice %arg7[%dma_start3A_197, %dma_start3A_198] : memref<40x128xi32, #tpu.memory_space<vmem>> -> memref<1x128xi32, #tpu.memory_space<vmem>>
    %dma_start3A_200 = tpu.memref_squeeze %dma_start3A_199 : memref<1x128xi32, #tpu.memory_space<vmem>> -> memref<128xi32, #tpu.memory_space<vmem>>
    %dma_start3A_201 = arith.constant 0 : i32
    %dma_start3A_202 = arith.constant 0 : i32
    %dma_start3A_203 = tpu.memref_slice %arg14[%dma_start3A_201, %dma_start3A_202] : memref<10240x64xf32, #tpu.memory_space<vmem_shared>> -> memref<10240x64xf32, #tpu.memory_space<vmem_shared>>
    tpu.enqueue_indirect_dma source(%arg11 : memref<128x64xf32, #tpu.memory_space<vmem>>) target(%dma_start3A_203 : memref<10240x64xf32, #tpu.memory_space<vmem_shared>>) offsets(%dma_start3A_200 : memref<128xi32, #tpu.memory_space<vmem>>) semaphore(%arg21 : memref<!tpu.dma_semaphore, #tpu.memory_space<semaphore_mem>>) {add = true}
    %dma_wait3A_204 = arith.constant 0 : i32
    %dma_wait3A_205 = arith.constant 0 : i32
    %dma_wait3A_206 = tpu.memref_slice %arg8[%dma_wait3A_204, %dma_wait3A_205] : memref<40x128xi32, #tpu.memory_space<vmem>> -> memref<1x128xi32, #tpu.memory_space<vmem>>
    %dma_wait3A_207 = tpu.memref_squeeze %dma_wait3A_206 : memref<1x128xi32, #tpu.memory_space<vmem>> -> memref<128xi32, #tpu.memory_space<vmem>>
    %dma_wait3A_208 = arith.constant 0 : i32
    %dma_wait3A_209 = arith.constant 0 : i32
    %dma_wait3A_210 = tpu.memref_slice %arg13[%dma_wait3A_208, %dma_wait3A_209] : memref<10000x64xf32, #tpu.memory_space<vmem_shared>> -> memref<10000x64xf32, #tpu.memory_space<vmem_shared>>
    tpu.wait_indirect_dma semaphore(%arg18 : memref<!tpu.dma_semaphore, #tpu.memory_space<semaphore_mem>>) src(%dma_wait3A_210 : memref<10000x64xf32, #tpu.memory_space<vmem_shared>>) dst(%arg12 : memref<128x64xf32, #tpu.memory_space<vmem>>)
    %dma_start3A_211 = arith.constant 39 : i32
    %dma_start3A_212 = arith.constant 0 : i32
    %dma_start3A_213 = tpu.memref_slice %arg7[%dma_start3A_211, %dma_start3A_212] : memref<40x128xi32, #tpu.memory_space<vmem>> -> memref<1x128xi32, #tpu.memory_space<vmem>>
    %dma_start3A_214 = tpu.memref_squeeze %dma_start3A_213 : memref<1x128xi32, #tpu.memory_space<vmem>> -> memref<128xi32, #tpu.memory_space<vmem>>
    %dma_start3A_215 = arith.constant 0 : i32
    %dma_start3A_216 = arith.constant 0 : i32
    %dma_start3A_217 = tpu.memref_slice %arg14[%dma_start3A_215, %dma_start3A_216] : memref<10240x64xf32, #tpu.memory_space<vmem_shared>> -> memref<10240x64xf32, #tpu.memory_space<vmem_shared>>
    tpu.enqueue_indirect_dma source(%arg12 : memref<128x64xf32, #tpu.memory_space<vmem>>) target(%dma_start3A_217 : memref<10240x64xf32, #tpu.memory_space<vmem_shared>>) offsets(%dma_start3A_214 : memref<128xi32, #tpu.memory_space<vmem>>) semaphore(%arg22 : memref<!tpu.dma_semaphore, #tpu.memory_space<semaphore_mem>>) {add = true}
    %dma_wait3A_218 = arith.constant 0 : i32
    %dma_wait3A_219 = arith.constant 0 : i32
    %dma_wait3A_220 = tpu.memref_slice %arg7[%dma_wait3A_218, %dma_wait3A_219] : memref<40x128xi32, #tpu.memory_space<vmem>> -> memref<1x128xi32, #tpu.memory_space<vmem>>
    %dma_wait3A_221 = tpu.memref_squeeze %dma_wait3A_220 : memref<1x128xi32, #tpu.memory_space<vmem>> -> memref<128xi32, #tpu.memory_space<vmem>>
    %dma_wait3A_222 = arith.constant 0 : i32
    %dma_wait3A_223 = arith.constant 0 : i32
    %dma_wait3A_224 = tpu.memref_slice %arg14[%dma_wait3A_222, %dma_wait3A_223] : memref<10240x64xf32, #tpu.memory_space<vmem_shared>> -> memref<10240x64xf32, #tpu.memory_space<vmem_shared>>
    tpu.wait_indirect_dma semaphore(%arg19 : memref<!tpu.dma_semaphore, #tpu.memory_space<semaphore_mem>>) src(%arg9 : memref<128x64xf32, #tpu.memory_space<vmem>>) dst(%dma_wait3A_224 : memref<10240x64xf32, #tpu.memory_space<vmem_shared>>)
    %dma_wait3A_225 = arith.constant 0 : i32
    %dma_wait3A_226 = arith.constant 0 : i32
    %dma_wait3A_227 = tpu.memref_slice %arg7[%dma_wait3A_225, %dma_wait3A_226] : memref<40x128xi32, #tpu.memory_space<vmem>> -> memref<1x128xi32, #tpu.memory_space<vmem>>
    %dma_wait3A_228 = tpu.memref_squeeze %dma_wait3A_227 : memref<1x128xi32, #tpu.memory_space<vmem>> -> memref<128xi32, #tpu.memory_space<vmem>>
    %dma_wait3A_229 = arith.constant 0 : i32
    %dma_wait3A_230 = arith.constant 0 : i32
    %dma_wait3A_231 = tpu.memref_slice %arg14[%dma_wait3A_229, %dma_wait3A_230] : memref<10240x64xf32, #tpu.memory_space<vmem_shared>> -> memref<10240x64xf32, #tpu.memory_space<vmem_shared>>
    tpu.wait_indirect_dma semaphore(%arg20 : memref<!tpu.dma_semaphore, #tpu.memory_space<semaphore_mem>>) src(%arg10 : memref<128x64xf32, #tpu.memory_space<vmem>>) dst(%dma_wait3A_231 : memref<10240x64xf32, #tpu.memory_space<vmem_shared>>)
    %dma_wait3A_232 = arith.constant 0 : i32
    %dma_wait3A_233 = arith.constant 0 : i32
    %dma_wait3A_234 = tpu.memref_slice %arg7[%dma_wait3A_232, %dma_wait3A_233] : memref<40x128xi32, #tpu.memory_space<vmem>> -> memref<1x128xi32, #tpu.memory_space<vmem>>
    %dma_wait3A_235 = tpu.memref_squeeze %dma_wait3A_234 : memref<1x128xi32, #tpu.memory_space<vmem>> -> memref<128xi32, #tpu.memory_space<vmem>>
    %dma_wait3A_236 = arith.constant 0 : i32
    %dma_wait3A_237 = arith.constant 0 : i32
    %dma_wait3A_238 = tpu.memref_slice %arg14[%dma_wait3A_236, %dma_wait3A_237] : memref<10240x64xf32, #tpu.memory_space<vmem_shared>> -> memref<10240x64xf32, #tpu.memory_space<vmem_shared>>
    tpu.wait_indirect_dma semaphore(%arg21 : memref<!tpu.dma_semaphore, #tpu.memory_space<semaphore_mem>>) src(%arg11 : memref<128x64xf32, #tpu.memory_space<vmem>>) dst(%dma_wait3A_238 : memref<10240x64xf32, #tpu.memory_space<vmem_shared>>)
    %dma_wait3A_239 = arith.constant 0 : i32
    %dma_wait3A_240 = arith.constant 0 : i32
    %dma_wait3A_241 = tpu.memref_slice %arg7[%dma_wait3A_239, %dma_wait3A_240] : memref<40x128xi32, #tpu.memory_space<vmem>> -> memref<1x128xi32, #tpu.memory_space<vmem>>
    %dma_wait3A_242 = tpu.memref_squeeze %dma_wait3A_241 : memref<1x128xi32, #tpu.memory_space<vmem>> -> memref<128xi32, #tpu.memory_space<vmem>>
    %dma_wait3A_243 = arith.constant 0 : i32
    %dma_wait3A_244 = arith.constant 0 : i32
    %dma_wait3A_245 = tpu.memref_slice %arg14[%dma_wait3A_243, %dma_wait3A_244] : memref<10240x64xf32, #tpu.memory_space<vmem_shared>> -> memref<10240x64xf32, #tpu.memory_space<vmem_shared>>
    tpu.wait_indirect_dma semaphore(%arg22 : memref<!tpu.dma_semaphore, #tpu.memory_space<semaphore_mem>>) src(%arg12 : memref<128x64xf32, #tpu.memory_space<vmem>>) dst(%dma_wait3A_245 : memref<10240x64xf32, #tpu.memory_space<vmem_shared>>)
    %mul3A_246 = arith.constant 160 : i32
    %mul3A_247 = arith.muli %arg1, %mul3A_246 : i32
    %add3A_248 = arith.constant 80 : i32
    %add3A_249 = arith.addi %mul3A_247, %add3A_248 : i32
    "tpu.region"() ({
      %run_scoped3A = tpu.sem_alloc : memref<!tpu.dma_semaphore, #tpu.memory_space<semaphore_mem>>
      %dma_start3A_491 = arith.constant 0 : i32
      %dma_start3A_492 = tpu.memref_slice %arg3[%add3A_249, %dma_start3A_491] : memref<2560x128xi32, #tpu.memory_space<hbm>> -> memref<40x128xi32, #tpu.memory_space<hbm>>
      %dma_start3A_493 = arith.constant 0 : i32
      %dma_start3A_494 = tpu.memref_slice %arg3[%add3A_249, %dma_start3A_493] : memref<2560x128xi32, #tpu.memory_space<hbm>> -> memref<40x128xi32, #tpu.memory_space<hbm>>
      tpu.enqueue_dma source(%dma_start3A_494 : memref<40x128xi32, #tpu.memory_space<hbm>>) target(%arg7 : memref<40x128xi32, #tpu.memory_space<vmem>>) target_semaphore(%run_scoped3A : memref<!tpu.dma_semaphore, #tpu.memory_space<semaphore_mem>>)
      %dma_wait3A_495 = arith.constant 0 : i32
      %dma_wait3A_496 = tpu.memref_slice %arg3[%add3A_249, %dma_wait3A_495] : memref<2560x128xi32, #tpu.memory_space<hbm>> -> memref<40x128xi32, #tpu.memory_space<hbm>>
      %dma_wait3A_497 = arith.constant 0 : i32
      %dma_wait3A_498 = tpu.memref_slice %arg3[%add3A_249, %dma_wait3A_497] : memref<2560x128xi32, #tpu.memory_space<hbm>> -> memref<40x128xi32, #tpu.memory_space<hbm>>
      tpu.wait_dma2 semaphore(%run_scoped3A : memref<!tpu.dma_semaphore, #tpu.memory_space<semaphore_mem>>) src(%dma_wait3A_498 : memref<40x128xi32, #tpu.memory_space<hbm>>) dst(%arg7 : memref<40x128xi32, #tpu.memory_space<vmem>>)
      tpu.yield
    }) : () -> ()
    "tpu.region"() ({
      %run_scoped3A = tpu.sem_alloc : memref<!tpu.dma_semaphore, #tpu.memory_space<semaphore_mem>>
      %dma_start3A_491 = arith.constant 0 : i32
      %dma_start3A_492 = tpu.memref_slice %arg4[%add3A_249, %dma_start3A_491] : memref<2560x128xi32, #tpu.memory_space<hbm>> -> memref<40x128xi32, #tpu.memory_space<hbm>>
      %dma_start3A_493 = arith.constant 0 : i32
      %dma_start3A_494 = tpu.memref_slice %arg4[%add3A_249, %dma_start3A_493] : memref<2560x128xi32, #tpu.memory_space<hbm>> -> memref<40x128xi32, #tpu.memory_space<hbm>>
      tpu.enqueue_dma source(%dma_start3A_494 : memref<40x128xi32, #tpu.memory_space<hbm>>) target(%arg8 : memref<40x128xi32, #tpu.memory_space<vmem>>) target_semaphore(%run_scoped3A : memref<!tpu.dma_semaphore, #tpu.memory_space<semaphore_mem>>)
      %dma_wait3A_495 = arith.constant 0 : i32
      %dma_wait3A_496 = tpu.memref_slice %arg4[%add3A_249, %dma_wait3A_495] : memref<2560x128xi32, #tpu.memory_space<hbm>> -> memref<40x128xi32, #tpu.memory_space<hbm>>
      %dma_wait3A_497 = arith.constant 0 : i32
      %dma_wait3A_498 = tpu.memref_slice %arg4[%add3A_249, %dma_wait3A_497] : memref<2560x128xi32, #tpu.memory_space<hbm>> -> memref<40x128xi32, #tpu.memory_space<hbm>>
      tpu.wait_dma2 semaphore(%run_scoped3A : memref<!tpu.dma_semaphore, #tpu.memory_space<semaphore_mem>>) src(%dma_wait3A_498 : memref<40x128xi32, #tpu.memory_space<hbm>>) dst(%arg8 : memref<40x128xi32, #tpu.memory_space<vmem>>)
      tpu.yield
    }) : () -> ()
    %dma_start3A_250 = arith.constant 0 : i32
    %dma_start3A_251 = arith.constant 0 : i32
    %dma_start3A_252 = tpu.memref_slice %arg8[%dma_start3A_250, %dma_start3A_251] : memref<40x128xi32, #tpu.memory_space<vmem>> -> memref<1x128xi32, #tpu.memory_space<vmem>>
    %dma_start3A_253 = tpu.memref_squeeze %dma_start3A_252 : memref<1x128xi32, #tpu.memory_space<vmem>> -> memref<128xi32, #tpu.memory_space<vmem>>
    %dma_start3A_254 = arith.constant 0 : i32
    %dma_start3A_255 = arith.constant 0 : i32
    %dma_start3A_256 = tpu.memref_slice %arg13[%dma_start3A_254, %dma_start3A_255] : memref<10000x64xf32, #tpu.memory_space<vmem_shared>> -> memref<10000x64xf32, #tpu.memory_space<vmem_shared>>
    tpu.enqueue_indirect_dma source(%dma_start3A_256 : memref<10000x64xf32, #tpu.memory_space<vmem_shared>>) target(%arg9 : memref<128x64xf32, #tpu.memory_space<vmem>>) offsets(%dma_start3A_253 : memref<128xi32, #tpu.memory_space<vmem>>) semaphore(%arg15 : memref<!tpu.dma_semaphore, #tpu.memory_space<semaphore_mem>>)
    %dma_start3A_257 = arith.constant 1 : i32
    %dma_start3A_258 = arith.constant 0 : i32
    %dma_start3A_259 = tpu.memref_slice %arg8[%dma_start3A_257, %dma_start3A_258] : memref<40x128xi32, #tpu.memory_space<vmem>> -> memref<1x128xi32, #tpu.memory_space<vmem>>
    %dma_start3A_260 = tpu.memref_squeeze %dma_start3A_259 : memref<1x128xi32, #tpu.memory_space<vmem>> -> memref<128xi32, #tpu.memory_space<vmem>>
    %dma_start3A_261 = arith.constant 0 : i32
    %dma_start3A_262 = arith.constant 0 : i32
    %dma_start3A_263 = tpu.memref_slice %arg13[%dma_start3A_261, %dma_start3A_262] : memref<10000x64xf32, #tpu.memory_space<vmem_shared>> -> memref<10000x64xf32, #tpu.memory_space<vmem_shared>>
    tpu.enqueue_indirect_dma source(%dma_start3A_263 : memref<10000x64xf32, #tpu.memory_space<vmem_shared>>) target(%arg10 : memref<128x64xf32, #tpu.memory_space<vmem>>) offsets(%dma_start3A_260 : memref<128xi32, #tpu.memory_space<vmem>>) semaphore(%arg16 : memref<!tpu.dma_semaphore, #tpu.memory_space<semaphore_mem>>)
    %dma_start3A_264 = arith.constant 2 : i32
    %dma_start3A_265 = arith.constant 0 : i32
    %dma_start3A_266 = tpu.memref_slice %arg8[%dma_start3A_264, %dma_start3A_265] : memref<40x128xi32, #tpu.memory_space<vmem>> -> memref<1x128xi32, #tpu.memory_space<vmem>>
    %dma_start3A_267 = tpu.memref_squeeze %dma_start3A_266 : memref<1x128xi32, #tpu.memory_space<vmem>> -> memref<128xi32, #tpu.memory_space<vmem>>
    %dma_start3A_268 = arith.constant 0 : i32
    %dma_start3A_269 = arith.constant 0 : i32
    %dma_start3A_270 = tpu.memref_slice %arg13[%dma_start3A_268, %dma_start3A_269] : memref<10000x64xf32, #tpu.memory_space<vmem_shared>> -> memref<10000x64xf32, #tpu.memory_space<vmem_shared>>
    tpu.enqueue_indirect_dma source(%dma_start3A_270 : memref<10000x64xf32, #tpu.memory_space<vmem_shared>>) target(%arg11 : memref<128x64xf32, #tpu.memory_space<vmem>>) offsets(%dma_start3A_267 : memref<128xi32, #tpu.memory_space<vmem>>) semaphore(%arg17 : memref<!tpu.dma_semaphore, #tpu.memory_space<semaphore_mem>>)
    %dma_start3A_271 = arith.constant 3 : i32
    %dma_start3A_272 = arith.constant 0 : i32
    %dma_start3A_273 = tpu.memref_slice %arg8[%dma_start3A_271, %dma_start3A_272] : memref<40x128xi32, #tpu.memory_space<vmem>> -> memref<1x128xi32, #tpu.memory_space<vmem>>
    %dma_start3A_274 = tpu.memref_squeeze %dma_start3A_273 : memref<1x128xi32, #tpu.memory_space<vmem>> -> memref<128xi32, #tpu.memory_space<vmem>>
    %dma_start3A_275 = arith.constant 0 : i32
    %dma_start3A_276 = arith.constant 0 : i32
    %dma_start3A_277 = tpu.memref_slice %arg13[%dma_start3A_275, %dma_start3A_276] : memref<10000x64xf32, #tpu.memory_space<vmem_shared>> -> memref<10000x64xf32, #tpu.memory_space<vmem_shared>>
    tpu.enqueue_indirect_dma source(%dma_start3A_277 : memref<10000x64xf32, #tpu.memory_space<vmem_shared>>) target(%arg12 : memref<128x64xf32, #tpu.memory_space<vmem>>) offsets(%dma_start3A_274 : memref<128xi32, #tpu.memory_space<vmem>>) semaphore(%arg18 : memref<!tpu.dma_semaphore, #tpu.memory_space<semaphore_mem>>)
    %dma_wait3A_278 = arith.constant 0 : i32
    %dma_wait3A_279 = arith.constant 0 : i32
    %dma_wait3A_280 = tpu.memref_slice %arg8[%dma_wait3A_278, %dma_wait3A_279] : memref<40x128xi32, #tpu.memory_space<vmem>> -> memref<1x128xi32, #tpu.memory_space<vmem>>
    %dma_wait3A_281 = tpu.memref_squeeze %dma_wait3A_280 : memref<1x128xi32, #tpu.memory_space<vmem>> -> memref<128xi32, #tpu.memory_space<vmem>>
    %dma_wait3A_282 = arith.constant 0 : i32
    %dma_wait3A_283 = arith.constant 0 : i32
    %dma_wait3A_284 = tpu.memref_slice %arg13[%dma_wait3A_282, %dma_wait3A_283] : memref<10000x64xf32, #tpu.memory_space<vmem_shared>> -> memref<10000x64xf32, #tpu.memory_space<vmem_shared>>
    tpu.wait_indirect_dma semaphore(%arg15 : memref<!tpu.dma_semaphore, #tpu.memory_space<semaphore_mem>>) src(%dma_wait3A_284 : memref<10000x64xf32, #tpu.memory_space<vmem_shared>>) dst(%arg9 : memref<128x64xf32, #tpu.memory_space<vmem>>)
    %dma_start3A_285 = arith.constant 0 : i32
    %dma_start3A_286 = arith.constant 0 : i32
    %dma_start3A_287 = tpu.memref_slice %arg7[%dma_start3A_285, %dma_start3A_286] : memref<40x128xi32, #tpu.memory_space<vmem>> -> memref<1x128xi32, #tpu.memory_space<vmem>>
    %dma_start3A_288 = tpu.memref_squeeze %dma_start3A_287 : memref<1x128xi32, #tpu.memory_space<vmem>> -> memref<128xi32, #tpu.memory_space<vmem>>
    %dma_start3A_289 = arith.constant 0 : i32
    %dma_start3A_290 = arith.constant 0 : i32
    %dma_start3A_291 = tpu.memref_slice %arg14[%dma_start3A_289, %dma_start3A_290] : memref<10240x64xf32, #tpu.memory_space<vmem_shared>> -> memref<10240x64xf32, #tpu.memory_space<vmem_shared>>
    tpu.enqueue_indirect_dma source(%arg9 : memref<128x64xf32, #tpu.memory_space<vmem>>) target(%dma_start3A_291 : memref<10240x64xf32, #tpu.memory_space<vmem_shared>>) offsets(%dma_start3A_288 : memref<128xi32, #tpu.memory_space<vmem>>) semaphore(%arg19 : memref<!tpu.dma_semaphore, #tpu.memory_space<semaphore_mem>>) {add = true}
    %dma_wait3A_292 = arith.constant 0 : i32
    %dma_wait3A_293 = arith.constant 0 : i32
    %dma_wait3A_294 = tpu.memref_slice %arg8[%dma_wait3A_292, %dma_wait3A_293] : memref<40x128xi32, #tpu.memory_space<vmem>> -> memref<1x128xi32, #tpu.memory_space<vmem>>
    %dma_wait3A_295 = tpu.memref_squeeze %dma_wait3A_294 : memref<1x128xi32, #tpu.memory_space<vmem>> -> memref<128xi32, #tpu.memory_space<vmem>>
    %dma_wait3A_296 = arith.constant 0 : i32
    %dma_wait3A_297 = arith.constant 0 : i32
    %dma_wait3A_298 = tpu.memref_slice %arg13[%dma_wait3A_296, %dma_wait3A_297] : memref<10000x64xf32, #tpu.memory_space<vmem_shared>> -> memref<10000x64xf32, #tpu.memory_space<vmem_shared>>
    tpu.wait_indirect_dma semaphore(%arg16 : memref<!tpu.dma_semaphore, #tpu.memory_space<semaphore_mem>>) src(%dma_wait3A_298 : memref<10000x64xf32, #tpu.memory_space<vmem_shared>>) dst(%arg10 : memref<128x64xf32, #tpu.memory_space<vmem>>)
    %dma_start3A_299 = arith.constant 1 : i32
    %dma_start3A_300 = arith.constant 0 : i32
    %dma_start3A_301 = tpu.memref_slice %arg7[%dma_start3A_299, %dma_start3A_300] : memref<40x128xi32, #tpu.memory_space<vmem>> -> memref<1x128xi32, #tpu.memory_space<vmem>>
    %dma_start3A_302 = tpu.memref_squeeze %dma_start3A_301 : memref<1x128xi32, #tpu.memory_space<vmem>> -> memref<128xi32, #tpu.memory_space<vmem>>
    %dma_start3A_303 = arith.constant 0 : i32
    %dma_start3A_304 = arith.constant 0 : i32
    %dma_start3A_305 = tpu.memref_slice %arg14[%dma_start3A_303, %dma_start3A_304] : memref<10240x64xf32, #tpu.memory_space<vmem_shared>> -> memref<10240x64xf32, #tpu.memory_space<vmem_shared>>
    tpu.enqueue_indirect_dma source(%arg10 : memref<128x64xf32, #tpu.memory_space<vmem>>) target(%dma_start3A_305 : memref<10240x64xf32, #tpu.memory_space<vmem_shared>>) offsets(%dma_start3A_302 : memref<128xi32, #tpu.memory_space<vmem>>) semaphore(%arg20 : memref<!tpu.dma_semaphore, #tpu.memory_space<semaphore_mem>>) {add = true}
    %scan3A_306 = arith.constant 0 : i32
    %scan3A_307 = arith.constant 0 : i32
    %scan3A_308 = arith.constant 9 : i32
    %scan3A_309 = arith.addi %scan3A_307, %scan3A_308 : i32
    %scan3A_310 = arith.constant 1 : i32
    scf.for %scan3A_491 = %scan3A_307 to %scan3A_309 step %scan3A_310  : i32 {
      %mul3A_492 = arith.constant 4 : i32
      %mul3A_493 = arith.muli %mul3A_492, %scan3A_491 : i32
      %add3A_494 = arith.constant 2 : i32
      %add3A_495 = arith.addi %mul3A_493, %add3A_494 : i32
      %add3A_496 = arith.constant 0 : i32
      %add3A_497 = arith.addi %add3A_495, %add3A_496 : i32
      %dma_wait3A_498 = arith.constant 0 : i32
      %dma_wait3A_499 = arith.constant 0 : i32
      %dma_wait3A_500 = tpu.memref_slice %arg8[%dma_wait3A_498, %dma_wait3A_499] : memref<40x128xi32, #tpu.memory_space<vmem>> -> memref<1x128xi32, #tpu.memory_space<vmem>>
      %dma_wait3A_501 = tpu.memref_squeeze %dma_wait3A_500 : memref<1x128xi32, #tpu.memory_space<vmem>> -> memref<128xi32, #tpu.memory_space<vmem>>
      %dma_wait3A_502 = arith.constant 0 : i32
      %dma_wait3A_503 = arith.constant 0 : i32
      %dma_wait3A_504 = tpu.memref_slice %arg13[%dma_wait3A_502, %dma_wait3A_503] : memref<10000x64xf32, #tpu.memory_space<vmem_shared>> -> memref<10000x64xf32, #tpu.memory_space<vmem_shared>>
      tpu.wait_indirect_dma semaphore(%arg17 : memref<!tpu.dma_semaphore, #tpu.memory_space<semaphore_mem>>) src(%dma_wait3A_504 : memref<10000x64xf32, #tpu.memory_space<vmem_shared>>) dst(%arg11 : memref<128x64xf32, #tpu.memory_space<vmem>>)
      %dma_start3A_505 = arith.constant 0 : i32
      %dma_start3A_506 = tpu.memref_slice %arg7[%add3A_497, %dma_start3A_505] : memref<40x128xi32, #tpu.memory_space<vmem>> -> memref<1x128xi32, #tpu.memory_space<vmem>>
      %dma_start3A_507 = tpu.memref_squeeze %dma_start3A_506 : memref<1x128xi32, #tpu.memory_space<vmem>> -> memref<128xi32, #tpu.memory_space<vmem>>
      %dma_start3A_508 = arith.constant 0 : i32
      %dma_start3A_509 = arith.constant 0 : i32
      %dma_start3A_510 = tpu.memref_slice %arg14[%dma_start3A_508, %dma_start3A_509] : memref<10240x64xf32, #tpu.memory_space<vmem_shared>> -> memref<10240x64xf32, #tpu.memory_space<vmem_shared>>
      tpu.enqueue_indirect_dma source(%arg11 : memref<128x64xf32, #tpu.memory_space<vmem>>) target(%dma_start3A_510 : memref<10240x64xf32, #tpu.memory_space<vmem_shared>>) offsets(%dma_start3A_507 : memref<128xi32, #tpu.memory_space<vmem>>) semaphore(%arg21 : memref<!tpu.dma_semaphore, #tpu.memory_space<semaphore_mem>>) {add = true}
      %dma_wait3A_511 = arith.constant 0 : i32
      %dma_wait3A_512 = arith.constant 0 : i32
      %dma_wait3A_513 = tpu.memref_slice %arg7[%dma_wait3A_511, %dma_wait3A_512] : memref<40x128xi32, #tpu.memory_space<vmem>> -> memref<1x128xi32, #tpu.memory_space<vmem>>
      %dma_wait3A_514 = tpu.memref_squeeze %dma_wait3A_513 : memref<1x128xi32, #tpu.memory_space<vmem>> -> memref<128xi32, #tpu.memory_space<vmem>>
      %dma_wait3A_515 = arith.constant 0 : i32
      %dma_wait3A_516 = arith.constant 0 : i32
      %dma_wait3A_517 = tpu.memref_slice %arg14[%dma_wait3A_515, %dma_wait3A_516] : memref<10240x64xf32, #tpu.memory_space<vmem_shared>> -> memref<10240x64xf32, #tpu.memory_space<vmem_shared>>
      tpu.wait_indirect_dma semaphore(%arg19 : memref<!tpu.dma_semaphore, #tpu.memory_space<semaphore_mem>>) src(%arg9 : memref<128x64xf32, #tpu.memory_space<vmem>>) dst(%dma_wait3A_517 : memref<10240x64xf32, #tpu.memory_space<vmem_shared>>)
      %add3A_518 = arith.constant 2 : i32
      %add3A_519 = arith.addi %add3A_497, %add3A_518 : i32
      %min3A = arith.constant 39 : i32
      %min3A_520 = arith.minsi %add3A_519, %min3A : i32
      %dma_start3A_521 = arith.constant 0 : i32
      %dma_start3A_522 = tpu.memref_slice %arg8[%min3A_520, %dma_start3A_521] : memref<40x128xi32, #tpu.memory_space<vmem>> -> memref<1x128xi32, #tpu.memory_space<vmem>>
      %dma_start3A_523 = tpu.memref_squeeze %dma_start3A_522 : memref<1x128xi32, #tpu.memory_space<vmem>> -> memref<128xi32, #tpu.memory_space<vmem>>
      %dma_start3A_524 = arith.constant 0 : i32
      %dma_start3A_525 = arith.constant 0 : i32
      %dma_start3A_526 = tpu.memref_slice %arg13[%dma_start3A_524, %dma_start3A_525] : memref<10000x64xf32, #tpu.memory_space<vmem_shared>> -> memref<10000x64xf32, #tpu.memory_space<vmem_shared>>
      tpu.enqueue_indirect_dma source(%dma_start3A_526 : memref<10000x64xf32, #tpu.memory_space<vmem_shared>>) target(%arg9 : memref<128x64xf32, #tpu.memory_space<vmem>>) offsets(%dma_start3A_523 : memref<128xi32, #tpu.memory_space<vmem>>) semaphore(%arg15 : memref<!tpu.dma_semaphore, #tpu.memory_space<semaphore_mem>>)
      %mul3A_527 = arith.constant 4 : i32
      %mul3A_528 = arith.muli %mul3A_527, %scan3A_491 : i32
      %add3A_529 = arith.constant 2 : i32
      %add3A_530 = arith.addi %mul3A_528, %add3A_529 : i32
      %add3A_531 = arith.constant 1 : i32
      %add3A_532 = arith.addi %add3A_530, %add3A_531 : i32
      %dma_wait3A_533 = arith.constant 0 : i32
      %dma_wait3A_534 = arith.constant 0 : i32
      %dma_wait3A_535 = tpu.memref_slice %arg8[%dma_wait3A_533, %dma_wait3A_534] : memref<40x128xi32, #tpu.memory_space<vmem>> -> memref<1x128xi32, #tpu.memory_space<vmem>>
      %dma_wait3A_536 = tpu.memref_squeeze %dma_wait3A_535 : memref<1x128xi32, #tpu.memory_space<vmem>> -> memref<128xi32, #tpu.memory_space<vmem>>
      %dma_wait3A_537 = arith.constant 0 : i32
      %dma_wait3A_538 = arith.constant 0 : i32
      %dma_wait3A_539 = tpu.memref_slice %arg13[%dma_wait3A_537, %dma_wait3A_538] : memref<10000x64xf32, #tpu.memory_space<vmem_shared>> -> memref<10000x64xf32, #tpu.memory_space<vmem_shared>>
      tpu.wait_indirect_dma semaphore(%arg18 : memref<!tpu.dma_semaphore, #tpu.memory_space<semaphore_mem>>) src(%dma_wait3A_539 : memref<10000x64xf32, #tpu.memory_space<vmem_shared>>) dst(%arg12 : memref<128x64xf32, #tpu.memory_space<vmem>>)
      %dma_start3A_540 = arith.constant 0 : i32
      %dma_start3A_541 = tpu.memref_slice %arg7[%add3A_532, %dma_start3A_540] : memref<40x128xi32, #tpu.memory_space<vmem>> -> memref<1x128xi32, #tpu.memory_space<vmem>>
      %dma_start3A_542 = tpu.memref_squeeze %dma_start3A_541 : memref<1x128xi32, #tpu.memory_space<vmem>> -> memref<128xi32, #tpu.memory_space<vmem>>
      %dma_start3A_543 = arith.constant 0 : i32
      %dma_start3A_544 = arith.constant 0 : i32
      %dma_start3A_545 = tpu.memref_slice %arg14[%dma_start3A_543, %dma_start3A_544] : memref<10240x64xf32, #tpu.memory_space<vmem_shared>> -> memref<10240x64xf32, #tpu.memory_space<vmem_shared>>
      tpu.enqueue_indirect_dma source(%arg12 : memref<128x64xf32, #tpu.memory_space<vmem>>) target(%dma_start3A_545 : memref<10240x64xf32, #tpu.memory_space<vmem_shared>>) offsets(%dma_start3A_542 : memref<128xi32, #tpu.memory_space<vmem>>) semaphore(%arg22 : memref<!tpu.dma_semaphore, #tpu.memory_space<semaphore_mem>>) {add = true}
      %dma_wait3A_546 = arith.constant 0 : i32
      %dma_wait3A_547 = arith.constant 0 : i32
      %dma_wait3A_548 = tpu.memref_slice %arg7[%dma_wait3A_546, %dma_wait3A_547] : memref<40x128xi32, #tpu.memory_space<vmem>> -> memref<1x128xi32, #tpu.memory_space<vmem>>
      %dma_wait3A_549 = tpu.memref_squeeze %dma_wait3A_548 : memref<1x128xi32, #tpu.memory_space<vmem>> -> memref<128xi32, #tpu.memory_space<vmem>>
      %dma_wait3A_550 = arith.constant 0 : i32
      %dma_wait3A_551 = arith.constant 0 : i32
      %dma_wait3A_552 = tpu.memref_slice %arg14[%dma_wait3A_550, %dma_wait3A_551] : memref<10240x64xf32, #tpu.memory_space<vmem_shared>> -> memref<10240x64xf32, #tpu.memory_space<vmem_shared>>
      tpu.wait_indirect_dma semaphore(%arg20 : memref<!tpu.dma_semaphore, #tpu.memory_space<semaphore_mem>>) src(%arg10 : memref<128x64xf32, #tpu.memory_space<vmem>>) dst(%dma_wait3A_552 : memref<10240x64xf32, #tpu.memory_space<vmem_shared>>)
      %add3A_553 = arith.constant 2 : i32
      %add3A_554 = arith.addi %add3A_532, %add3A_553 : i32
      %min3A_555 = arith.constant 39 : i32
      %min3A_556 = arith.minsi %add3A_554, %min3A_555 : i32
      %dma_start3A_557 = arith.constant 0 : i32
      %dma_start3A_558 = tpu.memref_slice %arg8[%min3A_556, %dma_start3A_557] : memref<40x128xi32, #tpu.memory_space<vmem>> -> memref<1x128xi32, #tpu.memory_space<vmem>>
      %dma_start3A_559 = tpu.memref_squeeze %dma_start3A_558 : memref<1x128xi32, #tpu.memory_space<vmem>> -> memref<128xi32, #tpu.memory_space<vmem>>
      %dma_start3A_560 = arith.constant 0 : i32
      %dma_start3A_561 = arith.constant 0 : i32
      %dma_start3A_562 = tpu.memref_slice %arg13[%dma_start3A_560, %dma_start3A_561] : memref<10000x64xf32, #tpu.memory_space<vmem_shared>> -> memref<10000x64xf32, #tpu.memory_space<vmem_shared>>
      tpu.enqueue_indirect_dma source(%dma_start3A_562 : memref<10000x64xf32, #tpu.memory_space<vmem_shared>>) target(%arg10 : memref<128x64xf32, #tpu.memory_space<vmem>>) offsets(%dma_start3A_559 : memref<128xi32, #tpu.memory_space<vmem>>) semaphore(%arg16 : memref<!tpu.dma_semaphore, #tpu.memory_space<semaphore_mem>>)
      %mul3A_563 = arith.constant 4 : i32
      %mul3A_564 = arith.muli %mul3A_563, %scan3A_491 : i32
      %add3A_565 = arith.constant 2 : i32
      %add3A_566 = arith.addi %mul3A_564, %add3A_565 : i32
      %add3A_567 = arith.constant 2 : i32
      %add3A_568 = arith.addi %add3A_566, %add3A_567 : i32
      %dma_wait3A_569 = arith.constant 0 : i32
      %dma_wait3A_570 = arith.constant 0 : i32
      %dma_wait3A_571 = tpu.memref_slice %arg8[%dma_wait3A_569, %dma_wait3A_570] : memref<40x128xi32, #tpu.memory_space<vmem>> -> memref<1x128xi32, #tpu.memory_space<vmem>>
      %dma_wait3A_572 = tpu.memref_squeeze %dma_wait3A_571 : memref<1x128xi32, #tpu.memory_space<vmem>> -> memref<128xi32, #tpu.memory_space<vmem>>
      %dma_wait3A_573 = arith.constant 0 : i32
      %dma_wait3A_574 = arith.constant 0 : i32
      %dma_wait3A_575 = tpu.memref_slice %arg13[%dma_wait3A_573, %dma_wait3A_574] : memref<10000x64xf32, #tpu.memory_space<vmem_shared>> -> memref<10000x64xf32, #tpu.memory_space<vmem_shared>>
      tpu.wait_indirect_dma semaphore(%arg15 : memref<!tpu.dma_semaphore, #tpu.memory_space<semaphore_mem>>) src(%dma_wait3A_575 : memref<10000x64xf32, #tpu.memory_space<vmem_shared>>) dst(%arg9 : memref<128x64xf32, #tpu.memory_space<vmem>>)
      %dma_start3A_576 = arith.constant 0 : i32
      %dma_start3A_577 = tpu.memref_slice %arg7[%add3A_568, %dma_start3A_576] : memref<40x128xi32, #tpu.memory_space<vmem>> -> memref<1x128xi32, #tpu.memory_space<vmem>>
      %dma_start3A_578 = tpu.memref_squeeze %dma_start3A_577 : memref<1x128xi32, #tpu.memory_space<vmem>> -> memref<128xi32, #tpu.memory_space<vmem>>
      %dma_start3A_579 = arith.constant 0 : i32
      %dma_start3A_580 = arith.constant 0 : i32
      %dma_start3A_581 = tpu.memref_slice %arg14[%dma_start3A_579, %dma_start3A_580] : memref<10240x64xf32, #tpu.memory_space<vmem_shared>> -> memref<10240x64xf32, #tpu.memory_space<vmem_shared>>
      tpu.enqueue_indirect_dma source(%arg9 : memref<128x64xf32, #tpu.memory_space<vmem>>) target(%dma_start3A_581 : memref<10240x64xf32, #tpu.memory_space<vmem_shared>>) offsets(%dma_start3A_578 : memref<128xi32, #tpu.memory_space<vmem>>) semaphore(%arg19 : memref<!tpu.dma_semaphore, #tpu.memory_space<semaphore_mem>>) {add = true}
      %dma_wait3A_582 = arith.constant 0 : i32
      %dma_wait3A_583 = arith.constant 0 : i32
      %dma_wait3A_584 = tpu.memref_slice %arg7[%dma_wait3A_582, %dma_wait3A_583] : memref<40x128xi32, #tpu.memory_space<vmem>> -> memref<1x128xi32, #tpu.memory_space<vmem>>
      %dma_wait3A_585 = tpu.memref_squeeze %dma_wait3A_584 : memref<1x128xi32, #tpu.memory_space<vmem>> -> memref<128xi32, #tpu.memory_space<vmem>>
      %dma_wait3A_586 = arith.constant 0 : i32
      %dma_wait3A_587 = arith.constant 0 : i32
      %dma_wait3A_588 = tpu.memref_slice %arg14[%dma_wait3A_586, %dma_wait3A_587] : memref<10240x64xf32, #tpu.memory_space<vmem_shared>> -> memref<10240x64xf32, #tpu.memory_space<vmem_shared>>
      tpu.wait_indirect_dma semaphore(%arg21 : memref<!tpu.dma_semaphore, #tpu.memory_space<semaphore_mem>>) src(%arg11 : memref<128x64xf32, #tpu.memory_space<vmem>>) dst(%dma_wait3A_588 : memref<10240x64xf32, #tpu.memory_space<vmem_shared>>)
      %add3A_589 = arith.constant 2 : i32
      %add3A_590 = arith.addi %add3A_568, %add3A_589 : i32
      %min3A_591 = arith.constant 39 : i32
      %min3A_592 = arith.minsi %add3A_590, %min3A_591 : i32
      %dma_start3A_593 = arith.constant 0 : i32
      %dma_start3A_594 = tpu.memref_slice %arg8[%min3A_592, %dma_start3A_593] : memref<40x128xi32, #tpu.memory_space<vmem>> -> memref<1x128xi32, #tpu.memory_space<vmem>>
      %dma_start3A_595 = tpu.memref_squeeze %dma_start3A_594 : memref<1x128xi32, #tpu.memory_space<vmem>> -> memref<128xi32, #tpu.memory_space<vmem>>
      %dma_start3A_596 = arith.constant 0 : i32
      %dma_start3A_597 = arith.constant 0 : i32
      %dma_start3A_598 = tpu.memref_slice %arg13[%dma_start3A_596, %dma_start3A_597] : memref<10000x64xf32, #tpu.memory_space<vmem_shared>> -> memref<10000x64xf32, #tpu.memory_space<vmem_shared>>
      tpu.enqueue_indirect_dma source(%dma_start3A_598 : memref<10000x64xf32, #tpu.memory_space<vmem_shared>>) target(%arg11 : memref<128x64xf32, #tpu.memory_space<vmem>>) offsets(%dma_start3A_595 : memref<128xi32, #tpu.memory_space<vmem>>) semaphore(%arg17 : memref<!tpu.dma_semaphore, #tpu.memory_space<semaphore_mem>>)
      %mul3A_599 = arith.constant 4 : i32
      %mul3A_600 = arith.muli %mul3A_599, %scan3A_491 : i32
      %add3A_601 = arith.constant 2 : i32
      %add3A_602 = arith.addi %mul3A_600, %add3A_601 : i32
      %add3A_603 = arith.constant 3 : i32
      %add3A_604 = arith.addi %add3A_602, %add3A_603 : i32
      %dma_wait3A_605 = arith.constant 0 : i32
      %dma_wait3A_606 = arith.constant 0 : i32
      %dma_wait3A_607 = tpu.memref_slice %arg8[%dma_wait3A_605, %dma_wait3A_606] : memref<40x128xi32, #tpu.memory_space<vmem>> -> memref<1x128xi32, #tpu.memory_space<vmem>>
      %dma_wait3A_608 = tpu.memref_squeeze %dma_wait3A_607 : memref<1x128xi32, #tpu.memory_space<vmem>> -> memref<128xi32, #tpu.memory_space<vmem>>
      %dma_wait3A_609 = arith.constant 0 : i32
      %dma_wait3A_610 = arith.constant 0 : i32
      %dma_wait3A_611 = tpu.memref_slice %arg13[%dma_wait3A_609, %dma_wait3A_610] : memref<10000x64xf32, #tpu.memory_space<vmem_shared>> -> memref<10000x64xf32, #tpu.memory_space<vmem_shared>>
      tpu.wait_indirect_dma semaphore(%arg16 : memref<!tpu.dma_semaphore, #tpu.memory_space<semaphore_mem>>) src(%dma_wait3A_611 : memref<10000x64xf32, #tpu.memory_space<vmem_shared>>) dst(%arg10 : memref<128x64xf32, #tpu.memory_space<vmem>>)
      %dma_start3A_612 = arith.constant 0 : i32
      %dma_start3A_613 = tpu.memref_slice %arg7[%add3A_604, %dma_start3A_612] : memref<40x128xi32, #tpu.memory_space<vmem>> -> memref<1x128xi32, #tpu.memory_space<vmem>>
      %dma_start3A_614 = tpu.memref_squeeze %dma_start3A_613 : memref<1x128xi32, #tpu.memory_space<vmem>> -> memref<128xi32, #tpu.memory_space<vmem>>
      %dma_start3A_615 = arith.constant 0 : i32
      %dma_start3A_616 = arith.constant 0 : i32
      %dma_start3A_617 = tpu.memref_slice %arg14[%dma_start3A_615, %dma_start3A_616] : memref<10240x64xf32, #tpu.memory_space<vmem_shared>> -> memref<10240x64xf32, #tpu.memory_space<vmem_shared>>
      tpu.enqueue_indirect_dma source(%arg10 : memref<128x64xf32, #tpu.memory_space<vmem>>) target(%dma_start3A_617 : memref<10240x64xf32, #tpu.memory_space<vmem_shared>>) offsets(%dma_start3A_614 : memref<128xi32, #tpu.memory_space<vmem>>) semaphore(%arg20 : memref<!tpu.dma_semaphore, #tpu.memory_space<semaphore_mem>>) {add = true}
      %dma_wait3A_618 = arith.constant 0 : i32
      %dma_wait3A_619 = arith.constant 0 : i32
      %dma_wait3A_620 = tpu.memref_slice %arg7[%dma_wait3A_618, %dma_wait3A_619] : memref<40x128xi32, #tpu.memory_space<vmem>> -> memref<1x128xi32, #tpu.memory_space<vmem>>
      %dma_wait3A_621 = tpu.memref_squeeze %dma_wait3A_620 : memref<1x128xi32, #tpu.memory_space<vmem>> -> memref<128xi32, #tpu.memory_space<vmem>>
      %dma_wait3A_622 = arith.constant 0 : i32
      %dma_wait3A_623 = arith.constant 0 : i32
      %dma_wait3A_624 = tpu.memref_slice %arg14[%dma_wait3A_622, %dma_wait3A_623] : memref<10240x64xf32, #tpu.memory_space<vmem_shared>> -> memref<10240x64xf32, #tpu.memory_space<vmem_shared>>
      tpu.wait_indirect_dma semaphore(%arg22 : memref<!tpu.dma_semaphore, #tpu.memory_space<semaphore_mem>>) src(%arg12 : memref<128x64xf32, #tpu.memory_space<vmem>>) dst(%dma_wait3A_624 : memref<10240x64xf32, #tpu.memory_space<vmem_shared>>)
      %add3A_625 = arith.constant 2 : i32
      %add3A_626 = arith.addi %add3A_604, %add3A_625 : i32
      %min3A_627 = arith.constant 39 : i32
      %min3A_628 = arith.minsi %add3A_626, %min3A_627 : i32
      %dma_start3A_629 = arith.constant 0 : i32
      %dma_start3A_630 = tpu.memref_slice %arg8[%min3A_628, %dma_start3A_629] : memref<40x128xi32, #tpu.memory_space<vmem>> -> memref<1x128xi32, #tpu.memory_space<vmem>>
      %dma_start3A_631 = tpu.memref_squeeze %dma_start3A_630 : memref<1x128xi32, #tpu.memory_space<vmem>> -> memref<128xi32, #tpu.memory_space<vmem>>
      %dma_start3A_632 = arith.constant 0 : i32
      %dma_start3A_633 = arith.constant 0 : i32
      %dma_start3A_634 = tpu.memref_slice %arg13[%dma_start3A_632, %dma_start3A_633] : memref<10000x64xf32, #tpu.memory_space<vmem_shared>> -> memref<10000x64xf32, #tpu.memory_space<vmem_shared>>
      tpu.enqueue_indirect_dma source(%dma_start3A_634 : memref<10000x64xf32, #tpu.memory_space<vmem_shared>>) target(%arg12 : memref<128x64xf32, #tpu.memory_space<vmem>>) offsets(%dma_start3A_631 : memref<128xi32, #tpu.memory_space<vmem>>) semaphore(%arg18 : memref<!tpu.dma_semaphore, #tpu.memory_space<semaphore_mem>>)
    }
    %scan3A_311 = arith.constant 9 : i32
    %dma_wait3A_312 = arith.constant 0 : i32
    %dma_wait3A_313 = arith.constant 0 : i32
    %dma_wait3A_314 = tpu.memref_slice %arg8[%dma_wait3A_312, %dma_wait3A_313] : memref<40x128xi32, #tpu.memory_space<vmem>> -> memref<1x128xi32, #tpu.memory_space<vmem>>
    %dma_wait3A_315 = tpu.memref_squeeze %dma_wait3A_314 : memref<1x128xi32, #tpu.memory_space<vmem>> -> memref<128xi32, #tpu.memory_space<vmem>>
    %dma_wait3A_316 = arith.constant 0 : i32
    %dma_wait3A_317 = arith.constant 0 : i32
    %dma_wait3A_318 = tpu.memref_slice %arg13[%dma_wait3A_316, %dma_wait3A_317] : memref<10000x64xf32, #tpu.memory_space<vmem_shared>> -> memref<10000x64xf32, #tpu.memory_space<vmem_shared>>
    tpu.wait_indirect_dma semaphore(%arg17 : memref<!tpu.dma_semaphore, #tpu.memory_space<semaphore_mem>>) src(%dma_wait3A_318 : memref<10000x64xf32, #tpu.memory_space<vmem_shared>>) dst(%arg11 : memref<128x64xf32, #tpu.memory_space<vmem>>)
    %dma_start3A_319 = arith.constant 38 : i32
    %dma_start3A_320 = arith.constant 0 : i32
    %dma_start3A_321 = tpu.memref_slice %arg7[%dma_start3A_319, %dma_start3A_320] : memref<40x128xi32, #tpu.memory_space<vmem>> -> memref<1x128xi32, #tpu.memory_space<vmem>>
    %dma_start3A_322 = tpu.memref_squeeze %dma_start3A_321 : memref<1x128xi32, #tpu.memory_space<vmem>> -> memref<128xi32, #tpu.memory_space<vmem>>
    %dma_start3A_323 = arith.constant 0 : i32
    %dma_start3A_324 = arith.constant 0 : i32
    %dma_start3A_325 = tpu.memref_slice %arg14[%dma_start3A_323, %dma_start3A_324] : memref<10240x64xf32, #tpu.memory_space<vmem_shared>> -> memref<10240x64xf32, #tpu.memory_space<vmem_shared>>
    tpu.enqueue_indirect_dma source(%arg11 : memref<128x64xf32, #tpu.memory_space<vmem>>) target(%dma_start3A_325 : memref<10240x64xf32, #tpu.memory_space<vmem_shared>>) offsets(%dma_start3A_322 : memref<128xi32, #tpu.memory_space<vmem>>) semaphore(%arg21 : memref<!tpu.dma_semaphore, #tpu.memory_space<semaphore_mem>>) {add = true}
    %dma_wait3A_326 = arith.constant 0 : i32
    %dma_wait3A_327 = arith.constant 0 : i32
    %dma_wait3A_328 = tpu.memref_slice %arg8[%dma_wait3A_326, %dma_wait3A_327] : memref<40x128xi32, #tpu.memory_space<vmem>> -> memref<1x128xi32, #tpu.memory_space<vmem>>
    %dma_wait3A_329 = tpu.memref_squeeze %dma_wait3A_328 : memref<1x128xi32, #tpu.memory_space<vmem>> -> memref<128xi32, #tpu.memory_space<vmem>>
    %dma_wait3A_330 = arith.constant 0 : i32
    %dma_wait3A_331 = arith.constant 0 : i32
    %dma_wait3A_332 = tpu.memref_slice %arg13[%dma_wait3A_330, %dma_wait3A_331] : memref<10000x64xf32, #tpu.memory_space<vmem_shared>> -> memref<10000x64xf32, #tpu.memory_space<vmem_shared>>
    tpu.wait_indirect_dma semaphore(%arg18 : memref<!tpu.dma_semaphore, #tpu.memory_space<semaphore_mem>>) src(%dma_wait3A_332 : memref<10000x64xf32, #tpu.memory_space<vmem_shared>>) dst(%arg12 : memref<128x64xf32, #tpu.memory_space<vmem>>)
    %dma_start3A_333 = arith.constant 39 : i32
    %dma_start3A_334 = arith.constant 0 : i32
    %dma_start3A_335 = tpu.memref_slice %arg7[%dma_start3A_333, %dma_start3A_334] : memref<40x128xi32, #tpu.memory_space<vmem>> -> memref<1x128xi32, #tpu.memory_space<vmem>>
    %dma_start3A_336 = tpu.memref_squeeze %dma_start3A_335 : memref<1x128xi32, #tpu.memory_space<vmem>> -> memref<128xi32, #tpu.memory_space<vmem>>
    %dma_start3A_337 = arith.constant 0 : i32
    %dma_start3A_338 = arith.constant 0 : i32
    %dma_start3A_339 = tpu.memref_slice %arg14[%dma_start3A_337, %dma_start3A_338] : memref<10240x64xf32, #tpu.memory_space<vmem_shared>> -> memref<10240x64xf32, #tpu.memory_space<vmem_shared>>
    tpu.enqueue_indirect_dma source(%arg12 : memref<128x64xf32, #tpu.memory_space<vmem>>) target(%dma_start3A_339 : memref<10240x64xf32, #tpu.memory_space<vmem_shared>>) offsets(%dma_start3A_336 : memref<128xi32, #tpu.memory_space<vmem>>) semaphore(%arg22 : memref<!tpu.dma_semaphore, #tpu.memory_space<semaphore_mem>>) {add = true}
    %dma_wait3A_340 = arith.constant 0 : i32
    %dma_wait3A_341 = arith.constant 0 : i32
    %dma_wait3A_342 = tpu.memref_slice %arg7[%dma_wait3A_340, %dma_wait3A_341] : memref<40x128xi32, #tpu.memory_space<vmem>> -> memref<1x128xi32, #tpu.memory_space<vmem>>
    %dma_wait3A_343 = tpu.memref_squeeze %dma_wait3A_342 : memref<1x128xi32, #tpu.memory_space<vmem>> -> memref<128xi32, #tpu.memory_space<vmem>>
    %dma_wait3A_344 = arith.constant 0 : i32
    %dma_wait3A_345 = arith.constant 0 : i32
    %dma_wait3A_346 = tpu.memref_slice %arg14[%dma_wait3A_344, %dma_wait3A_345] : memref<10240x64xf32, #tpu.memory_space<vmem_shared>> -> memref<10240x64xf32, #tpu.memory_space<vmem_shared>>
    tpu.wait_indirect_dma semaphore(%arg19 : memref<!tpu.dma_semaphore, #tpu.memory_space<semaphore_mem>>) src(%arg9 : memref<128x64xf32, #tpu.memory_space<vmem>>) dst(%dma_wait3A_346 : memref<10240x64xf32, #tpu.memory_space<vmem_shared>>)
    %dma_wait3A_347 = arith.constant 0 : i32
    %dma_wait3A_348 = arith.constant 0 : i32
    %dma_wait3A_349 = tpu.memref_slice %arg7[%dma_wait3A_347, %dma_wait3A_348] : memref<40x128xi32, #tpu.memory_space<vmem>> -> memref<1x128xi32, #tpu.memory_space<vmem>>
    %dma_wait3A_350 = tpu.memref_squeeze %dma_wait3A_349 : memref<1x128xi32, #tpu.memory_space<vmem>> -> memref<128xi32, #tpu.memory_space<vmem>>
    %dma_wait3A_351 = arith.constant 0 : i32
    %dma_wait3A_352 = arith.constant 0 : i32
    %dma_wait3A_353 = tpu.memref_slice %arg14[%dma_wait3A_351, %dma_wait3A_352] : memref<10240x64xf32, #tpu.memory_space<vmem_shared>> -> memref<10240x64xf32, #tpu.memory_space<vmem_shared>>
    tpu.wait_indirect_dma semaphore(%arg20 : memref<!tpu.dma_semaphore, #tpu.memory_space<semaphore_mem>>) src(%arg10 : memref<128x64xf32, #tpu.memory_space<vmem>>) dst(%dma_wait3A_353 : memref<10240x64xf32, #tpu.memory_space<vmem_shared>>)
    %dma_wait3A_354 = arith.constant 0 : i32
    %dma_wait3A_355 = arith.constant 0 : i32
    %dma_wait3A_356 = tpu.memref_slice %arg7[%dma_wait3A_354, %dma_wait3A_355] : memref<40x128xi32, #tpu.memory_space<vmem>> -> memref<1x128xi32, #tpu.memory_space<vmem>>
    %dma_wait3A_357 = tpu.memref_squeeze %dma_wait3A_356 : memref<1x128xi32, #tpu.memory_space<vmem>> -> memref<128xi32, #tpu.memory_space<vmem>>
    %dma_wait3A_358 = arith.constant 0 : i32
    %dma_wait3A_359 = arith.constant 0 : i32
    %dma_wait3A_360 = tpu.memref_slice %arg14[%dma_wait3A_358, %dma_wait3A_359] : memref<10240x64xf32, #tpu.memory_space<vmem_shared>> -> memref<10240x64xf32, #tpu.memory_space<vmem_shared>>
    tpu.wait_indirect_dma semaphore(%arg21 : memref<!tpu.dma_semaphore, #tpu.memory_space<semaphore_mem>>) src(%arg11 : memref<128x64xf32, #tpu.memory_space<vmem>>) dst(%dma_wait3A_360 : memref<10240x64xf32, #tpu.memory_space<vmem_shared>>)
    %dma_wait3A_361 = arith.constant 0 : i32
    %dma_wait3A_362 = arith.constant 0 : i32
    %dma_wait3A_363 = tpu.memref_slice %arg7[%dma_wait3A_361, %dma_wait3A_362] : memref<40x128xi32, #tpu.memory_space<vmem>> -> memref<1x128xi32, #tpu.memory_space<vmem>>
    %dma_wait3A_364 = tpu.memref_squeeze %dma_wait3A_363 : memref<1x128xi32, #tpu.memory_space<vmem>> -> memref<128xi32, #tpu.memory_space<vmem>>
    %dma_wait3A_365 = arith.constant 0 : i32
    %dma_wait3A_366 = arith.constant 0 : i32
    %dma_wait3A_367 = tpu.memref_slice %arg14[%dma_wait3A_365, %dma_wait3A_366] : memref<10240x64xf32, #tpu.memory_space<vmem_shared>> -> memref<10240x64xf32, #tpu.memory_space<vmem_shared>>
    tpu.wait_indirect_dma semaphore(%arg22 : memref<!tpu.dma_semaphore, #tpu.memory_space<semaphore_mem>>) src(%arg12 : memref<128x64xf32, #tpu.memory_space<vmem>>) dst(%dma_wait3A_367 : memref<10240x64xf32, #tpu.memory_space<vmem_shared>>)
    %mul3A_368 = arith.constant 160 : i32
    %mul3A_369 = arith.muli %arg1, %mul3A_368 : i32
    %add3A_370 = arith.constant 120 : i32
    %add3A_371 = arith.addi %mul3A_369, %add3A_370 : i32
    "tpu.region"() ({
      %run_scoped3A = tpu.sem_alloc : memref<!tpu.dma_semaphore, #tpu.memory_space<semaphore_mem>>
      %dma_start3A_491 = arith.constant 0 : i32
      %dma_start3A_492 = tpu.memref_slice %arg3[%add3A_371, %dma_start3A_491] : memref<2560x128xi32, #tpu.memory_space<hbm>> -> memref<40x128xi32, #tpu.memory_space<hbm>>
      %dma_start3A_493 = arith.constant 0 : i32
      %dma_start3A_494 = tpu.memref_slice %arg3[%add3A_371, %dma_start3A_493] : memref<2560x128xi32, #tpu.memory_space<hbm>> -> memref<40x128xi32, #tpu.memory_space<hbm>>
      tpu.enqueue_dma source(%dma_start3A_494 : memref<40x128xi32, #tpu.memory_space<hbm>>) target(%arg7 : memref<40x128xi32, #tpu.memory_space<vmem>>) target_semaphore(%run_scoped3A : memref<!tpu.dma_semaphore, #tpu.memory_space<semaphore_mem>>)
      %dma_wait3A_495 = arith.constant 0 : i32
      %dma_wait3A_496 = tpu.memref_slice %arg3[%add3A_371, %dma_wait3A_495] : memref<2560x128xi32, #tpu.memory_space<hbm>> -> memref<40x128xi32, #tpu.memory_space<hbm>>
      %dma_wait3A_497 = arith.constant 0 : i32
      %dma_wait3A_498 = tpu.memref_slice %arg3[%add3A_371, %dma_wait3A_497] : memref<2560x128xi32, #tpu.memory_space<hbm>> -> memref<40x128xi32, #tpu.memory_space<hbm>>
      tpu.wait_dma2 semaphore(%run_scoped3A : memref<!tpu.dma_semaphore, #tpu.memory_space<semaphore_mem>>) src(%dma_wait3A_498 : memref<40x128xi32, #tpu.memory_space<hbm>>) dst(%arg7 : memref<40x128xi32, #tpu.memory_space<vmem>>)
      tpu.yield
    }) : () -> ()
    "tpu.region"() ({
      %run_scoped3A = tpu.sem_alloc : memref<!tpu.dma_semaphore, #tpu.memory_space<semaphore_mem>>
      %dma_start3A_491 = arith.constant 0 : i32
      %dma_start3A_492 = tpu.memref_slice %arg4[%add3A_371, %dma_start3A_491] : memref<2560x128xi32, #tpu.memory_space<hbm>> -> memref<40x128xi32, #tpu.memory_space<hbm>>
      %dma_start3A_493 = arith.constant 0 : i32
      %dma_start3A_494 = tpu.memref_slice %arg4[%add3A_371, %dma_start3A_493] : memref<2560x128xi32, #tpu.memory_space<hbm>> -> memref<40x128xi32, #tpu.memory_space<hbm>>
      tpu.enqueue_dma source(%dma_start3A_494 : memref<40x128xi32, #tpu.memory_space<hbm>>) target(%arg8 : memref<40x128xi32, #tpu.memory_space<vmem>>) target_semaphore(%run_scoped3A : memref<!tpu.dma_semaphore, #tpu.memory_space<semaphore_mem>>)
      %dma_wait3A_495 = arith.constant 0 : i32
      %dma_wait3A_496 = tpu.memref_slice %arg4[%add3A_371, %dma_wait3A_495] : memref<2560x128xi32, #tpu.memory_space<hbm>> -> memref<40x128xi32, #tpu.memory_space<hbm>>
      %dma_wait3A_497 = arith.constant 0 : i32
      %dma_wait3A_498 = tpu.memref_slice %arg4[%add3A_371, %dma_wait3A_497] : memref<2560x128xi32, #tpu.memory_space<hbm>> -> memref<40x128xi32, #tpu.memory_space<hbm>>
      tpu.wait_dma2 semaphore(%run_scoped3A : memref<!tpu.dma_semaphore, #tpu.memory_space<semaphore_mem>>) src(%dma_wait3A_498 : memref<40x128xi32, #tpu.memory_space<hbm>>) dst(%arg8 : memref<40x128xi32, #tpu.memory_space<vmem>>)
      tpu.yield
    }) : () -> ()
    %dma_start3A_372 = arith.constant 0 : i32
    %dma_start3A_373 = arith.constant 0 : i32
    %dma_start3A_374 = tpu.memref_slice %arg8[%dma_start3A_372, %dma_start3A_373] : memref<40x128xi32, #tpu.memory_space<vmem>> -> memref<1x128xi32, #tpu.memory_space<vmem>>
    %dma_start3A_375 = tpu.memref_squeeze %dma_start3A_374 : memref<1x128xi32, #tpu.memory_space<vmem>> -> memref<128xi32, #tpu.memory_space<vmem>>
    %dma_start3A_376 = arith.constant 0 : i32
    %dma_start3A_377 = arith.constant 0 : i32
    %dma_start3A_378 = tpu.memref_slice %arg13[%dma_start3A_376, %dma_start3A_377] : memref<10000x64xf32, #tpu.memory_space<vmem_shared>> -> memref<10000x64xf32, #tpu.memory_space<vmem_shared>>
    tpu.enqueue_indirect_dma source(%dma_start3A_378 : memref<10000x64xf32, #tpu.memory_space<vmem_shared>>) target(%arg9 : memref<128x64xf32, #tpu.memory_space<vmem>>) offsets(%dma_start3A_375 : memref<128xi32, #tpu.memory_space<vmem>>) semaphore(%arg15 : memref<!tpu.dma_semaphore, #tpu.memory_space<semaphore_mem>>)
    %dma_start3A_379 = arith.constant 1 : i32
    %dma_start3A_380 = arith.constant 0 : i32
    %dma_start3A_381 = tpu.memref_slice %arg8[%dma_start3A_379, %dma_start3A_380] : memref<40x128xi32, #tpu.memory_space<vmem>> -> memref<1x128xi32, #tpu.memory_space<vmem>>
    %dma_start3A_382 = tpu.memref_squeeze %dma_start3A_381 : memref<1x128xi32, #tpu.memory_space<vmem>> -> memref<128xi32, #tpu.memory_space<vmem>>
    %dma_start3A_383 = arith.constant 0 : i32
    %dma_start3A_384 = arith.constant 0 : i32
    %dma_start3A_385 = tpu.memref_slice %arg13[%dma_start3A_383, %dma_start3A_384] : memref<10000x64xf32, #tpu.memory_space<vmem_shared>> -> memref<10000x64xf32, #tpu.memory_space<vmem_shared>>
    tpu.enqueue_indirect_dma source(%dma_start3A_385 : memref<10000x64xf32, #tpu.memory_space<vmem_shared>>) target(%arg10 : memref<128x64xf32, #tpu.memory_space<vmem>>) offsets(%dma_start3A_382 : memref<128xi32, #tpu.memory_space<vmem>>) semaphore(%arg16 : memref<!tpu.dma_semaphore, #tpu.memory_space<semaphore_mem>>)
    %dma_start3A_386 = arith.constant 2 : i32
    %dma_start3A_387 = arith.constant 0 : i32
    %dma_start3A_388 = tpu.memref_slice %arg8[%dma_start3A_386, %dma_start3A_387] : memref<40x128xi32, #tpu.memory_space<vmem>> -> memref<1x128xi32, #tpu.memory_space<vmem>>
    %dma_start3A_389 = tpu.memref_squeeze %dma_start3A_388 : memref<1x128xi32, #tpu.memory_space<vmem>> -> memref<128xi32, #tpu.memory_space<vmem>>
    %dma_start3A_390 = arith.constant 0 : i32
    %dma_start3A_391 = arith.constant 0 : i32
    %dma_start3A_392 = tpu.memref_slice %arg13[%dma_start3A_390, %dma_start3A_391] : memref<10000x64xf32, #tpu.memory_space<vmem_shared>> -> memref<10000x64xf32, #tpu.memory_space<vmem_shared>>
    tpu.enqueue_indirect_dma source(%dma_start3A_392 : memref<10000x64xf32, #tpu.memory_space<vmem_shared>>) target(%arg11 : memref<128x64xf32, #tpu.memory_space<vmem>>) offsets(%dma_start3A_389 : memref<128xi32, #tpu.memory_space<vmem>>) semaphore(%arg17 : memref<!tpu.dma_semaphore, #tpu.memory_space<semaphore_mem>>)
    %dma_start3A_393 = arith.constant 3 : i32
    %dma_start3A_394 = arith.constant 0 : i32
    %dma_start3A_395 = tpu.memref_slice %arg8[%dma_start3A_393, %dma_start3A_394] : memref<40x128xi32, #tpu.memory_space<vmem>> -> memref<1x128xi32, #tpu.memory_space<vmem>>
    %dma_start3A_396 = tpu.memref_squeeze %dma_start3A_395 : memref<1x128xi32, #tpu.memory_space<vmem>> -> memref<128xi32, #tpu.memory_space<vmem>>
    %dma_start3A_397 = arith.constant 0 : i32
    %dma_start3A_398 = arith.constant 0 : i32
    %dma_start3A_399 = tpu.memref_slice %arg13[%dma_start3A_397, %dma_start3A_398] : memref<10000x64xf32, #tpu.memory_space<vmem_shared>> -> memref<10000x64xf32, #tpu.memory_space<vmem_shared>>
    tpu.enqueue_indirect_dma source(%dma_start3A_399 : memref<10000x64xf32, #tpu.memory_space<vmem_shared>>) target(%arg12 : memref<128x64xf32, #tpu.memory_space<vmem>>) offsets(%dma_start3A_396 : memref<128xi32, #tpu.memory_space<vmem>>) semaphore(%arg18 : memref<!tpu.dma_semaphore, #tpu.memory_space<semaphore_mem>>)
    %dma_wait3A_400 = arith.constant 0 : i32
    %dma_wait3A_401 = arith.constant 0 : i32
    %dma_wait3A_402 = tpu.memref_slice %arg8[%dma_wait3A_400, %dma_wait3A_401] : memref<40x128xi32, #tpu.memory_space<vmem>> -> memref<1x128xi32, #tpu.memory_space<vmem>>
    %dma_wait3A_403 = tpu.memref_squeeze %dma_wait3A_402 : memref<1x128xi32, #tpu.memory_space<vmem>> -> memref<128xi32, #tpu.memory_space<vmem>>
    %dma_wait3A_404 = arith.constant 0 : i32
    %dma_wait3A_405 = arith.constant 0 : i32
    %dma_wait3A_406 = tpu.memref_slice %arg13[%dma_wait3A_404, %dma_wait3A_405] : memref<10000x64xf32, #tpu.memory_space<vmem_shared>> -> memref<10000x64xf32, #tpu.memory_space<vmem_shared>>
    tpu.wait_indirect_dma semaphore(%arg15 : memref<!tpu.dma_semaphore, #tpu.memory_space<semaphore_mem>>) src(%dma_wait3A_406 : memref<10000x64xf32, #tpu.memory_space<vmem_shared>>) dst(%arg9 : memref<128x64xf32, #tpu.memory_space<vmem>>)
    %dma_start3A_407 = arith.constant 0 : i32
    %dma_start3A_408 = arith.constant 0 : i32
    %dma_start3A_409 = tpu.memref_slice %arg7[%dma_start3A_407, %dma_start3A_408] : memref<40x128xi32, #tpu.memory_space<vmem>> -> memref<1x128xi32, #tpu.memory_space<vmem>>
    %dma_start3A_410 = tpu.memref_squeeze %dma_start3A_409 : memref<1x128xi32, #tpu.memory_space<vmem>> -> memref<128xi32, #tpu.memory_space<vmem>>
    %dma_start3A_411 = arith.constant 0 : i32
    %dma_start3A_412 = arith.constant 0 : i32
    %dma_start3A_413 = tpu.memref_slice %arg14[%dma_start3A_411, %dma_start3A_412] : memref<10240x64xf32, #tpu.memory_space<vmem_shared>> -> memref<10240x64xf32, #tpu.memory_space<vmem_shared>>
    tpu.enqueue_indirect_dma source(%arg9 : memref<128x64xf32, #tpu.memory_space<vmem>>) target(%dma_start3A_413 : memref<10240x64xf32, #tpu.memory_space<vmem_shared>>) offsets(%dma_start3A_410 : memref<128xi32, #tpu.memory_space<vmem>>) semaphore(%arg19 : memref<!tpu.dma_semaphore, #tpu.memory_space<semaphore_mem>>) {add = true}
    %dma_wait3A_414 = arith.constant 0 : i32
    %dma_wait3A_415 = arith.constant 0 : i32
    %dma_wait3A_416 = tpu.memref_slice %arg8[%dma_wait3A_414, %dma_wait3A_415] : memref<40x128xi32, #tpu.memory_space<vmem>> -> memref<1x128xi32, #tpu.memory_space<vmem>>
    %dma_wait3A_417 = tpu.memref_squeeze %dma_wait3A_416 : memref<1x128xi32, #tpu.memory_space<vmem>> -> memref<128xi32, #tpu.memory_space<vmem>>
    %dma_wait3A_418 = arith.constant 0 : i32
    %dma_wait3A_419 = arith.constant 0 : i32
    %dma_wait3A_420 = tpu.memref_slice %arg13[%dma_wait3A_418, %dma_wait3A_419] : memref<10000x64xf32, #tpu.memory_space<vmem_shared>> -> memref<10000x64xf32, #tpu.memory_space<vmem_shared>>
    tpu.wait_indirect_dma semaphore(%arg16 : memref<!tpu.dma_semaphore, #tpu.memory_space<semaphore_mem>>) src(%dma_wait3A_420 : memref<10000x64xf32, #tpu.memory_space<vmem_shared>>) dst(%arg10 : memref<128x64xf32, #tpu.memory_space<vmem>>)
    %dma_start3A_421 = arith.constant 1 : i32
    %dma_start3A_422 = arith.constant 0 : i32
    %dma_start3A_423 = tpu.memref_slice %arg7[%dma_start3A_421, %dma_start3A_422] : memref<40x128xi32, #tpu.memory_space<vmem>> -> memref<1x128xi32, #tpu.memory_space<vmem>>
    %dma_start3A_424 = tpu.memref_squeeze %dma_start3A_423 : memref<1x128xi32, #tpu.memory_space<vmem>> -> memref<128xi32, #tpu.memory_space<vmem>>
    %dma_start3A_425 = arith.constant 0 : i32
    %dma_start3A_426 = arith.constant 0 : i32
    %dma_start3A_427 = tpu.memref_slice %arg14[%dma_start3A_425, %dma_start3A_426] : memref<10240x64xf32, #tpu.memory_space<vmem_shared>> -> memref<10240x64xf32, #tpu.memory_space<vmem_shared>>
    tpu.enqueue_indirect_dma source(%arg10 : memref<128x64xf32, #tpu.memory_space<vmem>>) target(%dma_start3A_427 : memref<10240x64xf32, #tpu.memory_space<vmem_shared>>) offsets(%dma_start3A_424 : memref<128xi32, #tpu.memory_space<vmem>>) semaphore(%arg20 : memref<!tpu.dma_semaphore, #tpu.memory_space<semaphore_mem>>) {add = true}
    %scan3A_428 = arith.constant 0 : i32
    %scan3A_429 = arith.constant 0 : i32
    %scan3A_430 = arith.constant 9 : i32
    %scan3A_431 = arith.addi %scan3A_429, %scan3A_430 : i32
    %scan3A_432 = arith.constant 1 : i32
    scf.for %scan3A_491 = %scan3A_429 to %scan3A_431 step %scan3A_432  : i32 {
      %mul3A_492 = arith.constant 4 : i32
      %mul3A_493 = arith.muli %mul3A_492, %scan3A_491 : i32
      %add3A_494 = arith.constant 2 : i32
      %add3A_495 = arith.addi %mul3A_493, %add3A_494 : i32
      %add3A_496 = arith.constant 0 : i32
      %add3A_497 = arith.addi %add3A_495, %add3A_496 : i32
      %dma_wait3A_498 = arith.constant 0 : i32
      %dma_wait3A_499 = arith.constant 0 : i32
      %dma_wait3A_500 = tpu.memref_slice %arg8[%dma_wait3A_498, %dma_wait3A_499] : memref<40x128xi32, #tpu.memory_space<vmem>> -> memref<1x128xi32, #tpu.memory_space<vmem>>
      %dma_wait3A_501 = tpu.memref_squeeze %dma_wait3A_500 : memref<1x128xi32, #tpu.memory_space<vmem>> -> memref<128xi32, #tpu.memory_space<vmem>>
      %dma_wait3A_502 = arith.constant 0 : i32
      %dma_wait3A_503 = arith.constant 0 : i32
      %dma_wait3A_504 = tpu.memref_slice %arg13[%dma_wait3A_502, %dma_wait3A_503] : memref<10000x64xf32, #tpu.memory_space<vmem_shared>> -> memref<10000x64xf32, #tpu.memory_space<vmem_shared>>
      tpu.wait_indirect_dma semaphore(%arg17 : memref<!tpu.dma_semaphore, #tpu.memory_space<semaphore_mem>>) src(%dma_wait3A_504 : memref<10000x64xf32, #tpu.memory_space<vmem_shared>>) dst(%arg11 : memref<128x64xf32, #tpu.memory_space<vmem>>)
      %dma_start3A_505 = arith.constant 0 : i32
      %dma_start3A_506 = tpu.memref_slice %arg7[%add3A_497, %dma_start3A_505] : memref<40x128xi32, #tpu.memory_space<vmem>> -> memref<1x128xi32, #tpu.memory_space<vmem>>
      %dma_start3A_507 = tpu.memref_squeeze %dma_start3A_506 : memref<1x128xi32, #tpu.memory_space<vmem>> -> memref<128xi32, #tpu.memory_space<vmem>>
      %dma_start3A_508 = arith.constant 0 : i32
      %dma_start3A_509 = arith.constant 0 : i32
      %dma_start3A_510 = tpu.memref_slice %arg14[%dma_start3A_508, %dma_start3A_509] : memref<10240x64xf32, #tpu.memory_space<vmem_shared>> -> memref<10240x64xf32, #tpu.memory_space<vmem_shared>>
      tpu.enqueue_indirect_dma source(%arg11 : memref<128x64xf32, #tpu.memory_space<vmem>>) target(%dma_start3A_510 : memref<10240x64xf32, #tpu.memory_space<vmem_shared>>) offsets(%dma_start3A_507 : memref<128xi32, #tpu.memory_space<vmem>>) semaphore(%arg21 : memref<!tpu.dma_semaphore, #tpu.memory_space<semaphore_mem>>) {add = true}
      %dma_wait3A_511 = arith.constant 0 : i32
      %dma_wait3A_512 = arith.constant 0 : i32
      %dma_wait3A_513 = tpu.memref_slice %arg7[%dma_wait3A_511, %dma_wait3A_512] : memref<40x128xi32, #tpu.memory_space<vmem>> -> memref<1x128xi32, #tpu.memory_space<vmem>>
      %dma_wait3A_514 = tpu.memref_squeeze %dma_wait3A_513 : memref<1x128xi32, #tpu.memory_space<vmem>> -> memref<128xi32, #tpu.memory_space<vmem>>
      %dma_wait3A_515 = arith.constant 0 : i32
      %dma_wait3A_516 = arith.constant 0 : i32
      %dma_wait3A_517 = tpu.memref_slice %arg14[%dma_wait3A_515, %dma_wait3A_516] : memref<10240x64xf32, #tpu.memory_space<vmem_shared>> -> memref<10240x64xf32, #tpu.memory_space<vmem_shared>>
      tpu.wait_indirect_dma semaphore(%arg19 : memref<!tpu.dma_semaphore, #tpu.memory_space<semaphore_mem>>) src(%arg9 : memref<128x64xf32, #tpu.memory_space<vmem>>) dst(%dma_wait3A_517 : memref<10240x64xf32, #tpu.memory_space<vmem_shared>>)
      %add3A_518 = arith.constant 2 : i32
      %add3A_519 = arith.addi %add3A_497, %add3A_518 : i32
      %min3A = arith.constant 39 : i32
      %min3A_520 = arith.minsi %add3A_519, %min3A : i32
      %dma_start3A_521 = arith.constant 0 : i32
      %dma_start3A_522 = tpu.memref_slice %arg8[%min3A_520, %dma_start3A_521] : memref<40x128xi32, #tpu.memory_space<vmem>> -> memref<1x128xi32, #tpu.memory_space<vmem>>
      %dma_start3A_523 = tpu.memref_squeeze %dma_start3A_522 : memref<1x128xi32, #tpu.memory_space<vmem>> -> memref<128xi32, #tpu.memory_space<vmem>>
      %dma_start3A_524 = arith.constant 0 : i32
      %dma_start3A_525 = arith.constant 0 : i32
      %dma_start3A_526 = tpu.memref_slice %arg13[%dma_start3A_524, %dma_start3A_525] : memref<10000x64xf32, #tpu.memory_space<vmem_shared>> -> memref<10000x64xf32, #tpu.memory_space<vmem_shared>>
      tpu.enqueue_indirect_dma source(%dma_start3A_526 : memref<10000x64xf32, #tpu.memory_space<vmem_shared>>) target(%arg9 : memref<128x64xf32, #tpu.memory_space<vmem>>) offsets(%dma_start3A_523 : memref<128xi32, #tpu.memory_space<vmem>>) semaphore(%arg15 : memref<!tpu.dma_semaphore, #tpu.memory_space<semaphore_mem>>)
      %mul3A_527 = arith.constant 4 : i32
      %mul3A_528 = arith.muli %mul3A_527, %scan3A_491 : i32
      %add3A_529 = arith.constant 2 : i32
      %add3A_530 = arith.addi %mul3A_528, %add3A_529 : i32
      %add3A_531 = arith.constant 1 : i32
      %add3A_532 = arith.addi %add3A_530, %add3A_531 : i32
      %dma_wait3A_533 = arith.constant 0 : i32
      %dma_wait3A_534 = arith.constant 0 : i32
      %dma_wait3A_535 = tpu.memref_slice %arg8[%dma_wait3A_533, %dma_wait3A_534] : memref<40x128xi32, #tpu.memory_space<vmem>> -> memref<1x128xi32, #tpu.memory_space<vmem>>
      %dma_wait3A_536 = tpu.memref_squeeze %dma_wait3A_535 : memref<1x128xi32, #tpu.memory_space<vmem>> -> memref<128xi32, #tpu.memory_space<vmem>>
      %dma_wait3A_537 = arith.constant 0 : i32
      %dma_wait3A_538 = arith.constant 0 : i32
      %dma_wait3A_539 = tpu.memref_slice %arg13[%dma_wait3A_537, %dma_wait3A_538] : memref<10000x64xf32, #tpu.memory_space<vmem_shared>> -> memref<10000x64xf32, #tpu.memory_space<vmem_shared>>
      tpu.wait_indirect_dma semaphore(%arg18 : memref<!tpu.dma_semaphore, #tpu.memory_space<semaphore_mem>>) src(%dma_wait3A_539 : memref<10000x64xf32, #tpu.memory_space<vmem_shared>>) dst(%arg12 : memref<128x64xf32, #tpu.memory_space<vmem>>)
      %dma_start3A_540 = arith.constant 0 : i32
      %dma_start3A_541 = tpu.memref_slice %arg7[%add3A_532, %dma_start3A_540] : memref<40x128xi32, #tpu.memory_space<vmem>> -> memref<1x128xi32, #tpu.memory_space<vmem>>
      %dma_start3A_542 = tpu.memref_squeeze %dma_start3A_541 : memref<1x128xi32, #tpu.memory_space<vmem>> -> memref<128xi32, #tpu.memory_space<vmem>>
      %dma_start3A_543 = arith.constant 0 : i32
      %dma_start3A_544 = arith.constant 0 : i32
      %dma_start3A_545 = tpu.memref_slice %arg14[%dma_start3A_543, %dma_start3A_544] : memref<10240x64xf32, #tpu.memory_space<vmem_shared>> -> memref<10240x64xf32, #tpu.memory_space<vmem_shared>>
      tpu.enqueue_indirect_dma source(%arg12 : memref<128x64xf32, #tpu.memory_space<vmem>>) target(%dma_start3A_545 : memref<10240x64xf32, #tpu.memory_space<vmem_shared>>) offsets(%dma_start3A_542 : memref<128xi32, #tpu.memory_space<vmem>>) semaphore(%arg22 : memref<!tpu.dma_semaphore, #tpu.memory_space<semaphore_mem>>) {add = true}
      %dma_wait3A_546 = arith.constant 0 : i32
      %dma_wait3A_547 = arith.constant 0 : i32
      %dma_wait3A_548 = tpu.memref_slice %arg7[%dma_wait3A_546, %dma_wait3A_547] : memref<40x128xi32, #tpu.memory_space<vmem>> -> memref<1x128xi32, #tpu.memory_space<vmem>>
      %dma_wait3A_549 = tpu.memref_squeeze %dma_wait3A_548 : memref<1x128xi32, #tpu.memory_space<vmem>> -> memref<128xi32, #tpu.memory_space<vmem>>
      %dma_wait3A_550 = arith.constant 0 : i32
      %dma_wait3A_551 = arith.constant 0 : i32
      %dma_wait3A_552 = tpu.memref_slice %arg14[%dma_wait3A_550, %dma_wait3A_551] : memref<10240x64xf32, #tpu.memory_space<vmem_shared>> -> memref<10240x64xf32, #tpu.memory_space<vmem_shared>>
      tpu.wait_indirect_dma semaphore(%arg20 : memref<!tpu.dma_semaphore, #tpu.memory_space<semaphore_mem>>) src(%arg10 : memref<128x64xf32, #tpu.memory_space<vmem>>) dst(%dma_wait3A_552 : memref<10240x64xf32, #tpu.memory_space<vmem_shared>>)
      %add3A_553 = arith.constant 2 : i32
      %add3A_554 = arith.addi %add3A_532, %add3A_553 : i32
      %min3A_555 = arith.constant 39 : i32
      %min3A_556 = arith.minsi %add3A_554, %min3A_555 : i32
      %dma_start3A_557 = arith.constant 0 : i32
      %dma_start3A_558 = tpu.memref_slice %arg8[%min3A_556, %dma_start3A_557] : memref<40x128xi32, #tpu.memory_space<vmem>> -> memref<1x128xi32, #tpu.memory_space<vmem>>
      %dma_start3A_559 = tpu.memref_squeeze %dma_start3A_558 : memref<1x128xi32, #tpu.memory_space<vmem>> -> memref<128xi32, #tpu.memory_space<vmem>>
      %dma_start3A_560 = arith.constant 0 : i32
      %dma_start3A_561 = arith.constant 0 : i32
      %dma_start3A_562 = tpu.memref_slice %arg13[%dma_start3A_560, %dma_start3A_561] : memref<10000x64xf32, #tpu.memory_space<vmem_shared>> -> memref<10000x64xf32, #tpu.memory_space<vmem_shared>>
      tpu.enqueue_indirect_dma source(%dma_start3A_562 : memref<10000x64xf32, #tpu.memory_space<vmem_shared>>) target(%arg10 : memref<128x64xf32, #tpu.memory_space<vmem>>) offsets(%dma_start3A_559 : memref<128xi32, #tpu.memory_space<vmem>>) semaphore(%arg16 : memref<!tpu.dma_semaphore, #tpu.memory_space<semaphore_mem>>)
      %mul3A_563 = arith.constant 4 : i32
      %mul3A_564 = arith.muli %mul3A_563, %scan3A_491 : i32
      %add3A_565 = arith.constant 2 : i32
      %add3A_566 = arith.addi %mul3A_564, %add3A_565 : i32
      %add3A_567 = arith.constant 2 : i32
      %add3A_568 = arith.addi %add3A_566, %add3A_567 : i32
      %dma_wait3A_569 = arith.constant 0 : i32
      %dma_wait3A_570 = arith.constant 0 : i32
      %dma_wait3A_571 = tpu.memref_slice %arg8[%dma_wait3A_569, %dma_wait3A_570] : memref<40x128xi32, #tpu.memory_space<vmem>> -> memref<1x128xi32, #tpu.memory_space<vmem>>
      %dma_wait3A_572 = tpu.memref_squeeze %dma_wait3A_571 : memref<1x128xi32, #tpu.memory_space<vmem>> -> memref<128xi32, #tpu.memory_space<vmem>>
      %dma_wait3A_573 = arith.constant 0 : i32
      %dma_wait3A_574 = arith.constant 0 : i32
      %dma_wait3A_575 = tpu.memref_slice %arg13[%dma_wait3A_573, %dma_wait3A_574] : memref<10000x64xf32, #tpu.memory_space<vmem_shared>> -> memref<10000x64xf32, #tpu.memory_space<vmem_shared>>
      tpu.wait_indirect_dma semaphore(%arg15 : memref<!tpu.dma_semaphore, #tpu.memory_space<semaphore_mem>>) src(%dma_wait3A_575 : memref<10000x64xf32, #tpu.memory_space<vmem_shared>>) dst(%arg9 : memref<128x64xf32, #tpu.memory_space<vmem>>)
      %dma_start3A_576 = arith.constant 0 : i32
      %dma_start3A_577 = tpu.memref_slice %arg7[%add3A_568, %dma_start3A_576] : memref<40x128xi32, #tpu.memory_space<vmem>> -> memref<1x128xi32, #tpu.memory_space<vmem>>
      %dma_start3A_578 = tpu.memref_squeeze %dma_start3A_577 : memref<1x128xi32, #tpu.memory_space<vmem>> -> memref<128xi32, #tpu.memory_space<vmem>>
      %dma_start3A_579 = arith.constant 0 : i32
      %dma_start3A_580 = arith.constant 0 : i32
      %dma_start3A_581 = tpu.memref_slice %arg14[%dma_start3A_579, %dma_start3A_580] : memref<10240x64xf32, #tpu.memory_space<vmem_shared>> -> memref<10240x64xf32, #tpu.memory_space<vmem_shared>>
      tpu.enqueue_indirect_dma source(%arg9 : memref<128x64xf32, #tpu.memory_space<vmem>>) target(%dma_start3A_581 : memref<10240x64xf32, #tpu.memory_space<vmem_shared>>) offsets(%dma_start3A_578 : memref<128xi32, #tpu.memory_space<vmem>>) semaphore(%arg19 : memref<!tpu.dma_semaphore, #tpu.memory_space<semaphore_mem>>) {add = true}
      %dma_wait3A_582 = arith.constant 0 : i32
      %dma_wait3A_583 = arith.constant 0 : i32
      %dma_wait3A_584 = tpu.memref_slice %arg7[%dma_wait3A_582, %dma_wait3A_583] : memref<40x128xi32, #tpu.memory_space<vmem>> -> memref<1x128xi32, #tpu.memory_space<vmem>>
      %dma_wait3A_585 = tpu.memref_squeeze %dma_wait3A_584 : memref<1x128xi32, #tpu.memory_space<vmem>> -> memref<128xi32, #tpu.memory_space<vmem>>
      %dma_wait3A_586 = arith.constant 0 : i32
      %dma_wait3A_587 = arith.constant 0 : i32
      %dma_wait3A_588 = tpu.memref_slice %arg14[%dma_wait3A_586, %dma_wait3A_587] : memref<10240x64xf32, #tpu.memory_space<vmem_shared>> -> memref<10240x64xf32, #tpu.memory_space<vmem_shared>>
      tpu.wait_indirect_dma semaphore(%arg21 : memref<!tpu.dma_semaphore, #tpu.memory_space<semaphore_mem>>) src(%arg11 : memref<128x64xf32, #tpu.memory_space<vmem>>) dst(%dma_wait3A_588 : memref<10240x64xf32, #tpu.memory_space<vmem_shared>>)
      %add3A_589 = arith.constant 2 : i32
      %add3A_590 = arith.addi %add3A_568, %add3A_589 : i32
      %min3A_591 = arith.constant 39 : i32
      %min3A_592 = arith.minsi %add3A_590, %min3A_591 : i32
      %dma_start3A_593 = arith.constant 0 : i32
      %dma_start3A_594 = tpu.memref_slice %arg8[%min3A_592, %dma_start3A_593] : memref<40x128xi32, #tpu.memory_space<vmem>> -> memref<1x128xi32, #tpu.memory_space<vmem>>
      %dma_start3A_595 = tpu.memref_squeeze %dma_start3A_594 : memref<1x128xi32, #tpu.memory_space<vmem>> -> memref<128xi32, #tpu.memory_space<vmem>>
      %dma_start3A_596 = arith.constant 0 : i32
      %dma_start3A_597 = arith.constant 0 : i32
      %dma_start3A_598 = tpu.memref_slice %arg13[%dma_start3A_596, %dma_start3A_597] : memref<10000x64xf32, #tpu.memory_space<vmem_shared>> -> memref<10000x64xf32, #tpu.memory_space<vmem_shared>>
      tpu.enqueue_indirect_dma source(%dma_start3A_598 : memref<10000x64xf32, #tpu.memory_space<vmem_shared>>) target(%arg11 : memref<128x64xf32, #tpu.memory_space<vmem>>) offsets(%dma_start3A_595 : memref<128xi32, #tpu.memory_space<vmem>>) semaphore(%arg17 : memref<!tpu.dma_semaphore, #tpu.memory_space<semaphore_mem>>)
      %mul3A_599 = arith.constant 4 : i32
      %mul3A_600 = arith.muli %mul3A_599, %scan3A_491 : i32
      %add3A_601 = arith.constant 2 : i32
      %add3A_602 = arith.addi %mul3A_600, %add3A_601 : i32
      %add3A_603 = arith.constant 3 : i32
      %add3A_604 = arith.addi %add3A_602, %add3A_603 : i32
      %dma_wait3A_605 = arith.constant 0 : i32
      %dma_wait3A_606 = arith.constant 0 : i32
      %dma_wait3A_607 = tpu.memref_slice %arg8[%dma_wait3A_605, %dma_wait3A_606] : memref<40x128xi32, #tpu.memory_space<vmem>> -> memref<1x128xi32, #tpu.memory_space<vmem>>
      %dma_wait3A_608 = tpu.memref_squeeze %dma_wait3A_607 : memref<1x128xi32, #tpu.memory_space<vmem>> -> memref<128xi32, #tpu.memory_space<vmem>>
      %dma_wait3A_609 = arith.constant 0 : i32
      %dma_wait3A_610 = arith.constant 0 : i32
      %dma_wait3A_611 = tpu.memref_slice %arg13[%dma_wait3A_609, %dma_wait3A_610] : memref<10000x64xf32, #tpu.memory_space<vmem_shared>> -> memref<10000x64xf32, #tpu.memory_space<vmem_shared>>
      tpu.wait_indirect_dma semaphore(%arg16 : memref<!tpu.dma_semaphore, #tpu.memory_space<semaphore_mem>>) src(%dma_wait3A_611 : memref<10000x64xf32, #tpu.memory_space<vmem_shared>>) dst(%arg10 : memref<128x64xf32, #tpu.memory_space<vmem>>)
      %dma_start3A_612 = arith.constant 0 : i32
      %dma_start3A_613 = tpu.memref_slice %arg7[%add3A_604, %dma_start3A_612] : memref<40x128xi32, #tpu.memory_space<vmem>> -> memref<1x128xi32, #tpu.memory_space<vmem>>
      %dma_start3A_614 = tpu.memref_squeeze %dma_start3A_613 : memref<1x128xi32, #tpu.memory_space<vmem>> -> memref<128xi32, #tpu.memory_space<vmem>>
      %dma_start3A_615 = arith.constant 0 : i32
      %dma_start3A_616 = arith.constant 0 : i32
      %dma_start3A_617 = tpu.memref_slice %arg14[%dma_start3A_615, %dma_start3A_616] : memref<10240x64xf32, #tpu.memory_space<vmem_shared>> -> memref<10240x64xf32, #tpu.memory_space<vmem_shared>>
      tpu.enqueue_indirect_dma source(%arg10 : memref<128x64xf32, #tpu.memory_space<vmem>>) target(%dma_start3A_617 : memref<10240x64xf32, #tpu.memory_space<vmem_shared>>) offsets(%dma_start3A_614 : memref<128xi32, #tpu.memory_space<vmem>>) semaphore(%arg20 : memref<!tpu.dma_semaphore, #tpu.memory_space<semaphore_mem>>) {add = true}
      %dma_wait3A_618 = arith.constant 0 : i32
      %dma_wait3A_619 = arith.constant 0 : i32
      %dma_wait3A_620 = tpu.memref_slice %arg7[%dma_wait3A_618, %dma_wait3A_619] : memref<40x128xi32, #tpu.memory_space<vmem>> -> memref<1x128xi32, #tpu.memory_space<vmem>>
      %dma_wait3A_621 = tpu.memref_squeeze %dma_wait3A_620 : memref<1x128xi32, #tpu.memory_space<vmem>> -> memref<128xi32, #tpu.memory_space<vmem>>
      %dma_wait3A_622 = arith.constant 0 : i32
      %dma_wait3A_623 = arith.constant 0 : i32
      %dma_wait3A_624 = tpu.memref_slice %arg14[%dma_wait3A_622, %dma_wait3A_623] : memref<10240x64xf32, #tpu.memory_space<vmem_shared>> -> memref<10240x64xf32, #tpu.memory_space<vmem_shared>>
      tpu.wait_indirect_dma semaphore(%arg22 : memref<!tpu.dma_semaphore, #tpu.memory_space<semaphore_mem>>) src(%arg12 : memref<128x64xf32, #tpu.memory_space<vmem>>) dst(%dma_wait3A_624 : memref<10240x64xf32, #tpu.memory_space<vmem_shared>>)
      %add3A_625 = arith.constant 2 : i32
      %add3A_626 = arith.addi %add3A_604, %add3A_625 : i32
      %min3A_627 = arith.constant 39 : i32
      %min3A_628 = arith.minsi %add3A_626, %min3A_627 : i32
      %dma_start3A_629 = arith.constant 0 : i32
      %dma_start3A_630 = tpu.memref_slice %arg8[%min3A_628, %dma_start3A_629] : memref<40x128xi32, #tpu.memory_space<vmem>> -> memref<1x128xi32, #tpu.memory_space<vmem>>
      %dma_start3A_631 = tpu.memref_squeeze %dma_start3A_630 : memref<1x128xi32, #tpu.memory_space<vmem>> -> memref<128xi32, #tpu.memory_space<vmem>>
      %dma_start3A_632 = arith.constant 0 : i32
      %dma_start3A_633 = arith.constant 0 : i32
      %dma_start3A_634 = tpu.memref_slice %arg13[%dma_start3A_632, %dma_start3A_633] : memref<10000x64xf32, #tpu.memory_space<vmem_shared>> -> memref<10000x64xf32, #tpu.memory_space<vmem_shared>>
      tpu.enqueue_indirect_dma source(%dma_start3A_634 : memref<10000x64xf32, #tpu.memory_space<vmem_shared>>) target(%arg12 : memref<128x64xf32, #tpu.memory_space<vmem>>) offsets(%dma_start3A_631 : memref<128xi32, #tpu.memory_space<vmem>>) semaphore(%arg18 : memref<!tpu.dma_semaphore, #tpu.memory_space<semaphore_mem>>)
    }
    %scan3A_433 = arith.constant 9 : i32
    %dma_wait3A_434 = arith.constant 0 : i32
    %dma_wait3A_435 = arith.constant 0 : i32
    %dma_wait3A_436 = tpu.memref_slice %arg8[%dma_wait3A_434, %dma_wait3A_435] : memref<40x128xi32, #tpu.memory_space<vmem>> -> memref<1x128xi32, #tpu.memory_space<vmem>>
    %dma_wait3A_437 = tpu.memref_squeeze %dma_wait3A_436 : memref<1x128xi32, #tpu.memory_space<vmem>> -> memref<128xi32, #tpu.memory_space<vmem>>
    %dma_wait3A_438 = arith.constant 0 : i32
    %dma_wait3A_439 = arith.constant 0 : i32
    %dma_wait3A_440 = tpu.memref_slice %arg13[%dma_wait3A_438, %dma_wait3A_439] : memref<10000x64xf32, #tpu.memory_space<vmem_shared>> -> memref<10000x64xf32, #tpu.memory_space<vmem_shared>>
    tpu.wait_indirect_dma semaphore(%arg17 : memref<!tpu.dma_semaphore, #tpu.memory_space<semaphore_mem>>) src(%dma_wait3A_440 : memref<10000x64xf32, #tpu.memory_space<vmem_shared>>) dst(%arg11 : memref<128x64xf32, #tpu.memory_space<vmem>>)
    %dma_start3A_441 = arith.constant 38 : i32
    %dma_start3A_442 = arith.constant 0 : i32
    %dma_start3A_443 = tpu.memref_slice %arg7[%dma_start3A_441, %dma_start3A_442] : memref<40x128xi32, #tpu.memory_space<vmem>> -> memref<1x128xi32, #tpu.memory_space<vmem>>
    %dma_start3A_444 = tpu.memref_squeeze %dma_start3A_443 : memref<1x128xi32, #tpu.memory_space<vmem>> -> memref<128xi32, #tpu.memory_space<vmem>>
    %dma_start3A_445 = arith.constant 0 : i32
    %dma_start3A_446 = arith.constant 0 : i32
    %dma_start3A_447 = tpu.memref_slice %arg14[%dma_start3A_445, %dma_start3A_446] : memref<10240x64xf32, #tpu.memory_space<vmem_shared>> -> memref<10240x64xf32, #tpu.memory_space<vmem_shared>>
    tpu.enqueue_indirect_dma source(%arg11 : memref<128x64xf32, #tpu.memory_space<vmem>>) target(%dma_start3A_447 : memref<10240x64xf32, #tpu.memory_space<vmem_shared>>) offsets(%dma_start3A_444 : memref<128xi32, #tpu.memory_space<vmem>>) semaphore(%arg21 : memref<!tpu.dma_semaphore, #tpu.memory_space<semaphore_mem>>) {add = true}
    %dma_wait3A_448 = arith.constant 0 : i32
    %dma_wait3A_449 = arith.constant 0 : i32
    %dma_wait3A_450 = tpu.memref_slice %arg8[%dma_wait3A_448, %dma_wait3A_449] : memref<40x128xi32, #tpu.memory_space<vmem>> -> memref<1x128xi32, #tpu.memory_space<vmem>>
    %dma_wait3A_451 = tpu.memref_squeeze %dma_wait3A_450 : memref<1x128xi32, #tpu.memory_space<vmem>> -> memref<128xi32, #tpu.memory_space<vmem>>
    %dma_wait3A_452 = arith.constant 0 : i32
    %dma_wait3A_453 = arith.constant 0 : i32
    %dma_wait3A_454 = tpu.memref_slice %arg13[%dma_wait3A_452, %dma_wait3A_453] : memref<10000x64xf32, #tpu.memory_space<vmem_shared>> -> memref<10000x64xf32, #tpu.memory_space<vmem_shared>>
    tpu.wait_indirect_dma semaphore(%arg18 : memref<!tpu.dma_semaphore, #tpu.memory_space<semaphore_mem>>) src(%dma_wait3A_454 : memref<10000x64xf32, #tpu.memory_space<vmem_shared>>) dst(%arg12 : memref<128x64xf32, #tpu.memory_space<vmem>>)
    %dma_start3A_455 = arith.constant 39 : i32
    %dma_start3A_456 = arith.constant 0 : i32
    %dma_start3A_457 = tpu.memref_slice %arg7[%dma_start3A_455, %dma_start3A_456] : memref<40x128xi32, #tpu.memory_space<vmem>> -> memref<1x128xi32, #tpu.memory_space<vmem>>
    %dma_start3A_458 = tpu.memref_squeeze %dma_start3A_457 : memref<1x128xi32, #tpu.memory_space<vmem>> -> memref<128xi32, #tpu.memory_space<vmem>>
    %dma_start3A_459 = arith.constant 0 : i32
    %dma_start3A_460 = arith.constant 0 : i32
    %dma_start3A_461 = tpu.memref_slice %arg14[%dma_start3A_459, %dma_start3A_460] : memref<10240x64xf32, #tpu.memory_space<vmem_shared>> -> memref<10240x64xf32, #tpu.memory_space<vmem_shared>>
    tpu.enqueue_indirect_dma source(%arg12 : memref<128x64xf32, #tpu.memory_space<vmem>>) target(%dma_start3A_461 : memref<10240x64xf32, #tpu.memory_space<vmem_shared>>) offsets(%dma_start3A_458 : memref<128xi32, #tpu.memory_space<vmem>>) semaphore(%arg22 : memref<!tpu.dma_semaphore, #tpu.memory_space<semaphore_mem>>) {add = true}
    %dma_wait3A_462 = arith.constant 0 : i32
    %dma_wait3A_463 = arith.constant 0 : i32
    %dma_wait3A_464 = tpu.memref_slice %arg7[%dma_wait3A_462, %dma_wait3A_463] : memref<40x128xi32, #tpu.memory_space<vmem>> -> memref<1x128xi32, #tpu.memory_space<vmem>>
    %dma_wait3A_465 = tpu.memref_squeeze %dma_wait3A_464 : memref<1x128xi32, #tpu.memory_space<vmem>> -> memref<128xi32, #tpu.memory_space<vmem>>
    %dma_wait3A_466 = arith.constant 0 : i32
    %dma_wait3A_467 = arith.constant 0 : i32
    %dma_wait3A_468 = tpu.memref_slice %arg14[%dma_wait3A_466, %dma_wait3A_467] : memref<10240x64xf32, #tpu.memory_space<vmem_shared>> -> memref<10240x64xf32, #tpu.memory_space<vmem_shared>>
    tpu.wait_indirect_dma semaphore(%arg19 : memref<!tpu.dma_semaphore, #tpu.memory_space<semaphore_mem>>) src(%arg9 : memref<128x64xf32, #tpu.memory_space<vmem>>) dst(%dma_wait3A_468 : memref<10240x64xf32, #tpu.memory_space<vmem_shared>>)
    %dma_wait3A_469 = arith.constant 0 : i32
    %dma_wait3A_470 = arith.constant 0 : i32
    %dma_wait3A_471 = tpu.memref_slice %arg7[%dma_wait3A_469, %dma_wait3A_470] : memref<40x128xi32, #tpu.memory_space<vmem>> -> memref<1x128xi32, #tpu.memory_space<vmem>>
    %dma_wait3A_472 = tpu.memref_squeeze %dma_wait3A_471 : memref<1x128xi32, #tpu.memory_space<vmem>> -> memref<128xi32, #tpu.memory_space<vmem>>
    %dma_wait3A_473 = arith.constant 0 : i32
    %dma_wait3A_474 = arith.constant 0 : i32
    %dma_wait3A_475 = tpu.memref_slice %arg14[%dma_wait3A_473, %dma_wait3A_474] : memref<10240x64xf32, #tpu.memory_space<vmem_shared>> -> memref<10240x64xf32, #tpu.memory_space<vmem_shared>>
    tpu.wait_indirect_dma semaphore(%arg20 : memref<!tpu.dma_semaphore, #tpu.memory_space<semaphore_mem>>) src(%arg10 : memref<128x64xf32, #tpu.memory_space<vmem>>) dst(%dma_wait3A_475 : memref<10240x64xf32, #tpu.memory_space<vmem_shared>>)
    %dma_wait3A_476 = arith.constant 0 : i32
    %dma_wait3A_477 = arith.constant 0 : i32
    %dma_wait3A_478 = tpu.memref_slice %arg7[%dma_wait3A_476, %dma_wait3A_477] : memref<40x128xi32, #tpu.memory_space<vmem>> -> memref<1x128xi32, #tpu.memory_space<vmem>>
    %dma_wait3A_479 = tpu.memref_squeeze %dma_wait3A_478 : memref<1x128xi32, #tpu.memory_space<vmem>> -> memref<128xi32, #tpu.memory_space<vmem>>
    %dma_wait3A_480 = arith.constant 0 : i32
    %dma_wait3A_481 = arith.constant 0 : i32
    %dma_wait3A_482 = tpu.memref_slice %arg14[%dma_wait3A_480, %dma_wait3A_481] : memref<10240x64xf32, #tpu.memory_space<vmem_shared>> -> memref<10240x64xf32, #tpu.memory_space<vmem_shared>>
    tpu.wait_indirect_dma semaphore(%arg21 : memref<!tpu.dma_semaphore, #tpu.memory_space<semaphore_mem>>) src(%arg11 : memref<128x64xf32, #tpu.memory_space<vmem>>) dst(%dma_wait3A_482 : memref<10240x64xf32, #tpu.memory_space<vmem_shared>>)
    %dma_wait3A_483 = arith.constant 0 : i32
    %dma_wait3A_484 = arith.constant 0 : i32
    %dma_wait3A_485 = tpu.memref_slice %arg7[%dma_wait3A_483, %dma_wait3A_484] : memref<40x128xi32, #tpu.memory_space<vmem>> -> memref<1x128xi32, #tpu.memory_space<vmem>>
    %dma_wait3A_486 = tpu.memref_squeeze %dma_wait3A_485 : memref<1x128xi32, #tpu.memory_space<vmem>> -> memref<128xi32, #tpu.memory_space<vmem>>
    %dma_wait3A_487 = arith.constant 0 : i32
    %dma_wait3A_488 = arith.constant 0 : i32
    %dma_wait3A_489 = tpu.memref_slice %arg14[%dma_wait3A_487, %dma_wait3A_488] : memref<10240x64xf32, #tpu.memory_space<vmem_shared>> -> memref<10240x64xf32, #tpu.memory_space<vmem_shared>>
    tpu.wait_indirect_dma semaphore(%arg22 : memref<!tpu.dma_semaphore, #tpu.memory_space<semaphore_mem>>) src(%arg12 : memref<128x64xf32, #tpu.memory_space<vmem>>) dst(%dma_wait3A_489 : memref<10240x64xf32, #tpu.memory_space<vmem_shared>>)
    %barrier3A_490 = arith.constant 0 : index
    tpu.barrier barrier_id(%barrier3A_490)
    "tpu.region"() ({
      %run_scoped3A = tpu.sem_alloc : memref<!tpu.dma_semaphore, #tpu.memory_space<semaphore_mem>>
      %dma_start3A_491 = arith.constant 0 : i32
      %dma_start3A_492 = tpu.memref_slice %arg6[%arg0, %mul3A_0, %dma_start3A_491] : memref<2x10240x64xf32, #tpu.memory_space<hbm>> -> memref<1x640x64xf32, #tpu.memory_space<hbm>>
      %dma_start3A_493 = tpu.memref_squeeze %dma_start3A_492 : memref<1x640x64xf32, #tpu.memory_space<hbm>> -> memref<640x64xf32, #tpu.memory_space<hbm>>
      %dma_start3A_494 = arith.constant 0 : i32
      %dma_start3A_495 = tpu.memref_slice %arg14[%mul3A_0, %dma_start3A_494] : memref<10240x64xf32, #tpu.memory_space<vmem_shared>> -> memref<640x64xf32, #tpu.memory_space<vmem_shared>>
      tpu.enqueue_dma source(%dma_start3A_495 : memref<640x64xf32, #tpu.memory_space<vmem_shared>>) target(%dma_start3A_493 : memref<640x64xf32, #tpu.memory_space<hbm>>) target_semaphore(%run_scoped3A : memref<!tpu.dma_semaphore, #tpu.memory_space<semaphore_mem>>)
      %dma_wait3A_496 = arith.constant 0 : i32
      %dma_wait3A_497 = tpu.memref_slice %arg6[%arg0, %mul3A_0, %dma_wait3A_496] : memref<2x10240x64xf32, #tpu.memory_space<hbm>> -> memref<1x640x64xf32, #tpu.memory_space<hbm>>
      %dma_wait3A_498 = tpu.memref_squeeze %dma_wait3A_497 : memref<1x640x64xf32, #tpu.memory_space<hbm>> -> memref<640x64xf32, #tpu.memory_space<hbm>>
      %dma_wait3A_499 = arith.constant 0 : i32
      %dma_wait3A_500 = tpu.memref_slice %arg14[%mul3A_0, %dma_wait3A_499] : memref<10240x64xf32, #tpu.memory_space<vmem_shared>> -> memref<640x64xf32, #tpu.memory_space<vmem_shared>>
      tpu.wait_dma2 semaphore(%run_scoped3A : memref<!tpu.dma_semaphore, #tpu.memory_space<semaphore_mem>>) src(%dma_wait3A_500 : memref<640x64xf32, #tpu.memory_space<vmem_shared>>) dst(%dma_wait3A_498 : memref<640x64xf32, #tpu.memory_space<hbm>>)
      tpu.yield
    }) : () -> ()
    return
  }
}

#map = affine_map<(d0, d1) -> (0, 0, 0)>
#map1 = affine_map<(d0, d1) -> (0, 0)>
module attributes {stable_mosaic.version = 14 : i64} {
  func.func @body(%arg0: i32, %arg1: i32, %arg2: memref<2x10000x32xf32, #tpu.memory_space<hbm>>, %arg3: memref<2560x128xi32, #tpu.memory_space<hbm>>, %arg4: memref<2560x128xi32, #tpu.memory_space<hbm>>, %arg5: memref<640x32xf32, #tpu.memory_space<hbm>>, %arg6: memref<2x10240x32xf32, #tpu.memory_space<hbm>>, %arg7: memref<40x128xi32, #tpu.memory_space<vmem>>, %arg8: memref<40x128xi32, #tpu.memory_space<vmem>>, %arg9: memref<128x32xf32, #tpu.memory_space<vmem>>, %arg10: memref<128x32xf32, #tpu.memory_space<vmem>>, %arg11: memref<128x32xf32, #tpu.memory_space<vmem>>, %arg12: memref<128x32xf32, #tpu.memory_space<vmem>>, %arg13: memref<10000x32xf32, #tpu.memory_space<vmem_shared>>, %arg14: memref<10240x32xf32, #tpu.memory_space<vmem_shared>>, %arg15: memref<!tpu.dma_semaphore, #tpu.memory_space<semaphore_mem>>, %arg16: memref<!tpu.dma_semaphore, #tpu.memory_space<semaphore_mem>>, %arg17: memref<!tpu.dma_semaphore, #tpu.memory_space<semaphore_mem>>, %arg18: memref<!tpu.dma_semaphore, #tpu.memory_space<semaphore_mem>>, %arg19: memref<!tpu.dma_semaphore, #tpu.memory_space<semaphore_mem>>, %arg20: memref<!tpu.dma_semaphore, #tpu.memory_space<semaphore_mem>>, %arg21: memref<!tpu.dma_semaphore, #tpu.memory_space<semaphore_mem>>, %arg22: memref<!tpu.dma_semaphore, #tpu.memory_space<semaphore_mem>>) attributes {dimension_semantics = [#tpu.dimension_semantics<core_parallel>, #tpu.dimension_semantics<subcore_parallel>], iteration_bounds = array<i64: 2, 16>, scalar_prefetch = 0 : i64, scratch_operands = 16 : i64, tpu.core_type = #tpu.core_type<sc_vector_subcore>, window_params = [{transform_indices = #map}, {transform_indices = #map1}, {transform_indices = #map1}, {transform_indices = #map1}, {transform_indices = #map}]} {
    %mul3A = arith.constant 640 : i32
    %mul3A_0 = arith.muli %arg1, %mul3A : i32
    %mul3A_1 = arith.constant 625 : i32
    %mul3A_2 = arith.muli %arg1, %mul3A_1 : i32
    "tpu.region"() ({
      %run_scoped3A = tpu.sem_alloc : memref<!tpu.dma_semaphore, #tpu.memory_space<semaphore_mem>>
      %dma_start3A_491 = arith.constant 0 : i32
      %dma_start3A_492 = tpu.memref_slice %arg13[%mul3A_2, %dma_start3A_491] : memref<10000x32xf32, #tpu.memory_space<vmem_shared>> -> memref<625x32xf32, #tpu.memory_space<vmem_shared>>
      %dma_start3A_493 = arith.constant 0 : i32
      %dma_start3A_494 = tpu.memref_slice %arg2[%arg0, %mul3A_2, %dma_start3A_493] : memref<2x10000x32xf32, #tpu.memory_space<hbm>> -> memref<1x625x32xf32, #tpu.memory_space<hbm>>
      %dma_start3A_495 = tpu.memref_squeeze %dma_start3A_494 : memref<1x625x32xf32, #tpu.memory_space<hbm>> -> memref<625x32xf32, #tpu.memory_space<hbm>>
      tpu.enqueue_dma source(%dma_start3A_495 : memref<625x32xf32, #tpu.memory_space<hbm>>) target(%dma_start3A_492 : memref<625x32xf32, #tpu.memory_space<vmem_shared>>) target_semaphore(%run_scoped3A : memref<!tpu.dma_semaphore, #tpu.memory_space<semaphore_mem>>)
      %dma_wait3A_496 = arith.constant 0 : i32
      %dma_wait3A_497 = tpu.memref_slice %arg13[%mul3A_2, %dma_wait3A_496] : memref<10000x32xf32, #tpu.memory_space<vmem_shared>> -> memref<625x32xf32, #tpu.memory_space<vmem_shared>>
      %dma_wait3A_498 = arith.constant 0 : i32
      %dma_wait3A_499 = tpu.memref_slice %arg2[%arg0, %mul3A_2, %dma_wait3A_498] : memref<2x10000x32xf32, #tpu.memory_space<hbm>> -> memref<1x625x32xf32, #tpu.memory_space<hbm>>
      %dma_wait3A_500 = tpu.memref_squeeze %dma_wait3A_499 : memref<1x625x32xf32, #tpu.memory_space<hbm>> -> memref<625x32xf32, #tpu.memory_space<hbm>>
      tpu.wait_dma2 semaphore(%run_scoped3A : memref<!tpu.dma_semaphore, #tpu.memory_space<semaphore_mem>>) src(%dma_wait3A_500 : memref<625x32xf32, #tpu.memory_space<hbm>>) dst(%dma_wait3A_497 : memref<625x32xf32, #tpu.memory_space<vmem_shared>>)
      tpu.yield
    }) : () -> ()
    "tpu.region"() ({
      %run_scoped3A = tpu.sem_alloc : memref<!tpu.dma_semaphore, #tpu.memory_space<semaphore_mem>>
      %dma_start3A_491 = arith.constant 0 : i32
      %dma_start3A_492 = tpu.memref_slice %arg14[%mul3A_0, %dma_start3A_491] : memref<10240x32xf32, #tpu.memory_space<vmem_shared>> -> memref<640x32xf32, #tpu.memory_space<vmem_shared>>
      tpu.enqueue_dma source(%arg5 : memref<640x32xf32, #tpu.memory_space<hbm>>) target(%dma_start3A_492 : memref<640x32xf32, #tpu.memory_space<vmem_shared>>) target_semaphore(%run_scoped3A : memref<!tpu.dma_semaphore, #tpu.memory_space<semaphore_mem>>)
      %dma_wait3A_493 = arith.constant 0 : i32
      %dma_wait3A_494 = tpu.memref_slice %arg14[%mul3A_0, %dma_wait3A_493] : memref<10240x32xf32, #tpu.memory_space<vmem_shared>> -> memref<640x32xf32, #tpu.memory_space<vmem_shared>>
      tpu.wait_dma2 semaphore(%run_scoped3A : memref<!tpu.dma_semaphore, #tpu.memory_space<semaphore_mem>>) src(%arg5 : memref<640x32xf32, #tpu.memory_space<hbm>>) dst(%dma_wait3A_494 : memref<640x32xf32, #tpu.memory_space<vmem_shared>>)
      tpu.yield
    }) : () -> ()
    %barrier3A = arith.constant 0 : index
    tpu.barrier barrier_id(%barrier3A)
    %mul3A_3 = arith.constant 2 : i32
    %mul3A_4 = arith.muli %arg1, %mul3A_3 : i32
    %add3A = arith.addi %mul3A_4, %arg0 : i32
    %mul3A_5 = arith.constant 160 : i32
    %mul3A_6 = arith.muli %arg1, %mul3A_5 : i32
    %add3A_7 = arith.constant 0 : i32
    %add3A_8 = arith.addi %mul3A_6, %add3A_7 : i32
    "tpu.region"() ({
      %run_scoped3A = tpu.sem_alloc : memref<!tpu.dma_semaphore, #tpu.memory_space<semaphore_mem>>
      %dma_start3A_491 = arith.constant 0 : i32
      %dma_start3A_492 = tpu.memref_slice %arg3[%add3A_8, %dma_start3A_491] : memref<2560x128xi32, #tpu.memory_space<hbm>> -> memref<40x128xi32, #tpu.memory_space<hbm>>
      %dma_start3A_493 = arith.constant 0 : i32
      %dma_start3A_494 = tpu.memref_slice %arg3[%add3A_8, %dma_start3A_493] : memref<2560x128xi32, #tpu.memory_space<hbm>> -> memref<40x128xi32, #tpu.memory_space<hbm>>
      tpu.enqueue_dma source(%dma_start3A_494 : memref<40x128xi32, #tpu.memory_space<hbm>>) target(%arg7 : memref<40x128xi32, #tpu.memory_space<vmem>>) target_semaphore(%run_scoped3A : memref<!tpu.dma_semaphore, #tpu.memory_space<semaphore_mem>>)
      %dma_wait3A_495 = arith.constant 0 : i32
      %dma_wait3A_496 = tpu.memref_slice %arg3[%add3A_8, %dma_wait3A_495] : memref<2560x128xi32, #tpu.memory_space<hbm>> -> memref<40x128xi32, #tpu.memory_space<hbm>>
      %dma_wait3A_497 = arith.constant 0 : i32
      %dma_wait3A_498 = tpu.memref_slice %arg3[%add3A_8, %dma_wait3A_497] : memref<2560x128xi32, #tpu.memory_space<hbm>> -> memref<40x128xi32, #tpu.memory_space<hbm>>
      tpu.wait_dma2 semaphore(%run_scoped3A : memref<!tpu.dma_semaphore, #tpu.memory_space<semaphore_mem>>) src(%dma_wait3A_498 : memref<40x128xi32, #tpu.memory_space<hbm>>) dst(%arg7 : memref<40x128xi32, #tpu.memory_space<vmem>>)
      tpu.yield
    }) : () -> ()
    "tpu.region"() ({
      %run_scoped3A = tpu.sem_alloc : memref<!tpu.dma_semaphore, #tpu.memory_space<semaphore_mem>>
      %dma_start3A_491 = arith.constant 0 : i32
      %dma_start3A_492 = tpu.memref_slice %arg4[%add3A_8, %dma_start3A_491] : memref<2560x128xi32, #tpu.memory_space<hbm>> -> memref<40x128xi32, #tpu.memory_space<hbm>>
      %dma_start3A_493 = arith.constant 0 : i32
      %dma_start3A_494 = tpu.memref_slice %arg4[%add3A_8, %dma_start3A_493] : memref<2560x128xi32, #tpu.memory_space<hbm>> -> memref<40x128xi32, #tpu.memory_space<hbm>>
      tpu.enqueue_dma source(%dma_start3A_494 : memref<40x128xi32, #tpu.memory_space<hbm>>) target(%arg8 : memref<40x128xi32, #tpu.memory_space<vmem>>) target_semaphore(%run_scoped3A : memref<!tpu.dma_semaphore, #tpu.memory_space<semaphore_mem>>)
      %dma_wait3A_495 = arith.constant 0 : i32
      %dma_wait3A_496 = tpu.memref_slice %arg4[%add3A_8, %dma_wait3A_495] : memref<2560x128xi32, #tpu.memory_space<hbm>> -> memref<40x128xi32, #tpu.memory_space<hbm>>
      %dma_wait3A_497 = arith.constant 0 : i32
      %dma_wait3A_498 = tpu.memref_slice %arg4[%add3A_8, %dma_wait3A_497] : memref<2560x128xi32, #tpu.memory_space<hbm>> -> memref<40x128xi32, #tpu.memory_space<hbm>>
      tpu.wait_dma2 semaphore(%run_scoped3A : memref<!tpu.dma_semaphore, #tpu.memory_space<semaphore_mem>>) src(%dma_wait3A_498 : memref<40x128xi32, #tpu.memory_space<hbm>>) dst(%arg8 : memref<40x128xi32, #tpu.memory_space<vmem>>)
      tpu.yield
    }) : () -> ()
    %dma_start3A = arith.constant 0 : i32
    %dma_start3A_9 = arith.constant 0 : i32
    %dma_start3A_10 = tpu.memref_slice %arg8[%dma_start3A, %dma_start3A_9] : memref<40x128xi32, #tpu.memory_space<vmem>> -> memref<1x128xi32, #tpu.memory_space<vmem>>
    %dma_start3A_11 = tpu.memref_squeeze %dma_start3A_10 : memref<1x128xi32, #tpu.memory_space<vmem>> -> memref<128xi32, #tpu.memory_space<vmem>>
    %dma_start3A_12 = arith.constant 0 : i32
    %dma_start3A_13 = arith.constant 0 : i32
    %dma_start3A_14 = tpu.memref_slice %arg13[%dma_start3A_12, %dma_start3A_13] : memref<10000x32xf32, #tpu.memory_space<vmem_shared>> -> memref<10000x32xf32, #tpu.memory_space<vmem_shared>>
    tpu.enqueue_indirect_dma source(%dma_start3A_14 : memref<10000x32xf32, #tpu.memory_space<vmem_shared>>) target(%arg9 : memref<128x32xf32, #tpu.memory_space<vmem>>) offsets(%dma_start3A_11 : memref<128xi32, #tpu.memory_space<vmem>>) semaphore(%arg15 : memref<!tpu.dma_semaphore, #tpu.memory_space<semaphore_mem>>)
    %dma_start3A_15 = arith.constant 1 : i32
    %dma_start3A_16 = arith.constant 0 : i32
    %dma_start3A_17 = tpu.memref_slice %arg8[%dma_start3A_15, %dma_start3A_16] : memref<40x128xi32, #tpu.memory_space<vmem>> -> memref<1x128xi32, #tpu.memory_space<vmem>>
    %dma_start3A_18 = tpu.memref_squeeze %dma_start3A_17 : memref<1x128xi32, #tpu.memory_space<vmem>> -> memref<128xi32, #tpu.memory_space<vmem>>
    %dma_start3A_19 = arith.constant 0 : i32
    %dma_start3A_20 = arith.constant 0 : i32
    %dma_start3A_21 = tpu.memref_slice %arg13[%dma_start3A_19, %dma_start3A_20] : memref<10000x32xf32, #tpu.memory_space<vmem_shared>> -> memref<10000x32xf32, #tpu.memory_space<vmem_shared>>
    tpu.enqueue_indirect_dma source(%dma_start3A_21 : memref<10000x32xf32, #tpu.memory_space<vmem_shared>>) target(%arg10 : memref<128x32xf32, #tpu.memory_space<vmem>>) offsets(%dma_start3A_18 : memref<128xi32, #tpu.memory_space<vmem>>) semaphore(%arg16 : memref<!tpu.dma_semaphore, #tpu.memory_space<semaphore_mem>>)
    %dma_start3A_22 = arith.constant 2 : i32
    %dma_start3A_23 = arith.constant 0 : i32
    %dma_start3A_24 = tpu.memref_slice %arg8[%dma_start3A_22, %dma_start3A_23] : memref<40x128xi32, #tpu.memory_space<vmem>> -> memref<1x128xi32, #tpu.memory_space<vmem>>
    %dma_start3A_25 = tpu.memref_squeeze %dma_start3A_24 : memref<1x128xi32, #tpu.memory_space<vmem>> -> memref<128xi32, #tpu.memory_space<vmem>>
    %dma_start3A_26 = arith.constant 0 : i32
    %dma_start3A_27 = arith.constant 0 : i32
    %dma_start3A_28 = tpu.memref_slice %arg13[%dma_start3A_26, %dma_start3A_27] : memref<10000x32xf32, #tpu.memory_space<vmem_shared>> -> memref<10000x32xf32, #tpu.memory_space<vmem_shared>>
    tpu.enqueue_indirect_dma source(%dma_start3A_28 : memref<10000x32xf32, #tpu.memory_space<vmem_shared>>) target(%arg11 : memref<128x32xf32, #tpu.memory_space<vmem>>) offsets(%dma_start3A_25 : memref<128xi32, #tpu.memory_space<vmem>>) semaphore(%arg17 : memref<!tpu.dma_semaphore, #tpu.memory_space<semaphore_mem>>)
    %dma_start3A_29 = arith.constant 3 : i32
    %dma_start3A_30 = arith.constant 0 : i32
    %dma_start3A_31 = tpu.memref_slice %arg8[%dma_start3A_29, %dma_start3A_30] : memref<40x128xi32, #tpu.memory_space<vmem>> -> memref<1x128xi32, #tpu.memory_space<vmem>>
    %dma_start3A_32 = tpu.memref_squeeze %dma_start3A_31 : memref<1x128xi32, #tpu.memory_space<vmem>> -> memref<128xi32, #tpu.memory_space<vmem>>
    %dma_start3A_33 = arith.constant 0 : i32
    %dma_start3A_34 = arith.constant 0 : i32
    %dma_start3A_35 = tpu.memref_slice %arg13[%dma_start3A_33, %dma_start3A_34] : memref<10000x32xf32, #tpu.memory_space<vmem_shared>> -> memref<10000x32xf32, #tpu.memory_space<vmem_shared>>
    tpu.enqueue_indirect_dma source(%dma_start3A_35 : memref<10000x32xf32, #tpu.memory_space<vmem_shared>>) target(%arg12 : memref<128x32xf32, #tpu.memory_space<vmem>>) offsets(%dma_start3A_32 : memref<128xi32, #tpu.memory_space<vmem>>) semaphore(%arg18 : memref<!tpu.dma_semaphore, #tpu.memory_space<semaphore_mem>>)
    %dma_wait3A = arith.constant 0 : i32
    %dma_wait3A_36 = arith.constant 0 : i32
    %dma_wait3A_37 = tpu.memref_slice %arg8[%dma_wait3A, %dma_wait3A_36] : memref<40x128xi32, #tpu.memory_space<vmem>> -> memref<1x128xi32, #tpu.memory_space<vmem>>
    %dma_wait3A_38 = tpu.memref_squeeze %dma_wait3A_37 : memref<1x128xi32, #tpu.memory_space<vmem>> -> memref<128xi32, #tpu.memory_space<vmem>>
    %dma_wait3A_39 = arith.constant 0 : i32
    %dma_wait3A_40 = arith.constant 0 : i32
    %dma_wait3A_41 = tpu.memref_slice %arg13[%dma_wait3A_39, %dma_wait3A_40] : memref<10000x32xf32, #tpu.memory_space<vmem_shared>> -> memref<10000x32xf32, #tpu.memory_space<vmem_shared>>
    tpu.wait_indirect_dma semaphore(%arg15 : memref<!tpu.dma_semaphore, #tpu.memory_space<semaphore_mem>>) src(%dma_wait3A_41 : memref<10000x32xf32, #tpu.memory_space<vmem_shared>>) dst(%arg9 : memref<128x32xf32, #tpu.memory_space<vmem>>)
    %dma_start3A_42 = arith.constant 0 : i32
    %dma_start3A_43 = arith.constant 0 : i32
    %dma_start3A_44 = tpu.memref_slice %arg7[%dma_start3A_42, %dma_start3A_43] : memref<40x128xi32, #tpu.memory_space<vmem>> -> memref<1x128xi32, #tpu.memory_space<vmem>>
    %dma_start3A_45 = tpu.memref_squeeze %dma_start3A_44 : memref<1x128xi32, #tpu.memory_space<vmem>> -> memref<128xi32, #tpu.memory_space<vmem>>
    %dma_start3A_46 = arith.constant 0 : i32
    %dma_start3A_47 = arith.constant 0 : i32
    %dma_start3A_48 = tpu.memref_slice %arg14[%dma_start3A_46, %dma_start3A_47] : memref<10240x32xf32, #tpu.memory_space<vmem_shared>> -> memref<10240x32xf32, #tpu.memory_space<vmem_shared>>
    tpu.enqueue_indirect_dma source(%arg9 : memref<128x32xf32, #tpu.memory_space<vmem>>) target(%dma_start3A_48 : memref<10240x32xf32, #tpu.memory_space<vmem_shared>>) offsets(%dma_start3A_45 : memref<128xi32, #tpu.memory_space<vmem>>) semaphore(%arg19 : memref<!tpu.dma_semaphore, #tpu.memory_space<semaphore_mem>>) {add = true}
    %dma_wait3A_49 = arith.constant 0 : i32
    %dma_wait3A_50 = arith.constant 0 : i32
    %dma_wait3A_51 = tpu.memref_slice %arg8[%dma_wait3A_49, %dma_wait3A_50] : memref<40x128xi32, #tpu.memory_space<vmem>> -> memref<1x128xi32, #tpu.memory_space<vmem>>
    %dma_wait3A_52 = tpu.memref_squeeze %dma_wait3A_51 : memref<1x128xi32, #tpu.memory_space<vmem>> -> memref<128xi32, #tpu.memory_space<vmem>>
    %dma_wait3A_53 = arith.constant 0 : i32
    %dma_wait3A_54 = arith.constant 0 : i32
    %dma_wait3A_55 = tpu.memref_slice %arg13[%dma_wait3A_53, %dma_wait3A_54] : memref<10000x32xf32, #tpu.memory_space<vmem_shared>> -> memref<10000x32xf32, #tpu.memory_space<vmem_shared>>
    tpu.wait_indirect_dma semaphore(%arg16 : memref<!tpu.dma_semaphore, #tpu.memory_space<semaphore_mem>>) src(%dma_wait3A_55 : memref<10000x32xf32, #tpu.memory_space<vmem_shared>>) dst(%arg10 : memref<128x32xf32, #tpu.memory_space<vmem>>)
    %dma_start3A_56 = arith.constant 1 : i32
    %dma_start3A_57 = arith.constant 0 : i32
    %dma_start3A_58 = tpu.memref_slice %arg7[%dma_start3A_56, %dma_start3A_57] : memref<40x128xi32, #tpu.memory_space<vmem>> -> memref<1x128xi32, #tpu.memory_space<vmem>>
    %dma_start3A_59 = tpu.memref_squeeze %dma_start3A_58 : memref<1x128xi32, #tpu.memory_space<vmem>> -> memref<128xi32, #tpu.memory_space<vmem>>
    %dma_start3A_60 = arith.constant 0 : i32
    %dma_start3A_61 = arith.constant 0 : i32
    %dma_start3A_62 = tpu.memref_slice %arg14[%dma_start3A_60, %dma_start3A_61] : memref<10240x32xf32, #tpu.memory_space<vmem_shared>> -> memref<10240x32xf32, #tpu.memory_space<vmem_shared>>
    tpu.enqueue_indirect_dma source(%arg10 : memref<128x32xf32, #tpu.memory_space<vmem>>) target(%dma_start3A_62 : memref<10240x32xf32, #tpu.memory_space<vmem_shared>>) offsets(%dma_start3A_59 : memref<128xi32, #tpu.memory_space<vmem>>) semaphore(%arg20 : memref<!tpu.dma_semaphore, #tpu.memory_space<semaphore_mem>>) {add = true}
    %scan3A = arith.constant 0 : i32
    %scan3A_63 = arith.constant 0 : i32
    %scan3A_64 = arith.constant 9 : i32
    %scan3A_65 = arith.addi %scan3A_63, %scan3A_64 : i32
    %scan3A_66 = arith.constant 1 : i32
    scf.for %scan3A_491 = %scan3A_63 to %scan3A_65 step %scan3A_66  : i32 {
      %mul3A_492 = arith.constant 4 : i32
      %mul3A_493 = arith.muli %mul3A_492, %scan3A_491 : i32
      %add3A_494 = arith.constant 2 : i32
      %add3A_495 = arith.addi %mul3A_493, %add3A_494 : i32
      %add3A_496 = arith.constant 0 : i32
      %add3A_497 = arith.addi %add3A_495, %add3A_496 : i32
      %dma_wait3A_498 = arith.constant 0 : i32
      %dma_wait3A_499 = arith.constant 0 : i32
      %dma_wait3A_500 = tpu.memref_slice %arg8[%dma_wait3A_498, %dma_wait3A_499] : memref<40x128xi32, #tpu.memory_space<vmem>> -> memref<1x128xi32, #tpu.memory_space<vmem>>
      %dma_wait3A_501 = tpu.memref_squeeze %dma_wait3A_500 : memref<1x128xi32, #tpu.memory_space<vmem>> -> memref<128xi32, #tpu.memory_space<vmem>>
      %dma_wait3A_502 = arith.constant 0 : i32
      %dma_wait3A_503 = arith.constant 0 : i32
      %dma_wait3A_504 = tpu.memref_slice %arg13[%dma_wait3A_502, %dma_wait3A_503] : memref<10000x32xf32, #tpu.memory_space<vmem_shared>> -> memref<10000x32xf32, #tpu.memory_space<vmem_shared>>
      tpu.wait_indirect_dma semaphore(%arg17 : memref<!tpu.dma_semaphore, #tpu.memory_space<semaphore_mem>>) src(%dma_wait3A_504 : memref<10000x32xf32, #tpu.memory_space<vmem_shared>>) dst(%arg11 : memref<128x32xf32, #tpu.memory_space<vmem>>)
      %dma_start3A_505 = arith.constant 0 : i32
      %dma_start3A_506 = tpu.memref_slice %arg7[%add3A_497, %dma_start3A_505] : memref<40x128xi32, #tpu.memory_space<vmem>> -> memref<1x128xi32, #tpu.memory_space<vmem>>
      %dma_start3A_507 = tpu.memref_squeeze %dma_start3A_506 : memref<1x128xi32, #tpu.memory_space<vmem>> -> memref<128xi32, #tpu.memory_space<vmem>>
      %dma_start3A_508 = arith.constant 0 : i32
      %dma_start3A_509 = arith.constant 0 : i32
      %dma_start3A_510 = tpu.memref_slice %arg14[%dma_start3A_508, %dma_start3A_509] : memref<10240x32xf32, #tpu.memory_space<vmem_shared>> -> memref<10240x32xf32, #tpu.memory_space<vmem_shared>>
      tpu.enqueue_indirect_dma source(%arg11 : memref<128x32xf32, #tpu.memory_space<vmem>>) target(%dma_start3A_510 : memref<10240x32xf32, #tpu.memory_space<vmem_shared>>) offsets(%dma_start3A_507 : memref<128xi32, #tpu.memory_space<vmem>>) semaphore(%arg21 : memref<!tpu.dma_semaphore, #tpu.memory_space<semaphore_mem>>) {add = true}
      %dma_wait3A_511 = arith.constant 0 : i32
      %dma_wait3A_512 = arith.constant 0 : i32
      %dma_wait3A_513 = tpu.memref_slice %arg7[%dma_wait3A_511, %dma_wait3A_512] : memref<40x128xi32, #tpu.memory_space<vmem>> -> memref<1x128xi32, #tpu.memory_space<vmem>>
      %dma_wait3A_514 = tpu.memref_squeeze %dma_wait3A_513 : memref<1x128xi32, #tpu.memory_space<vmem>> -> memref<128xi32, #tpu.memory_space<vmem>>
      %dma_wait3A_515 = arith.constant 0 : i32
      %dma_wait3A_516 = arith.constant 0 : i32
      %dma_wait3A_517 = tpu.memref_slice %arg14[%dma_wait3A_515, %dma_wait3A_516] : memref<10240x32xf32, #tpu.memory_space<vmem_shared>> -> memref<10240x32xf32, #tpu.memory_space<vmem_shared>>
      tpu.wait_indirect_dma semaphore(%arg19 : memref<!tpu.dma_semaphore, #tpu.memory_space<semaphore_mem>>) src(%arg9 : memref<128x32xf32, #tpu.memory_space<vmem>>) dst(%dma_wait3A_517 : memref<10240x32xf32, #tpu.memory_space<vmem_shared>>)
      %add3A_518 = arith.constant 2 : i32
      %add3A_519 = arith.addi %add3A_497, %add3A_518 : i32
      %min3A = arith.constant 39 : i32
      %min3A_520 = arith.minsi %add3A_519, %min3A : i32
      %dma_start3A_521 = arith.constant 0 : i32
      %dma_start3A_522 = tpu.memref_slice %arg8[%min3A_520, %dma_start3A_521] : memref<40x128xi32, #tpu.memory_space<vmem>> -> memref<1x128xi32, #tpu.memory_space<vmem>>
      %dma_start3A_523 = tpu.memref_squeeze %dma_start3A_522 : memref<1x128xi32, #tpu.memory_space<vmem>> -> memref<128xi32, #tpu.memory_space<vmem>>
      %dma_start3A_524 = arith.constant 0 : i32
      %dma_start3A_525 = arith.constant 0 : i32
      %dma_start3A_526 = tpu.memref_slice %arg13[%dma_start3A_524, %dma_start3A_525] : memref<10000x32xf32, #tpu.memory_space<vmem_shared>> -> memref<10000x32xf32, #tpu.memory_space<vmem_shared>>
      tpu.enqueue_indirect_dma source(%dma_start3A_526 : memref<10000x32xf32, #tpu.memory_space<vmem_shared>>) target(%arg9 : memref<128x32xf32, #tpu.memory_space<vmem>>) offsets(%dma_start3A_523 : memref<128xi32, #tpu.memory_space<vmem>>) semaphore(%arg15 : memref<!tpu.dma_semaphore, #tpu.memory_space<semaphore_mem>>)
      %mul3A_527 = arith.constant 4 : i32
      %mul3A_528 = arith.muli %mul3A_527, %scan3A_491 : i32
      %add3A_529 = arith.constant 2 : i32
      %add3A_530 = arith.addi %mul3A_528, %add3A_529 : i32
      %add3A_531 = arith.constant 1 : i32
      %add3A_532 = arith.addi %add3A_530, %add3A_531 : i32
      %dma_wait3A_533 = arith.constant 0 : i32
      %dma_wait3A_534 = arith.constant 0 : i32
      %dma_wait3A_535 = tpu.memref_slice %arg8[%dma_wait3A_533, %dma_wait3A_534] : memref<40x128xi32, #tpu.memory_space<vmem>> -> memref<1x128xi32, #tpu.memory_space<vmem>>
      %dma_wait3A_536 = tpu.memref_squeeze %dma_wait3A_535 : memref<1x128xi32, #tpu.memory_space<vmem>> -> memref<128xi32, #tpu.memory_space<vmem>>
      %dma_wait3A_537 = arith.constant 0 : i32
      %dma_wait3A_538 = arith.constant 0 : i32
      %dma_wait3A_539 = tpu.memref_slice %arg13[%dma_wait3A_537, %dma_wait3A_538] : memref<10000x32xf32, #tpu.memory_space<vmem_shared>> -> memref<10000x32xf32, #tpu.memory_space<vmem_shared>>
      tpu.wait_indirect_dma semaphore(%arg18 : memref<!tpu.dma_semaphore, #tpu.memory_space<semaphore_mem>>) src(%dma_wait3A_539 : memref<10000x32xf32, #tpu.memory_space<vmem_shared>>) dst(%arg12 : memref<128x32xf32, #tpu.memory_space<vmem>>)
      %dma_start3A_540 = arith.constant 0 : i32
      %dma_start3A_541 = tpu.memref_slice %arg7[%add3A_532, %dma_start3A_540] : memref<40x128xi32, #tpu.memory_space<vmem>> -> memref<1x128xi32, #tpu.memory_space<vmem>>
      %dma_start3A_542 = tpu.memref_squeeze %dma_start3A_541 : memref<1x128xi32, #tpu.memory_space<vmem>> -> memref<128xi32, #tpu.memory_space<vmem>>
      %dma_start3A_543 = arith.constant 0 : i32
      %dma_start3A_544 = arith.constant 0 : i32
      %dma_start3A_545 = tpu.memref_slice %arg14[%dma_start3A_543, %dma_start3A_544] : memref<10240x32xf32, #tpu.memory_space<vmem_shared>> -> memref<10240x32xf32, #tpu.memory_space<vmem_shared>>
      tpu.enqueue_indirect_dma source(%arg12 : memref<128x32xf32, #tpu.memory_space<vmem>>) target(%dma_start3A_545 : memref<10240x32xf32, #tpu.memory_space<vmem_shared>>) offsets(%dma_start3A_542 : memref<128xi32, #tpu.memory_space<vmem>>) semaphore(%arg22 : memref<!tpu.dma_semaphore, #tpu.memory_space<semaphore_mem>>) {add = true}
      %dma_wait3A_546 = arith.constant 0 : i32
      %dma_wait3A_547 = arith.constant 0 : i32
      %dma_wait3A_548 = tpu.memref_slice %arg7[%dma_wait3A_546, %dma_wait3A_547] : memref<40x128xi32, #tpu.memory_space<vmem>> -> memref<1x128xi32, #tpu.memory_space<vmem>>
      %dma_wait3A_549 = tpu.memref_squeeze %dma_wait3A_548 : memref<1x128xi32, #tpu.memory_space<vmem>> -> memref<128xi32, #tpu.memory_space<vmem>>
      %dma_wait3A_550 = arith.constant 0 : i32
      %dma_wait3A_551 = arith.constant 0 : i32
      %dma_wait3A_552 = tpu.memref_slice %arg14[%dma_wait3A_550, %dma_wait3A_551] : memref<10240x32xf32, #tpu.memory_space<vmem_shared>> -> memref<10240x32xf32, #tpu.memory_space<vmem_shared>>
      tpu.wait_indirect_dma semaphore(%arg20 : memref<!tpu.dma_semaphore, #tpu.memory_space<semaphore_mem>>) src(%arg10 : memref<128x32xf32, #tpu.memory_space<vmem>>) dst(%dma_wait3A_552 : memref<10240x32xf32, #tpu.memory_space<vmem_shared>>)
      %add3A_553 = arith.constant 2 : i32
      %add3A_554 = arith.addi %add3A_532, %add3A_553 : i32
      %min3A_555 = arith.constant 39 : i32
      %min3A_556 = arith.minsi %add3A_554, %min3A_555 : i32
      %dma_start3A_557 = arith.constant 0 : i32
      %dma_start3A_558 = tpu.memref_slice %arg8[%min3A_556, %dma_start3A_557] : memref<40x128xi32, #tpu.memory_space<vmem>> -> memref<1x128xi32, #tpu.memory_space<vmem>>
      %dma_start3A_559 = tpu.memref_squeeze %dma_start3A_558 : memref<1x128xi32, #tpu.memory_space<vmem>> -> memref<128xi32, #tpu.memory_space<vmem>>
      %dma_start3A_560 = arith.constant 0 : i32
      %dma_start3A_561 = arith.constant 0 : i32
      %dma_start3A_562 = tpu.memref_slice %arg13[%dma_start3A_560, %dma_start3A_561] : memref<10000x32xf32, #tpu.memory_space<vmem_shared>> -> memref<10000x32xf32, #tpu.memory_space<vmem_shared>>
      tpu.enqueue_indirect_dma source(%dma_start3A_562 : memref<10000x32xf32, #tpu.memory_space<vmem_shared>>) target(%arg10 : memref<128x32xf32, #tpu.memory_space<vmem>>) offsets(%dma_start3A_559 : memref<128xi32, #tpu.memory_space<vmem>>) semaphore(%arg16 : memref<!tpu.dma_semaphore, #tpu.memory_space<semaphore_mem>>)
      %mul3A_563 = arith.constant 4 : i32
      %mul3A_564 = arith.muli %mul3A_563, %scan3A_491 : i32
      %add3A_565 = arith.constant 2 : i32
      %add3A_566 = arith.addi %mul3A_564, %add3A_565 : i32
      %add3A_567 = arith.constant 2 : i32
      %add3A_568 = arith.addi %add3A_566, %add3A_567 : i32
      %dma_wait3A_569 = arith.constant 0 : i32
      %dma_wait3A_570 = arith.constant 0 : i32
      %dma_wait3A_571 = tpu.memref_slice %arg8[%dma_wait3A_569, %dma_wait3A_570] : memref<40x128xi32, #tpu.memory_space<vmem>> -> memref<1x128xi32, #tpu.memory_space<vmem>>
      %dma_wait3A_572 = tpu.memref_squeeze %dma_wait3A_571 : memref<1x128xi32, #tpu.memory_space<vmem>> -> memref<128xi32, #tpu.memory_space<vmem>>
      %dma_wait3A_573 = arith.constant 0 : i32
      %dma_wait3A_574 = arith.constant 0 : i32
      %dma_wait3A_575 = tpu.memref_slice %arg13[%dma_wait3A_573, %dma_wait3A_574] : memref<10000x32xf32, #tpu.memory_space<vmem_shared>> -> memref<10000x32xf32, #tpu.memory_space<vmem_shared>>
      tpu.wait_indirect_dma semaphore(%arg15 : memref<!tpu.dma_semaphore, #tpu.memory_space<semaphore_mem>>) src(%dma_wait3A_575 : memref<10000x32xf32, #tpu.memory_space<vmem_shared>>) dst(%arg9 : memref<128x32xf32, #tpu.memory_space<vmem>>)
      %dma_start3A_576 = arith.constant 0 : i32
      %dma_start3A_577 = tpu.memref_slice %arg7[%add3A_568, %dma_start3A_576] : memref<40x128xi32, #tpu.memory_space<vmem>> -> memref<1x128xi32, #tpu.memory_space<vmem>>
      %dma_start3A_578 = tpu.memref_squeeze %dma_start3A_577 : memref<1x128xi32, #tpu.memory_space<vmem>> -> memref<128xi32, #tpu.memory_space<vmem>>
      %dma_start3A_579 = arith.constant 0 : i32
      %dma_start3A_580 = arith.constant 0 : i32
      %dma_start3A_581 = tpu.memref_slice %arg14[%dma_start3A_579, %dma_start3A_580] : memref<10240x32xf32, #tpu.memory_space<vmem_shared>> -> memref<10240x32xf32, #tpu.memory_space<vmem_shared>>
      tpu.enqueue_indirect_dma source(%arg9 : memref<128x32xf32, #tpu.memory_space<vmem>>) target(%dma_start3A_581 : memref<10240x32xf32, #tpu.memory_space<vmem_shared>>) offsets(%dma_start3A_578 : memref<128xi32, #tpu.memory_space<vmem>>) semaphore(%arg19 : memref<!tpu.dma_semaphore, #tpu.memory_space<semaphore_mem>>) {add = true}
      %dma_wait3A_582 = arith.constant 0 : i32
      %dma_wait3A_583 = arith.constant 0 : i32
      %dma_wait3A_584 = tpu.memref_slice %arg7[%dma_wait3A_582, %dma_wait3A_583] : memref<40x128xi32, #tpu.memory_space<vmem>> -> memref<1x128xi32, #tpu.memory_space<vmem>>
      %dma_wait3A_585 = tpu.memref_squeeze %dma_wait3A_584 : memref<1x128xi32, #tpu.memory_space<vmem>> -> memref<128xi32, #tpu.memory_space<vmem>>
      %dma_wait3A_586 = arith.constant 0 : i32
      %dma_wait3A_587 = arith.constant 0 : i32
      %dma_wait3A_588 = tpu.memref_slice %arg14[%dma_wait3A_586, %dma_wait3A_587] : memref<10240x32xf32, #tpu.memory_space<vmem_shared>> -> memref<10240x32xf32, #tpu.memory_space<vmem_shared>>
      tpu.wait_indirect_dma semaphore(%arg21 : memref<!tpu.dma_semaphore, #tpu.memory_space<semaphore_mem>>) src(%arg11 : memref<128x32xf32, #tpu.memory_space<vmem>>) dst(%dma_wait3A_588 : memref<10240x32xf32, #tpu.memory_space<vmem_shared>>)
      %add3A_589 = arith.constant 2 : i32
      %add3A_590 = arith.addi %add3A_568, %add3A_589 : i32
      %min3A_591 = arith.constant 39 : i32
      %min3A_592 = arith.minsi %add3A_590, %min3A_591 : i32
      %dma_start3A_593 = arith.constant 0 : i32
      %dma_start3A_594 = tpu.memref_slice %arg8[%min3A_592, %dma_start3A_593] : memref<40x128xi32, #tpu.memory_space<vmem>> -> memref<1x128xi32, #tpu.memory_space<vmem>>
      %dma_start3A_595 = tpu.memref_squeeze %dma_start3A_594 : memref<1x128xi32, #tpu.memory_space<vmem>> -> memref<128xi32, #tpu.memory_space<vmem>>
      %dma_start3A_596 = arith.constant 0 : i32
      %dma_start3A_597 = arith.constant 0 : i32
      %dma_start3A_598 = tpu.memref_slice %arg13[%dma_start3A_596, %dma_start3A_597] : memref<10000x32xf32, #tpu.memory_space<vmem_shared>> -> memref<10000x32xf32, #tpu.memory_space<vmem_shared>>
      tpu.enqueue_indirect_dma source(%dma_start3A_598 : memref<10000x32xf32, #tpu.memory_space<vmem_shared>>) target(%arg11 : memref<128x32xf32, #tpu.memory_space<vmem>>) offsets(%dma_start3A_595 : memref<128xi32, #tpu.memory_space<vmem>>) semaphore(%arg17 : memref<!tpu.dma_semaphore, #tpu.memory_space<semaphore_mem>>)
      %mul3A_599 = arith.constant 4 : i32
      %mul3A_600 = arith.muli %mul3A_599, %scan3A_491 : i32
      %add3A_601 = arith.constant 2 : i32
      %add3A_602 = arith.addi %mul3A_600, %add3A_601 : i32
      %add3A_603 = arith.constant 3 : i32
      %add3A_604 = arith.addi %add3A_602, %add3A_603 : i32
      %dma_wait3A_605 = arith.constant 0 : i32
      %dma_wait3A_606 = arith.constant 0 : i32
      %dma_wait3A_607 = tpu.memref_slice %arg8[%dma_wait3A_605, %dma_wait3A_606] : memref<40x128xi32, #tpu.memory_space<vmem>> -> memref<1x128xi32, #tpu.memory_space<vmem>>
      %dma_wait3A_608 = tpu.memref_squeeze %dma_wait3A_607 : memref<1x128xi32, #tpu.memory_space<vmem>> -> memref<128xi32, #tpu.memory_space<vmem>>
      %dma_wait3A_609 = arith.constant 0 : i32
      %dma_wait3A_610 = arith.constant 0 : i32
      %dma_wait3A_611 = tpu.memref_slice %arg13[%dma_wait3A_609, %dma_wait3A_610] : memref<10000x32xf32, #tpu.memory_space<vmem_shared>> -> memref<10000x32xf32, #tpu.memory_space<vmem_shared>>
      tpu.wait_indirect_dma semaphore(%arg16 : memref<!tpu.dma_semaphore, #tpu.memory_space<semaphore_mem>>) src(%dma_wait3A_611 : memref<10000x32xf32, #tpu.memory_space<vmem_shared>>) dst(%arg10 : memref<128x32xf32, #tpu.memory_space<vmem>>)
      %dma_start3A_612 = arith.constant 0 : i32
      %dma_start3A_613 = tpu.memref_slice %arg7[%add3A_604, %dma_start3A_612] : memref<40x128xi32, #tpu.memory_space<vmem>> -> memref<1x128xi32, #tpu.memory_space<vmem>>
      %dma_start3A_614 = tpu.memref_squeeze %dma_start3A_613 : memref<1x128xi32, #tpu.memory_space<vmem>> -> memref<128xi32, #tpu.memory_space<vmem>>
      %dma_start3A_615 = arith.constant 0 : i32
      %dma_start3A_616 = arith.constant 0 : i32
      %dma_start3A_617 = tpu.memref_slice %arg14[%dma_start3A_615, %dma_start3A_616] : memref<10240x32xf32, #tpu.memory_space<vmem_shared>> -> memref<10240x32xf32, #tpu.memory_space<vmem_shared>>
      tpu.enqueue_indirect_dma source(%arg10 : memref<128x32xf32, #tpu.memory_space<vmem>>) target(%dma_start3A_617 : memref<10240x32xf32, #tpu.memory_space<vmem_shared>>) offsets(%dma_start3A_614 : memref<128xi32, #tpu.memory_space<vmem>>) semaphore(%arg20 : memref<!tpu.dma_semaphore, #tpu.memory_space<semaphore_mem>>) {add = true}
      %dma_wait3A_618 = arith.constant 0 : i32
      %dma_wait3A_619 = arith.constant 0 : i32
      %dma_wait3A_620 = tpu.memref_slice %arg7[%dma_wait3A_618, %dma_wait3A_619] : memref<40x128xi32, #tpu.memory_space<vmem>> -> memref<1x128xi32, #tpu.memory_space<vmem>>
      %dma_wait3A_621 = tpu.memref_squeeze %dma_wait3A_620 : memref<1x128xi32, #tpu.memory_space<vmem>> -> memref<128xi32, #tpu.memory_space<vmem>>
      %dma_wait3A_622 = arith.constant 0 : i32
      %dma_wait3A_623 = arith.constant 0 : i32
      %dma_wait3A_624 = tpu.memref_slice %arg14[%dma_wait3A_622, %dma_wait3A_623] : memref<10240x32xf32, #tpu.memory_space<vmem_shared>> -> memref<10240x32xf32, #tpu.memory_space<vmem_shared>>
      tpu.wait_indirect_dma semaphore(%arg22 : memref<!tpu.dma_semaphore, #tpu.memory_space<semaphore_mem>>) src(%arg12 : memref<128x32xf32, #tpu.memory_space<vmem>>) dst(%dma_wait3A_624 : memref<10240x32xf32, #tpu.memory_space<vmem_shared>>)
      %add3A_625 = arith.constant 2 : i32
      %add3A_626 = arith.addi %add3A_604, %add3A_625 : i32
      %min3A_627 = arith.constant 39 : i32
      %min3A_628 = arith.minsi %add3A_626, %min3A_627 : i32
      %dma_start3A_629 = arith.constant 0 : i32
      %dma_start3A_630 = tpu.memref_slice %arg8[%min3A_628, %dma_start3A_629] : memref<40x128xi32, #tpu.memory_space<vmem>> -> memref<1x128xi32, #tpu.memory_space<vmem>>
      %dma_start3A_631 = tpu.memref_squeeze %dma_start3A_630 : memref<1x128xi32, #tpu.memory_space<vmem>> -> memref<128xi32, #tpu.memory_space<vmem>>
      %dma_start3A_632 = arith.constant 0 : i32
      %dma_start3A_633 = arith.constant 0 : i32
      %dma_start3A_634 = tpu.memref_slice %arg13[%dma_start3A_632, %dma_start3A_633] : memref<10000x32xf32, #tpu.memory_space<vmem_shared>> -> memref<10000x32xf32, #tpu.memory_space<vmem_shared>>
      tpu.enqueue_indirect_dma source(%dma_start3A_634 : memref<10000x32xf32, #tpu.memory_space<vmem_shared>>) target(%arg12 : memref<128x32xf32, #tpu.memory_space<vmem>>) offsets(%dma_start3A_631 : memref<128xi32, #tpu.memory_space<vmem>>) semaphore(%arg18 : memref<!tpu.dma_semaphore, #tpu.memory_space<semaphore_mem>>)
    }
    %scan3A_67 = arith.constant 9 : i32
    %dma_wait3A_68 = arith.constant 0 : i32
    %dma_wait3A_69 = arith.constant 0 : i32
    %dma_wait3A_70 = tpu.memref_slice %arg8[%dma_wait3A_68, %dma_wait3A_69] : memref<40x128xi32, #tpu.memory_space<vmem>> -> memref<1x128xi32, #tpu.memory_space<vmem>>
    %dma_wait3A_71 = tpu.memref_squeeze %dma_wait3A_70 : memref<1x128xi32, #tpu.memory_space<vmem>> -> memref<128xi32, #tpu.memory_space<vmem>>
    %dma_wait3A_72 = arith.constant 0 : i32
    %dma_wait3A_73 = arith.constant 0 : i32
    %dma_wait3A_74 = tpu.memref_slice %arg13[%dma_wait3A_72, %dma_wait3A_73] : memref<10000x32xf32, #tpu.memory_space<vmem_shared>> -> memref<10000x32xf32, #tpu.memory_space<vmem_shared>>
    tpu.wait_indirect_dma semaphore(%arg17 : memref<!tpu.dma_semaphore, #tpu.memory_space<semaphore_mem>>) src(%dma_wait3A_74 : memref<10000x32xf32, #tpu.memory_space<vmem_shared>>) dst(%arg11 : memref<128x32xf32, #tpu.memory_space<vmem>>)
    %dma_start3A_75 = arith.constant 38 : i32
    %dma_start3A_76 = arith.constant 0 : i32
    %dma_start3A_77 = tpu.memref_slice %arg7[%dma_start3A_75, %dma_start3A_76] : memref<40x128xi32, #tpu.memory_space<vmem>> -> memref<1x128xi32, #tpu.memory_space<vmem>>
    %dma_start3A_78 = tpu.memref_squeeze %dma_start3A_77 : memref<1x128xi32, #tpu.memory_space<vmem>> -> memref<128xi32, #tpu.memory_space<vmem>>
    %dma_start3A_79 = arith.constant 0 : i32
    %dma_start3A_80 = arith.constant 0 : i32
    %dma_start3A_81 = tpu.memref_slice %arg14[%dma_start3A_79, %dma_start3A_80] : memref<10240x32xf32, #tpu.memory_space<vmem_shared>> -> memref<10240x32xf32, #tpu.memory_space<vmem_shared>>
    tpu.enqueue_indirect_dma source(%arg11 : memref<128x32xf32, #tpu.memory_space<vmem>>) target(%dma_start3A_81 : memref<10240x32xf32, #tpu.memory_space<vmem_shared>>) offsets(%dma_start3A_78 : memref<128xi32, #tpu.memory_space<vmem>>) semaphore(%arg21 : memref<!tpu.dma_semaphore, #tpu.memory_space<semaphore_mem>>) {add = true}
    %dma_wait3A_82 = arith.constant 0 : i32
    %dma_wait3A_83 = arith.constant 0 : i32
    %dma_wait3A_84 = tpu.memref_slice %arg8[%dma_wait3A_82, %dma_wait3A_83] : memref<40x128xi32, #tpu.memory_space<vmem>> -> memref<1x128xi32, #tpu.memory_space<vmem>>
    %dma_wait3A_85 = tpu.memref_squeeze %dma_wait3A_84 : memref<1x128xi32, #tpu.memory_space<vmem>> -> memref<128xi32, #tpu.memory_space<vmem>>
    %dma_wait3A_86 = arith.constant 0 : i32
    %dma_wait3A_87 = arith.constant 0 : i32
    %dma_wait3A_88 = tpu.memref_slice %arg13[%dma_wait3A_86, %dma_wait3A_87] : memref<10000x32xf32, #tpu.memory_space<vmem_shared>> -> memref<10000x32xf32, #tpu.memory_space<vmem_shared>>
    tpu.wait_indirect_dma semaphore(%arg18 : memref<!tpu.dma_semaphore, #tpu.memory_space<semaphore_mem>>) src(%dma_wait3A_88 : memref<10000x32xf32, #tpu.memory_space<vmem_shared>>) dst(%arg12 : memref<128x32xf32, #tpu.memory_space<vmem>>)
    %dma_start3A_89 = arith.constant 39 : i32
    %dma_start3A_90 = arith.constant 0 : i32
    %dma_start3A_91 = tpu.memref_slice %arg7[%dma_start3A_89, %dma_start3A_90] : memref<40x128xi32, #tpu.memory_space<vmem>> -> memref<1x128xi32, #tpu.memory_space<vmem>>
    %dma_start3A_92 = tpu.memref_squeeze %dma_start3A_91 : memref<1x128xi32, #tpu.memory_space<vmem>> -> memref<128xi32, #tpu.memory_space<vmem>>
    %dma_start3A_93 = arith.constant 0 : i32
    %dma_start3A_94 = arith.constant 0 : i32
    %dma_start3A_95 = tpu.memref_slice %arg14[%dma_start3A_93, %dma_start3A_94] : memref<10240x32xf32, #tpu.memory_space<vmem_shared>> -> memref<10240x32xf32, #tpu.memory_space<vmem_shared>>
    tpu.enqueue_indirect_dma source(%arg12 : memref<128x32xf32, #tpu.memory_space<vmem>>) target(%dma_start3A_95 : memref<10240x32xf32, #tpu.memory_space<vmem_shared>>) offsets(%dma_start3A_92 : memref<128xi32, #tpu.memory_space<vmem>>) semaphore(%arg22 : memref<!tpu.dma_semaphore, #tpu.memory_space<semaphore_mem>>) {add = true}
    %dma_wait3A_96 = arith.constant 0 : i32
    %dma_wait3A_97 = arith.constant 0 : i32
    %dma_wait3A_98 = tpu.memref_slice %arg7[%dma_wait3A_96, %dma_wait3A_97] : memref<40x128xi32, #tpu.memory_space<vmem>> -> memref<1x128xi32, #tpu.memory_space<vmem>>
    %dma_wait3A_99 = tpu.memref_squeeze %dma_wait3A_98 : memref<1x128xi32, #tpu.memory_space<vmem>> -> memref<128xi32, #tpu.memory_space<vmem>>
    %dma_wait3A_100 = arith.constant 0 : i32
    %dma_wait3A_101 = arith.constant 0 : i32
    %dma_wait3A_102 = tpu.memref_slice %arg14[%dma_wait3A_100, %dma_wait3A_101] : memref<10240x32xf32, #tpu.memory_space<vmem_shared>> -> memref<10240x32xf32, #tpu.memory_space<vmem_shared>>
    tpu.wait_indirect_dma semaphore(%arg19 : memref<!tpu.dma_semaphore, #tpu.memory_space<semaphore_mem>>) src(%arg9 : memref<128x32xf32, #tpu.memory_space<vmem>>) dst(%dma_wait3A_102 : memref<10240x32xf32, #tpu.memory_space<vmem_shared>>)
    %dma_wait3A_103 = arith.constant 0 : i32
    %dma_wait3A_104 = arith.constant 0 : i32
    %dma_wait3A_105 = tpu.memref_slice %arg7[%dma_wait3A_103, %dma_wait3A_104] : memref<40x128xi32, #tpu.memory_space<vmem>> -> memref<1x128xi32, #tpu.memory_space<vmem>>
    %dma_wait3A_106 = tpu.memref_squeeze %dma_wait3A_105 : memref<1x128xi32, #tpu.memory_space<vmem>> -> memref<128xi32, #tpu.memory_space<vmem>>
    %dma_wait3A_107 = arith.constant 0 : i32
    %dma_wait3A_108 = arith.constant 0 : i32
    %dma_wait3A_109 = tpu.memref_slice %arg14[%dma_wait3A_107, %dma_wait3A_108] : memref<10240x32xf32, #tpu.memory_space<vmem_shared>> -> memref<10240x32xf32, #tpu.memory_space<vmem_shared>>
    tpu.wait_indirect_dma semaphore(%arg20 : memref<!tpu.dma_semaphore, #tpu.memory_space<semaphore_mem>>) src(%arg10 : memref<128x32xf32, #tpu.memory_space<vmem>>) dst(%dma_wait3A_109 : memref<10240x32xf32, #tpu.memory_space<vmem_shared>>)
    %dma_wait3A_110 = arith.constant 0 : i32
    %dma_wait3A_111 = arith.constant 0 : i32
    %dma_wait3A_112 = tpu.memref_slice %arg7[%dma_wait3A_110, %dma_wait3A_111] : memref<40x128xi32, #tpu.memory_space<vmem>> -> memref<1x128xi32, #tpu.memory_space<vmem>>
    %dma_wait3A_113 = tpu.memref_squeeze %dma_wait3A_112 : memref<1x128xi32, #tpu.memory_space<vmem>> -> memref<128xi32, #tpu.memory_space<vmem>>
    %dma_wait3A_114 = arith.constant 0 : i32
    %dma_wait3A_115 = arith.constant 0 : i32
    %dma_wait3A_116 = tpu.memref_slice %arg14[%dma_wait3A_114, %dma_wait3A_115] : memref<10240x32xf32, #tpu.memory_space<vmem_shared>> -> memref<10240x32xf32, #tpu.memory_space<vmem_shared>>
    tpu.wait_indirect_dma semaphore(%arg21 : memref<!tpu.dma_semaphore, #tpu.memory_space<semaphore_mem>>) src(%arg11 : memref<128x32xf32, #tpu.memory_space<vmem>>) dst(%dma_wait3A_116 : memref<10240x32xf32, #tpu.memory_space<vmem_shared>>)
    %dma_wait3A_117 = arith.constant 0 : i32
    %dma_wait3A_118 = arith.constant 0 : i32
    %dma_wait3A_119 = tpu.memref_slice %arg7[%dma_wait3A_117, %dma_wait3A_118] : memref<40x128xi32, #tpu.memory_space<vmem>> -> memref<1x128xi32, #tpu.memory_space<vmem>>
    %dma_wait3A_120 = tpu.memref_squeeze %dma_wait3A_119 : memref<1x128xi32, #tpu.memory_space<vmem>> -> memref<128xi32, #tpu.memory_space<vmem>>
    %dma_wait3A_121 = arith.constant 0 : i32
    %dma_wait3A_122 = arith.constant 0 : i32
    %dma_wait3A_123 = tpu.memref_slice %arg14[%dma_wait3A_121, %dma_wait3A_122] : memref<10240x32xf32, #tpu.memory_space<vmem_shared>> -> memref<10240x32xf32, #tpu.memory_space<vmem_shared>>
    tpu.wait_indirect_dma semaphore(%arg22 : memref<!tpu.dma_semaphore, #tpu.memory_space<semaphore_mem>>) src(%arg12 : memref<128x32xf32, #tpu.memory_space<vmem>>) dst(%dma_wait3A_123 : memref<10240x32xf32, #tpu.memory_space<vmem_shared>>)
    %mul3A_124 = arith.constant 160 : i32
    %mul3A_125 = arith.muli %arg1, %mul3A_124 : i32
    %add3A_126 = arith.constant 40 : i32
    %add3A_127 = arith.addi %mul3A_125, %add3A_126 : i32
    "tpu.region"() ({
      %run_scoped3A = tpu.sem_alloc : memref<!tpu.dma_semaphore, #tpu.memory_space<semaphore_mem>>
      %dma_start3A_491 = arith.constant 0 : i32
      %dma_start3A_492 = tpu.memref_slice %arg3[%add3A_127, %dma_start3A_491] : memref<2560x128xi32, #tpu.memory_space<hbm>> -> memref<40x128xi32, #tpu.memory_space<hbm>>
      %dma_start3A_493 = arith.constant 0 : i32
      %dma_start3A_494 = tpu.memref_slice %arg3[%add3A_127, %dma_start3A_493] : memref<2560x128xi32, #tpu.memory_space<hbm>> -> memref<40x128xi32, #tpu.memory_space<hbm>>
      tpu.enqueue_dma source(%dma_start3A_494 : memref<40x128xi32, #tpu.memory_space<hbm>>) target(%arg7 : memref<40x128xi32, #tpu.memory_space<vmem>>) target_semaphore(%run_scoped3A : memref<!tpu.dma_semaphore, #tpu.memory_space<semaphore_mem>>)
      %dma_wait3A_495 = arith.constant 0 : i32
      %dma_wait3A_496 = tpu.memref_slice %arg3[%add3A_127, %dma_wait3A_495] : memref<2560x128xi32, #tpu.memory_space<hbm>> -> memref<40x128xi32, #tpu.memory_space<hbm>>
      %dma_wait3A_497 = arith.constant 0 : i32
      %dma_wait3A_498 = tpu.memref_slice %arg3[%add3A_127, %dma_wait3A_497] : memref<2560x128xi32, #tpu.memory_space<hbm>> -> memref<40x128xi32, #tpu.memory_space<hbm>>
      tpu.wait_dma2 semaphore(%run_scoped3A : memref<!tpu.dma_semaphore, #tpu.memory_space<semaphore_mem>>) src(%dma_wait3A_498 : memref<40x128xi32, #tpu.memory_space<hbm>>) dst(%arg7 : memref<40x128xi32, #tpu.memory_space<vmem>>)
      tpu.yield
    }) : () -> ()
    "tpu.region"() ({
      %run_scoped3A = tpu.sem_alloc : memref<!tpu.dma_semaphore, #tpu.memory_space<semaphore_mem>>
      %dma_start3A_491 = arith.constant 0 : i32
      %dma_start3A_492 = tpu.memref_slice %arg4[%add3A_127, %dma_start3A_491] : memref<2560x128xi32, #tpu.memory_space<hbm>> -> memref<40x128xi32, #tpu.memory_space<hbm>>
      %dma_start3A_493 = arith.constant 0 : i32
      %dma_start3A_494 = tpu.memref_slice %arg4[%add3A_127, %dma_start3A_493] : memref<2560x128xi32, #tpu.memory_space<hbm>> -> memref<40x128xi32, #tpu.memory_space<hbm>>
      tpu.enqueue_dma source(%dma_start3A_494 : memref<40x128xi32, #tpu.memory_space<hbm>>) target(%arg8 : memref<40x128xi32, #tpu.memory_space<vmem>>) target_semaphore(%run_scoped3A : memref<!tpu.dma_semaphore, #tpu.memory_space<semaphore_mem>>)
      %dma_wait3A_495 = arith.constant 0 : i32
      %dma_wait3A_496 = tpu.memref_slice %arg4[%add3A_127, %dma_wait3A_495] : memref<2560x128xi32, #tpu.memory_space<hbm>> -> memref<40x128xi32, #tpu.memory_space<hbm>>
      %dma_wait3A_497 = arith.constant 0 : i32
      %dma_wait3A_498 = tpu.memref_slice %arg4[%add3A_127, %dma_wait3A_497] : memref<2560x128xi32, #tpu.memory_space<hbm>> -> memref<40x128xi32, #tpu.memory_space<hbm>>
      tpu.wait_dma2 semaphore(%run_scoped3A : memref<!tpu.dma_semaphore, #tpu.memory_space<semaphore_mem>>) src(%dma_wait3A_498 : memref<40x128xi32, #tpu.memory_space<hbm>>) dst(%arg8 : memref<40x128xi32, #tpu.memory_space<vmem>>)
      tpu.yield
    }) : () -> ()
    %dma_start3A_128 = arith.constant 0 : i32
    %dma_start3A_129 = arith.constant 0 : i32
    %dma_start3A_130 = tpu.memref_slice %arg8[%dma_start3A_128, %dma_start3A_129] : memref<40x128xi32, #tpu.memory_space<vmem>> -> memref<1x128xi32, #tpu.memory_space<vmem>>
    %dma_start3A_131 = tpu.memref_squeeze %dma_start3A_130 : memref<1x128xi32, #tpu.memory_space<vmem>> -> memref<128xi32, #tpu.memory_space<vmem>>
    %dma_start3A_132 = arith.constant 0 : i32
    %dma_start3A_133 = arith.constant 0 : i32
    %dma_start3A_134 = tpu.memref_slice %arg13[%dma_start3A_132, %dma_start3A_133] : memref<10000x32xf32, #tpu.memory_space<vmem_shared>> -> memref<10000x32xf32, #tpu.memory_space<vmem_shared>>
    tpu.enqueue_indirect_dma source(%dma_start3A_134 : memref<10000x32xf32, #tpu.memory_space<vmem_shared>>) target(%arg9 : memref<128x32xf32, #tpu.memory_space<vmem>>) offsets(%dma_start3A_131 : memref<128xi32, #tpu.memory_space<vmem>>) semaphore(%arg15 : memref<!tpu.dma_semaphore, #tpu.memory_space<semaphore_mem>>)
    %dma_start3A_135 = arith.constant 1 : i32
    %dma_start3A_136 = arith.constant 0 : i32
    %dma_start3A_137 = tpu.memref_slice %arg8[%dma_start3A_135, %dma_start3A_136] : memref<40x128xi32, #tpu.memory_space<vmem>> -> memref<1x128xi32, #tpu.memory_space<vmem>>
    %dma_start3A_138 = tpu.memref_squeeze %dma_start3A_137 : memref<1x128xi32, #tpu.memory_space<vmem>> -> memref<128xi32, #tpu.memory_space<vmem>>
    %dma_start3A_139 = arith.constant 0 : i32
    %dma_start3A_140 = arith.constant 0 : i32
    %dma_start3A_141 = tpu.memref_slice %arg13[%dma_start3A_139, %dma_start3A_140] : memref<10000x32xf32, #tpu.memory_space<vmem_shared>> -> memref<10000x32xf32, #tpu.memory_space<vmem_shared>>
    tpu.enqueue_indirect_dma source(%dma_start3A_141 : memref<10000x32xf32, #tpu.memory_space<vmem_shared>>) target(%arg10 : memref<128x32xf32, #tpu.memory_space<vmem>>) offsets(%dma_start3A_138 : memref<128xi32, #tpu.memory_space<vmem>>) semaphore(%arg16 : memref<!tpu.dma_semaphore, #tpu.memory_space<semaphore_mem>>)
    %dma_start3A_142 = arith.constant 2 : i32
    %dma_start3A_143 = arith.constant 0 : i32
    %dma_start3A_144 = tpu.memref_slice %arg8[%dma_start3A_142, %dma_start3A_143] : memref<40x128xi32, #tpu.memory_space<vmem>> -> memref<1x128xi32, #tpu.memory_space<vmem>>
    %dma_start3A_145 = tpu.memref_squeeze %dma_start3A_144 : memref<1x128xi32, #tpu.memory_space<vmem>> -> memref<128xi32, #tpu.memory_space<vmem>>
    %dma_start3A_146 = arith.constant 0 : i32
    %dma_start3A_147 = arith.constant 0 : i32
    %dma_start3A_148 = tpu.memref_slice %arg13[%dma_start3A_146, %dma_start3A_147] : memref<10000x32xf32, #tpu.memory_space<vmem_shared>> -> memref<10000x32xf32, #tpu.memory_space<vmem_shared>>
    tpu.enqueue_indirect_dma source(%dma_start3A_148 : memref<10000x32xf32, #tpu.memory_space<vmem_shared>>) target(%arg11 : memref<128x32xf32, #tpu.memory_space<vmem>>) offsets(%dma_start3A_145 : memref<128xi32, #tpu.memory_space<vmem>>) semaphore(%arg17 : memref<!tpu.dma_semaphore, #tpu.memory_space<semaphore_mem>>)
    %dma_start3A_149 = arith.constant 3 : i32
    %dma_start3A_150 = arith.constant 0 : i32
    %dma_start3A_151 = tpu.memref_slice %arg8[%dma_start3A_149, %dma_start3A_150] : memref<40x128xi32, #tpu.memory_space<vmem>> -> memref<1x128xi32, #tpu.memory_space<vmem>>
    %dma_start3A_152 = tpu.memref_squeeze %dma_start3A_151 : memref<1x128xi32, #tpu.memory_space<vmem>> -> memref<128xi32, #tpu.memory_space<vmem>>
    %dma_start3A_153 = arith.constant 0 : i32
    %dma_start3A_154 = arith.constant 0 : i32
    %dma_start3A_155 = tpu.memref_slice %arg13[%dma_start3A_153, %dma_start3A_154] : memref<10000x32xf32, #tpu.memory_space<vmem_shared>> -> memref<10000x32xf32, #tpu.memory_space<vmem_shared>>
    tpu.enqueue_indirect_dma source(%dma_start3A_155 : memref<10000x32xf32, #tpu.memory_space<vmem_shared>>) target(%arg12 : memref<128x32xf32, #tpu.memory_space<vmem>>) offsets(%dma_start3A_152 : memref<128xi32, #tpu.memory_space<vmem>>) semaphore(%arg18 : memref<!tpu.dma_semaphore, #tpu.memory_space<semaphore_mem>>)
    %dma_wait3A_156 = arith.constant 0 : i32
    %dma_wait3A_157 = arith.constant 0 : i32
    %dma_wait3A_158 = tpu.memref_slice %arg8[%dma_wait3A_156, %dma_wait3A_157] : memref<40x128xi32, #tpu.memory_space<vmem>> -> memref<1x128xi32, #tpu.memory_space<vmem>>
    %dma_wait3A_159 = tpu.memref_squeeze %dma_wait3A_158 : memref<1x128xi32, #tpu.memory_space<vmem>> -> memref<128xi32, #tpu.memory_space<vmem>>
    %dma_wait3A_160 = arith.constant 0 : i32
    %dma_wait3A_161 = arith.constant 0 : i32
    %dma_wait3A_162 = tpu.memref_slice %arg13[%dma_wait3A_160, %dma_wait3A_161] : memref<10000x32xf32, #tpu.memory_space<vmem_shared>> -> memref<10000x32xf32, #tpu.memory_space<vmem_shared>>
    tpu.wait_indirect_dma semaphore(%arg15 : memref<!tpu.dma_semaphore, #tpu.memory_space<semaphore_mem>>) src(%dma_wait3A_162 : memref<10000x32xf32, #tpu.memory_space<vmem_shared>>) dst(%arg9 : memref<128x32xf32, #tpu.memory_space<vmem>>)
    %dma_start3A_163 = arith.constant 0 : i32
    %dma_start3A_164 = arith.constant 0 : i32
    %dma_start3A_165 = tpu.memref_slice %arg7[%dma_start3A_163, %dma_start3A_164] : memref<40x128xi32, #tpu.memory_space<vmem>> -> memref<1x128xi32, #tpu.memory_space<vmem>>
    %dma_start3A_166 = tpu.memref_squeeze %dma_start3A_165 : memref<1x128xi32, #tpu.memory_space<vmem>> -> memref<128xi32, #tpu.memory_space<vmem>>
    %dma_start3A_167 = arith.constant 0 : i32
    %dma_start3A_168 = arith.constant 0 : i32
    %dma_start3A_169 = tpu.memref_slice %arg14[%dma_start3A_167, %dma_start3A_168] : memref<10240x32xf32, #tpu.memory_space<vmem_shared>> -> memref<10240x32xf32, #tpu.memory_space<vmem_shared>>
    tpu.enqueue_indirect_dma source(%arg9 : memref<128x32xf32, #tpu.memory_space<vmem>>) target(%dma_start3A_169 : memref<10240x32xf32, #tpu.memory_space<vmem_shared>>) offsets(%dma_start3A_166 : memref<128xi32, #tpu.memory_space<vmem>>) semaphore(%arg19 : memref<!tpu.dma_semaphore, #tpu.memory_space<semaphore_mem>>) {add = true}
    %dma_wait3A_170 = arith.constant 0 : i32
    %dma_wait3A_171 = arith.constant 0 : i32
    %dma_wait3A_172 = tpu.memref_slice %arg8[%dma_wait3A_170, %dma_wait3A_171] : memref<40x128xi32, #tpu.memory_space<vmem>> -> memref<1x128xi32, #tpu.memory_space<vmem>>
    %dma_wait3A_173 = tpu.memref_squeeze %dma_wait3A_172 : memref<1x128xi32, #tpu.memory_space<vmem>> -> memref<128xi32, #tpu.memory_space<vmem>>
    %dma_wait3A_174 = arith.constant 0 : i32
    %dma_wait3A_175 = arith.constant 0 : i32
    %dma_wait3A_176 = tpu.memref_slice %arg13[%dma_wait3A_174, %dma_wait3A_175] : memref<10000x32xf32, #tpu.memory_space<vmem_shared>> -> memref<10000x32xf32, #tpu.memory_space<vmem_shared>>
    tpu.wait_indirect_dma semaphore(%arg16 : memref<!tpu.dma_semaphore, #tpu.memory_space<semaphore_mem>>) src(%dma_wait3A_176 : memref<10000x32xf32, #tpu.memory_space<vmem_shared>>) dst(%arg10 : memref<128x32xf32, #tpu.memory_space<vmem>>)
    %dma_start3A_177 = arith.constant 1 : i32
    %dma_start3A_178 = arith.constant 0 : i32
    %dma_start3A_179 = tpu.memref_slice %arg7[%dma_start3A_177, %dma_start3A_178] : memref<40x128xi32, #tpu.memory_space<vmem>> -> memref<1x128xi32, #tpu.memory_space<vmem>>
    %dma_start3A_180 = tpu.memref_squeeze %dma_start3A_179 : memref<1x128xi32, #tpu.memory_space<vmem>> -> memref<128xi32, #tpu.memory_space<vmem>>
    %dma_start3A_181 = arith.constant 0 : i32
    %dma_start3A_182 = arith.constant 0 : i32
    %dma_start3A_183 = tpu.memref_slice %arg14[%dma_start3A_181, %dma_start3A_182] : memref<10240x32xf32, #tpu.memory_space<vmem_shared>> -> memref<10240x32xf32, #tpu.memory_space<vmem_shared>>
    tpu.enqueue_indirect_dma source(%arg10 : memref<128x32xf32, #tpu.memory_space<vmem>>) target(%dma_start3A_183 : memref<10240x32xf32, #tpu.memory_space<vmem_shared>>) offsets(%dma_start3A_180 : memref<128xi32, #tpu.memory_space<vmem>>) semaphore(%arg20 : memref<!tpu.dma_semaphore, #tpu.memory_space<semaphore_mem>>) {add = true}
    %scan3A_184 = arith.constant 0 : i32
    %scan3A_185 = arith.constant 0 : i32
    %scan3A_186 = arith.constant 9 : i32
    %scan3A_187 = arith.addi %scan3A_185, %scan3A_186 : i32
    %scan3A_188 = arith.constant 1 : i32
    scf.for %scan3A_491 = %scan3A_185 to %scan3A_187 step %scan3A_188  : i32 {
      %mul3A_492 = arith.constant 4 : i32
      %mul3A_493 = arith.muli %mul3A_492, %scan3A_491 : i32
      %add3A_494 = arith.constant 2 : i32
      %add3A_495 = arith.addi %mul3A_493, %add3A_494 : i32
      %add3A_496 = arith.constant 0 : i32
      %add3A_497 = arith.addi %add3A_495, %add3A_496 : i32
      %dma_wait3A_498 = arith.constant 0 : i32
      %dma_wait3A_499 = arith.constant 0 : i32
      %dma_wait3A_500 = tpu.memref_slice %arg8[%dma_wait3A_498, %dma_wait3A_499] : memref<40x128xi32, #tpu.memory_space<vmem>> -> memref<1x128xi32, #tpu.memory_space<vmem>>
      %dma_wait3A_501 = tpu.memref_squeeze %dma_wait3A_500 : memref<1x128xi32, #tpu.memory_space<vmem>> -> memref<128xi32, #tpu.memory_space<vmem>>
      %dma_wait3A_502 = arith.constant 0 : i32
      %dma_wait3A_503 = arith.constant 0 : i32
      %dma_wait3A_504 = tpu.memref_slice %arg13[%dma_wait3A_502, %dma_wait3A_503] : memref<10000x32xf32, #tpu.memory_space<vmem_shared>> -> memref<10000x32xf32, #tpu.memory_space<vmem_shared>>
      tpu.wait_indirect_dma semaphore(%arg17 : memref<!tpu.dma_semaphore, #tpu.memory_space<semaphore_mem>>) src(%dma_wait3A_504 : memref<10000x32xf32, #tpu.memory_space<vmem_shared>>) dst(%arg11 : memref<128x32xf32, #tpu.memory_space<vmem>>)
      %dma_start3A_505 = arith.constant 0 : i32
      %dma_start3A_506 = tpu.memref_slice %arg7[%add3A_497, %dma_start3A_505] : memref<40x128xi32, #tpu.memory_space<vmem>> -> memref<1x128xi32, #tpu.memory_space<vmem>>
      %dma_start3A_507 = tpu.memref_squeeze %dma_start3A_506 : memref<1x128xi32, #tpu.memory_space<vmem>> -> memref<128xi32, #tpu.memory_space<vmem>>
      %dma_start3A_508 = arith.constant 0 : i32
      %dma_start3A_509 = arith.constant 0 : i32
      %dma_start3A_510 = tpu.memref_slice %arg14[%dma_start3A_508, %dma_start3A_509] : memref<10240x32xf32, #tpu.memory_space<vmem_shared>> -> memref<10240x32xf32, #tpu.memory_space<vmem_shared>>
      tpu.enqueue_indirect_dma source(%arg11 : memref<128x32xf32, #tpu.memory_space<vmem>>) target(%dma_start3A_510 : memref<10240x32xf32, #tpu.memory_space<vmem_shared>>) offsets(%dma_start3A_507 : memref<128xi32, #tpu.memory_space<vmem>>) semaphore(%arg21 : memref<!tpu.dma_semaphore, #tpu.memory_space<semaphore_mem>>) {add = true}
      %dma_wait3A_511 = arith.constant 0 : i32
      %dma_wait3A_512 = arith.constant 0 : i32
      %dma_wait3A_513 = tpu.memref_slice %arg7[%dma_wait3A_511, %dma_wait3A_512] : memref<40x128xi32, #tpu.memory_space<vmem>> -> memref<1x128xi32, #tpu.memory_space<vmem>>
      %dma_wait3A_514 = tpu.memref_squeeze %dma_wait3A_513 : memref<1x128xi32, #tpu.memory_space<vmem>> -> memref<128xi32, #tpu.memory_space<vmem>>
      %dma_wait3A_515 = arith.constant 0 : i32
      %dma_wait3A_516 = arith.constant 0 : i32
      %dma_wait3A_517 = tpu.memref_slice %arg14[%dma_wait3A_515, %dma_wait3A_516] : memref<10240x32xf32, #tpu.memory_space<vmem_shared>> -> memref<10240x32xf32, #tpu.memory_space<vmem_shared>>
      tpu.wait_indirect_dma semaphore(%arg19 : memref<!tpu.dma_semaphore, #tpu.memory_space<semaphore_mem>>) src(%arg9 : memref<128x32xf32, #tpu.memory_space<vmem>>) dst(%dma_wait3A_517 : memref<10240x32xf32, #tpu.memory_space<vmem_shared>>)
      %add3A_518 = arith.constant 2 : i32
      %add3A_519 = arith.addi %add3A_497, %add3A_518 : i32
      %min3A = arith.constant 39 : i32
      %min3A_520 = arith.minsi %add3A_519, %min3A : i32
      %dma_start3A_521 = arith.constant 0 : i32
      %dma_start3A_522 = tpu.memref_slice %arg8[%min3A_520, %dma_start3A_521] : memref<40x128xi32, #tpu.memory_space<vmem>> -> memref<1x128xi32, #tpu.memory_space<vmem>>
      %dma_start3A_523 = tpu.memref_squeeze %dma_start3A_522 : memref<1x128xi32, #tpu.memory_space<vmem>> -> memref<128xi32, #tpu.memory_space<vmem>>
      %dma_start3A_524 = arith.constant 0 : i32
      %dma_start3A_525 = arith.constant 0 : i32
      %dma_start3A_526 = tpu.memref_slice %arg13[%dma_start3A_524, %dma_start3A_525] : memref<10000x32xf32, #tpu.memory_space<vmem_shared>> -> memref<10000x32xf32, #tpu.memory_space<vmem_shared>>
      tpu.enqueue_indirect_dma source(%dma_start3A_526 : memref<10000x32xf32, #tpu.memory_space<vmem_shared>>) target(%arg9 : memref<128x32xf32, #tpu.memory_space<vmem>>) offsets(%dma_start3A_523 : memref<128xi32, #tpu.memory_space<vmem>>) semaphore(%arg15 : memref<!tpu.dma_semaphore, #tpu.memory_space<semaphore_mem>>)
      %mul3A_527 = arith.constant 4 : i32
      %mul3A_528 = arith.muli %mul3A_527, %scan3A_491 : i32
      %add3A_529 = arith.constant 2 : i32
      %add3A_530 = arith.addi %mul3A_528, %add3A_529 : i32
      %add3A_531 = arith.constant 1 : i32
      %add3A_532 = arith.addi %add3A_530, %add3A_531 : i32
      %dma_wait3A_533 = arith.constant 0 : i32
      %dma_wait3A_534 = arith.constant 0 : i32
      %dma_wait3A_535 = tpu.memref_slice %arg8[%dma_wait3A_533, %dma_wait3A_534] : memref<40x128xi32, #tpu.memory_space<vmem>> -> memref<1x128xi32, #tpu.memory_space<vmem>>
      %dma_wait3A_536 = tpu.memref_squeeze %dma_wait3A_535 : memref<1x128xi32, #tpu.memory_space<vmem>> -> memref<128xi32, #tpu.memory_space<vmem>>
      %dma_wait3A_537 = arith.constant 0 : i32
      %dma_wait3A_538 = arith.constant 0 : i32
      %dma_wait3A_539 = tpu.memref_slice %arg13[%dma_wait3A_537, %dma_wait3A_538] : memref<10000x32xf32, #tpu.memory_space<vmem_shared>> -> memref<10000x32xf32, #tpu.memory_space<vmem_shared>>
      tpu.wait_indirect_dma semaphore(%arg18 : memref<!tpu.dma_semaphore, #tpu.memory_space<semaphore_mem>>) src(%dma_wait3A_539 : memref<10000x32xf32, #tpu.memory_space<vmem_shared>>) dst(%arg12 : memref<128x32xf32, #tpu.memory_space<vmem>>)
      %dma_start3A_540 = arith.constant 0 : i32
      %dma_start3A_541 = tpu.memref_slice %arg7[%add3A_532, %dma_start3A_540] : memref<40x128xi32, #tpu.memory_space<vmem>> -> memref<1x128xi32, #tpu.memory_space<vmem>>
      %dma_start3A_542 = tpu.memref_squeeze %dma_start3A_541 : memref<1x128xi32, #tpu.memory_space<vmem>> -> memref<128xi32, #tpu.memory_space<vmem>>
      %dma_start3A_543 = arith.constant 0 : i32
      %dma_start3A_544 = arith.constant 0 : i32
      %dma_start3A_545 = tpu.memref_slice %arg14[%dma_start3A_543, %dma_start3A_544] : memref<10240x32xf32, #tpu.memory_space<vmem_shared>> -> memref<10240x32xf32, #tpu.memory_space<vmem_shared>>
      tpu.enqueue_indirect_dma source(%arg12 : memref<128x32xf32, #tpu.memory_space<vmem>>) target(%dma_start3A_545 : memref<10240x32xf32, #tpu.memory_space<vmem_shared>>) offsets(%dma_start3A_542 : memref<128xi32, #tpu.memory_space<vmem>>) semaphore(%arg22 : memref<!tpu.dma_semaphore, #tpu.memory_space<semaphore_mem>>) {add = true}
      %dma_wait3A_546 = arith.constant 0 : i32
      %dma_wait3A_547 = arith.constant 0 : i32
      %dma_wait3A_548 = tpu.memref_slice %arg7[%dma_wait3A_546, %dma_wait3A_547] : memref<40x128xi32, #tpu.memory_space<vmem>> -> memref<1x128xi32, #tpu.memory_space<vmem>>
      %dma_wait3A_549 = tpu.memref_squeeze %dma_wait3A_548 : memref<1x128xi32, #tpu.memory_space<vmem>> -> memref<128xi32, #tpu.memory_space<vmem>>
      %dma_wait3A_550 = arith.constant 0 : i32
      %dma_wait3A_551 = arith.constant 0 : i32
      %dma_wait3A_552 = tpu.memref_slice %arg14[%dma_wait3A_550, %dma_wait3A_551] : memref<10240x32xf32, #tpu.memory_space<vmem_shared>> -> memref<10240x32xf32, #tpu.memory_space<vmem_shared>>
      tpu.wait_indirect_dma semaphore(%arg20 : memref<!tpu.dma_semaphore, #tpu.memory_space<semaphore_mem>>) src(%arg10 : memref<128x32xf32, #tpu.memory_space<vmem>>) dst(%dma_wait3A_552 : memref<10240x32xf32, #tpu.memory_space<vmem_shared>>)
      %add3A_553 = arith.constant 2 : i32
      %add3A_554 = arith.addi %add3A_532, %add3A_553 : i32
      %min3A_555 = arith.constant 39 : i32
      %min3A_556 = arith.minsi %add3A_554, %min3A_555 : i32
      %dma_start3A_557 = arith.constant 0 : i32
      %dma_start3A_558 = tpu.memref_slice %arg8[%min3A_556, %dma_start3A_557] : memref<40x128xi32, #tpu.memory_space<vmem>> -> memref<1x128xi32, #tpu.memory_space<vmem>>
      %dma_start3A_559 = tpu.memref_squeeze %dma_start3A_558 : memref<1x128xi32, #tpu.memory_space<vmem>> -> memref<128xi32, #tpu.memory_space<vmem>>
      %dma_start3A_560 = arith.constant 0 : i32
      %dma_start3A_561 = arith.constant 0 : i32
      %dma_start3A_562 = tpu.memref_slice %arg13[%dma_start3A_560, %dma_start3A_561] : memref<10000x32xf32, #tpu.memory_space<vmem_shared>> -> memref<10000x32xf32, #tpu.memory_space<vmem_shared>>
      tpu.enqueue_indirect_dma source(%dma_start3A_562 : memref<10000x32xf32, #tpu.memory_space<vmem_shared>>) target(%arg10 : memref<128x32xf32, #tpu.memory_space<vmem>>) offsets(%dma_start3A_559 : memref<128xi32, #tpu.memory_space<vmem>>) semaphore(%arg16 : memref<!tpu.dma_semaphore, #tpu.memory_space<semaphore_mem>>)
      %mul3A_563 = arith.constant 4 : i32
      %mul3A_564 = arith.muli %mul3A_563, %scan3A_491 : i32
      %add3A_565 = arith.constant 2 : i32
      %add3A_566 = arith.addi %mul3A_564, %add3A_565 : i32
      %add3A_567 = arith.constant 2 : i32
      %add3A_568 = arith.addi %add3A_566, %add3A_567 : i32
      %dma_wait3A_569 = arith.constant 0 : i32
      %dma_wait3A_570 = arith.constant 0 : i32
      %dma_wait3A_571 = tpu.memref_slice %arg8[%dma_wait3A_569, %dma_wait3A_570] : memref<40x128xi32, #tpu.memory_space<vmem>> -> memref<1x128xi32, #tpu.memory_space<vmem>>
      %dma_wait3A_572 = tpu.memref_squeeze %dma_wait3A_571 : memref<1x128xi32, #tpu.memory_space<vmem>> -> memref<128xi32, #tpu.memory_space<vmem>>
      %dma_wait3A_573 = arith.constant 0 : i32
      %dma_wait3A_574 = arith.constant 0 : i32
      %dma_wait3A_575 = tpu.memref_slice %arg13[%dma_wait3A_573, %dma_wait3A_574] : memref<10000x32xf32, #tpu.memory_space<vmem_shared>> -> memref<10000x32xf32, #tpu.memory_space<vmem_shared>>
      tpu.wait_indirect_dma semaphore(%arg15 : memref<!tpu.dma_semaphore, #tpu.memory_space<semaphore_mem>>) src(%dma_wait3A_575 : memref<10000x32xf32, #tpu.memory_space<vmem_shared>>) dst(%arg9 : memref<128x32xf32, #tpu.memory_space<vmem>>)
      %dma_start3A_576 = arith.constant 0 : i32
      %dma_start3A_577 = tpu.memref_slice %arg7[%add3A_568, %dma_start3A_576] : memref<40x128xi32, #tpu.memory_space<vmem>> -> memref<1x128xi32, #tpu.memory_space<vmem>>
      %dma_start3A_578 = tpu.memref_squeeze %dma_start3A_577 : memref<1x128xi32, #tpu.memory_space<vmem>> -> memref<128xi32, #tpu.memory_space<vmem>>
      %dma_start3A_579 = arith.constant 0 : i32
      %dma_start3A_580 = arith.constant 0 : i32
      %dma_start3A_581 = tpu.memref_slice %arg14[%dma_start3A_579, %dma_start3A_580] : memref<10240x32xf32, #tpu.memory_space<vmem_shared>> -> memref<10240x32xf32, #tpu.memory_space<vmem_shared>>
      tpu.enqueue_indirect_dma source(%arg9 : memref<128x32xf32, #tpu.memory_space<vmem>>) target(%dma_start3A_581 : memref<10240x32xf32, #tpu.memory_space<vmem_shared>>) offsets(%dma_start3A_578 : memref<128xi32, #tpu.memory_space<vmem>>) semaphore(%arg19 : memref<!tpu.dma_semaphore, #tpu.memory_space<semaphore_mem>>) {add = true}
      %dma_wait3A_582 = arith.constant 0 : i32
      %dma_wait3A_583 = arith.constant 0 : i32
      %dma_wait3A_584 = tpu.memref_slice %arg7[%dma_wait3A_582, %dma_wait3A_583] : memref<40x128xi32, #tpu.memory_space<vmem>> -> memref<1x128xi32, #tpu.memory_space<vmem>>
      %dma_wait3A_585 = tpu.memref_squeeze %dma_wait3A_584 : memref<1x128xi32, #tpu.memory_space<vmem>> -> memref<128xi32, #tpu.memory_space<vmem>>
      %dma_wait3A_586 = arith.constant 0 : i32
      %dma_wait3A_587 = arith.constant 0 : i32
      %dma_wait3A_588 = tpu.memref_slice %arg14[%dma_wait3A_586, %dma_wait3A_587] : memref<10240x32xf32, #tpu.memory_space<vmem_shared>> -> memref<10240x32xf32, #tpu.memory_space<vmem_shared>>
      tpu.wait_indirect_dma semaphore(%arg21 : memref<!tpu.dma_semaphore, #tpu.memory_space<semaphore_mem>>) src(%arg11 : memref<128x32xf32, #tpu.memory_space<vmem>>) dst(%dma_wait3A_588 : memref<10240x32xf32, #tpu.memory_space<vmem_shared>>)
      %add3A_589 = arith.constant 2 : i32
      %add3A_590 = arith.addi %add3A_568, %add3A_589 : i32
      %min3A_591 = arith.constant 39 : i32
      %min3A_592 = arith.minsi %add3A_590, %min3A_591 : i32
      %dma_start3A_593 = arith.constant 0 : i32
      %dma_start3A_594 = tpu.memref_slice %arg8[%min3A_592, %dma_start3A_593] : memref<40x128xi32, #tpu.memory_space<vmem>> -> memref<1x128xi32, #tpu.memory_space<vmem>>
      %dma_start3A_595 = tpu.memref_squeeze %dma_start3A_594 : memref<1x128xi32, #tpu.memory_space<vmem>> -> memref<128xi32, #tpu.memory_space<vmem>>
      %dma_start3A_596 = arith.constant 0 : i32
      %dma_start3A_597 = arith.constant 0 : i32
      %dma_start3A_598 = tpu.memref_slice %arg13[%dma_start3A_596, %dma_start3A_597] : memref<10000x32xf32, #tpu.memory_space<vmem_shared>> -> memref<10000x32xf32, #tpu.memory_space<vmem_shared>>
      tpu.enqueue_indirect_dma source(%dma_start3A_598 : memref<10000x32xf32, #tpu.memory_space<vmem_shared>>) target(%arg11 : memref<128x32xf32, #tpu.memory_space<vmem>>) offsets(%dma_start3A_595 : memref<128xi32, #tpu.memory_space<vmem>>) semaphore(%arg17 : memref<!tpu.dma_semaphore, #tpu.memory_space<semaphore_mem>>)
      %mul3A_599 = arith.constant 4 : i32
      %mul3A_600 = arith.muli %mul3A_599, %scan3A_491 : i32
      %add3A_601 = arith.constant 2 : i32
      %add3A_602 = arith.addi %mul3A_600, %add3A_601 : i32
      %add3A_603 = arith.constant 3 : i32
      %add3A_604 = arith.addi %add3A_602, %add3A_603 : i32
      %dma_wait3A_605 = arith.constant 0 : i32
      %dma_wait3A_606 = arith.constant 0 : i32
      %dma_wait3A_607 = tpu.memref_slice %arg8[%dma_wait3A_605, %dma_wait3A_606] : memref<40x128xi32, #tpu.memory_space<vmem>> -> memref<1x128xi32, #tpu.memory_space<vmem>>
      %dma_wait3A_608 = tpu.memref_squeeze %dma_wait3A_607 : memref<1x128xi32, #tpu.memory_space<vmem>> -> memref<128xi32, #tpu.memory_space<vmem>>
      %dma_wait3A_609 = arith.constant 0 : i32
      %dma_wait3A_610 = arith.constant 0 : i32
      %dma_wait3A_611 = tpu.memref_slice %arg13[%dma_wait3A_609, %dma_wait3A_610] : memref<10000x32xf32, #tpu.memory_space<vmem_shared>> -> memref<10000x32xf32, #tpu.memory_space<vmem_shared>>
      tpu.wait_indirect_dma semaphore(%arg16 : memref<!tpu.dma_semaphore, #tpu.memory_space<semaphore_mem>>) src(%dma_wait3A_611 : memref<10000x32xf32, #tpu.memory_space<vmem_shared>>) dst(%arg10 : memref<128x32xf32, #tpu.memory_space<vmem>>)
      %dma_start3A_612 = arith.constant 0 : i32
      %dma_start3A_613 = tpu.memref_slice %arg7[%add3A_604, %dma_start3A_612] : memref<40x128xi32, #tpu.memory_space<vmem>> -> memref<1x128xi32, #tpu.memory_space<vmem>>
      %dma_start3A_614 = tpu.memref_squeeze %dma_start3A_613 : memref<1x128xi32, #tpu.memory_space<vmem>> -> memref<128xi32, #tpu.memory_space<vmem>>
      %dma_start3A_615 = arith.constant 0 : i32
      %dma_start3A_616 = arith.constant 0 : i32
      %dma_start3A_617 = tpu.memref_slice %arg14[%dma_start3A_615, %dma_start3A_616] : memref<10240x32xf32, #tpu.memory_space<vmem_shared>> -> memref<10240x32xf32, #tpu.memory_space<vmem_shared>>
      tpu.enqueue_indirect_dma source(%arg10 : memref<128x32xf32, #tpu.memory_space<vmem>>) target(%dma_start3A_617 : memref<10240x32xf32, #tpu.memory_space<vmem_shared>>) offsets(%dma_start3A_614 : memref<128xi32, #tpu.memory_space<vmem>>) semaphore(%arg20 : memref<!tpu.dma_semaphore, #tpu.memory_space<semaphore_mem>>) {add = true}
      %dma_wait3A_618 = arith.constant 0 : i32
      %dma_wait3A_619 = arith.constant 0 : i32
      %dma_wait3A_620 = tpu.memref_slice %arg7[%dma_wait3A_618, %dma_wait3A_619] : memref<40x128xi32, #tpu.memory_space<vmem>> -> memref<1x128xi32, #tpu.memory_space<vmem>>
      %dma_wait3A_621 = tpu.memref_squeeze %dma_wait3A_620 : memref<1x128xi32, #tpu.memory_space<vmem>> -> memref<128xi32, #tpu.memory_space<vmem>>
      %dma_wait3A_622 = arith.constant 0 : i32
      %dma_wait3A_623 = arith.constant 0 : i32
      %dma_wait3A_624 = tpu.memref_slice %arg14[%dma_wait3A_622, %dma_wait3A_623] : memref<10240x32xf32, #tpu.memory_space<vmem_shared>> -> memref<10240x32xf32, #tpu.memory_space<vmem_shared>>
      tpu.wait_indirect_dma semaphore(%arg22 : memref<!tpu.dma_semaphore, #tpu.memory_space<semaphore_mem>>) src(%arg12 : memref<128x32xf32, #tpu.memory_space<vmem>>) dst(%dma_wait3A_624 : memref<10240x32xf32, #tpu.memory_space<vmem_shared>>)
      %add3A_625 = arith.constant 2 : i32
      %add3A_626 = arith.addi %add3A_604, %add3A_625 : i32
      %min3A_627 = arith.constant 39 : i32
      %min3A_628 = arith.minsi %add3A_626, %min3A_627 : i32
      %dma_start3A_629 = arith.constant 0 : i32
      %dma_start3A_630 = tpu.memref_slice %arg8[%min3A_628, %dma_start3A_629] : memref<40x128xi32, #tpu.memory_space<vmem>> -> memref<1x128xi32, #tpu.memory_space<vmem>>
      %dma_start3A_631 = tpu.memref_squeeze %dma_start3A_630 : memref<1x128xi32, #tpu.memory_space<vmem>> -> memref<128xi32, #tpu.memory_space<vmem>>
      %dma_start3A_632 = arith.constant 0 : i32
      %dma_start3A_633 = arith.constant 0 : i32
      %dma_start3A_634 = tpu.memref_slice %arg13[%dma_start3A_632, %dma_start3A_633] : memref<10000x32xf32, #tpu.memory_space<vmem_shared>> -> memref<10000x32xf32, #tpu.memory_space<vmem_shared>>
      tpu.enqueue_indirect_dma source(%dma_start3A_634 : memref<10000x32xf32, #tpu.memory_space<vmem_shared>>) target(%arg12 : memref<128x32xf32, #tpu.memory_space<vmem>>) offsets(%dma_start3A_631 : memref<128xi32, #tpu.memory_space<vmem>>) semaphore(%arg18 : memref<!tpu.dma_semaphore, #tpu.memory_space<semaphore_mem>>)
    }
    %scan3A_189 = arith.constant 9 : i32
    %dma_wait3A_190 = arith.constant 0 : i32
    %dma_wait3A_191 = arith.constant 0 : i32
    %dma_wait3A_192 = tpu.memref_slice %arg8[%dma_wait3A_190, %dma_wait3A_191] : memref<40x128xi32, #tpu.memory_space<vmem>> -> memref<1x128xi32, #tpu.memory_space<vmem>>
    %dma_wait3A_193 = tpu.memref_squeeze %dma_wait3A_192 : memref<1x128xi32, #tpu.memory_space<vmem>> -> memref<128xi32, #tpu.memory_space<vmem>>
    %dma_wait3A_194 = arith.constant 0 : i32
    %dma_wait3A_195 = arith.constant 0 : i32
    %dma_wait3A_196 = tpu.memref_slice %arg13[%dma_wait3A_194, %dma_wait3A_195] : memref<10000x32xf32, #tpu.memory_space<vmem_shared>> -> memref<10000x32xf32, #tpu.memory_space<vmem_shared>>
    tpu.wait_indirect_dma semaphore(%arg17 : memref<!tpu.dma_semaphore, #tpu.memory_space<semaphore_mem>>) src(%dma_wait3A_196 : memref<10000x32xf32, #tpu.memory_space<vmem_shared>>) dst(%arg11 : memref<128x32xf32, #tpu.memory_space<vmem>>)
    %dma_start3A_197 = arith.constant 38 : i32
    %dma_start3A_198 = arith.constant 0 : i32
    %dma_start3A_199 = tpu.memref_slice %arg7[%dma_start3A_197, %dma_start3A_198] : memref<40x128xi32, #tpu.memory_space<vmem>> -> memref<1x128xi32, #tpu.memory_space<vmem>>
    %dma_start3A_200 = tpu.memref_squeeze %dma_start3A_199 : memref<1x128xi32, #tpu.memory_space<vmem>> -> memref<128xi32, #tpu.memory_space<vmem>>
    %dma_start3A_201 = arith.constant 0 : i32
    %dma_start3A_202 = arith.constant 0 : i32
    %dma_start3A_203 = tpu.memref_slice %arg14[%dma_start3A_201, %dma_start3A_202] : memref<10240x32xf32, #tpu.memory_space<vmem_shared>> -> memref<10240x32xf32, #tpu.memory_space<vmem_shared>>
    tpu.enqueue_indirect_dma source(%arg11 : memref<128x32xf32, #tpu.memory_space<vmem>>) target(%dma_start3A_203 : memref<10240x32xf32, #tpu.memory_space<vmem_shared>>) offsets(%dma_start3A_200 : memref<128xi32, #tpu.memory_space<vmem>>) semaphore(%arg21 : memref<!tpu.dma_semaphore, #tpu.memory_space<semaphore_mem>>) {add = true}
    %dma_wait3A_204 = arith.constant 0 : i32
    %dma_wait3A_205 = arith.constant 0 : i32
    %dma_wait3A_206 = tpu.memref_slice %arg8[%dma_wait3A_204, %dma_wait3A_205] : memref<40x128xi32, #tpu.memory_space<vmem>> -> memref<1x128xi32, #tpu.memory_space<vmem>>
    %dma_wait3A_207 = tpu.memref_squeeze %dma_wait3A_206 : memref<1x128xi32, #tpu.memory_space<vmem>> -> memref<128xi32, #tpu.memory_space<vmem>>
    %dma_wait3A_208 = arith.constant 0 : i32
    %dma_wait3A_209 = arith.constant 0 : i32
    %dma_wait3A_210 = tpu.memref_slice %arg13[%dma_wait3A_208, %dma_wait3A_209] : memref<10000x32xf32, #tpu.memory_space<vmem_shared>> -> memref<10000x32xf32, #tpu.memory_space<vmem_shared>>
    tpu.wait_indirect_dma semaphore(%arg18 : memref<!tpu.dma_semaphore, #tpu.memory_space<semaphore_mem>>) src(%dma_wait3A_210 : memref<10000x32xf32, #tpu.memory_space<vmem_shared>>) dst(%arg12 : memref<128x32xf32, #tpu.memory_space<vmem>>)
    %dma_start3A_211 = arith.constant 39 : i32
    %dma_start3A_212 = arith.constant 0 : i32
    %dma_start3A_213 = tpu.memref_slice %arg7[%dma_start3A_211, %dma_start3A_212] : memref<40x128xi32, #tpu.memory_space<vmem>> -> memref<1x128xi32, #tpu.memory_space<vmem>>
    %dma_start3A_214 = tpu.memref_squeeze %dma_start3A_213 : memref<1x128xi32, #tpu.memory_space<vmem>> -> memref<128xi32, #tpu.memory_space<vmem>>
    %dma_start3A_215 = arith.constant 0 : i32
    %dma_start3A_216 = arith.constant 0 : i32
    %dma_start3A_217 = tpu.memref_slice %arg14[%dma_start3A_215, %dma_start3A_216] : memref<10240x32xf32, #tpu.memory_space<vmem_shared>> -> memref<10240x32xf32, #tpu.memory_space<vmem_shared>>
    tpu.enqueue_indirect_dma source(%arg12 : memref<128x32xf32, #tpu.memory_space<vmem>>) target(%dma_start3A_217 : memref<10240x32xf32, #tpu.memory_space<vmem_shared>>) offsets(%dma_start3A_214 : memref<128xi32, #tpu.memory_space<vmem>>) semaphore(%arg22 : memref<!tpu.dma_semaphore, #tpu.memory_space<semaphore_mem>>) {add = true}
    %dma_wait3A_218 = arith.constant 0 : i32
    %dma_wait3A_219 = arith.constant 0 : i32
    %dma_wait3A_220 = tpu.memref_slice %arg7[%dma_wait3A_218, %dma_wait3A_219] : memref<40x128xi32, #tpu.memory_space<vmem>> -> memref<1x128xi32, #tpu.memory_space<vmem>>
    %dma_wait3A_221 = tpu.memref_squeeze %dma_wait3A_220 : memref<1x128xi32, #tpu.memory_space<vmem>> -> memref<128xi32, #tpu.memory_space<vmem>>
    %dma_wait3A_222 = arith.constant 0 : i32
    %dma_wait3A_223 = arith.constant 0 : i32
    %dma_wait3A_224 = tpu.memref_slice %arg14[%dma_wait3A_222, %dma_wait3A_223] : memref<10240x32xf32, #tpu.memory_space<vmem_shared>> -> memref<10240x32xf32, #tpu.memory_space<vmem_shared>>
    tpu.wait_indirect_dma semaphore(%arg19 : memref<!tpu.dma_semaphore, #tpu.memory_space<semaphore_mem>>) src(%arg9 : memref<128x32xf32, #tpu.memory_space<vmem>>) dst(%dma_wait3A_224 : memref<10240x32xf32, #tpu.memory_space<vmem_shared>>)
    %dma_wait3A_225 = arith.constant 0 : i32
    %dma_wait3A_226 = arith.constant 0 : i32
    %dma_wait3A_227 = tpu.memref_slice %arg7[%dma_wait3A_225, %dma_wait3A_226] : memref<40x128xi32, #tpu.memory_space<vmem>> -> memref<1x128xi32, #tpu.memory_space<vmem>>
    %dma_wait3A_228 = tpu.memref_squeeze %dma_wait3A_227 : memref<1x128xi32, #tpu.memory_space<vmem>> -> memref<128xi32, #tpu.memory_space<vmem>>
    %dma_wait3A_229 = arith.constant 0 : i32
    %dma_wait3A_230 = arith.constant 0 : i32
    %dma_wait3A_231 = tpu.memref_slice %arg14[%dma_wait3A_229, %dma_wait3A_230] : memref<10240x32xf32, #tpu.memory_space<vmem_shared>> -> memref<10240x32xf32, #tpu.memory_space<vmem_shared>>
    tpu.wait_indirect_dma semaphore(%arg20 : memref<!tpu.dma_semaphore, #tpu.memory_space<semaphore_mem>>) src(%arg10 : memref<128x32xf32, #tpu.memory_space<vmem>>) dst(%dma_wait3A_231 : memref<10240x32xf32, #tpu.memory_space<vmem_shared>>)
    %dma_wait3A_232 = arith.constant 0 : i32
    %dma_wait3A_233 = arith.constant 0 : i32
    %dma_wait3A_234 = tpu.memref_slice %arg7[%dma_wait3A_232, %dma_wait3A_233] : memref<40x128xi32, #tpu.memory_space<vmem>> -> memref<1x128xi32, #tpu.memory_space<vmem>>
    %dma_wait3A_235 = tpu.memref_squeeze %dma_wait3A_234 : memref<1x128xi32, #tpu.memory_space<vmem>> -> memref<128xi32, #tpu.memory_space<vmem>>
    %dma_wait3A_236 = arith.constant 0 : i32
    %dma_wait3A_237 = arith.constant 0 : i32
    %dma_wait3A_238 = tpu.memref_slice %arg14[%dma_wait3A_236, %dma_wait3A_237] : memref<10240x32xf32, #tpu.memory_space<vmem_shared>> -> memref<10240x32xf32, #tpu.memory_space<vmem_shared>>
    tpu.wait_indirect_dma semaphore(%arg21 : memref<!tpu.dma_semaphore, #tpu.memory_space<semaphore_mem>>) src(%arg11 : memref<128x32xf32, #tpu.memory_space<vmem>>) dst(%dma_wait3A_238 : memref<10240x32xf32, #tpu.memory_space<vmem_shared>>)
    %dma_wait3A_239 = arith.constant 0 : i32
    %dma_wait3A_240 = arith.constant 0 : i32
    %dma_wait3A_241 = tpu.memref_slice %arg7[%dma_wait3A_239, %dma_wait3A_240] : memref<40x128xi32, #tpu.memory_space<vmem>> -> memref<1x128xi32, #tpu.memory_space<vmem>>
    %dma_wait3A_242 = tpu.memref_squeeze %dma_wait3A_241 : memref<1x128xi32, #tpu.memory_space<vmem>> -> memref<128xi32, #tpu.memory_space<vmem>>
    %dma_wait3A_243 = arith.constant 0 : i32
    %dma_wait3A_244 = arith.constant 0 : i32
    %dma_wait3A_245 = tpu.memref_slice %arg14[%dma_wait3A_243, %dma_wait3A_244] : memref<10240x32xf32, #tpu.memory_space<vmem_shared>> -> memref<10240x32xf32, #tpu.memory_space<vmem_shared>>
    tpu.wait_indirect_dma semaphore(%arg22 : memref<!tpu.dma_semaphore, #tpu.memory_space<semaphore_mem>>) src(%arg12 : memref<128x32xf32, #tpu.memory_space<vmem>>) dst(%dma_wait3A_245 : memref<10240x32xf32, #tpu.memory_space<vmem_shared>>)
    %mul3A_246 = arith.constant 160 : i32
    %mul3A_247 = arith.muli %arg1, %mul3A_246 : i32
    %add3A_248 = arith.constant 80 : i32
    %add3A_249 = arith.addi %mul3A_247, %add3A_248 : i32
    "tpu.region"() ({
      %run_scoped3A = tpu.sem_alloc : memref<!tpu.dma_semaphore, #tpu.memory_space<semaphore_mem>>
      %dma_start3A_491 = arith.constant 0 : i32
      %dma_start3A_492 = tpu.memref_slice %arg3[%add3A_249, %dma_start3A_491] : memref<2560x128xi32, #tpu.memory_space<hbm>> -> memref<40x128xi32, #tpu.memory_space<hbm>>
      %dma_start3A_493 = arith.constant 0 : i32
      %dma_start3A_494 = tpu.memref_slice %arg3[%add3A_249, %dma_start3A_493] : memref<2560x128xi32, #tpu.memory_space<hbm>> -> memref<40x128xi32, #tpu.memory_space<hbm>>
      tpu.enqueue_dma source(%dma_start3A_494 : memref<40x128xi32, #tpu.memory_space<hbm>>) target(%arg7 : memref<40x128xi32, #tpu.memory_space<vmem>>) target_semaphore(%run_scoped3A : memref<!tpu.dma_semaphore, #tpu.memory_space<semaphore_mem>>)
      %dma_wait3A_495 = arith.constant 0 : i32
      %dma_wait3A_496 = tpu.memref_slice %arg3[%add3A_249, %dma_wait3A_495] : memref<2560x128xi32, #tpu.memory_space<hbm>> -> memref<40x128xi32, #tpu.memory_space<hbm>>
      %dma_wait3A_497 = arith.constant 0 : i32
      %dma_wait3A_498 = tpu.memref_slice %arg3[%add3A_249, %dma_wait3A_497] : memref<2560x128xi32, #tpu.memory_space<hbm>> -> memref<40x128xi32, #tpu.memory_space<hbm>>
      tpu.wait_dma2 semaphore(%run_scoped3A : memref<!tpu.dma_semaphore, #tpu.memory_space<semaphore_mem>>) src(%dma_wait3A_498 : memref<40x128xi32, #tpu.memory_space<hbm>>) dst(%arg7 : memref<40x128xi32, #tpu.memory_space<vmem>>)
      tpu.yield
    }) : () -> ()
    "tpu.region"() ({
      %run_scoped3A = tpu.sem_alloc : memref<!tpu.dma_semaphore, #tpu.memory_space<semaphore_mem>>
      %dma_start3A_491 = arith.constant 0 : i32
      %dma_start3A_492 = tpu.memref_slice %arg4[%add3A_249, %dma_start3A_491] : memref<2560x128xi32, #tpu.memory_space<hbm>> -> memref<40x128xi32, #tpu.memory_space<hbm>>
      %dma_start3A_493 = arith.constant 0 : i32
      %dma_start3A_494 = tpu.memref_slice %arg4[%add3A_249, %dma_start3A_493] : memref<2560x128xi32, #tpu.memory_space<hbm>> -> memref<40x128xi32, #tpu.memory_space<hbm>>
      tpu.enqueue_dma source(%dma_start3A_494 : memref<40x128xi32, #tpu.memory_space<hbm>>) target(%arg8 : memref<40x128xi32, #tpu.memory_space<vmem>>) target_semaphore(%run_scoped3A : memref<!tpu.dma_semaphore, #tpu.memory_space<semaphore_mem>>)
      %dma_wait3A_495 = arith.constant 0 : i32
      %dma_wait3A_496 = tpu.memref_slice %arg4[%add3A_249, %dma_wait3A_495] : memref<2560x128xi32, #tpu.memory_space<hbm>> -> memref<40x128xi32, #tpu.memory_space<hbm>>
      %dma_wait3A_497 = arith.constant 0 : i32
      %dma_wait3A_498 = tpu.memref_slice %arg4[%add3A_249, %dma_wait3A_497] : memref<2560x128xi32, #tpu.memory_space<hbm>> -> memref<40x128xi32, #tpu.memory_space<hbm>>
      tpu.wait_dma2 semaphore(%run_scoped3A : memref<!tpu.dma_semaphore, #tpu.memory_space<semaphore_mem>>) src(%dma_wait3A_498 : memref<40x128xi32, #tpu.memory_space<hbm>>) dst(%arg8 : memref<40x128xi32, #tpu.memory_space<vmem>>)
      tpu.yield
    }) : () -> ()
    %dma_start3A_250 = arith.constant 0 : i32
    %dma_start3A_251 = arith.constant 0 : i32
    %dma_start3A_252 = tpu.memref_slice %arg8[%dma_start3A_250, %dma_start3A_251] : memref<40x128xi32, #tpu.memory_space<vmem>> -> memref<1x128xi32, #tpu.memory_space<vmem>>
    %dma_start3A_253 = tpu.memref_squeeze %dma_start3A_252 : memref<1x128xi32, #tpu.memory_space<vmem>> -> memref<128xi32, #tpu.memory_space<vmem>>
    %dma_start3A_254 = arith.constant 0 : i32
    %dma_start3A_255 = arith.constant 0 : i32
    %dma_start3A_256 = tpu.memref_slice %arg13[%dma_start3A_254, %dma_start3A_255] : memref<10000x32xf32, #tpu.memory_space<vmem_shared>> -> memref<10000x32xf32, #tpu.memory_space<vmem_shared>>
    tpu.enqueue_indirect_dma source(%dma_start3A_256 : memref<10000x32xf32, #tpu.memory_space<vmem_shared>>) target(%arg9 : memref<128x32xf32, #tpu.memory_space<vmem>>) offsets(%dma_start3A_253 : memref<128xi32, #tpu.memory_space<vmem>>) semaphore(%arg15 : memref<!tpu.dma_semaphore, #tpu.memory_space<semaphore_mem>>)
    %dma_start3A_257 = arith.constant 1 : i32
    %dma_start3A_258 = arith.constant 0 : i32
    %dma_start3A_259 = tpu.memref_slice %arg8[%dma_start3A_257, %dma_start3A_258] : memref<40x128xi32, #tpu.memory_space<vmem>> -> memref<1x128xi32, #tpu.memory_space<vmem>>
    %dma_start3A_260 = tpu.memref_squeeze %dma_start3A_259 : memref<1x128xi32, #tpu.memory_space<vmem>> -> memref<128xi32, #tpu.memory_space<vmem>>
    %dma_start3A_261 = arith.constant 0 : i32
    %dma_start3A_262 = arith.constant 0 : i32
    %dma_start3A_263 = tpu.memref_slice %arg13[%dma_start3A_261, %dma_start3A_262] : memref<10000x32xf32, #tpu.memory_space<vmem_shared>> -> memref<10000x32xf32, #tpu.memory_space<vmem_shared>>
    tpu.enqueue_indirect_dma source(%dma_start3A_263 : memref<10000x32xf32, #tpu.memory_space<vmem_shared>>) target(%arg10 : memref<128x32xf32, #tpu.memory_space<vmem>>) offsets(%dma_start3A_260 : memref<128xi32, #tpu.memory_space<vmem>>) semaphore(%arg16 : memref<!tpu.dma_semaphore, #tpu.memory_space<semaphore_mem>>)
    %dma_start3A_264 = arith.constant 2 : i32
    %dma_start3A_265 = arith.constant 0 : i32
    %dma_start3A_266 = tpu.memref_slice %arg8[%dma_start3A_264, %dma_start3A_265] : memref<40x128xi32, #tpu.memory_space<vmem>> -> memref<1x128xi32, #tpu.memory_space<vmem>>
    %dma_start3A_267 = tpu.memref_squeeze %dma_start3A_266 : memref<1x128xi32, #tpu.memory_space<vmem>> -> memref<128xi32, #tpu.memory_space<vmem>>
    %dma_start3A_268 = arith.constant 0 : i32
    %dma_start3A_269 = arith.constant 0 : i32
    %dma_start3A_270 = tpu.memref_slice %arg13[%dma_start3A_268, %dma_start3A_269] : memref<10000x32xf32, #tpu.memory_space<vmem_shared>> -> memref<10000x32xf32, #tpu.memory_space<vmem_shared>>
    tpu.enqueue_indirect_dma source(%dma_start3A_270 : memref<10000x32xf32, #tpu.memory_space<vmem_shared>>) target(%arg11 : memref<128x32xf32, #tpu.memory_space<vmem>>) offsets(%dma_start3A_267 : memref<128xi32, #tpu.memory_space<vmem>>) semaphore(%arg17 : memref<!tpu.dma_semaphore, #tpu.memory_space<semaphore_mem>>)
    %dma_start3A_271 = arith.constant 3 : i32
    %dma_start3A_272 = arith.constant 0 : i32
    %dma_start3A_273 = tpu.memref_slice %arg8[%dma_start3A_271, %dma_start3A_272] : memref<40x128xi32, #tpu.memory_space<vmem>> -> memref<1x128xi32, #tpu.memory_space<vmem>>
    %dma_start3A_274 = tpu.memref_squeeze %dma_start3A_273 : memref<1x128xi32, #tpu.memory_space<vmem>> -> memref<128xi32, #tpu.memory_space<vmem>>
    %dma_start3A_275 = arith.constant 0 : i32
    %dma_start3A_276 = arith.constant 0 : i32
    %dma_start3A_277 = tpu.memref_slice %arg13[%dma_start3A_275, %dma_start3A_276] : memref<10000x32xf32, #tpu.memory_space<vmem_shared>> -> memref<10000x32xf32, #tpu.memory_space<vmem_shared>>
    tpu.enqueue_indirect_dma source(%dma_start3A_277 : memref<10000x32xf32, #tpu.memory_space<vmem_shared>>) target(%arg12 : memref<128x32xf32, #tpu.memory_space<vmem>>) offsets(%dma_start3A_274 : memref<128xi32, #tpu.memory_space<vmem>>) semaphore(%arg18 : memref<!tpu.dma_semaphore, #tpu.memory_space<semaphore_mem>>)
    %dma_wait3A_278 = arith.constant 0 : i32
    %dma_wait3A_279 = arith.constant 0 : i32
    %dma_wait3A_280 = tpu.memref_slice %arg8[%dma_wait3A_278, %dma_wait3A_279] : memref<40x128xi32, #tpu.memory_space<vmem>> -> memref<1x128xi32, #tpu.memory_space<vmem>>
    %dma_wait3A_281 = tpu.memref_squeeze %dma_wait3A_280 : memref<1x128xi32, #tpu.memory_space<vmem>> -> memref<128xi32, #tpu.memory_space<vmem>>
    %dma_wait3A_282 = arith.constant 0 : i32
    %dma_wait3A_283 = arith.constant 0 : i32
    %dma_wait3A_284 = tpu.memref_slice %arg13[%dma_wait3A_282, %dma_wait3A_283] : memref<10000x32xf32, #tpu.memory_space<vmem_shared>> -> memref<10000x32xf32, #tpu.memory_space<vmem_shared>>
    tpu.wait_indirect_dma semaphore(%arg15 : memref<!tpu.dma_semaphore, #tpu.memory_space<semaphore_mem>>) src(%dma_wait3A_284 : memref<10000x32xf32, #tpu.memory_space<vmem_shared>>) dst(%arg9 : memref<128x32xf32, #tpu.memory_space<vmem>>)
    %dma_start3A_285 = arith.constant 0 : i32
    %dma_start3A_286 = arith.constant 0 : i32
    %dma_start3A_287 = tpu.memref_slice %arg7[%dma_start3A_285, %dma_start3A_286] : memref<40x128xi32, #tpu.memory_space<vmem>> -> memref<1x128xi32, #tpu.memory_space<vmem>>
    %dma_start3A_288 = tpu.memref_squeeze %dma_start3A_287 : memref<1x128xi32, #tpu.memory_space<vmem>> -> memref<128xi32, #tpu.memory_space<vmem>>
    %dma_start3A_289 = arith.constant 0 : i32
    %dma_start3A_290 = arith.constant 0 : i32
    %dma_start3A_291 = tpu.memref_slice %arg14[%dma_start3A_289, %dma_start3A_290] : memref<10240x32xf32, #tpu.memory_space<vmem_shared>> -> memref<10240x32xf32, #tpu.memory_space<vmem_shared>>
    tpu.enqueue_indirect_dma source(%arg9 : memref<128x32xf32, #tpu.memory_space<vmem>>) target(%dma_start3A_291 : memref<10240x32xf32, #tpu.memory_space<vmem_shared>>) offsets(%dma_start3A_288 : memref<128xi32, #tpu.memory_space<vmem>>) semaphore(%arg19 : memref<!tpu.dma_semaphore, #tpu.memory_space<semaphore_mem>>) {add = true}
    %dma_wait3A_292 = arith.constant 0 : i32
    %dma_wait3A_293 = arith.constant 0 : i32
    %dma_wait3A_294 = tpu.memref_slice %arg8[%dma_wait3A_292, %dma_wait3A_293] : memref<40x128xi32, #tpu.memory_space<vmem>> -> memref<1x128xi32, #tpu.memory_space<vmem>>
    %dma_wait3A_295 = tpu.memref_squeeze %dma_wait3A_294 : memref<1x128xi32, #tpu.memory_space<vmem>> -> memref<128xi32, #tpu.memory_space<vmem>>
    %dma_wait3A_296 = arith.constant 0 : i32
    %dma_wait3A_297 = arith.constant 0 : i32
    %dma_wait3A_298 = tpu.memref_slice %arg13[%dma_wait3A_296, %dma_wait3A_297] : memref<10000x32xf32, #tpu.memory_space<vmem_shared>> -> memref<10000x32xf32, #tpu.memory_space<vmem_shared>>
    tpu.wait_indirect_dma semaphore(%arg16 : memref<!tpu.dma_semaphore, #tpu.memory_space<semaphore_mem>>) src(%dma_wait3A_298 : memref<10000x32xf32, #tpu.memory_space<vmem_shared>>) dst(%arg10 : memref<128x32xf32, #tpu.memory_space<vmem>>)
    %dma_start3A_299 = arith.constant 1 : i32
    %dma_start3A_300 = arith.constant 0 : i32
    %dma_start3A_301 = tpu.memref_slice %arg7[%dma_start3A_299, %dma_start3A_300] : memref<40x128xi32, #tpu.memory_space<vmem>> -> memref<1x128xi32, #tpu.memory_space<vmem>>
    %dma_start3A_302 = tpu.memref_squeeze %dma_start3A_301 : memref<1x128xi32, #tpu.memory_space<vmem>> -> memref<128xi32, #tpu.memory_space<vmem>>
    %dma_start3A_303 = arith.constant 0 : i32
    %dma_start3A_304 = arith.constant 0 : i32
    %dma_start3A_305 = tpu.memref_slice %arg14[%dma_start3A_303, %dma_start3A_304] : memref<10240x32xf32, #tpu.memory_space<vmem_shared>> -> memref<10240x32xf32, #tpu.memory_space<vmem_shared>>
    tpu.enqueue_indirect_dma source(%arg10 : memref<128x32xf32, #tpu.memory_space<vmem>>) target(%dma_start3A_305 : memref<10240x32xf32, #tpu.memory_space<vmem_shared>>) offsets(%dma_start3A_302 : memref<128xi32, #tpu.memory_space<vmem>>) semaphore(%arg20 : memref<!tpu.dma_semaphore, #tpu.memory_space<semaphore_mem>>) {add = true}
    %scan3A_306 = arith.constant 0 : i32
    %scan3A_307 = arith.constant 0 : i32
    %scan3A_308 = arith.constant 9 : i32
    %scan3A_309 = arith.addi %scan3A_307, %scan3A_308 : i32
    %scan3A_310 = arith.constant 1 : i32
    scf.for %scan3A_491 = %scan3A_307 to %scan3A_309 step %scan3A_310  : i32 {
      %mul3A_492 = arith.constant 4 : i32
      %mul3A_493 = arith.muli %mul3A_492, %scan3A_491 : i32
      %add3A_494 = arith.constant 2 : i32
      %add3A_495 = arith.addi %mul3A_493, %add3A_494 : i32
      %add3A_496 = arith.constant 0 : i32
      %add3A_497 = arith.addi %add3A_495, %add3A_496 : i32
      %dma_wait3A_498 = arith.constant 0 : i32
      %dma_wait3A_499 = arith.constant 0 : i32
      %dma_wait3A_500 = tpu.memref_slice %arg8[%dma_wait3A_498, %dma_wait3A_499] : memref<40x128xi32, #tpu.memory_space<vmem>> -> memref<1x128xi32, #tpu.memory_space<vmem>>
      %dma_wait3A_501 = tpu.memref_squeeze %dma_wait3A_500 : memref<1x128xi32, #tpu.memory_space<vmem>> -> memref<128xi32, #tpu.memory_space<vmem>>
      %dma_wait3A_502 = arith.constant 0 : i32
      %dma_wait3A_503 = arith.constant 0 : i32
      %dma_wait3A_504 = tpu.memref_slice %arg13[%dma_wait3A_502, %dma_wait3A_503] : memref<10000x32xf32, #tpu.memory_space<vmem_shared>> -> memref<10000x32xf32, #tpu.memory_space<vmem_shared>>
      tpu.wait_indirect_dma semaphore(%arg17 : memref<!tpu.dma_semaphore, #tpu.memory_space<semaphore_mem>>) src(%dma_wait3A_504 : memref<10000x32xf32, #tpu.memory_space<vmem_shared>>) dst(%arg11 : memref<128x32xf32, #tpu.memory_space<vmem>>)
      %dma_start3A_505 = arith.constant 0 : i32
      %dma_start3A_506 = tpu.memref_slice %arg7[%add3A_497, %dma_start3A_505] : memref<40x128xi32, #tpu.memory_space<vmem>> -> memref<1x128xi32, #tpu.memory_space<vmem>>
      %dma_start3A_507 = tpu.memref_squeeze %dma_start3A_506 : memref<1x128xi32, #tpu.memory_space<vmem>> -> memref<128xi32, #tpu.memory_space<vmem>>
      %dma_start3A_508 = arith.constant 0 : i32
      %dma_start3A_509 = arith.constant 0 : i32
      %dma_start3A_510 = tpu.memref_slice %arg14[%dma_start3A_508, %dma_start3A_509] : memref<10240x32xf32, #tpu.memory_space<vmem_shared>> -> memref<10240x32xf32, #tpu.memory_space<vmem_shared>>
      tpu.enqueue_indirect_dma source(%arg11 : memref<128x32xf32, #tpu.memory_space<vmem>>) target(%dma_start3A_510 : memref<10240x32xf32, #tpu.memory_space<vmem_shared>>) offsets(%dma_start3A_507 : memref<128xi32, #tpu.memory_space<vmem>>) semaphore(%arg21 : memref<!tpu.dma_semaphore, #tpu.memory_space<semaphore_mem>>) {add = true}
      %dma_wait3A_511 = arith.constant 0 : i32
      %dma_wait3A_512 = arith.constant 0 : i32
      %dma_wait3A_513 = tpu.memref_slice %arg7[%dma_wait3A_511, %dma_wait3A_512] : memref<40x128xi32, #tpu.memory_space<vmem>> -> memref<1x128xi32, #tpu.memory_space<vmem>>
      %dma_wait3A_514 = tpu.memref_squeeze %dma_wait3A_513 : memref<1x128xi32, #tpu.memory_space<vmem>> -> memref<128xi32, #tpu.memory_space<vmem>>
      %dma_wait3A_515 = arith.constant 0 : i32
      %dma_wait3A_516 = arith.constant 0 : i32
      %dma_wait3A_517 = tpu.memref_slice %arg14[%dma_wait3A_515, %dma_wait3A_516] : memref<10240x32xf32, #tpu.memory_space<vmem_shared>> -> memref<10240x32xf32, #tpu.memory_space<vmem_shared>>
      tpu.wait_indirect_dma semaphore(%arg19 : memref<!tpu.dma_semaphore, #tpu.memory_space<semaphore_mem>>) src(%arg9 : memref<128x32xf32, #tpu.memory_space<vmem>>) dst(%dma_wait3A_517 : memref<10240x32xf32, #tpu.memory_space<vmem_shared>>)
      %add3A_518 = arith.constant 2 : i32
      %add3A_519 = arith.addi %add3A_497, %add3A_518 : i32
      %min3A = arith.constant 39 : i32
      %min3A_520 = arith.minsi %add3A_519, %min3A : i32
      %dma_start3A_521 = arith.constant 0 : i32
      %dma_start3A_522 = tpu.memref_slice %arg8[%min3A_520, %dma_start3A_521] : memref<40x128xi32, #tpu.memory_space<vmem>> -> memref<1x128xi32, #tpu.memory_space<vmem>>
      %dma_start3A_523 = tpu.memref_squeeze %dma_start3A_522 : memref<1x128xi32, #tpu.memory_space<vmem>> -> memref<128xi32, #tpu.memory_space<vmem>>
      %dma_start3A_524 = arith.constant 0 : i32
      %dma_start3A_525 = arith.constant 0 : i32
      %dma_start3A_526 = tpu.memref_slice %arg13[%dma_start3A_524, %dma_start3A_525] : memref<10000x32xf32, #tpu.memory_space<vmem_shared>> -> memref<10000x32xf32, #tpu.memory_space<vmem_shared>>
      tpu.enqueue_indirect_dma source(%dma_start3A_526 : memref<10000x32xf32, #tpu.memory_space<vmem_shared>>) target(%arg9 : memref<128x32xf32, #tpu.memory_space<vmem>>) offsets(%dma_start3A_523 : memref<128xi32, #tpu.memory_space<vmem>>) semaphore(%arg15 : memref<!tpu.dma_semaphore, #tpu.memory_space<semaphore_mem>>)
      %mul3A_527 = arith.constant 4 : i32
      %mul3A_528 = arith.muli %mul3A_527, %scan3A_491 : i32
      %add3A_529 = arith.constant 2 : i32
      %add3A_530 = arith.addi %mul3A_528, %add3A_529 : i32
      %add3A_531 = arith.constant 1 : i32
      %add3A_532 = arith.addi %add3A_530, %add3A_531 : i32
      %dma_wait3A_533 = arith.constant 0 : i32
      %dma_wait3A_534 = arith.constant 0 : i32
      %dma_wait3A_535 = tpu.memref_slice %arg8[%dma_wait3A_533, %dma_wait3A_534] : memref<40x128xi32, #tpu.memory_space<vmem>> -> memref<1x128xi32, #tpu.memory_space<vmem>>
      %dma_wait3A_536 = tpu.memref_squeeze %dma_wait3A_535 : memref<1x128xi32, #tpu.memory_space<vmem>> -> memref<128xi32, #tpu.memory_space<vmem>>
      %dma_wait3A_537 = arith.constant 0 : i32
      %dma_wait3A_538 = arith.constant 0 : i32
      %dma_wait3A_539 = tpu.memref_slice %arg13[%dma_wait3A_537, %dma_wait3A_538] : memref<10000x32xf32, #tpu.memory_space<vmem_shared>> -> memref<10000x32xf32, #tpu.memory_space<vmem_shared>>
      tpu.wait_indirect_dma semaphore(%arg18 : memref<!tpu.dma_semaphore, #tpu.memory_space<semaphore_mem>>) src(%dma_wait3A_539 : memref<10000x32xf32, #tpu.memory_space<vmem_shared>>) dst(%arg12 : memref<128x32xf32, #tpu.memory_space<vmem>>)
      %dma_start3A_540 = arith.constant 0 : i32
      %dma_start3A_541 = tpu.memref_slice %arg7[%add3A_532, %dma_start3A_540] : memref<40x128xi32, #tpu.memory_space<vmem>> -> memref<1x128xi32, #tpu.memory_space<vmem>>
      %dma_start3A_542 = tpu.memref_squeeze %dma_start3A_541 : memref<1x128xi32, #tpu.memory_space<vmem>> -> memref<128xi32, #tpu.memory_space<vmem>>
      %dma_start3A_543 = arith.constant 0 : i32
      %dma_start3A_544 = arith.constant 0 : i32
      %dma_start3A_545 = tpu.memref_slice %arg14[%dma_start3A_543, %dma_start3A_544] : memref<10240x32xf32, #tpu.memory_space<vmem_shared>> -> memref<10240x32xf32, #tpu.memory_space<vmem_shared>>
      tpu.enqueue_indirect_dma source(%arg12 : memref<128x32xf32, #tpu.memory_space<vmem>>) target(%dma_start3A_545 : memref<10240x32xf32, #tpu.memory_space<vmem_shared>>) offsets(%dma_start3A_542 : memref<128xi32, #tpu.memory_space<vmem>>) semaphore(%arg22 : memref<!tpu.dma_semaphore, #tpu.memory_space<semaphore_mem>>) {add = true}
      %dma_wait3A_546 = arith.constant 0 : i32
      %dma_wait3A_547 = arith.constant 0 : i32
      %dma_wait3A_548 = tpu.memref_slice %arg7[%dma_wait3A_546, %dma_wait3A_547] : memref<40x128xi32, #tpu.memory_space<vmem>> -> memref<1x128xi32, #tpu.memory_space<vmem>>
      %dma_wait3A_549 = tpu.memref_squeeze %dma_wait3A_548 : memref<1x128xi32, #tpu.memory_space<vmem>> -> memref<128xi32, #tpu.memory_space<vmem>>
      %dma_wait3A_550 = arith.constant 0 : i32
      %dma_wait3A_551 = arith.constant 0 : i32
      %dma_wait3A_552 = tpu.memref_slice %arg14[%dma_wait3A_550, %dma_wait3A_551] : memref<10240x32xf32, #tpu.memory_space<vmem_shared>> -> memref<10240x32xf32, #tpu.memory_space<vmem_shared>>
      tpu.wait_indirect_dma semaphore(%arg20 : memref<!tpu.dma_semaphore, #tpu.memory_space<semaphore_mem>>) src(%arg10 : memref<128x32xf32, #tpu.memory_space<vmem>>) dst(%dma_wait3A_552 : memref<10240x32xf32, #tpu.memory_space<vmem_shared>>)
      %add3A_553 = arith.constant 2 : i32
      %add3A_554 = arith.addi %add3A_532, %add3A_553 : i32
      %min3A_555 = arith.constant 39 : i32
      %min3A_556 = arith.minsi %add3A_554, %min3A_555 : i32
      %dma_start3A_557 = arith.constant 0 : i32
      %dma_start3A_558 = tpu.memref_slice %arg8[%min3A_556, %dma_start3A_557] : memref<40x128xi32, #tpu.memory_space<vmem>> -> memref<1x128xi32, #tpu.memory_space<vmem>>
      %dma_start3A_559 = tpu.memref_squeeze %dma_start3A_558 : memref<1x128xi32, #tpu.memory_space<vmem>> -> memref<128xi32, #tpu.memory_space<vmem>>
      %dma_start3A_560 = arith.constant 0 : i32
      %dma_start3A_561 = arith.constant 0 : i32
      %dma_start3A_562 = tpu.memref_slice %arg13[%dma_start3A_560, %dma_start3A_561] : memref<10000x32xf32, #tpu.memory_space<vmem_shared>> -> memref<10000x32xf32, #tpu.memory_space<vmem_shared>>
      tpu.enqueue_indirect_dma source(%dma_start3A_562 : memref<10000x32xf32, #tpu.memory_space<vmem_shared>>) target(%arg10 : memref<128x32xf32, #tpu.memory_space<vmem>>) offsets(%dma_start3A_559 : memref<128xi32, #tpu.memory_space<vmem>>) semaphore(%arg16 : memref<!tpu.dma_semaphore, #tpu.memory_space<semaphore_mem>>)
      %mul3A_563 = arith.constant 4 : i32
      %mul3A_564 = arith.muli %mul3A_563, %scan3A_491 : i32
      %add3A_565 = arith.constant 2 : i32
      %add3A_566 = arith.addi %mul3A_564, %add3A_565 : i32
      %add3A_567 = arith.constant 2 : i32
      %add3A_568 = arith.addi %add3A_566, %add3A_567 : i32
      %dma_wait3A_569 = arith.constant 0 : i32
      %dma_wait3A_570 = arith.constant 0 : i32
      %dma_wait3A_571 = tpu.memref_slice %arg8[%dma_wait3A_569, %dma_wait3A_570] : memref<40x128xi32, #tpu.memory_space<vmem>> -> memref<1x128xi32, #tpu.memory_space<vmem>>
      %dma_wait3A_572 = tpu.memref_squeeze %dma_wait3A_571 : memref<1x128xi32, #tpu.memory_space<vmem>> -> memref<128xi32, #tpu.memory_space<vmem>>
      %dma_wait3A_573 = arith.constant 0 : i32
      %dma_wait3A_574 = arith.constant 0 : i32
      %dma_wait3A_575 = tpu.memref_slice %arg13[%dma_wait3A_573, %dma_wait3A_574] : memref<10000x32xf32, #tpu.memory_space<vmem_shared>> -> memref<10000x32xf32, #tpu.memory_space<vmem_shared>>
      tpu.wait_indirect_dma semaphore(%arg15 : memref<!tpu.dma_semaphore, #tpu.memory_space<semaphore_mem>>) src(%dma_wait3A_575 : memref<10000x32xf32, #tpu.memory_space<vmem_shared>>) dst(%arg9 : memref<128x32xf32, #tpu.memory_space<vmem>>)
      %dma_start3A_576 = arith.constant 0 : i32
      %dma_start3A_577 = tpu.memref_slice %arg7[%add3A_568, %dma_start3A_576] : memref<40x128xi32, #tpu.memory_space<vmem>> -> memref<1x128xi32, #tpu.memory_space<vmem>>
      %dma_start3A_578 = tpu.memref_squeeze %dma_start3A_577 : memref<1x128xi32, #tpu.memory_space<vmem>> -> memref<128xi32, #tpu.memory_space<vmem>>
      %dma_start3A_579 = arith.constant 0 : i32
      %dma_start3A_580 = arith.constant 0 : i32
      %dma_start3A_581 = tpu.memref_slice %arg14[%dma_start3A_579, %dma_start3A_580] : memref<10240x32xf32, #tpu.memory_space<vmem_shared>> -> memref<10240x32xf32, #tpu.memory_space<vmem_shared>>
      tpu.enqueue_indirect_dma source(%arg9 : memref<128x32xf32, #tpu.memory_space<vmem>>) target(%dma_start3A_581 : memref<10240x32xf32, #tpu.memory_space<vmem_shared>>) offsets(%dma_start3A_578 : memref<128xi32, #tpu.memory_space<vmem>>) semaphore(%arg19 : memref<!tpu.dma_semaphore, #tpu.memory_space<semaphore_mem>>) {add = true}
      %dma_wait3A_582 = arith.constant 0 : i32
      %dma_wait3A_583 = arith.constant 0 : i32
      %dma_wait3A_584 = tpu.memref_slice %arg7[%dma_wait3A_582, %dma_wait3A_583] : memref<40x128xi32, #tpu.memory_space<vmem>> -> memref<1x128xi32, #tpu.memory_space<vmem>>
      %dma_wait3A_585 = tpu.memref_squeeze %dma_wait3A_584 : memref<1x128xi32, #tpu.memory_space<vmem>> -> memref<128xi32, #tpu.memory_space<vmem>>
      %dma_wait3A_586 = arith.constant 0 : i32
      %dma_wait3A_587 = arith.constant 0 : i32
      %dma_wait3A_588 = tpu.memref_slice %arg14[%dma_wait3A_586, %dma_wait3A_587] : memref<10240x32xf32, #tpu.memory_space<vmem_shared>> -> memref<10240x32xf32, #tpu.memory_space<vmem_shared>>
      tpu.wait_indirect_dma semaphore(%arg21 : memref<!tpu.dma_semaphore, #tpu.memory_space<semaphore_mem>>) src(%arg11 : memref<128x32xf32, #tpu.memory_space<vmem>>) dst(%dma_wait3A_588 : memref<10240x32xf32, #tpu.memory_space<vmem_shared>>)
      %add3A_589 = arith.constant 2 : i32
      %add3A_590 = arith.addi %add3A_568, %add3A_589 : i32
      %min3A_591 = arith.constant 39 : i32
      %min3A_592 = arith.minsi %add3A_590, %min3A_591 : i32
      %dma_start3A_593 = arith.constant 0 : i32
      %dma_start3A_594 = tpu.memref_slice %arg8[%min3A_592, %dma_start3A_593] : memref<40x128xi32, #tpu.memory_space<vmem>> -> memref<1x128xi32, #tpu.memory_space<vmem>>
      %dma_start3A_595 = tpu.memref_squeeze %dma_start3A_594 : memref<1x128xi32, #tpu.memory_space<vmem>> -> memref<128xi32, #tpu.memory_space<vmem>>
      %dma_start3A_596 = arith.constant 0 : i32
      %dma_start3A_597 = arith.constant 0 : i32
      %dma_start3A_598 = tpu.memref_slice %arg13[%dma_start3A_596, %dma_start3A_597] : memref<10000x32xf32, #tpu.memory_space<vmem_shared>> -> memref<10000x32xf32, #tpu.memory_space<vmem_shared>>
      tpu.enqueue_indirect_dma source(%dma_start3A_598 : memref<10000x32xf32, #tpu.memory_space<vmem_shared>>) target(%arg11 : memref<128x32xf32, #tpu.memory_space<vmem>>) offsets(%dma_start3A_595 : memref<128xi32, #tpu.memory_space<vmem>>) semaphore(%arg17 : memref<!tpu.dma_semaphore, #tpu.memory_space<semaphore_mem>>)
      %mul3A_599 = arith.constant 4 : i32
      %mul3A_600 = arith.muli %mul3A_599, %scan3A_491 : i32
      %add3A_601 = arith.constant 2 : i32
      %add3A_602 = arith.addi %mul3A_600, %add3A_601 : i32
      %add3A_603 = arith.constant 3 : i32
      %add3A_604 = arith.addi %add3A_602, %add3A_603 : i32
      %dma_wait3A_605 = arith.constant 0 : i32
      %dma_wait3A_606 = arith.constant 0 : i32
      %dma_wait3A_607 = tpu.memref_slice %arg8[%dma_wait3A_605, %dma_wait3A_606] : memref<40x128xi32, #tpu.memory_space<vmem>> -> memref<1x128xi32, #tpu.memory_space<vmem>>
      %dma_wait3A_608 = tpu.memref_squeeze %dma_wait3A_607 : memref<1x128xi32, #tpu.memory_space<vmem>> -> memref<128xi32, #tpu.memory_space<vmem>>
      %dma_wait3A_609 = arith.constant 0 : i32
      %dma_wait3A_610 = arith.constant 0 : i32
      %dma_wait3A_611 = tpu.memref_slice %arg13[%dma_wait3A_609, %dma_wait3A_610] : memref<10000x32xf32, #tpu.memory_space<vmem_shared>> -> memref<10000x32xf32, #tpu.memory_space<vmem_shared>>
      tpu.wait_indirect_dma semaphore(%arg16 : memref<!tpu.dma_semaphore, #tpu.memory_space<semaphore_mem>>) src(%dma_wait3A_611 : memref<10000x32xf32, #tpu.memory_space<vmem_shared>>) dst(%arg10 : memref<128x32xf32, #tpu.memory_space<vmem>>)
      %dma_start3A_612 = arith.constant 0 : i32
      %dma_start3A_613 = tpu.memref_slice %arg7[%add3A_604, %dma_start3A_612] : memref<40x128xi32, #tpu.memory_space<vmem>> -> memref<1x128xi32, #tpu.memory_space<vmem>>
      %dma_start3A_614 = tpu.memref_squeeze %dma_start3A_613 : memref<1x128xi32, #tpu.memory_space<vmem>> -> memref<128xi32, #tpu.memory_space<vmem>>
      %dma_start3A_615 = arith.constant 0 : i32
      %dma_start3A_616 = arith.constant 0 : i32
      %dma_start3A_617 = tpu.memref_slice %arg14[%dma_start3A_615, %dma_start3A_616] : memref<10240x32xf32, #tpu.memory_space<vmem_shared>> -> memref<10240x32xf32, #tpu.memory_space<vmem_shared>>
      tpu.enqueue_indirect_dma source(%arg10 : memref<128x32xf32, #tpu.memory_space<vmem>>) target(%dma_start3A_617 : memref<10240x32xf32, #tpu.memory_space<vmem_shared>>) offsets(%dma_start3A_614 : memref<128xi32, #tpu.memory_space<vmem>>) semaphore(%arg20 : memref<!tpu.dma_semaphore, #tpu.memory_space<semaphore_mem>>) {add = true}
      %dma_wait3A_618 = arith.constant 0 : i32
      %dma_wait3A_619 = arith.constant 0 : i32
      %dma_wait3A_620 = tpu.memref_slice %arg7[%dma_wait3A_618, %dma_wait3A_619] : memref<40x128xi32, #tpu.memory_space<vmem>> -> memref<1x128xi32, #tpu.memory_space<vmem>>
      %dma_wait3A_621 = tpu.memref_squeeze %dma_wait3A_620 : memref<1x128xi32, #tpu.memory_space<vmem>> -> memref<128xi32, #tpu.memory_space<vmem>>
      %dma_wait3A_622 = arith.constant 0 : i32
      %dma_wait3A_623 = arith.constant 0 : i32
      %dma_wait3A_624 = tpu.memref_slice %arg14[%dma_wait3A_622, %dma_wait3A_623] : memref<10240x32xf32, #tpu.memory_space<vmem_shared>> -> memref<10240x32xf32, #tpu.memory_space<vmem_shared>>
      tpu.wait_indirect_dma semaphore(%arg22 : memref<!tpu.dma_semaphore, #tpu.memory_space<semaphore_mem>>) src(%arg12 : memref<128x32xf32, #tpu.memory_space<vmem>>) dst(%dma_wait3A_624 : memref<10240x32xf32, #tpu.memory_space<vmem_shared>>)
      %add3A_625 = arith.constant 2 : i32
      %add3A_626 = arith.addi %add3A_604, %add3A_625 : i32
      %min3A_627 = arith.constant 39 : i32
      %min3A_628 = arith.minsi %add3A_626, %min3A_627 : i32
      %dma_start3A_629 = arith.constant 0 : i32
      %dma_start3A_630 = tpu.memref_slice %arg8[%min3A_628, %dma_start3A_629] : memref<40x128xi32, #tpu.memory_space<vmem>> -> memref<1x128xi32, #tpu.memory_space<vmem>>
      %dma_start3A_631 = tpu.memref_squeeze %dma_start3A_630 : memref<1x128xi32, #tpu.memory_space<vmem>> -> memref<128xi32, #tpu.memory_space<vmem>>
      %dma_start3A_632 = arith.constant 0 : i32
      %dma_start3A_633 = arith.constant 0 : i32
      %dma_start3A_634 = tpu.memref_slice %arg13[%dma_start3A_632, %dma_start3A_633] : memref<10000x32xf32, #tpu.memory_space<vmem_shared>> -> memref<10000x32xf32, #tpu.memory_space<vmem_shared>>
      tpu.enqueue_indirect_dma source(%dma_start3A_634 : memref<10000x32xf32, #tpu.memory_space<vmem_shared>>) target(%arg12 : memref<128x32xf32, #tpu.memory_space<vmem>>) offsets(%dma_start3A_631 : memref<128xi32, #tpu.memory_space<vmem>>) semaphore(%arg18 : memref<!tpu.dma_semaphore, #tpu.memory_space<semaphore_mem>>)
    }
    %scan3A_311 = arith.constant 9 : i32
    %dma_wait3A_312 = arith.constant 0 : i32
    %dma_wait3A_313 = arith.constant 0 : i32
    %dma_wait3A_314 = tpu.memref_slice %arg8[%dma_wait3A_312, %dma_wait3A_313] : memref<40x128xi32, #tpu.memory_space<vmem>> -> memref<1x128xi32, #tpu.memory_space<vmem>>
    %dma_wait3A_315 = tpu.memref_squeeze %dma_wait3A_314 : memref<1x128xi32, #tpu.memory_space<vmem>> -> memref<128xi32, #tpu.memory_space<vmem>>
    %dma_wait3A_316 = arith.constant 0 : i32
    %dma_wait3A_317 = arith.constant 0 : i32
    %dma_wait3A_318 = tpu.memref_slice %arg13[%dma_wait3A_316, %dma_wait3A_317] : memref<10000x32xf32, #tpu.memory_space<vmem_shared>> -> memref<10000x32xf32, #tpu.memory_space<vmem_shared>>
    tpu.wait_indirect_dma semaphore(%arg17 : memref<!tpu.dma_semaphore, #tpu.memory_space<semaphore_mem>>) src(%dma_wait3A_318 : memref<10000x32xf32, #tpu.memory_space<vmem_shared>>) dst(%arg11 : memref<128x32xf32, #tpu.memory_space<vmem>>)
    %dma_start3A_319 = arith.constant 38 : i32
    %dma_start3A_320 = arith.constant 0 : i32
    %dma_start3A_321 = tpu.memref_slice %arg7[%dma_start3A_319, %dma_start3A_320] : memref<40x128xi32, #tpu.memory_space<vmem>> -> memref<1x128xi32, #tpu.memory_space<vmem>>
    %dma_start3A_322 = tpu.memref_squeeze %dma_start3A_321 : memref<1x128xi32, #tpu.memory_space<vmem>> -> memref<128xi32, #tpu.memory_space<vmem>>
    %dma_start3A_323 = arith.constant 0 : i32
    %dma_start3A_324 = arith.constant 0 : i32
    %dma_start3A_325 = tpu.memref_slice %arg14[%dma_start3A_323, %dma_start3A_324] : memref<10240x32xf32, #tpu.memory_space<vmem_shared>> -> memref<10240x32xf32, #tpu.memory_space<vmem_shared>>
    tpu.enqueue_indirect_dma source(%arg11 : memref<128x32xf32, #tpu.memory_space<vmem>>) target(%dma_start3A_325 : memref<10240x32xf32, #tpu.memory_space<vmem_shared>>) offsets(%dma_start3A_322 : memref<128xi32, #tpu.memory_space<vmem>>) semaphore(%arg21 : memref<!tpu.dma_semaphore, #tpu.memory_space<semaphore_mem>>) {add = true}
    %dma_wait3A_326 = arith.constant 0 : i32
    %dma_wait3A_327 = arith.constant 0 : i32
    %dma_wait3A_328 = tpu.memref_slice %arg8[%dma_wait3A_326, %dma_wait3A_327] : memref<40x128xi32, #tpu.memory_space<vmem>> -> memref<1x128xi32, #tpu.memory_space<vmem>>
    %dma_wait3A_329 = tpu.memref_squeeze %dma_wait3A_328 : memref<1x128xi32, #tpu.memory_space<vmem>> -> memref<128xi32, #tpu.memory_space<vmem>>
    %dma_wait3A_330 = arith.constant 0 : i32
    %dma_wait3A_331 = arith.constant 0 : i32
    %dma_wait3A_332 = tpu.memref_slice %arg13[%dma_wait3A_330, %dma_wait3A_331] : memref<10000x32xf32, #tpu.memory_space<vmem_shared>> -> memref<10000x32xf32, #tpu.memory_space<vmem_shared>>
    tpu.wait_indirect_dma semaphore(%arg18 : memref<!tpu.dma_semaphore, #tpu.memory_space<semaphore_mem>>) src(%dma_wait3A_332 : memref<10000x32xf32, #tpu.memory_space<vmem_shared>>) dst(%arg12 : memref<128x32xf32, #tpu.memory_space<vmem>>)
    %dma_start3A_333 = arith.constant 39 : i32
    %dma_start3A_334 = arith.constant 0 : i32
    %dma_start3A_335 = tpu.memref_slice %arg7[%dma_start3A_333, %dma_start3A_334] : memref<40x128xi32, #tpu.memory_space<vmem>> -> memref<1x128xi32, #tpu.memory_space<vmem>>
    %dma_start3A_336 = tpu.memref_squeeze %dma_start3A_335 : memref<1x128xi32, #tpu.memory_space<vmem>> -> memref<128xi32, #tpu.memory_space<vmem>>
    %dma_start3A_337 = arith.constant 0 : i32
    %dma_start3A_338 = arith.constant 0 : i32
    %dma_start3A_339 = tpu.memref_slice %arg14[%dma_start3A_337, %dma_start3A_338] : memref<10240x32xf32, #tpu.memory_space<vmem_shared>> -> memref<10240x32xf32, #tpu.memory_space<vmem_shared>>
    tpu.enqueue_indirect_dma source(%arg12 : memref<128x32xf32, #tpu.memory_space<vmem>>) target(%dma_start3A_339 : memref<10240x32xf32, #tpu.memory_space<vmem_shared>>) offsets(%dma_start3A_336 : memref<128xi32, #tpu.memory_space<vmem>>) semaphore(%arg22 : memref<!tpu.dma_semaphore, #tpu.memory_space<semaphore_mem>>) {add = true}
    %dma_wait3A_340 = arith.constant 0 : i32
    %dma_wait3A_341 = arith.constant 0 : i32
    %dma_wait3A_342 = tpu.memref_slice %arg7[%dma_wait3A_340, %dma_wait3A_341] : memref<40x128xi32, #tpu.memory_space<vmem>> -> memref<1x128xi32, #tpu.memory_space<vmem>>
    %dma_wait3A_343 = tpu.memref_squeeze %dma_wait3A_342 : memref<1x128xi32, #tpu.memory_space<vmem>> -> memref<128xi32, #tpu.memory_space<vmem>>
    %dma_wait3A_344 = arith.constant 0 : i32
    %dma_wait3A_345 = arith.constant 0 : i32
    %dma_wait3A_346 = tpu.memref_slice %arg14[%dma_wait3A_344, %dma_wait3A_345] : memref<10240x32xf32, #tpu.memory_space<vmem_shared>> -> memref<10240x32xf32, #tpu.memory_space<vmem_shared>>
    tpu.wait_indirect_dma semaphore(%arg19 : memref<!tpu.dma_semaphore, #tpu.memory_space<semaphore_mem>>) src(%arg9 : memref<128x32xf32, #tpu.memory_space<vmem>>) dst(%dma_wait3A_346 : memref<10240x32xf32, #tpu.memory_space<vmem_shared>>)
    %dma_wait3A_347 = arith.constant 0 : i32
    %dma_wait3A_348 = arith.constant 0 : i32
    %dma_wait3A_349 = tpu.memref_slice %arg7[%dma_wait3A_347, %dma_wait3A_348] : memref<40x128xi32, #tpu.memory_space<vmem>> -> memref<1x128xi32, #tpu.memory_space<vmem>>
    %dma_wait3A_350 = tpu.memref_squeeze %dma_wait3A_349 : memref<1x128xi32, #tpu.memory_space<vmem>> -> memref<128xi32, #tpu.memory_space<vmem>>
    %dma_wait3A_351 = arith.constant 0 : i32
    %dma_wait3A_352 = arith.constant 0 : i32
    %dma_wait3A_353 = tpu.memref_slice %arg14[%dma_wait3A_351, %dma_wait3A_352] : memref<10240x32xf32, #tpu.memory_space<vmem_shared>> -> memref<10240x32xf32, #tpu.memory_space<vmem_shared>>
    tpu.wait_indirect_dma semaphore(%arg20 : memref<!tpu.dma_semaphore, #tpu.memory_space<semaphore_mem>>) src(%arg10 : memref<128x32xf32, #tpu.memory_space<vmem>>) dst(%dma_wait3A_353 : memref<10240x32xf32, #tpu.memory_space<vmem_shared>>)
    %dma_wait3A_354 = arith.constant 0 : i32
    %dma_wait3A_355 = arith.constant 0 : i32
    %dma_wait3A_356 = tpu.memref_slice %arg7[%dma_wait3A_354, %dma_wait3A_355] : memref<40x128xi32, #tpu.memory_space<vmem>> -> memref<1x128xi32, #tpu.memory_space<vmem>>
    %dma_wait3A_357 = tpu.memref_squeeze %dma_wait3A_356 : memref<1x128xi32, #tpu.memory_space<vmem>> -> memref<128xi32, #tpu.memory_space<vmem>>
    %dma_wait3A_358 = arith.constant 0 : i32
    %dma_wait3A_359 = arith.constant 0 : i32
    %dma_wait3A_360 = tpu.memref_slice %arg14[%dma_wait3A_358, %dma_wait3A_359] : memref<10240x32xf32, #tpu.memory_space<vmem_shared>> -> memref<10240x32xf32, #tpu.memory_space<vmem_shared>>
    tpu.wait_indirect_dma semaphore(%arg21 : memref<!tpu.dma_semaphore, #tpu.memory_space<semaphore_mem>>) src(%arg11 : memref<128x32xf32, #tpu.memory_space<vmem>>) dst(%dma_wait3A_360 : memref<10240x32xf32, #tpu.memory_space<vmem_shared>>)
    %dma_wait3A_361 = arith.constant 0 : i32
    %dma_wait3A_362 = arith.constant 0 : i32
    %dma_wait3A_363 = tpu.memref_slice %arg7[%dma_wait3A_361, %dma_wait3A_362] : memref<40x128xi32, #tpu.memory_space<vmem>> -> memref<1x128xi32, #tpu.memory_space<vmem>>
    %dma_wait3A_364 = tpu.memref_squeeze %dma_wait3A_363 : memref<1x128xi32, #tpu.memory_space<vmem>> -> memref<128xi32, #tpu.memory_space<vmem>>
    %dma_wait3A_365 = arith.constant 0 : i32
    %dma_wait3A_366 = arith.constant 0 : i32
    %dma_wait3A_367 = tpu.memref_slice %arg14[%dma_wait3A_365, %dma_wait3A_366] : memref<10240x32xf32, #tpu.memory_space<vmem_shared>> -> memref<10240x32xf32, #tpu.memory_space<vmem_shared>>
    tpu.wait_indirect_dma semaphore(%arg22 : memref<!tpu.dma_semaphore, #tpu.memory_space<semaphore_mem>>) src(%arg12 : memref<128x32xf32, #tpu.memory_space<vmem>>) dst(%dma_wait3A_367 : memref<10240x32xf32, #tpu.memory_space<vmem_shared>>)
    %mul3A_368 = arith.constant 160 : i32
    %mul3A_369 = arith.muli %arg1, %mul3A_368 : i32
    %add3A_370 = arith.constant 120 : i32
    %add3A_371 = arith.addi %mul3A_369, %add3A_370 : i32
    "tpu.region"() ({
      %run_scoped3A = tpu.sem_alloc : memref<!tpu.dma_semaphore, #tpu.memory_space<semaphore_mem>>
      %dma_start3A_491 = arith.constant 0 : i32
      %dma_start3A_492 = tpu.memref_slice %arg3[%add3A_371, %dma_start3A_491] : memref<2560x128xi32, #tpu.memory_space<hbm>> -> memref<40x128xi32, #tpu.memory_space<hbm>>
      %dma_start3A_493 = arith.constant 0 : i32
      %dma_start3A_494 = tpu.memref_slice %arg3[%add3A_371, %dma_start3A_493] : memref<2560x128xi32, #tpu.memory_space<hbm>> -> memref<40x128xi32, #tpu.memory_space<hbm>>
      tpu.enqueue_dma source(%dma_start3A_494 : memref<40x128xi32, #tpu.memory_space<hbm>>) target(%arg7 : memref<40x128xi32, #tpu.memory_space<vmem>>) target_semaphore(%run_scoped3A : memref<!tpu.dma_semaphore, #tpu.memory_space<semaphore_mem>>)
      %dma_wait3A_495 = arith.constant 0 : i32
      %dma_wait3A_496 = tpu.memref_slice %arg3[%add3A_371, %dma_wait3A_495] : memref<2560x128xi32, #tpu.memory_space<hbm>> -> memref<40x128xi32, #tpu.memory_space<hbm>>
      %dma_wait3A_497 = arith.constant 0 : i32
      %dma_wait3A_498 = tpu.memref_slice %arg3[%add3A_371, %dma_wait3A_497] : memref<2560x128xi32, #tpu.memory_space<hbm>> -> memref<40x128xi32, #tpu.memory_space<hbm>>
      tpu.wait_dma2 semaphore(%run_scoped3A : memref<!tpu.dma_semaphore, #tpu.memory_space<semaphore_mem>>) src(%dma_wait3A_498 : memref<40x128xi32, #tpu.memory_space<hbm>>) dst(%arg7 : memref<40x128xi32, #tpu.memory_space<vmem>>)
      tpu.yield
    }) : () -> ()
    "tpu.region"() ({
      %run_scoped3A = tpu.sem_alloc : memref<!tpu.dma_semaphore, #tpu.memory_space<semaphore_mem>>
      %dma_start3A_491 = arith.constant 0 : i32
      %dma_start3A_492 = tpu.memref_slice %arg4[%add3A_371, %dma_start3A_491] : memref<2560x128xi32, #tpu.memory_space<hbm>> -> memref<40x128xi32, #tpu.memory_space<hbm>>
      %dma_start3A_493 = arith.constant 0 : i32
      %dma_start3A_494 = tpu.memref_slice %arg4[%add3A_371, %dma_start3A_493] : memref<2560x128xi32, #tpu.memory_space<hbm>> -> memref<40x128xi32, #tpu.memory_space<hbm>>
      tpu.enqueue_dma source(%dma_start3A_494 : memref<40x128xi32, #tpu.memory_space<hbm>>) target(%arg8 : memref<40x128xi32, #tpu.memory_space<vmem>>) target_semaphore(%run_scoped3A : memref<!tpu.dma_semaphore, #tpu.memory_space<semaphore_mem>>)
      %dma_wait3A_495 = arith.constant 0 : i32
      %dma_wait3A_496 = tpu.memref_slice %arg4[%add3A_371, %dma_wait3A_495] : memref<2560x128xi32, #tpu.memory_space<hbm>> -> memref<40x128xi32, #tpu.memory_space<hbm>>
      %dma_wait3A_497 = arith.constant 0 : i32
      %dma_wait3A_498 = tpu.memref_slice %arg4[%add3A_371, %dma_wait3A_497] : memref<2560x128xi32, #tpu.memory_space<hbm>> -> memref<40x128xi32, #tpu.memory_space<hbm>>
      tpu.wait_dma2 semaphore(%run_scoped3A : memref<!tpu.dma_semaphore, #tpu.memory_space<semaphore_mem>>) src(%dma_wait3A_498 : memref<40x128xi32, #tpu.memory_space<hbm>>) dst(%arg8 : memref<40x128xi32, #tpu.memory_space<vmem>>)
      tpu.yield
    }) : () -> ()
    %dma_start3A_372 = arith.constant 0 : i32
    %dma_start3A_373 = arith.constant 0 : i32
    %dma_start3A_374 = tpu.memref_slice %arg8[%dma_start3A_372, %dma_start3A_373] : memref<40x128xi32, #tpu.memory_space<vmem>> -> memref<1x128xi32, #tpu.memory_space<vmem>>
    %dma_start3A_375 = tpu.memref_squeeze %dma_start3A_374 : memref<1x128xi32, #tpu.memory_space<vmem>> -> memref<128xi32, #tpu.memory_space<vmem>>
    %dma_start3A_376 = arith.constant 0 : i32
    %dma_start3A_377 = arith.constant 0 : i32
    %dma_start3A_378 = tpu.memref_slice %arg13[%dma_start3A_376, %dma_start3A_377] : memref<10000x32xf32, #tpu.memory_space<vmem_shared>> -> memref<10000x32xf32, #tpu.memory_space<vmem_shared>>
    tpu.enqueue_indirect_dma source(%dma_start3A_378 : memref<10000x32xf32, #tpu.memory_space<vmem_shared>>) target(%arg9 : memref<128x32xf32, #tpu.memory_space<vmem>>) offsets(%dma_start3A_375 : memref<128xi32, #tpu.memory_space<vmem>>) semaphore(%arg15 : memref<!tpu.dma_semaphore, #tpu.memory_space<semaphore_mem>>)
    %dma_start3A_379 = arith.constant 1 : i32
    %dma_start3A_380 = arith.constant 0 : i32
    %dma_start3A_381 = tpu.memref_slice %arg8[%dma_start3A_379, %dma_start3A_380] : memref<40x128xi32, #tpu.memory_space<vmem>> -> memref<1x128xi32, #tpu.memory_space<vmem>>
    %dma_start3A_382 = tpu.memref_squeeze %dma_start3A_381 : memref<1x128xi32, #tpu.memory_space<vmem>> -> memref<128xi32, #tpu.memory_space<vmem>>
    %dma_start3A_383 = arith.constant 0 : i32
    %dma_start3A_384 = arith.constant 0 : i32
    %dma_start3A_385 = tpu.memref_slice %arg13[%dma_start3A_383, %dma_start3A_384] : memref<10000x32xf32, #tpu.memory_space<vmem_shared>> -> memref<10000x32xf32, #tpu.memory_space<vmem_shared>>
    tpu.enqueue_indirect_dma source(%dma_start3A_385 : memref<10000x32xf32, #tpu.memory_space<vmem_shared>>) target(%arg10 : memref<128x32xf32, #tpu.memory_space<vmem>>) offsets(%dma_start3A_382 : memref<128xi32, #tpu.memory_space<vmem>>) semaphore(%arg16 : memref<!tpu.dma_semaphore, #tpu.memory_space<semaphore_mem>>)
    %dma_start3A_386 = arith.constant 2 : i32
    %dma_start3A_387 = arith.constant 0 : i32
    %dma_start3A_388 = tpu.memref_slice %arg8[%dma_start3A_386, %dma_start3A_387] : memref<40x128xi32, #tpu.memory_space<vmem>> -> memref<1x128xi32, #tpu.memory_space<vmem>>
    %dma_start3A_389 = tpu.memref_squeeze %dma_start3A_388 : memref<1x128xi32, #tpu.memory_space<vmem>> -> memref<128xi32, #tpu.memory_space<vmem>>
    %dma_start3A_390 = arith.constant 0 : i32
    %dma_start3A_391 = arith.constant 0 : i32
    %dma_start3A_392 = tpu.memref_slice %arg13[%dma_start3A_390, %dma_start3A_391] : memref<10000x32xf32, #tpu.memory_space<vmem_shared>> -> memref<10000x32xf32, #tpu.memory_space<vmem_shared>>
    tpu.enqueue_indirect_dma source(%dma_start3A_392 : memref<10000x32xf32, #tpu.memory_space<vmem_shared>>) target(%arg11 : memref<128x32xf32, #tpu.memory_space<vmem>>) offsets(%dma_start3A_389 : memref<128xi32, #tpu.memory_space<vmem>>) semaphore(%arg17 : memref<!tpu.dma_semaphore, #tpu.memory_space<semaphore_mem>>)
    %dma_start3A_393 = arith.constant 3 : i32
    %dma_start3A_394 = arith.constant 0 : i32
    %dma_start3A_395 = tpu.memref_slice %arg8[%dma_start3A_393, %dma_start3A_394] : memref<40x128xi32, #tpu.memory_space<vmem>> -> memref<1x128xi32, #tpu.memory_space<vmem>>
    %dma_start3A_396 = tpu.memref_squeeze %dma_start3A_395 : memref<1x128xi32, #tpu.memory_space<vmem>> -> memref<128xi32, #tpu.memory_space<vmem>>
    %dma_start3A_397 = arith.constant 0 : i32
    %dma_start3A_398 = arith.constant 0 : i32
    %dma_start3A_399 = tpu.memref_slice %arg13[%dma_start3A_397, %dma_start3A_398] : memref<10000x32xf32, #tpu.memory_space<vmem_shared>> -> memref<10000x32xf32, #tpu.memory_space<vmem_shared>>
    tpu.enqueue_indirect_dma source(%dma_start3A_399 : memref<10000x32xf32, #tpu.memory_space<vmem_shared>>) target(%arg12 : memref<128x32xf32, #tpu.memory_space<vmem>>) offsets(%dma_start3A_396 : memref<128xi32, #tpu.memory_space<vmem>>) semaphore(%arg18 : memref<!tpu.dma_semaphore, #tpu.memory_space<semaphore_mem>>)
    %dma_wait3A_400 = arith.constant 0 : i32
    %dma_wait3A_401 = arith.constant 0 : i32
    %dma_wait3A_402 = tpu.memref_slice %arg8[%dma_wait3A_400, %dma_wait3A_401] : memref<40x128xi32, #tpu.memory_space<vmem>> -> memref<1x128xi32, #tpu.memory_space<vmem>>
    %dma_wait3A_403 = tpu.memref_squeeze %dma_wait3A_402 : memref<1x128xi32, #tpu.memory_space<vmem>> -> memref<128xi32, #tpu.memory_space<vmem>>
    %dma_wait3A_404 = arith.constant 0 : i32
    %dma_wait3A_405 = arith.constant 0 : i32
    %dma_wait3A_406 = tpu.memref_slice %arg13[%dma_wait3A_404, %dma_wait3A_405] : memref<10000x32xf32, #tpu.memory_space<vmem_shared>> -> memref<10000x32xf32, #tpu.memory_space<vmem_shared>>
    tpu.wait_indirect_dma semaphore(%arg15 : memref<!tpu.dma_semaphore, #tpu.memory_space<semaphore_mem>>) src(%dma_wait3A_406 : memref<10000x32xf32, #tpu.memory_space<vmem_shared>>) dst(%arg9 : memref<128x32xf32, #tpu.memory_space<vmem>>)
    %dma_start3A_407 = arith.constant 0 : i32
    %dma_start3A_408 = arith.constant 0 : i32
    %dma_start3A_409 = tpu.memref_slice %arg7[%dma_start3A_407, %dma_start3A_408] : memref<40x128xi32, #tpu.memory_space<vmem>> -> memref<1x128xi32, #tpu.memory_space<vmem>>
    %dma_start3A_410 = tpu.memref_squeeze %dma_start3A_409 : memref<1x128xi32, #tpu.memory_space<vmem>> -> memref<128xi32, #tpu.memory_space<vmem>>
    %dma_start3A_411 = arith.constant 0 : i32
    %dma_start3A_412 = arith.constant 0 : i32
    %dma_start3A_413 = tpu.memref_slice %arg14[%dma_start3A_411, %dma_start3A_412] : memref<10240x32xf32, #tpu.memory_space<vmem_shared>> -> memref<10240x32xf32, #tpu.memory_space<vmem_shared>>
    tpu.enqueue_indirect_dma source(%arg9 : memref<128x32xf32, #tpu.memory_space<vmem>>) target(%dma_start3A_413 : memref<10240x32xf32, #tpu.memory_space<vmem_shared>>) offsets(%dma_start3A_410 : memref<128xi32, #tpu.memory_space<vmem>>) semaphore(%arg19 : memref<!tpu.dma_semaphore, #tpu.memory_space<semaphore_mem>>) {add = true}
    %dma_wait3A_414 = arith.constant 0 : i32
    %dma_wait3A_415 = arith.constant 0 : i32
    %dma_wait3A_416 = tpu.memref_slice %arg8[%dma_wait3A_414, %dma_wait3A_415] : memref<40x128xi32, #tpu.memory_space<vmem>> -> memref<1x128xi32, #tpu.memory_space<vmem>>
    %dma_wait3A_417 = tpu.memref_squeeze %dma_wait3A_416 : memref<1x128xi32, #tpu.memory_space<vmem>> -> memref<128xi32, #tpu.memory_space<vmem>>
    %dma_wait3A_418 = arith.constant 0 : i32
    %dma_wait3A_419 = arith.constant 0 : i32
    %dma_wait3A_420 = tpu.memref_slice %arg13[%dma_wait3A_418, %dma_wait3A_419] : memref<10000x32xf32, #tpu.memory_space<vmem_shared>> -> memref<10000x32xf32, #tpu.memory_space<vmem_shared>>
    tpu.wait_indirect_dma semaphore(%arg16 : memref<!tpu.dma_semaphore, #tpu.memory_space<semaphore_mem>>) src(%dma_wait3A_420 : memref<10000x32xf32, #tpu.memory_space<vmem_shared>>) dst(%arg10 : memref<128x32xf32, #tpu.memory_space<vmem>>)
    %dma_start3A_421 = arith.constant 1 : i32
    %dma_start3A_422 = arith.constant 0 : i32
    %dma_start3A_423 = tpu.memref_slice %arg7[%dma_start3A_421, %dma_start3A_422] : memref<40x128xi32, #tpu.memory_space<vmem>> -> memref<1x128xi32, #tpu.memory_space<vmem>>
    %dma_start3A_424 = tpu.memref_squeeze %dma_start3A_423 : memref<1x128xi32, #tpu.memory_space<vmem>> -> memref<128xi32, #tpu.memory_space<vmem>>
    %dma_start3A_425 = arith.constant 0 : i32
    %dma_start3A_426 = arith.constant 0 : i32
    %dma_start3A_427 = tpu.memref_slice %arg14[%dma_start3A_425, %dma_start3A_426] : memref<10240x32xf32, #tpu.memory_space<vmem_shared>> -> memref<10240x32xf32, #tpu.memory_space<vmem_shared>>
    tpu.enqueue_indirect_dma source(%arg10 : memref<128x32xf32, #tpu.memory_space<vmem>>) target(%dma_start3A_427 : memref<10240x32xf32, #tpu.memory_space<vmem_shared>>) offsets(%dma_start3A_424 : memref<128xi32, #tpu.memory_space<vmem>>) semaphore(%arg20 : memref<!tpu.dma_semaphore, #tpu.memory_space<semaphore_mem>>) {add = true}
    %scan3A_428 = arith.constant 0 : i32
    %scan3A_429 = arith.constant 0 : i32
    %scan3A_430 = arith.constant 9 : i32
    %scan3A_431 = arith.addi %scan3A_429, %scan3A_430 : i32
    %scan3A_432 = arith.constant 1 : i32
    scf.for %scan3A_491 = %scan3A_429 to %scan3A_431 step %scan3A_432  : i32 {
      %mul3A_492 = arith.constant 4 : i32
      %mul3A_493 = arith.muli %mul3A_492, %scan3A_491 : i32
      %add3A_494 = arith.constant 2 : i32
      %add3A_495 = arith.addi %mul3A_493, %add3A_494 : i32
      %add3A_496 = arith.constant 0 : i32
      %add3A_497 = arith.addi %add3A_495, %add3A_496 : i32
      %dma_wait3A_498 = arith.constant 0 : i32
      %dma_wait3A_499 = arith.constant 0 : i32
      %dma_wait3A_500 = tpu.memref_slice %arg8[%dma_wait3A_498, %dma_wait3A_499] : memref<40x128xi32, #tpu.memory_space<vmem>> -> memref<1x128xi32, #tpu.memory_space<vmem>>
      %dma_wait3A_501 = tpu.memref_squeeze %dma_wait3A_500 : memref<1x128xi32, #tpu.memory_space<vmem>> -> memref<128xi32, #tpu.memory_space<vmem>>
      %dma_wait3A_502 = arith.constant 0 : i32
      %dma_wait3A_503 = arith.constant 0 : i32
      %dma_wait3A_504 = tpu.memref_slice %arg13[%dma_wait3A_502, %dma_wait3A_503] : memref<10000x32xf32, #tpu.memory_space<vmem_shared>> -> memref<10000x32xf32, #tpu.memory_space<vmem_shared>>
      tpu.wait_indirect_dma semaphore(%arg17 : memref<!tpu.dma_semaphore, #tpu.memory_space<semaphore_mem>>) src(%dma_wait3A_504 : memref<10000x32xf32, #tpu.memory_space<vmem_shared>>) dst(%arg11 : memref<128x32xf32, #tpu.memory_space<vmem>>)
      %dma_start3A_505 = arith.constant 0 : i32
      %dma_start3A_506 = tpu.memref_slice %arg7[%add3A_497, %dma_start3A_505] : memref<40x128xi32, #tpu.memory_space<vmem>> -> memref<1x128xi32, #tpu.memory_space<vmem>>
      %dma_start3A_507 = tpu.memref_squeeze %dma_start3A_506 : memref<1x128xi32, #tpu.memory_space<vmem>> -> memref<128xi32, #tpu.memory_space<vmem>>
      %dma_start3A_508 = arith.constant 0 : i32
      %dma_start3A_509 = arith.constant 0 : i32
      %dma_start3A_510 = tpu.memref_slice %arg14[%dma_start3A_508, %dma_start3A_509] : memref<10240x32xf32, #tpu.memory_space<vmem_shared>> -> memref<10240x32xf32, #tpu.memory_space<vmem_shared>>
      tpu.enqueue_indirect_dma source(%arg11 : memref<128x32xf32, #tpu.memory_space<vmem>>) target(%dma_start3A_510 : memref<10240x32xf32, #tpu.memory_space<vmem_shared>>) offsets(%dma_start3A_507 : memref<128xi32, #tpu.memory_space<vmem>>) semaphore(%arg21 : memref<!tpu.dma_semaphore, #tpu.memory_space<semaphore_mem>>) {add = true}
      %dma_wait3A_511 = arith.constant 0 : i32
      %dma_wait3A_512 = arith.constant 0 : i32
      %dma_wait3A_513 = tpu.memref_slice %arg7[%dma_wait3A_511, %dma_wait3A_512] : memref<40x128xi32, #tpu.memory_space<vmem>> -> memref<1x128xi32, #tpu.memory_space<vmem>>
      %dma_wait3A_514 = tpu.memref_squeeze %dma_wait3A_513 : memref<1x128xi32, #tpu.memory_space<vmem>> -> memref<128xi32, #tpu.memory_space<vmem>>
      %dma_wait3A_515 = arith.constant 0 : i32
      %dma_wait3A_516 = arith.constant 0 : i32
      %dma_wait3A_517 = tpu.memref_slice %arg14[%dma_wait3A_515, %dma_wait3A_516] : memref<10240x32xf32, #tpu.memory_space<vmem_shared>> -> memref<10240x32xf32, #tpu.memory_space<vmem_shared>>
      tpu.wait_indirect_dma semaphore(%arg19 : memref<!tpu.dma_semaphore, #tpu.memory_space<semaphore_mem>>) src(%arg9 : memref<128x32xf32, #tpu.memory_space<vmem>>) dst(%dma_wait3A_517 : memref<10240x32xf32, #tpu.memory_space<vmem_shared>>)
      %add3A_518 = arith.constant 2 : i32
      %add3A_519 = arith.addi %add3A_497, %add3A_518 : i32
      %min3A = arith.constant 39 : i32
      %min3A_520 = arith.minsi %add3A_519, %min3A : i32
      %dma_start3A_521 = arith.constant 0 : i32
      %dma_start3A_522 = tpu.memref_slice %arg8[%min3A_520, %dma_start3A_521] : memref<40x128xi32, #tpu.memory_space<vmem>> -> memref<1x128xi32, #tpu.memory_space<vmem>>
      %dma_start3A_523 = tpu.memref_squeeze %dma_start3A_522 : memref<1x128xi32, #tpu.memory_space<vmem>> -> memref<128xi32, #tpu.memory_space<vmem>>
      %dma_start3A_524 = arith.constant 0 : i32
      %dma_start3A_525 = arith.constant 0 : i32
      %dma_start3A_526 = tpu.memref_slice %arg13[%dma_start3A_524, %dma_start3A_525] : memref<10000x32xf32, #tpu.memory_space<vmem_shared>> -> memref<10000x32xf32, #tpu.memory_space<vmem_shared>>
      tpu.enqueue_indirect_dma source(%dma_start3A_526 : memref<10000x32xf32, #tpu.memory_space<vmem_shared>>) target(%arg9 : memref<128x32xf32, #tpu.memory_space<vmem>>) offsets(%dma_start3A_523 : memref<128xi32, #tpu.memory_space<vmem>>) semaphore(%arg15 : memref<!tpu.dma_semaphore, #tpu.memory_space<semaphore_mem>>)
      %mul3A_527 = arith.constant 4 : i32
      %mul3A_528 = arith.muli %mul3A_527, %scan3A_491 : i32
      %add3A_529 = arith.constant 2 : i32
      %add3A_530 = arith.addi %mul3A_528, %add3A_529 : i32
      %add3A_531 = arith.constant 1 : i32
      %add3A_532 = arith.addi %add3A_530, %add3A_531 : i32
      %dma_wait3A_533 = arith.constant 0 : i32
      %dma_wait3A_534 = arith.constant 0 : i32
      %dma_wait3A_535 = tpu.memref_slice %arg8[%dma_wait3A_533, %dma_wait3A_534] : memref<40x128xi32, #tpu.memory_space<vmem>> -> memref<1x128xi32, #tpu.memory_space<vmem>>
      %dma_wait3A_536 = tpu.memref_squeeze %dma_wait3A_535 : memref<1x128xi32, #tpu.memory_space<vmem>> -> memref<128xi32, #tpu.memory_space<vmem>>
      %dma_wait3A_537 = arith.constant 0 : i32
      %dma_wait3A_538 = arith.constant 0 : i32
      %dma_wait3A_539 = tpu.memref_slice %arg13[%dma_wait3A_537, %dma_wait3A_538] : memref<10000x32xf32, #tpu.memory_space<vmem_shared>> -> memref<10000x32xf32, #tpu.memory_space<vmem_shared>>
      tpu.wait_indirect_dma semaphore(%arg18 : memref<!tpu.dma_semaphore, #tpu.memory_space<semaphore_mem>>) src(%dma_wait3A_539 : memref<10000x32xf32, #tpu.memory_space<vmem_shared>>) dst(%arg12 : memref<128x32xf32, #tpu.memory_space<vmem>>)
      %dma_start3A_540 = arith.constant 0 : i32
      %dma_start3A_541 = tpu.memref_slice %arg7[%add3A_532, %dma_start3A_540] : memref<40x128xi32, #tpu.memory_space<vmem>> -> memref<1x128xi32, #tpu.memory_space<vmem>>
      %dma_start3A_542 = tpu.memref_squeeze %dma_start3A_541 : memref<1x128xi32, #tpu.memory_space<vmem>> -> memref<128xi32, #tpu.memory_space<vmem>>
      %dma_start3A_543 = arith.constant 0 : i32
      %dma_start3A_544 = arith.constant 0 : i32
      %dma_start3A_545 = tpu.memref_slice %arg14[%dma_start3A_543, %dma_start3A_544] : memref<10240x32xf32, #tpu.memory_space<vmem_shared>> -> memref<10240x32xf32, #tpu.memory_space<vmem_shared>>
      tpu.enqueue_indirect_dma source(%arg12 : memref<128x32xf32, #tpu.memory_space<vmem>>) target(%dma_start3A_545 : memref<10240x32xf32, #tpu.memory_space<vmem_shared>>) offsets(%dma_start3A_542 : memref<128xi32, #tpu.memory_space<vmem>>) semaphore(%arg22 : memref<!tpu.dma_semaphore, #tpu.memory_space<semaphore_mem>>) {add = true}
      %dma_wait3A_546 = arith.constant 0 : i32
      %dma_wait3A_547 = arith.constant 0 : i32
      %dma_wait3A_548 = tpu.memref_slice %arg7[%dma_wait3A_546, %dma_wait3A_547] : memref<40x128xi32, #tpu.memory_space<vmem>> -> memref<1x128xi32, #tpu.memory_space<vmem>>
      %dma_wait3A_549 = tpu.memref_squeeze %dma_wait3A_548 : memref<1x128xi32, #tpu.memory_space<vmem>> -> memref<128xi32, #tpu.memory_space<vmem>>
      %dma_wait3A_550 = arith.constant 0 : i32
      %dma_wait3A_551 = arith.constant 0 : i32
      %dma_wait3A_552 = tpu.memref_slice %arg14[%dma_wait3A_550, %dma_wait3A_551] : memref<10240x32xf32, #tpu.memory_space<vmem_shared>> -> memref<10240x32xf32, #tpu.memory_space<vmem_shared>>
      tpu.wait_indirect_dma semaphore(%arg20 : memref<!tpu.dma_semaphore, #tpu.memory_space<semaphore_mem>>) src(%arg10 : memref<128x32xf32, #tpu.memory_space<vmem>>) dst(%dma_wait3A_552 : memref<10240x32xf32, #tpu.memory_space<vmem_shared>>)
      %add3A_553 = arith.constant 2 : i32
      %add3A_554 = arith.addi %add3A_532, %add3A_553 : i32
      %min3A_555 = arith.constant 39 : i32
      %min3A_556 = arith.minsi %add3A_554, %min3A_555 : i32
      %dma_start3A_557 = arith.constant 0 : i32
      %dma_start3A_558 = tpu.memref_slice %arg8[%min3A_556, %dma_start3A_557] : memref<40x128xi32, #tpu.memory_space<vmem>> -> memref<1x128xi32, #tpu.memory_space<vmem>>
      %dma_start3A_559 = tpu.memref_squeeze %dma_start3A_558 : memref<1x128xi32, #tpu.memory_space<vmem>> -> memref<128xi32, #tpu.memory_space<vmem>>
      %dma_start3A_560 = arith.constant 0 : i32
      %dma_start3A_561 = arith.constant 0 : i32
      %dma_start3A_562 = tpu.memref_slice %arg13[%dma_start3A_560, %dma_start3A_561] : memref<10000x32xf32, #tpu.memory_space<vmem_shared>> -> memref<10000x32xf32, #tpu.memory_space<vmem_shared>>
      tpu.enqueue_indirect_dma source(%dma_start3A_562 : memref<10000x32xf32, #tpu.memory_space<vmem_shared>>) target(%arg10 : memref<128x32xf32, #tpu.memory_space<vmem>>) offsets(%dma_start3A_559 : memref<128xi32, #tpu.memory_space<vmem>>) semaphore(%arg16 : memref<!tpu.dma_semaphore, #tpu.memory_space<semaphore_mem>>)
      %mul3A_563 = arith.constant 4 : i32
      %mul3A_564 = arith.muli %mul3A_563, %scan3A_491 : i32
      %add3A_565 = arith.constant 2 : i32
      %add3A_566 = arith.addi %mul3A_564, %add3A_565 : i32
      %add3A_567 = arith.constant 2 : i32
      %add3A_568 = arith.addi %add3A_566, %add3A_567 : i32
      %dma_wait3A_569 = arith.constant 0 : i32
      %dma_wait3A_570 = arith.constant 0 : i32
      %dma_wait3A_571 = tpu.memref_slice %arg8[%dma_wait3A_569, %dma_wait3A_570] : memref<40x128xi32, #tpu.memory_space<vmem>> -> memref<1x128xi32, #tpu.memory_space<vmem>>
      %dma_wait3A_572 = tpu.memref_squeeze %dma_wait3A_571 : memref<1x128xi32, #tpu.memory_space<vmem>> -> memref<128xi32, #tpu.memory_space<vmem>>
      %dma_wait3A_573 = arith.constant 0 : i32
      %dma_wait3A_574 = arith.constant 0 : i32
      %dma_wait3A_575 = tpu.memref_slice %arg13[%dma_wait3A_573, %dma_wait3A_574] : memref<10000x32xf32, #tpu.memory_space<vmem_shared>> -> memref<10000x32xf32, #tpu.memory_space<vmem_shared>>
      tpu.wait_indirect_dma semaphore(%arg15 : memref<!tpu.dma_semaphore, #tpu.memory_space<semaphore_mem>>) src(%dma_wait3A_575 : memref<10000x32xf32, #tpu.memory_space<vmem_shared>>) dst(%arg9 : memref<128x32xf32, #tpu.memory_space<vmem>>)
      %dma_start3A_576 = arith.constant 0 : i32
      %dma_start3A_577 = tpu.memref_slice %arg7[%add3A_568, %dma_start3A_576] : memref<40x128xi32, #tpu.memory_space<vmem>> -> memref<1x128xi32, #tpu.memory_space<vmem>>
      %dma_start3A_578 = tpu.memref_squeeze %dma_start3A_577 : memref<1x128xi32, #tpu.memory_space<vmem>> -> memref<128xi32, #tpu.memory_space<vmem>>
      %dma_start3A_579 = arith.constant 0 : i32
      %dma_start3A_580 = arith.constant 0 : i32
      %dma_start3A_581 = tpu.memref_slice %arg14[%dma_start3A_579, %dma_start3A_580] : memref<10240x32xf32, #tpu.memory_space<vmem_shared>> -> memref<10240x32xf32, #tpu.memory_space<vmem_shared>>
      tpu.enqueue_indirect_dma source(%arg9 : memref<128x32xf32, #tpu.memory_space<vmem>>) target(%dma_start3A_581 : memref<10240x32xf32, #tpu.memory_space<vmem_shared>>) offsets(%dma_start3A_578 : memref<128xi32, #tpu.memory_space<vmem>>) semaphore(%arg19 : memref<!tpu.dma_semaphore, #tpu.memory_space<semaphore_mem>>) {add = true}
      %dma_wait3A_582 = arith.constant 0 : i32
      %dma_wait3A_583 = arith.constant 0 : i32
      %dma_wait3A_584 = tpu.memref_slice %arg7[%dma_wait3A_582, %dma_wait3A_583] : memref<40x128xi32, #tpu.memory_space<vmem>> -> memref<1x128xi32, #tpu.memory_space<vmem>>
      %dma_wait3A_585 = tpu.memref_squeeze %dma_wait3A_584 : memref<1x128xi32, #tpu.memory_space<vmem>> -> memref<128xi32, #tpu.memory_space<vmem>>
      %dma_wait3A_586 = arith.constant 0 : i32
      %dma_wait3A_587 = arith.constant 0 : i32
      %dma_wait3A_588 = tpu.memref_slice %arg14[%dma_wait3A_586, %dma_wait3A_587] : memref<10240x32xf32, #tpu.memory_space<vmem_shared>> -> memref<10240x32xf32, #tpu.memory_space<vmem_shared>>
      tpu.wait_indirect_dma semaphore(%arg21 : memref<!tpu.dma_semaphore, #tpu.memory_space<semaphore_mem>>) src(%arg11 : memref<128x32xf32, #tpu.memory_space<vmem>>) dst(%dma_wait3A_588 : memref<10240x32xf32, #tpu.memory_space<vmem_shared>>)
      %add3A_589 = arith.constant 2 : i32
      %add3A_590 = arith.addi %add3A_568, %add3A_589 : i32
      %min3A_591 = arith.constant 39 : i32
      %min3A_592 = arith.minsi %add3A_590, %min3A_591 : i32
      %dma_start3A_593 = arith.constant 0 : i32
      %dma_start3A_594 = tpu.memref_slice %arg8[%min3A_592, %dma_start3A_593] : memref<40x128xi32, #tpu.memory_space<vmem>> -> memref<1x128xi32, #tpu.memory_space<vmem>>
      %dma_start3A_595 = tpu.memref_squeeze %dma_start3A_594 : memref<1x128xi32, #tpu.memory_space<vmem>> -> memref<128xi32, #tpu.memory_space<vmem>>
      %dma_start3A_596 = arith.constant 0 : i32
      %dma_start3A_597 = arith.constant 0 : i32
      %dma_start3A_598 = tpu.memref_slice %arg13[%dma_start3A_596, %dma_start3A_597] : memref<10000x32xf32, #tpu.memory_space<vmem_shared>> -> memref<10000x32xf32, #tpu.memory_space<vmem_shared>>
      tpu.enqueue_indirect_dma source(%dma_start3A_598 : memref<10000x32xf32, #tpu.memory_space<vmem_shared>>) target(%arg11 : memref<128x32xf32, #tpu.memory_space<vmem>>) offsets(%dma_start3A_595 : memref<128xi32, #tpu.memory_space<vmem>>) semaphore(%arg17 : memref<!tpu.dma_semaphore, #tpu.memory_space<semaphore_mem>>)
      %mul3A_599 = arith.constant 4 : i32
      %mul3A_600 = arith.muli %mul3A_599, %scan3A_491 : i32
      %add3A_601 = arith.constant 2 : i32
      %add3A_602 = arith.addi %mul3A_600, %add3A_601 : i32
      %add3A_603 = arith.constant 3 : i32
      %add3A_604 = arith.addi %add3A_602, %add3A_603 : i32
      %dma_wait3A_605 = arith.constant 0 : i32
      %dma_wait3A_606 = arith.constant 0 : i32
      %dma_wait3A_607 = tpu.memref_slice %arg8[%dma_wait3A_605, %dma_wait3A_606] : memref<40x128xi32, #tpu.memory_space<vmem>> -> memref<1x128xi32, #tpu.memory_space<vmem>>
      %dma_wait3A_608 = tpu.memref_squeeze %dma_wait3A_607 : memref<1x128xi32, #tpu.memory_space<vmem>> -> memref<128xi32, #tpu.memory_space<vmem>>
      %dma_wait3A_609 = arith.constant 0 : i32
      %dma_wait3A_610 = arith.constant 0 : i32
      %dma_wait3A_611 = tpu.memref_slice %arg13[%dma_wait3A_609, %dma_wait3A_610] : memref<10000x32xf32, #tpu.memory_space<vmem_shared>> -> memref<10000x32xf32, #tpu.memory_space<vmem_shared>>
      tpu.wait_indirect_dma semaphore(%arg16 : memref<!tpu.dma_semaphore, #tpu.memory_space<semaphore_mem>>) src(%dma_wait3A_611 : memref<10000x32xf32, #tpu.memory_space<vmem_shared>>) dst(%arg10 : memref<128x32xf32, #tpu.memory_space<vmem>>)
      %dma_start3A_612 = arith.constant 0 : i32
      %dma_start3A_613 = tpu.memref_slice %arg7[%add3A_604, %dma_start3A_612] : memref<40x128xi32, #tpu.memory_space<vmem>> -> memref<1x128xi32, #tpu.memory_space<vmem>>
      %dma_start3A_614 = tpu.memref_squeeze %dma_start3A_613 : memref<1x128xi32, #tpu.memory_space<vmem>> -> memref<128xi32, #tpu.memory_space<vmem>>
      %dma_start3A_615 = arith.constant 0 : i32
      %dma_start3A_616 = arith.constant 0 : i32
      %dma_start3A_617 = tpu.memref_slice %arg14[%dma_start3A_615, %dma_start3A_616] : memref<10240x32xf32, #tpu.memory_space<vmem_shared>> -> memref<10240x32xf32, #tpu.memory_space<vmem_shared>>
      tpu.enqueue_indirect_dma source(%arg10 : memref<128x32xf32, #tpu.memory_space<vmem>>) target(%dma_start3A_617 : memref<10240x32xf32, #tpu.memory_space<vmem_shared>>) offsets(%dma_start3A_614 : memref<128xi32, #tpu.memory_space<vmem>>) semaphore(%arg20 : memref<!tpu.dma_semaphore, #tpu.memory_space<semaphore_mem>>) {add = true}
      %dma_wait3A_618 = arith.constant 0 : i32
      %dma_wait3A_619 = arith.constant 0 : i32
      %dma_wait3A_620 = tpu.memref_slice %arg7[%dma_wait3A_618, %dma_wait3A_619] : memref<40x128xi32, #tpu.memory_space<vmem>> -> memref<1x128xi32, #tpu.memory_space<vmem>>
      %dma_wait3A_621 = tpu.memref_squeeze %dma_wait3A_620 : memref<1x128xi32, #tpu.memory_space<vmem>> -> memref<128xi32, #tpu.memory_space<vmem>>
      %dma_wait3A_622 = arith.constant 0 : i32
      %dma_wait3A_623 = arith.constant 0 : i32
      %dma_wait3A_624 = tpu.memref_slice %arg14[%dma_wait3A_622, %dma_wait3A_623] : memref<10240x32xf32, #tpu.memory_space<vmem_shared>> -> memref<10240x32xf32, #tpu.memory_space<vmem_shared>>
      tpu.wait_indirect_dma semaphore(%arg22 : memref<!tpu.dma_semaphore, #tpu.memory_space<semaphore_mem>>) src(%arg12 : memref<128x32xf32, #tpu.memory_space<vmem>>) dst(%dma_wait3A_624 : memref<10240x32xf32, #tpu.memory_space<vmem_shared>>)
      %add3A_625 = arith.constant 2 : i32
      %add3A_626 = arith.addi %add3A_604, %add3A_625 : i32
      %min3A_627 = arith.constant 39 : i32
      %min3A_628 = arith.minsi %add3A_626, %min3A_627 : i32
      %dma_start3A_629 = arith.constant 0 : i32
      %dma_start3A_630 = tpu.memref_slice %arg8[%min3A_628, %dma_start3A_629] : memref<40x128xi32, #tpu.memory_space<vmem>> -> memref<1x128xi32, #tpu.memory_space<vmem>>
      %dma_start3A_631 = tpu.memref_squeeze %dma_start3A_630 : memref<1x128xi32, #tpu.memory_space<vmem>> -> memref<128xi32, #tpu.memory_space<vmem>>
      %dma_start3A_632 = arith.constant 0 : i32
      %dma_start3A_633 = arith.constant 0 : i32
      %dma_start3A_634 = tpu.memref_slice %arg13[%dma_start3A_632, %dma_start3A_633] : memref<10000x32xf32, #tpu.memory_space<vmem_shared>> -> memref<10000x32xf32, #tpu.memory_space<vmem_shared>>
      tpu.enqueue_indirect_dma source(%dma_start3A_634 : memref<10000x32xf32, #tpu.memory_space<vmem_shared>>) target(%arg12 : memref<128x32xf32, #tpu.memory_space<vmem>>) offsets(%dma_start3A_631 : memref<128xi32, #tpu.memory_space<vmem>>) semaphore(%arg18 : memref<!tpu.dma_semaphore, #tpu.memory_space<semaphore_mem>>)
    }
    %scan3A_433 = arith.constant 9 : i32
    %dma_wait3A_434 = arith.constant 0 : i32
    %dma_wait3A_435 = arith.constant 0 : i32
    %dma_wait3A_436 = tpu.memref_slice %arg8[%dma_wait3A_434, %dma_wait3A_435] : memref<40x128xi32, #tpu.memory_space<vmem>> -> memref<1x128xi32, #tpu.memory_space<vmem>>
    %dma_wait3A_437 = tpu.memref_squeeze %dma_wait3A_436 : memref<1x128xi32, #tpu.memory_space<vmem>> -> memref<128xi32, #tpu.memory_space<vmem>>
    %dma_wait3A_438 = arith.constant 0 : i32
    %dma_wait3A_439 = arith.constant 0 : i32
    %dma_wait3A_440 = tpu.memref_slice %arg13[%dma_wait3A_438, %dma_wait3A_439] : memref<10000x32xf32, #tpu.memory_space<vmem_shared>> -> memref<10000x32xf32, #tpu.memory_space<vmem_shared>>
    tpu.wait_indirect_dma semaphore(%arg17 : memref<!tpu.dma_semaphore, #tpu.memory_space<semaphore_mem>>) src(%dma_wait3A_440 : memref<10000x32xf32, #tpu.memory_space<vmem_shared>>) dst(%arg11 : memref<128x32xf32, #tpu.memory_space<vmem>>)
    %dma_start3A_441 = arith.constant 38 : i32
    %dma_start3A_442 = arith.constant 0 : i32
    %dma_start3A_443 = tpu.memref_slice %arg7[%dma_start3A_441, %dma_start3A_442] : memref<40x128xi32, #tpu.memory_space<vmem>> -> memref<1x128xi32, #tpu.memory_space<vmem>>
    %dma_start3A_444 = tpu.memref_squeeze %dma_start3A_443 : memref<1x128xi32, #tpu.memory_space<vmem>> -> memref<128xi32, #tpu.memory_space<vmem>>
    %dma_start3A_445 = arith.constant 0 : i32
    %dma_start3A_446 = arith.constant 0 : i32
    %dma_start3A_447 = tpu.memref_slice %arg14[%dma_start3A_445, %dma_start3A_446] : memref<10240x32xf32, #tpu.memory_space<vmem_shared>> -> memref<10240x32xf32, #tpu.memory_space<vmem_shared>>
    tpu.enqueue_indirect_dma source(%arg11 : memref<128x32xf32, #tpu.memory_space<vmem>>) target(%dma_start3A_447 : memref<10240x32xf32, #tpu.memory_space<vmem_shared>>) offsets(%dma_start3A_444 : memref<128xi32, #tpu.memory_space<vmem>>) semaphore(%arg21 : memref<!tpu.dma_semaphore, #tpu.memory_space<semaphore_mem>>) {add = true}
    %dma_wait3A_448 = arith.constant 0 : i32
    %dma_wait3A_449 = arith.constant 0 : i32
    %dma_wait3A_450 = tpu.memref_slice %arg8[%dma_wait3A_448, %dma_wait3A_449] : memref<40x128xi32, #tpu.memory_space<vmem>> -> memref<1x128xi32, #tpu.memory_space<vmem>>
    %dma_wait3A_451 = tpu.memref_squeeze %dma_wait3A_450 : memref<1x128xi32, #tpu.memory_space<vmem>> -> memref<128xi32, #tpu.memory_space<vmem>>
    %dma_wait3A_452 = arith.constant 0 : i32
    %dma_wait3A_453 = arith.constant 0 : i32
    %dma_wait3A_454 = tpu.memref_slice %arg13[%dma_wait3A_452, %dma_wait3A_453] : memref<10000x32xf32, #tpu.memory_space<vmem_shared>> -> memref<10000x32xf32, #tpu.memory_space<vmem_shared>>
    tpu.wait_indirect_dma semaphore(%arg18 : memref<!tpu.dma_semaphore, #tpu.memory_space<semaphore_mem>>) src(%dma_wait3A_454 : memref<10000x32xf32, #tpu.memory_space<vmem_shared>>) dst(%arg12 : memref<128x32xf32, #tpu.memory_space<vmem>>)
    %dma_start3A_455 = arith.constant 39 : i32
    %dma_start3A_456 = arith.constant 0 : i32
    %dma_start3A_457 = tpu.memref_slice %arg7[%dma_start3A_455, %dma_start3A_456] : memref<40x128xi32, #tpu.memory_space<vmem>> -> memref<1x128xi32, #tpu.memory_space<vmem>>
    %dma_start3A_458 = tpu.memref_squeeze %dma_start3A_457 : memref<1x128xi32, #tpu.memory_space<vmem>> -> memref<128xi32, #tpu.memory_space<vmem>>
    %dma_start3A_459 = arith.constant 0 : i32
    %dma_start3A_460 = arith.constant 0 : i32
    %dma_start3A_461 = tpu.memref_slice %arg14[%dma_start3A_459, %dma_start3A_460] : memref<10240x32xf32, #tpu.memory_space<vmem_shared>> -> memref<10240x32xf32, #tpu.memory_space<vmem_shared>>
    tpu.enqueue_indirect_dma source(%arg12 : memref<128x32xf32, #tpu.memory_space<vmem>>) target(%dma_start3A_461 : memref<10240x32xf32, #tpu.memory_space<vmem_shared>>) offsets(%dma_start3A_458 : memref<128xi32, #tpu.memory_space<vmem>>) semaphore(%arg22 : memref<!tpu.dma_semaphore, #tpu.memory_space<semaphore_mem>>) {add = true}
    %dma_wait3A_462 = arith.constant 0 : i32
    %dma_wait3A_463 = arith.constant 0 : i32
    %dma_wait3A_464 = tpu.memref_slice %arg7[%dma_wait3A_462, %dma_wait3A_463] : memref<40x128xi32, #tpu.memory_space<vmem>> -> memref<1x128xi32, #tpu.memory_space<vmem>>
    %dma_wait3A_465 = tpu.memref_squeeze %dma_wait3A_464 : memref<1x128xi32, #tpu.memory_space<vmem>> -> memref<128xi32, #tpu.memory_space<vmem>>
    %dma_wait3A_466 = arith.constant 0 : i32
    %dma_wait3A_467 = arith.constant 0 : i32
    %dma_wait3A_468 = tpu.memref_slice %arg14[%dma_wait3A_466, %dma_wait3A_467] : memref<10240x32xf32, #tpu.memory_space<vmem_shared>> -> memref<10240x32xf32, #tpu.memory_space<vmem_shared>>
    tpu.wait_indirect_dma semaphore(%arg19 : memref<!tpu.dma_semaphore, #tpu.memory_space<semaphore_mem>>) src(%arg9 : memref<128x32xf32, #tpu.memory_space<vmem>>) dst(%dma_wait3A_468 : memref<10240x32xf32, #tpu.memory_space<vmem_shared>>)
    %dma_wait3A_469 = arith.constant 0 : i32
    %dma_wait3A_470 = arith.constant 0 : i32
    %dma_wait3A_471 = tpu.memref_slice %arg7[%dma_wait3A_469, %dma_wait3A_470] : memref<40x128xi32, #tpu.memory_space<vmem>> -> memref<1x128xi32, #tpu.memory_space<vmem>>
    %dma_wait3A_472 = tpu.memref_squeeze %dma_wait3A_471 : memref<1x128xi32, #tpu.memory_space<vmem>> -> memref<128xi32, #tpu.memory_space<vmem>>
    %dma_wait3A_473 = arith.constant 0 : i32
    %dma_wait3A_474 = arith.constant 0 : i32
    %dma_wait3A_475 = tpu.memref_slice %arg14[%dma_wait3A_473, %dma_wait3A_474] : memref<10240x32xf32, #tpu.memory_space<vmem_shared>> -> memref<10240x32xf32, #tpu.memory_space<vmem_shared>>
    tpu.wait_indirect_dma semaphore(%arg20 : memref<!tpu.dma_semaphore, #tpu.memory_space<semaphore_mem>>) src(%arg10 : memref<128x32xf32, #tpu.memory_space<vmem>>) dst(%dma_wait3A_475 : memref<10240x32xf32, #tpu.memory_space<vmem_shared>>)
    %dma_wait3A_476 = arith.constant 0 : i32
    %dma_wait3A_477 = arith.constant 0 : i32
    %dma_wait3A_478 = tpu.memref_slice %arg7[%dma_wait3A_476, %dma_wait3A_477] : memref<40x128xi32, #tpu.memory_space<vmem>> -> memref<1x128xi32, #tpu.memory_space<vmem>>
    %dma_wait3A_479 = tpu.memref_squeeze %dma_wait3A_478 : memref<1x128xi32, #tpu.memory_space<vmem>> -> memref<128xi32, #tpu.memory_space<vmem>>
    %dma_wait3A_480 = arith.constant 0 : i32
    %dma_wait3A_481 = arith.constant 0 : i32
    %dma_wait3A_482 = tpu.memref_slice %arg14[%dma_wait3A_480, %dma_wait3A_481] : memref<10240x32xf32, #tpu.memory_space<vmem_shared>> -> memref<10240x32xf32, #tpu.memory_space<vmem_shared>>
    tpu.wait_indirect_dma semaphore(%arg21 : memref<!tpu.dma_semaphore, #tpu.memory_space<semaphore_mem>>) src(%arg11 : memref<128x32xf32, #tpu.memory_space<vmem>>) dst(%dma_wait3A_482 : memref<10240x32xf32, #tpu.memory_space<vmem_shared>>)
    %dma_wait3A_483 = arith.constant 0 : i32
    %dma_wait3A_484 = arith.constant 0 : i32
    %dma_wait3A_485 = tpu.memref_slice %arg7[%dma_wait3A_483, %dma_wait3A_484] : memref<40x128xi32, #tpu.memory_space<vmem>> -> memref<1x128xi32, #tpu.memory_space<vmem>>
    %dma_wait3A_486 = tpu.memref_squeeze %dma_wait3A_485 : memref<1x128xi32, #tpu.memory_space<vmem>> -> memref<128xi32, #tpu.memory_space<vmem>>
    %dma_wait3A_487 = arith.constant 0 : i32
    %dma_wait3A_488 = arith.constant 0 : i32
    %dma_wait3A_489 = tpu.memref_slice %arg14[%dma_wait3A_487, %dma_wait3A_488] : memref<10240x32xf32, #tpu.memory_space<vmem_shared>> -> memref<10240x32xf32, #tpu.memory_space<vmem_shared>>
    tpu.wait_indirect_dma semaphore(%arg22 : memref<!tpu.dma_semaphore, #tpu.memory_space<semaphore_mem>>) src(%arg12 : memref<128x32xf32, #tpu.memory_space<vmem>>) dst(%dma_wait3A_489 : memref<10240x32xf32, #tpu.memory_space<vmem_shared>>)
    %barrier3A_490 = arith.constant 0 : index
    tpu.barrier barrier_id(%barrier3A_490)
    "tpu.region"() ({
      %run_scoped3A = tpu.sem_alloc : memref<!tpu.dma_semaphore, #tpu.memory_space<semaphore_mem>>
      %dma_start3A_491 = arith.constant 0 : i32
      %dma_start3A_492 = tpu.memref_slice %arg6[%arg0, %mul3A_0, %dma_start3A_491] : memref<2x10240x32xf32, #tpu.memory_space<hbm>> -> memref<1x640x32xf32, #tpu.memory_space<hbm>>
      %dma_start3A_493 = tpu.memref_squeeze %dma_start3A_492 : memref<1x640x32xf32, #tpu.memory_space<hbm>> -> memref<640x32xf32, #tpu.memory_space<hbm>>
      %dma_start3A_494 = arith.constant 0 : i32
      %dma_start3A_495 = tpu.memref_slice %arg14[%mul3A_0, %dma_start3A_494] : memref<10240x32xf32, #tpu.memory_space<vmem_shared>> -> memref<640x32xf32, #tpu.memory_space<vmem_shared>>
      tpu.enqueue_dma source(%dma_start3A_495 : memref<640x32xf32, #tpu.memory_space<vmem_shared>>) target(%dma_start3A_493 : memref<640x32xf32, #tpu.memory_space<hbm>>) target_semaphore(%run_scoped3A : memref<!tpu.dma_semaphore, #tpu.memory_space<semaphore_mem>>)
      %dma_wait3A_496 = arith.constant 0 : i32
      %dma_wait3A_497 = tpu.memref_slice %arg6[%arg0, %mul3A_0, %dma_wait3A_496] : memref<2x10240x32xf32, #tpu.memory_space<hbm>> -> memref<1x640x32xf32, #tpu.memory_space<hbm>>
      %dma_wait3A_498 = tpu.memref_squeeze %dma_wait3A_497 : memref<1x640x32xf32, #tpu.memory_space<hbm>> -> memref<640x32xf32, #tpu.memory_space<hbm>>
      %dma_wait3A_499 = arith.constant 0 : i32
      %dma_wait3A_500 = tpu.memref_slice %arg14[%mul3A_0, %dma_wait3A_499] : memref<10240x32xf32, #tpu.memory_space<vmem_shared>> -> memref<640x32xf32, #tpu.memory_space<vmem_shared>>
      tpu.wait_dma2 semaphore(%run_scoped3A : memref<!tpu.dma_semaphore, #tpu.memory_space<semaphore_mem>>) src(%dma_wait3A_500 : memref<640x32xf32, #tpu.memory_space<vmem_shared>>) dst(%dma_wait3A_498 : memref<640x32xf32, #tpu.memory_space<hbm>>)
      tpu.yield
    }) : () -> ()
    return
  }
}

module attributes {stable_mosaic.version = 14 : i64} {
  func.func @_tc1_body(%arg0: i32, %arg1: memref<2x1000x64xf32, #tpu.memory_space<vmem>>, %arg2: memref<2x1000x16xf32, #tpu.memory_space<vmem>>, %arg3: memref<1000x128xf32, #tpu.memory_space<vmem>>, %arg4: memref<256x128xf32, #tpu.memory_space<vmem>>, %arg5: memref<64x256xf32, #tpu.memory_space<vmem>>, %arg6: memref<1x256xf32, #tpu.memory_space<vmem>>, %arg7: memref<2x1000x32xf32, #tpu.memory_space<vmem>>) attributes {dimension_semantics = [#tpu.dimension_semantics<arbitrary>], iteration_bounds = array<i64: 10>, scalar_prefetch = 0 : i64, scratch_operands = 0 : i64, tpu.core_type = #tpu.core_type<tc>, window_params = [{transform_indices = @transform_0, window_bounds = array<i64: 2, 1000, 64>}, {transform_indices = @transform_1, window_bounds = array<i64: 2, 1000, 16>}, {transform_indices = @transform_2, window_bounds = array<i64: 1000, 128>}, {pipeline_mode = #tpu.pipeline_mode<synchronous>, transform_indices = @transform_3, window_bounds = array<i64: 256, 128>}, {pipeline_mode = #tpu.pipeline_mode<synchronous>, transform_indices = @transform_4, window_bounds = array<i64: 64, 256>}, {pipeline_mode = #tpu.pipeline_mode<synchronous>, transform_indices = @transform_5, window_bounds = array<i64: 1, 256>}, {transform_indices = @transform_6, window_bounds = array<i64: 2, 1000, 32>}]} {
    %get3A = arith.constant 0 : index
    %get3A_0 = arith.constant 0 : index
    %get3A_1 = arith.constant 0 : index
    %get3A_2 = vector.load %arg2[%get3A, %get3A_0, %get3A_1] : memref<2x1000x16xf32, #tpu.memory_space<vmem>>, vector<1x1000x1xf32>
    %get3A_3 = vector.shape_cast %get3A_2 : vector<1x1000x1xf32> to vector<1000x1xf32>
    %get3A_4 = arith.constant 1 : index
    %get3A_5 = arith.constant 0 : index
    %get3A_6 = arith.constant 0 : index
    %get3A_7 = vector.load %arg2[%get3A_4, %get3A_5, %get3A_6] : memref<2x1000x16xf32, #tpu.memory_space<vmem>>, vector<1x1000x1xf32>
    %get3A_8 = vector.shape_cast %get3A_7 : vector<1x1000x1xf32> to vector<1000x1xf32>
    %add3A = arith.addf %get3A_3, %get3A_8 : vector<1000x1xf32>
    %add3A_9 = arith.constant 1.000000e+00 : f32
    %add3A_10 = vector.broadcast %add3A_9 : f32 to vector<1000x1xf32>
    %add3A_11 = arith.addf %add3A, %add3A_10 : vector<1000x1xf32>
    %get3A_12 = arith.constant 0 : index
    %get3A_13 = arith.constant 0 : index
    %get3A_14 = arith.constant 0 : index
    %get3A_15 = vector.load %arg1[%get3A_12, %get3A_13, %get3A_14] : memref<2x1000x64xf32, #tpu.memory_space<vmem>>, vector<1x1000x64xf32>
    %get3A_16 = vector.shape_cast %get3A_15 : vector<1x1000x64xf32> to vector<1000x64xf32>
    %get3A_17 = arith.constant 1 : index
    %get3A_18 = arith.constant 0 : index
    %get3A_19 = arith.constant 0 : index
    %get3A_20 = vector.load %arg1[%get3A_17, %get3A_18, %get3A_19] : memref<2x1000x64xf32, #tpu.memory_space<vmem>>, vector<1x1000x64xf32>
    %get3A_21 = vector.shape_cast %get3A_20 : vector<1x1000x64xf32> to vector<1000x64xf32>
    %concatenate3A = tpu.concatenate %get3A_16, %get3A_21 in 1 : vector<1000x64xf32>, vector<1000x64xf32> -> vector<1000x128xf32>
    %get3A_22 = arith.constant 0 : index
    %get3A_23 = arith.constant 0 : index
    %get3A_24 = vector.load %arg3[%get3A_22, %get3A_23] : memref<1000x128xf32, #tpu.memory_space<vmem>>, vector<1000x128xf32>
    %add3A_25 = arith.addf %concatenate3A, %get3A_24 : vector<1000x128xf32>
    %div3A = vector.broadcast %add3A_11 : vector<1000x1xf32> to vector<1000x128xf32>
    %div3A_26 = arith.divf %add3A_25, %div3A : vector<1000x128xf32>
    %get3A_27 = arith.constant 0 : index
    %get3A_28 = arith.constant 0 : index
    %get3A_29 = vector.load %arg4[%get3A_27, %get3A_28] : memref<256x128xf32, #tpu.memory_space<vmem>>, vector<256x128xf32>
    %dot_general3A = arith.constant dense<0.000000e+00> : vector<1000x256xf32>
    %dot_general3A_30 = tpu.matmul %div3A_26, %get3A_29, %dot_general3A {dimension_numbers = #tpu.dot_dimension_numbers<[1], [1], [0], [0], [0, 0, 1, 0], [], []>, transpose_lhs_hint = false} : vector<1000x128xf32>, vector<256x128xf32>, vector<1000x256xf32> -> vector<1000x256xf32>
    %get3A_31 = arith.constant 0 : index
    %get3A_32 = arith.constant 0 : index
    %get3A_33 = vector.load %arg6[%get3A_31, %get3A_32] : memref<1x256xf32, #tpu.memory_space<vmem>>, vector<1x256xf32>
    %add3A_34 = vector.broadcast %get3A_33 : vector<1x256xf32> to vector<1000x256xf32>
    %add3A_35 = arith.addf %dot_general3A_30, %add3A_34 : vector<1000x256xf32>
    %max3A = arith.constant 0.000000e+00 : f32
    %max3A_36 = vector.broadcast %max3A : f32 to vector<1000x256xf32>
    %max3A_37 = arith.maximumf %add3A_35, %max3A_36 : vector<1000x256xf32>
    %get3A_38 = arith.constant 0 : index
    %get3A_39 = arith.constant 0 : index
    %get3A_40 = vector.load %arg5[%get3A_38, %get3A_39] : memref<64x256xf32, #tpu.memory_space<vmem>>, vector<64x256xf32>
    %dot_general3A_41 = arith.constant dense<0.000000e+00> : vector<1000x64xf32>
    %dot_general3A_42 = tpu.matmul %max3A_37, %get3A_40, %dot_general3A_41 {dimension_numbers = #tpu.dot_dimension_numbers<[1], [1], [0], [0], [0, 0, 1, 0], [], []>, transpose_lhs_hint = false} : vector<1000x256xf32>, vector<64x256xf32>, vector<1000x64xf32> -> vector<1000x64xf32>
    %slice3A = vector.extract_strided_slice %dot_general3A_42 {offsets = [0, 0], sizes = [1000, 32], strides = [1, 1]} : vector<1000x64xf32> to vector<1000x32xf32>
    %swap3A = arith.constant 0 : index
    %swap3A_43 = arith.constant 0 : index
    %swap3A_44 = arith.constant 0 : index
    %swap3A_45 = vector.load %arg7[%swap3A, %swap3A_43, %swap3A_44] : memref<2x1000x32xf32, #tpu.memory_space<vmem>>, vector<1x1000x32xf32>
    %swap3A_46 = vector.shape_cast %swap3A_45 : vector<1x1000x32xf32> to vector<1000x32xf32>
    %swap3A_47 = vector.shape_cast %slice3A : vector<1000x32xf32> to vector<1x1000x32xf32>
    tpu.vector_store %arg7[%swap3A, %swap3A_43, %swap3A_44], %swap3A_47 {strides = array<i32>} : memref<2x1000x32xf32, #tpu.memory_space<vmem>>, vector<1x1000x32xf32>,
    %slice3A_48 = vector.extract_strided_slice %dot_general3A_42 {offsets = [0, 32], sizes = [1000, 32], strides = [1, 1]} : vector<1000x64xf32> to vector<1000x32xf32>
    %swap3A_49 = arith.constant 1 : index
    %swap3A_50 = arith.constant 0 : index
    %swap3A_51 = arith.constant 0 : index
    %swap3A_52 = vector.load %arg7[%swap3A_49, %swap3A_50, %swap3A_51] : memref<2x1000x32xf32, #tpu.memory_space<vmem>>, vector<1x1000x32xf32>
    %swap3A_53 = vector.shape_cast %swap3A_52 : vector<1x1000x32xf32> to vector<1000x32xf32>
    %swap3A_54 = vector.shape_cast %slice3A_48 : vector<1000x32xf32> to vector<1x1000x32xf32>
    tpu.vector_store %arg7[%swap3A_49, %swap3A_50, %swap3A_51], %swap3A_54 {strides = array<i32>} : memref<2x1000x32xf32, #tpu.memory_space<vmem>>, vector<1x1000x32xf32>,
    return
  }
  func.func @transform_0(%arg0: i32) -> (i32, i32, i32) {
    %c0_i32 = arith.constant 0 : i32
    %c0_i32_0 = arith.constant 0 : i32
    %c0_i32_1 = arith.constant 0 : i32
    return %c0_i32, %arg0, %c0_i32_0 : i32, i32, i32
  }
  func.func @transform_1(%arg0: i32) -> (i32, i32, i32) {
    %c0_i32 = arith.constant 0 : i32
    %c0_i32_0 = arith.constant 0 : i32
    %c0_i32_1 = arith.constant 0 : i32
    return %c0_i32, %arg0, %c0_i32_0 : i32, i32, i32
  }
  func.func @transform_2(%arg0: i32) -> (i32, i32) {
    %c0_i32 = arith.constant 0 : i32
    %c0_i32_0 = arith.constant 0 : i32
    return %arg0, %c0_i32 : i32, i32
  }
  func.func @transform_3(%arg0: i32) -> (i32, i32) {
    %c0_i32 = arith.constant 0 : i32
    %c0_i32_0 = arith.constant 0 : i32
    %c0_i32_1 = arith.constant 0 : i32
    return %c0_i32, %c0_i32_0 : i32, i32
  }
  func.func @transform_4(%arg0: i32) -> (i32, i32) {
    %c0_i32 = arith.constant 0 : i32
    %c0_i32_0 = arith.constant 0 : i32
    %c0_i32_1 = arith.constant 0 : i32
    return %c0_i32, %c0_i32_0 : i32, i32
  }
  func.func @transform_5(%arg0: i32) -> (i32, i32) {
    %c0_i32 = arith.constant 0 : i32
    %c0_i32_0 = arith.constant 0 : i32
    %c0_i32_1 = arith.constant 0 : i32
    return %c0_i32, %c0_i32_0 : i32, i32
  }
  func.func @transform_6(%arg0: i32) -> (i32, i32, i32) {
    %c0_i32 = arith.constant 0 : i32
    %c0_i32_0 = arith.constant 0 : i32
    %c0_i32_1 = arith.constant 0 : i32
    return %c0_i32, %arg0, %c0_i32_0 : i32, i32, i32
  }
}

module attributes {stable_mosaic.version = 14 : i64} {
  func.func @_tc2_body(%arg0: i32, %arg1: memref<2x1000x32xf32, #tpu.memory_space<vmem>>, %arg2: memref<2x1000x16xf32, #tpu.memory_space<vmem>>, %arg3: memref<2x1000x32xf32, #tpu.memory_space<vmem>>, %arg4: memref<1x64xf32, #tpu.memory_space<vmem>>, %arg5: memref<1000x64xf32, #tpu.memory_space<vmem>>) attributes {dimension_semantics = [#tpu.dimension_semantics<arbitrary>], iteration_bounds = array<i64: 10>, scalar_prefetch = 0 : i64, scratch_operands = 0 : i64, tpu.core_type = #tpu.core_type<tc>, window_params = [{transform_indices = @transform_0, window_bounds = array<i64: 2, 1000, 32>}, {transform_indices = @transform_1, window_bounds = array<i64: 2, 1000, 16>}, {transform_indices = @transform_2, window_bounds = array<i64: 2, 1000, 32>}, {pipeline_mode = #tpu.pipeline_mode<synchronous>, transform_indices = @transform_3, window_bounds = array<i64: 1, 64>}, {transform_indices = @transform_4, window_bounds = array<i64: 1000, 64>}]} {
    %get3A = arith.constant 0 : index
    %get3A_0 = arith.constant 0 : index
    %get3A_1 = arith.constant 0 : index
    %get3A_2 = vector.load %arg2[%get3A, %get3A_0, %get3A_1] : memref<2x1000x16xf32, #tpu.memory_space<vmem>>, vector<1x1000x1xf32>
    %get3A_3 = vector.shape_cast %get3A_2 : vector<1x1000x1xf32> to vector<1000x1xf32>
    %get3A_4 = arith.constant 1 : index
    %get3A_5 = arith.constant 0 : index
    %get3A_6 = arith.constant 0 : index
    %get3A_7 = vector.load %arg2[%get3A_4, %get3A_5, %get3A_6] : memref<2x1000x16xf32, #tpu.memory_space<vmem>>, vector<1x1000x1xf32>
    %get3A_8 = vector.shape_cast %get3A_7 : vector<1x1000x1xf32> to vector<1000x1xf32>
    %add3A = arith.addf %get3A_3, %get3A_8 : vector<1000x1xf32>
    %add3A_9 = arith.constant 1.000000e+00 : f32
    %add3A_10 = vector.broadcast %add3A_9 : f32 to vector<1000x1xf32>
    %add3A_11 = arith.addf %add3A, %add3A_10 : vector<1000x1xf32>
    %get3A_12 = arith.constant 0 : index
    %get3A_13 = arith.constant 0 : index
    %get3A_14 = arith.constant 0 : index
    %get3A_15 = vector.load %arg1[%get3A_12, %get3A_13, %get3A_14] : memref<2x1000x32xf32, #tpu.memory_space<vmem>>, vector<1x1000x32xf32>
    %get3A_16 = vector.shape_cast %get3A_15 : vector<1x1000x32xf32> to vector<1000x32xf32>
    %get3A_17 = arith.constant 1 : index
    %get3A_18 = arith.constant 0 : index
    %get3A_19 = arith.constant 0 : index
    %get3A_20 = vector.load %arg1[%get3A_17, %get3A_18, %get3A_19] : memref<2x1000x32xf32, #tpu.memory_space<vmem>>, vector<1x1000x32xf32>
    %get3A_21 = vector.shape_cast %get3A_20 : vector<1x1000x32xf32> to vector<1000x32xf32>
    %concatenate3A = tpu.concatenate %get3A_16, %get3A_21 in 1 : vector<1000x32xf32>, vector<1000x32xf32> -> vector<1000x64xf32>
    %get3A_22 = arith.constant 0 : index
    %get3A_23 = arith.constant 0 : index
    %get3A_24 = arith.constant 0 : index
    %get3A_25 = vector.load %arg3[%get3A_22, %get3A_23, %get3A_24] : memref<2x1000x32xf32, #tpu.memory_space<vmem>>, vector<1x1000x32xf32>
    %get3A_26 = vector.shape_cast %get3A_25 : vector<1x1000x32xf32> to vector<1000x32xf32>
    %get3A_27 = arith.constant 1 : index
    %get3A_28 = arith.constant 0 : index
    %get3A_29 = arith.constant 0 : index
    %get3A_30 = vector.load %arg3[%get3A_27, %get3A_28, %get3A_29] : memref<2x1000x32xf32, #tpu.memory_space<vmem>>, vector<1x1000x32xf32>
    %get3A_31 = vector.shape_cast %get3A_30 : vector<1x1000x32xf32> to vector<1000x32xf32>
    %concatenate3A_32 = tpu.concatenate %get3A_26, %get3A_31 in 1 : vector<1000x32xf32>, vector<1000x32xf32> -> vector<1000x64xf32>
    %add3A_33 = arith.addf %concatenate3A, %concatenate3A_32 : vector<1000x64xf32>
    %div3A = vector.broadcast %add3A_11 : vector<1000x1xf32> to vector<1000x64xf32>
    %div3A_34 = arith.divf %add3A_33, %div3A : vector<1000x64xf32>
    %get3A_35 = arith.constant 0 : index
    %get3A_36 = arith.constant 0 : index
    %get3A_37 = vector.load %arg4[%get3A_35, %get3A_36] : memref<1x64xf32, #tpu.memory_space<vmem>>, vector<1x64xf32>
    %add3A_38 = vector.broadcast %get3A_37 : vector<1x64xf32> to vector<1000x64xf32>
    %add3A_39 = arith.addf %div3A_34, %add3A_38 : vector<1000x64xf32>
    %reduce_max3A = arith.constant dense<0xFF800000> : vector<1000xf32>
    %reduce_max3A_40 = vector.multi_reduction <maximumf>, %add3A_39, %reduce_max3A [1] : vector<1000x64xf32> to vector<1000xf32>
    %broadcast_in_dim3A = vector.shape_cast %reduce_max3A_40 : vector<1000xf32> to vector<1000x1xf32>
    %sub3A = vector.broadcast %broadcast_in_dim3A : vector<1000x1xf32> to vector<1000x64xf32>
    %sub3A_41 = arith.subf %add3A_39, %sub3A : vector<1000x64xf32>
    %exp3A = math.exp %sub3A_41 : vector<1000x64xf32>
    %reduce_sum3A = arith.constant dense<0.000000e+00> : vector<1000xf32>
    %reduce_sum3A_42 = vector.multi_reduction <add>, %exp3A, %reduce_sum3A [1] : vector<1000x64xf32> to vector<1000xf32>
    %broadcast_in_dim3A_43 = vector.shape_cast %reduce_sum3A_42 : vector<1000xf32> to vector<1000x1xf32>
    %log3A = math.log %broadcast_in_dim3A_43 : vector<1000x1xf32>
    %add3A_44 = arith.addf %log3A, %broadcast_in_dim3A : vector<1000x1xf32>
    %sub3A_45 = vector.broadcast %add3A_44 : vector<1000x1xf32> to vector<1000x64xf32>
    %sub3A_46 = arith.subf %add3A_39, %sub3A_45 : vector<1000x64xf32>
    %swap3A = arith.constant 0 : index
    %swap3A_47 = arith.constant 0 : index
    %swap3A_48 = vector.load %arg5[%swap3A, %swap3A_47] : memref<1000x64xf32, #tpu.memory_space<vmem>>, vector<1000x64xf32>
    tpu.vector_store %arg5[%swap3A, %swap3A_47], %sub3A_46 {strides = array<i32>} : memref<1000x64xf32, #tpu.memory_space<vmem>>, vector<1000x64xf32>,
    return
  }
  func.func @transform_0(%arg0: i32) -> (i32, i32, i32) {
    %c0_i32 = arith.constant 0 : i32
    %c0_i32_0 = arith.constant 0 : i32
    %c0_i32_1 = arith.constant 0 : i32
    return %c0_i32, %arg0, %c0_i32_0 : i32, i32, i32
  }
  func.func @transform_1(%arg0: i32) -> (i32, i32, i32) {
    %c0_i32 = arith.constant 0 : i32
    %c0_i32_0 = arith.constant 0 : i32
    %c0_i32_1 = arith.constant 0 : i32
    return %c0_i32, %arg0, %c0_i32_0 : i32, i32, i32
  }
  func.func @transform_2(%arg0: i32) -> (i32, i32, i32) {
    %c0_i32 = arith.constant 0 : i32
    %c0_i32_0 = arith.constant 0 : i32
    %c0_i32_1 = arith.constant 0 : i32
    return %c0_i32, %arg0, %c0_i32_0 : i32, i32, i32
  }
  func.func @transform_3(%arg0: i32) -> (i32, i32) {
    %c0_i32 = arith.constant 0 : i32
    %c0_i32_0 = arith.constant 0 : i32
    %c0_i32_1 = arith.constant 0 : i32
    return %c0_i32, %c0_i32_0 : i32, i32
  }
  func.func @transform_4(%arg0: i32) -> (i32, i32) {
    %c0_i32 = arith.constant 0 : i32
    %c0_i32_0 = arith.constant 0 : i32
    return %arg0, %c0_i32 : i32, i32
  }
}

</mosaic_0001>

<sc_bundles>
// kernel: kernel.10.cloned.1.call-start
scs
__scs_entry_jumppad:
0x0: {  	(pc) =	sbr.rel $0x88, $3  }
0x1: {  	(tag) =	ssettag $0x0;
	lr =	simm.s32 $0x1  }
0x2: {  	[smem:$0x3F9B] =	sst lr;
	_ =	strace $0xD0000000  }
0x3: {  	_ = 	snop  }
0x4: {  	_ = 	snop  }
0x5: {  	_ = 	snop  }
0x6: {  	_ = 	snop  }
0x7: {  	_ = 	snop  }
__scs_overlays_trampoline_lowered:
0x8: {  	[smem:$0x3FAA] =	sst s0  }
0x9: {  	[smem:$0x3FAB] =	sst s1  }
0xa: {  	[smem:$0x3FAC] =	sst s2  }
0xb: {  	[smem:$0x3FAD] =	sst s3  }
0xc: {  	[smem:$0x3FAE] =	sst s4  }
0xd: {  	[smem:$0x3FAF] =	sst s5  }
0xe: {  	[smem:$0x3FB0] =	sst s6  }
0xf: {  	[smem:$0x3FB1] =	sst s7  }
0x10: {  	[smem:$0x3FB2] =	sst s8  }
0x11: {  	[smem:$0x3FB3] =	sst s9;
	s0 =	simm.s32 @!p0 $0x0  }
0x12: {  	s1 =	sld [smem:$0x3F99];
	s0 =	simm.s32 @p0 $0x1  }
0x13: {  	[smem:$0x3FB4] =	sst s0;
	s0 =	simm.s32 @!p1 $0x0  }
0x14: {  	s2 =	sld [smem:$0x3F98];
	s0 =	simm.s32 @p1 $0x1  }
0x15: {  	[smem:$0x3FB5] =	sst s0;
	s0 =	simm.s32 @!p2 $0x0  }
0x16: {  	s3 =	sld [smem:$0x3FDB];
	s0 =	simm.s32 @p2 $0x1  }
0x17: {  	s4 =	simm.s32 $0x1BF5;
	[smem:$0x3FB7] =	sst s0  }
0x18: {  	s0 =	sld [smem:$0x3F9A];
	_ =	swait.ge [sflag:s4], $0x0  }
0x19: {  	s7 =	sld [smem:$0x3F9B]  }
0x1a: {  	s8 =	sadd.s32 $0xFFFFE003, lr  }
0x1b: {  	s9 =	sadd.s32 $0xFFFFFEF7, lr;
	s5 =	simm.s32 $0xFFFFFFFF;
	p2 =	slt.u32 s8, $0xFFFFF086  }
0x1c: {  	p1 =	slt.u32 s9, $0xF7A;
	s5 =	simm.s32 @!p2 $0x0  }
0x1d: {  	s5 =	simm.s32 @p1 $0x1;
	p0 =	seq.s32 s7, s2  }
0x1e: {  	s7 =	smul.u32 @!p0 $0xF7A, s2;
	p2 =	seq.s32 @!p0 s5, $0x0  }
0x1f: {  	s9 =	smul.u32 $0xF7A, s1;
	s8 =	simm.s32 @!p0 $0x1BF5;
	p2 =	por !p2, p0  }
0x20: {  	[sflag:s8] =	ssyncset.s32 @!p0 $0xFFFFF086;
	s6 =	sadd.s32 @!p0 s3, s7;
	s7 =	simm.s32 @!p0 $0x108  }
0x21: {  	s3 =	sadd.s32 s3, s9;
	s6 =	sadd.s32 @!p0 $0x88, s6;
	s7 =	simm.s32 @p2 $0x1082  }
0x22: {  	[simem:s7], [sflag:s8] =	dma.local @!p0 [hbm:s6], $0xF7A  }
0x23: {  	s9 =	sor.u32 $0xD0000000, s2;
	s6 =	simm.s32 $0x108;
	_ =	swait.ge @!p0 [sflag:s8], $0x0  }
0x24: {  	s3 =	sadd.s32 $0x88, s3;
	s6 =	simm.s32 @!p1 $0x1082;
	[sflag:s4] =	ssyncset.s32 $0xFFFFF086  }
0x25: {  	[simem:s6], [sflag:s4] =	dma.local [hbm:s3], $0xF7A  }
0x26: {  	[smem:$0x3F9B] =	sst s1;
	(tag) =	ssettag s2;
	_ =	strace s9  }
0x27: {  	s1 =	sld [smem:$0x3FAB]  }
0x28: {  	s2 =	sld [smem:$0x3FAC]  }
0x29: {  	s4 =	sld [smem:$0x3FAE]  }
0x2a: {  	p0 =	seq.s32 s5, $0x0;
	s5 =	sld [smem:$0x3FAF]  }
0x2b: {  	s6 =	sld [smem:$0x3FB0]  }
0x2c: {  	s7 =	sld [smem:$0x3FB1]  }
0x2d: {  	s3 =	simm.s32 $0x108;
	s8 =	sld [smem:$0x3FB2]  }
0x2e: {  	s3 =	simm.s32 @!p0 $0x1082;
	s9 =	sld [smem:$0x3FB3]  }
0x2f: {  	lr =	sadd.s32 s0, s3;
	s0 =	sld [smem:$0x3FAA]  }
0x30: {  	s3 =	sld [smem:$0x3FAD]  }
0x31: {  	[smem:$0x3FB6] =	sst s10  }
0x32: {  	s10 =	sld [smem:$0x3FB4];
	_ =	sdelay $0x3  }
0x33: {  	p0 =	seq.s32 s10, $0x1;
	s10 =	sld [smem:$0x3FB6];
	_ =	sdelay $0x3  }
0x34: {  	[smem:$0x3FB6] =	sst s10  }
0x35: {  	s10 =	sld [smem:$0x3FB5];
	_ =	sdelay $0x3  }
0x36: {  	p1 =	seq.s32 s10, $0x1;
	s10 =	sld [smem:$0x3FB6];
	_ =	sdelay $0x3  }
0x37: {  	[smem:$0x3FB6] =	sst s10  }
0x38: {  	s10 =	sld [smem:$0x3FB7]  }
0x39: {  	_ = 	snop;
	(pc) =	sbr.ind lr, $3  }
0x3a: {  	_ = 	snop  }
0x3b: {  	_ = 	snop  }
0x3c: {  	p2 =	seq.s32 s10, $0x1;
	s10 =	sld [smem:$0x3FB6]  }
0x3d: {  	_ =	shalt  }
0x3e: {  	_ =	shalt  }
0x3f: {  	_ =	shalt  }
0x40: {  	_ =	shalt  }
0x41: {  	_ =	shalt  }
0x42: {  	_ =	shalt  }
0x43: {  	_ =	shalt  }
0x44: {  	_ =	shalt  }
0x45: {  	_ =	shalt  }
0x46: {  	_ =	shalt  }
0x47: {  	_ =	shalt  }
0x48: {  	_ =	shalt  }
0x49: {  	_ =	shalt  }
0x4a: {  	_ =	shalt  }
0x4b: {  	_ =	shalt  }
0x4c: {  	_ =	shalt  }
0x4d: {  	_ =	shalt  }
0x4e: {  	_ =	shalt  }
0x4f: {  	_ =	shalt  }
0x50: {  	_ =	shalt  }
0x51: {  	_ =	shalt  }
0x52: {  	_ =	shalt  }
0x53: {  	_ =	shalt  }
0x54: {  	_ =	shalt  }
0x55: {  	_ =	shalt  }
0x56: {  	_ =	shalt  }
0x57: {  	_ =	shalt  }
0x58: {  	_ =	shalt  }
0x59: {  	_ =	shalt  }
0x5a: {  	_ =	shalt  }
0x5b: {  	_ =	shalt  }
0x5c: {  	_ =	shalt  }
0x5d: {  	_ =	shalt  }
0x5e: {  	_ =	shalt  }
0x5f: {  	_ =	shalt  }
0x60: {  	_ =	shalt  }
0x61: {  	_ =	shalt  }
0x62: {  	_ =	shalt  }
0x63: {  	_ =	shalt  }
0x64: {  	_ =	shalt  }
0x65: {  	_ =	shalt  }
0x66: {  	_ =	shalt  }
0x67: {  	_ =	shalt  }
0x68: {  	_ =	shalt  }
0x69: {  	_ =	shalt  }
0x6a: {  	_ =	shalt  }
0x6b: {  	_ =	shalt  }
0x6c: {  	_ =	shalt  }
0x6d: {  	_ =	shalt  }
0x6e: {  	_ =	shalt  }
0x6f: {  	_ =	shalt  }
0x70: {  	_ =	shalt  }
0x71: {  	_ =	shalt  }
0x72: {  	_ =	shalt  }
0x73: {  	_ =	shalt  }
0x74: {  	_ =	shalt  }
0x75: {  	_ =	shalt  }
0x76: {  	_ =	shalt  }
0x77: {  	_ =	shalt  }
0x78: {  	_ =	shalt  }
0x79: {  	_ =	shalt  }
0x7a: {  	_ =	shalt  }
0x7b: {  	_ =	shalt  }
0x7c: {  	_ =	shalt  }
0x7d: {  	_ =	shalt  }
0x7e: {  	_ =	shalt  }
0x7f: {  	_ =	shalt  }
0x80: {  	_ =	shalt  }
0x81: {  	_ =	shalt  }
0x82: {  	_ =	shalt  }
0x83: {  	_ =	shalt  }
0x84: {  	_ =	shalt  }
0x85: {  	_ =	shalt  }
0x86: {  	_ =	shalt  }
0x87: {  	_ =	shalt  }
.Lfunc_end0:
.L_simem_size_0:
called_computation.1_lowered:
.L_overlay_start_0:
0x88: {  	s2 =	sld [smem:$0x3FD9]  }
0x89: {  	s3 =	sld [smem:$0x3FFE];
	_ =	sdelay $0x1  }
0x8a: {  	s1 =	srdreg.scid  }
0x8b: {  	s0 =	sand.u32 $0x1, s1  }
0x8c: {  	s17 =	sshll.u32 s0, $0xA;
	s2 =	sadd.s32 s3, s2  }
0x8d: {  	s2 =	sadd.s32 s2, s17  }
0x8e: {  	[smem:$0x3FC2] =	sst s2  }
0x8f: {  	_ = 	snop  }
0x90: {  	(tm) =	ssettm $0x1  }
0x91: {  	s18 =	sld [smem:$0x3FFB];
	_ =	sdelay $0x3  }
0x92: {  	_ =	strace s18  }
0x93: {  	s2 =	sld [smem:$0x3FFC];
	_ =	sdelay $0x3  }
0x94: {  	_ =	strace s2  }
0x95: {  	s2 =	sld [smem:$0x3FFD];
	_ =	sdelay $0x3  }
0x96: {  	_ =	strace s2  }
0x97: {  	_ =	strace $0x8FFFFFFF  }
0x98: {  	s19 =	sld [smem:$0x3FDB];
	_ =	sdelay $0x1  }
0x99: {  	s20 =	simm.s32 $_scs_section_size  }
0x9a: {  	s4 =	simm.s32 $_size__tile_overlayer_lowered;
	s5 =	simm.s32 $_tile_overlayer_lowered  }
0x9b: {  	s6 =	simm.s32 $0x1BFF;
	s21 =	sshll.u32 s5, $0x1;
	s3 =	sadd.s32 s20, s19  }
0x9c: {  	s22 =	simm.s32 $0x0;
	s4 =	sshll.u32 s4, $0x1;
	s5 =	sadd.s32 s21, s3  }
0x9d: {  	[timem:s22], [sflag:s6] =	dma.local [hbm:s5], s4  }
0x9e: {  	_ =	swait.ge [sflag:s6], s4  }
0x9f: {  	s4 =	ssub.s32 $0x0, s4;
	[sflag:s6] =	ssyncset.done $0x0  }
0xa0: {  	[sflag:s6] =	ssyncadd.s32 s4;
	_ =	sdelay $0x1  }
0xa1: {  	s23 =	simm.s32 $0x1B8B  }
0xa2: {  	_ =	swait.ge [sflag:s23], $0x1  }
0xa3: {  	[sflag:s23] =	ssyncset.done $0x0  }
0xa4: {  	[sflag:s23] =	ssyncadd.s32 $0xFFFFFFFF  }
0xa5: {  	s4 =	sld [smem:$0x0]  }
0xa6: {  	s5 =	sand.u32 $0xFFFFFFFE, s1  }
0xa7: {  	p0 =	sne.s32 s1, s5  }
0xa8: {  	s5 =	sshll.u32 @p0 s5, $0xE  }
0xa9: {  	s5 =	sadd.s32 @p0 $0x11B8D, s5;
	s6 =	sshll.u32 @p0 s4, $0x11  }
0xaa: {  	s5 =	sor.u32 @p0 s6, s5  }
0xab: {  	[sflag:s5] =	ssyncadd.remote.s32 @p0 $0x1;
	_ =	sdelay $0x1  }
0xac: {  	s5 =	simm.s32 @p0 $0x1B8D  }
0xad: {  	_ =	swait.eq @p0 [sflag:s5], $0x1  }
0xae: {  	[sflag:s5] =	ssyncadd.s32 @p0 $0xFFFFFFFF  }
0xaf: {  	s6 =	sshll.u32 @!p0 s1, $0xE  }
0xb0: {  	s6 =	sor.u32 @!p0 $0x4000, s6;
	s5 =	simm.s32 @!p0 $0x1B8D  }
0xb1: {  	s4 =	sshll.u32 @!p0 s4, $0x11;
	s6 =	sadd.s32 @!p0 $0x11B8D, s6;
	_ =	swait.eq @!p0 [sflag:s5], $0x1  }
0xb2: {  	s4 =	sor.u32 @!p0 s4, s6;
	[sflag:s5] =	ssyncadd.s32 @!p0 $0xFFFFFFFF  }
0xb3: {  	s25 =	simm.s32 $0x1B8E;
	s24 =	sld [smem:$0x3FFE];
	[sflag:s4] =	ssyncadd.remote.s32 @!p0 $0x1  }
0xb4: {  	s26 =	simm.s32 $execute0_lowered;
	[smem:$0x3FD2] =	sst s25  }
0xb5: {  	s5 =	sshll.u32 s26, $0x1;
	_ =	strace $0x80000049;
	[dreg:$0x1] =	wrdreg $0xFFFFFFFF  }
0xb6: {  	s28 =	simm.s32 $_size_execute0_lowered;
	s3 =	sadd.s32 s3, s5;
	[dreg:$0x0] =	wrdreg $0x0  }
0xb7: {  	s5 =	sshll.u32 s28, $0x1;
	[dreg:$0x2] =	wrdreg s3  }
0xb8: {  	[dreg:$0x3] =	wrdreg s5  }
0xb9: {  	[dreg:$0x4] =	wrdreg $0xC0  }
0xba: {  	_ =	task [dreg:s22], $0x5FFFF  }
0xbb: {  	[dreg:$0x1] =	wrdreg $0xFFFFFFFF  }
0xbc: {  	[dreg:$0x0] =	wrdreg $0x60  }
0xbd: {  	[dreg:$0x2] =	wrdreg s24  }
0xbe: {  	[dreg:$0x3] =	wrdreg $0xA8000  }
0xbf: {  	[dreg:$0x4] =	wrdreg $0x144400  }
0xc0: {  	[dreg:$0x5] =	wrdreg $0xA  }
0xc1: {  	_ =	task.clear_ibuf [dreg:s22], $0x6FFFF;
	_ =	strace $0x90000049  }
0xc2: {  	s29 =	simm.s32 $0xA;
	_ =	strace $0x8000004B  }
0xc3: {  	_ =	swait.ge [sflag:s29], $0x1  }
0xc4: {  	[sflag:s29] =	ssyncadd.s32 $0xFFFFFFFF  }
0xc5: {  	_ =	strace $0x9000004B  }
0xc6: {  	_ =	sfence  }
0xc7: {  	s30 =	sld [smem:$0x0];
	_ =	sdelay $0x2  }
0xc8: {  	s31 =	sshll.u32 s1, $0xD;
	s1 =	sshrl.u32 s1, $0x2  }
0xc9: {  	s4 =	sand.u32 $0x4000, s31;
	s1 =	sadd.s32 s1, s30  }
0xca: {  	s0 =	sor.u32 s4, s0;
	s1 =	sshll.u32 s1, $0x11  }
0xcb: {  	s0 =	sor.u32 s1, s0  }
0xcc: {  	s0 =	sadd.s32 $0x8F2B, s0  }
0xcd: {  	[sflag:s0] =	ssyncadd.remote.s32 $0x1  }
0xce: {  	_ =	sfence.sel $0xFFFF  }
0xcf: {  	[dreg:$0x0] =	wrdreg $0xFFFFFFFF;
	(pc) =	sbr.abs _section_cstart, $3  }
0xd0: {  	[dreg:$0x1] =	wrdreg $0xFFFFFFFF  }
0xd1: {  	_ =	task.clear_ibuf [dreg:s22], $0x2FFFF;
	_ =	strace $0x9FFFFFFF  }
0xd2: {  	(tm) =	ssettm $0x7FFFFFFF  }
0xd3: {  	_ =	shalt  }
tec
execute0_lowered:
.L_overlay_start_1:
0x0: {  	(tag) =	ssettag $0x1  }
0x1: {  	s0 =	rddreg [dreg:$0x0]  }
0x2: {  	s1 =	srdreg.scid;
	s2 =	rddreg [dreg:$0x1]  }
0x3: {  	s12 =	stileid.u32;
	s3 =	rddreg [dreg:$0x2]  }
0x4: {  	s4 =	simm.s32 $0x0;
	s28 =	simm.s32 $0x6800;
	s6 =	smul.u32 $0x9C40, s12  }
0x5: {  	s29 =	simm.s32 $0x1580;
	s30 =	simm.s32 $0x8800;
	s8 =	smul.u32 $0xA000, s12  }
0x6: {  	s31 =	simm.s32 $0x1;
	s13 =	simm.s32 $0x0;
	s16 =	smul.u32 $0x5000, s12  }
0x7: {  	s1 =	sand.u32 $0x1, s1;
	s17 =	sshll.u32 s12, $0x6;
	s12 =	smul.u32 $0xA00, s12  }
0x8: {  	[smem:$0x7FF] =	sst s4;
	s9 =	sadd.s32 $0x1600, s0;
	s5 =	smul.u32 $0x9C400, s1  }
0x9: {  	s10 =	sadd.s32 $0x33000, s0;
	s11 =	sadd.s32 $0x3D000, s0;
	s7 =	smul.u32 $0xA0000, s1  }
0xa: {  	_ =	strace $0x8000004A;
	s1 =	ssub.s32 $0x2, s1;
	[dreg:$0x4] =	wrdreg s11  }
0xb: {  	s11 =	simm.s32 $0x1300;
	s15 =	sshrl.u32 s1, $0x1;
	s18 =	sshrl.u32 s16, $0x3  }
0xc: {  	s19 =	sadd.s32 s9, s12;
	s21 =	sadd.s32 s10, s12;
	s12 =	simm.s32 $0x1380  }
0xd: {  	s5 =	sadd.s32 s6, s5;
	s7 =	sadd.s32 s8, s7;
	s1 =	ssub.s32 s1, s15  }
0xe: {  	s6 =	sadd.s32 s6, s2;
	s8 =	sadd.s32 s8, s3;
	[dreg:$0x7] =	wrdreg s19  }
0xf: {  	s20 =	sadd.s32 $0x280, s18;
	[dreg:$0x8] =	wrdreg s21;
	s23 =	sadd.s32 $0x500, s18  }
0x10: {  	s21 =	simm.s32 $0x1400;
	s5 =	sshrl.u32 s5, $0x3;
	s7 =	sshrl.u32 s7, $0x3  }
0x11: {  	[dreg:$0x6] =	wrdreg s8;
	s22 =	sadd.s32 s9, s20;
	s8 =	sadd.s32 s10, s20  }
0x12: {  	s24 =	sadd.s32 s9, s23;
	s25 =	sadd.s32 s10, s23;
	s19 =	sshrl.u32 s6, $0x3  }
0x13: {  	s20 =	simm.s32 $0x9;
	s23 =	simm.s32 $0x2800;
	[dreg:$0x9] =	wrdreg s22  }
0x14: {  	s6 =	simm.s32 $0x4;
	s5 =	sadd.s32 s5, s0;
	[dreg:$0xa] =	wrdreg s8  }
0x15: {  	s0 =	sadd.s32 s7, s0;
	s7 =	sor.u32 $0x1C09, s17;
	[dreg:$0xb] =	wrdreg s24  }
0x16: {  	[dreg:$0xc] =	wrdreg s25;
	s22 =	simm.s32 $0x80;
	s24 =	simm.s32 $0x1480  }
0x17: {  	s25 =	simm.s32 $0x4800;
	s8 =	simm.s32 $0x6;
	s5 =	sadd.s32 $0xBE00, s5  }
0x18: {  	s0 =	sadd.s32 $0x3E400, s0;
	[dreg:$0x5] =	wrdreg s5;
	s5 =	sadd.s32 $0x780, s18  }
0x19: {  	[dreg:$0xf] =	wrdreg s0;
	s18 =	smax.u32 s1, $0x1;
	s1 =	simm.s32 $0x2  }
0x1a: {  	s0 =	simm.s32 $0x3;
	s26 =	sadd.s32 s9, s5;
	s5 =	sadd.s32 s10, s5  }
0x1b: {  	s9 =	simm.s32 $0x7;
	s10 =	simm.s32 $0x8;
	[dreg:$0xd] =	wrdreg s26  }
0x1c: {  	[dreg:$0xe] =	wrdreg s5;
	s26 =	simm.s32 $0x1500;
	s5 =	simm.s32 $0x5  }
.LBB2_1:
0x1d: {  	s14 =	rddreg [dreg:$0x5]  }
0x1e: {  	[spmem:s19], [sflag:s7] =	dma.local [hbm:s14], $0x1388  }
0x1f: {  	_ =	swait.ge [sflag:s20], $0x1388  }
0x20: {  	[sflag:s20] =	ssyncset.done $0x0;
	s16 =	rddreg [dreg:$0x6]  }
0x21: {  	s15 =	rddreg [dreg:$0x4];
	[sflag:s20] =	ssyncadd.s32 $0xFFFFEC78;
	s14 =	sshrl.u32 s16, $0x3  }
0x22: {  	[spmem:s14], [sflag:s7] =	dma.local [hbm:s15], $0x1400  }
0x23: {  	_ =	swait.ge [sflag:s20], $0x1400  }
0x24: {  	[sflag:s20] =	ssyncset.done $0x0  }
0x25: {  	[sflag:s20] =	ssyncadd.s32 $0xFFFFEC00  }
0x26: {  	[bflag:$0x0] =	sbarrier.arrive $0xFFFF  }
0x27: {  	s17 =	rddreg [dreg:$0x7]  }
0x28: {  	[tilespmem:s4], [sflag:$0x9] =	stream.linear.gather [hbm4b:s17+s4], $0x1400, $0x38;
	[tilespmem:$0x1E440] =	vst v63  }
0x29: {  	_ =	swait.ge [sflag:s20], $0x1400  }
0x2a: {  	[sflag:s20] =	ssyncset.done $0x0  }
0x2b: {  	s16 =	rddreg [dreg:$0x8];
	[sflag:s20] =	ssyncadd.s32 $0xFFFFEC00  }
0x2c: {  	[tilespmem:s21], [sflag:$0x9] =	stream.linear.gather [hbm4b:s16+s4], $0x1400, $0x38;
	[tilespmem:$0x1E440] =	vst v63  }
0x2d: {  	_ =	swait.ge [sflag:s20], $0x1400  }
0x2e: {  	[sflag:s20] =	ssyncset.done $0x0  }
0x2f: {  	[sflag:s20] =	ssyncadd.s32 $0xFFFFEC00  }
0x30: {  	[tilespmem:s23], [sflag:$0x1] =	stream.indirect.gather [spmem:s2], $0x40, s21, s22, $0xb8;
	[tilespmem:$0x1E440] =	vst v63  }
0x31: {  	_ = 	snop  }
0x32: {  	[tilespmem:s25], [sflag:$0x2] =	stream.indirect.gather [spmem:s2], $0x40, s24, s22, $0xb8;
	[tilespmem:$0x1E440] =	vst v63  }
0x33: {  	_ = 	snop  }
0x34: {  	[tilespmem:s28], [sflag:$0x3] =	stream.indirect.gather [spmem:s2], $0x40, s26, s22, $0xb8;
	[tilespmem:$0x1E440] =	vst v63  }
0x35: {  	_ = 	snop  }
0x36: {  	[tilespmem:s30], [sflag:$0x4] =	stream.indirect.gather [spmem:s2], $0x40, s29, s22, $0xb8;
	[tilespmem:$0x1E440] =	vst v63  }
0x37: {  	_ =	swait.ge [sflag:s31], $0x2000  }
0x38: {  	[sflag:s31] =	ssyncset.done $0x0  }
0x39: {  	[sflag:s31] =	ssyncadd.s32 $0xFFFFE000  }
0x3a: {  	[spmem:s3] =	stream.indirect.scatter.add.f32 [tilespmem:s23], [sflag:$0x5], $0x40, s4, s22, $0xb8;
	[tilespmem:$0x1E440] =	vst v63  }
0x3b: {  	_ =	swait.ge [sflag:s1], $0x2000  }
0x3c: {  	[sflag:s1] =	ssyncset.done $0x0  }
0x3d: {  	[sflag:s1] =	ssyncadd.s32 $0xFFFFE000  }
0x3e: {  	[spmem:s3] =	stream.indirect.scatter.add.f32 [tilespmem:s25], [sflag:$0x6], $0x40, s22, s22, $0xb8;
	[tilespmem:$0x1E440] =	vst v63  }
0x3f: {  	_ =	swait.ge [sflag:s0], $0x2000  }
0x40: {  	[sflag:s0] =	ssyncset.done $0x0  }
0x41: {  	s17 =	simm.s32 $0x100;
	[sflag:s0] =	ssyncadd.s32 $0xFFFFE000  }
0x42: {  	[spmem:s3] =	stream.indirect.scatter.add.f32 [tilespmem:s28], [sflag:$0x7], $0x40, s17, s22, $0xb8;
	[tilespmem:$0x1E440] =	vst v63  }
0x43: {  	_ =	swait.ge [sflag:s5], $0x2000  }
0x44: {  	[sflag:s5] =	ssyncset.done $0x0  }
0x45: {  	s16 =	simm.s32 $0x1600;
	[sflag:s5] =	ssyncadd.s32 $0xFFFFE000  }
0x46: {  	[tilespmem:s23], [sflag:$0x1] =	stream.indirect.gather [spmem:s2], $0x40, s16, s22, $0xb8;
	[tilespmem:$0x1E440] =	vst v63  }
0x47: {  	_ =	swait.ge [sflag:s6], $0x2000  }
0x48: {  	[sflag:s6] =	ssyncset.done $0x0  }
0x49: {  	s17 =	simm.s32 $0x180;
	[sflag:s6] =	ssyncadd.s32 $0xFFFFE000  }
0x4a: {  	[spmem:s3] =	stream.indirect.scatter.add.f32 [tilespmem:s30], [sflag:$0x8], $0x40, s17, s22, $0xb8;
	[tilespmem:$0x1E440] =	vst v63  }
0x4b: {  	_ =	swait.ge [sflag:s8], $0x2000  }
0x4c: {  	[sflag:s8] =	ssyncset.done $0x0  }
0x4d: {  	s16 =	simm.s32 $0x1680;
	[sflag:s8] =	ssyncadd.s32 $0xFFFFE000  }
0x4e: {  	[tilespmem:s25], [sflag:$0x2] =	stream.indirect.gather [spmem:s2], $0x40, s16, s22, $0xb8;
	[tilespmem:$0x1E440] =	vst v63  }
0x4f: {  	_ =	swait.ge [sflag:s31], $0x2000  }
0x50: {  	[sflag:s31] =	ssyncset.done $0x0  }
0x51: {  	s17 =	simm.s32 $0x200;
	[sflag:s31] =	ssyncadd.s32 $0xFFFFE000  }
0x52: {  	[spmem:s3] =	stream.indirect.scatter.add.f32 [tilespmem:s23], [sflag:$0x5], $0x40, s17, s22, $0xb8;
	[tilespmem:$0x1E440] =	vst v63  }
0x53: {  	_ =	swait.ge [sflag:s9], $0x2000  }
0x54: {  	[sflag:s9] =	ssyncset.done $0x0  }
0x55: {  	s16 =	simm.s32 $0x1700;
	[sflag:s9] =	ssyncadd.s32 $0xFFFFE000  }
0x56: {  	[tilespmem:s28], [sflag:$0x3] =	stream.indirect.gather [spmem:s2], $0x40, s16, s22, $0xb8;
	[tilespmem:$0x1E440] =	vst v63  }
0x57: {  	_ =	swait.ge [sflag:s1], $0x2000  }
0x58: {  	[sflag:s1] =	ssyncset.done $0x0  }
0x59: {  	s17 =	simm.s32 $0x280;
	[sflag:s1] =	ssyncadd.s32 $0xFFFFE000  }
0x5a: {  	[spmem:s3] =	stream.indirect.scatter.add.f32 [tilespmem:s25], [sflag:$0x6], $0x40, s17, s22, $0xb8;
	[tilespmem:$0x1E440] =	vst v63  }
0x5b: {  	_ =	swait.ge [sflag:s10], $0x2000  }
0x5c: {  	[sflag:s10] =	ssyncset.done $0x0  }
0x5d: {  	s15 =	simm.s32 $0x800;
	s16 =	simm.s32 $0x1780;
	[sflag:s10] =	ssyncadd.s32 $0xFFFFE000  }
.LBB2_2:
0x5e: {  	[tilespmem:s30], [sflag:$0x4] =	stream.indirect.gather [spmem:s2], $0x40, s16, s22, $0xb8;
	[tilespmem:$0x1E440] =	vst v63  }
0x5f: {  	s16 =	smov.u32 s15  }
0x60: {  	p0 =	sne.s32 s15, $0x4000;
	s15 =	sadd.s32 $0x800, s15;
	_ =	swait.ge [sflag:s0], $0x2000  }
0x61: {  	s16 =	sshra.s32 s16, $0x2;
	[sflag:s0] =	ssyncset.done $0x0  }
0x62: {  	s17 =	sadd.s32 $0x100, s16;
	[sflag:s0] =	ssyncadd.s32 $0xFFFFE000  }
0x63: {  	[spmem:s3] =	stream.indirect.scatter.add.f32 [tilespmem:s28], [sflag:$0x7], $0x40, s17, s22, $0xb8;
	[tilespmem:$0x1E440] =	vst v63  }
0x64: {  	_ =	swait.ge [sflag:s5], $0x2000  }
0x65: {  	[sflag:s5] =	ssyncset.done $0x0  }
0x66: {  	s17 =	sadd.s32 $0x1600, s16;
	[sflag:s5] =	ssyncadd.s32 $0xFFFFE000  }
0x67: {  	[tilespmem:s23], [sflag:$0x1] =	stream.indirect.gather [spmem:s2], $0x40, s17, s22, $0xb8;
	[tilespmem:$0x1E440] =	vst v63  }
0x68: {  	_ =	swait.ge [sflag:s6], $0x2000  }
0x69: {  	[sflag:s6] =	ssyncset.done $0x0  }
0x6a: {  	s17 =	sadd.s32 $0x180, s16;
	[sflag:s6] =	ssyncadd.s32 $0xFFFFE000  }
0x6b: {  	[spmem:s3] =	stream.indirect.scatter.add.f32 [tilespmem:s30], [sflag:$0x8], $0x40, s17, s22, $0xb8;
	[tilespmem:$0x1E440] =	vst v63  }
0x6c: {  	_ =	swait.ge [sflag:s8], $0x2000  }
0x6d: {  	[sflag:s8] =	ssyncset.done $0x0  }
0x6e: {  	s17 =	sadd.s32 $0x1680, s16;
	[sflag:s8] =	ssyncadd.s32 $0xFFFFE000  }
0x6f: {  	[tilespmem:s25], [sflag:$0x2] =	stream.indirect.gather [spmem:s2], $0x40, s17, s22, $0xb8;
	[tilespmem:$0x1E440] =	vst v63  }
0x70: {  	_ =	swait.ge [sflag:s31], $0x2000  }
0x71: {  	[sflag:s31] =	ssyncset.done $0x0  }
0x72: {  	s17 =	sadd.s32 $0x200, s16;
	[sflag:s31] =	ssyncadd.s32 $0xFFFFE000  }
0x73: {  	[spmem:s3] =	stream.indirect.scatter.add.f32 [tilespmem:s23], [sflag:$0x5], $0x40, s17, s22, $0xb8;
	[tilespmem:$0x1E440] =	vst v63  }
0x74: {  	_ =	swait.ge [sflag:s9], $0x2000  }
0x75: {  	[sflag:s9] =	ssyncset.done $0x0  }
0x76: {  	s17 =	sadd.s32 $0x1700, s16;
	[sflag:s9] =	ssyncadd.s32 $0xFFFFE000  }
0x77: {  	[tilespmem:s28], [sflag:$0x3] =	stream.indirect.gather [spmem:s2], $0x40, s17, s22, $0xb8;
	[tilespmem:$0x1E440] =	vst v63  }
0x78: {  	_ =	swait.ge [sflag:s1], $0x2000  }
0x79: {  	[sflag:s1] =	ssyncset.done $0x0  }
.Ltmp0:
0x7a: {  	s17 =	sadd.s32 $0x280, s16;
	[sflag:s1] =	ssyncadd.s32 $0xFFFFE000;
	(pc) =	sbr.rel @p0 .LBB2_2-.Ltmp0, $4  }
0x7b: {  	[spmem:s3] =	stream.indirect.scatter.add.f32 [tilespmem:s25], [sflag:$0x6], $0x40, s17, s22, $0xb8;
	[tilespmem:$0x1E440] =	vst v63  }
0x7c: {  	_ =	swait.ge [sflag:s10], $0x2000  }
0x7d: {  	[sflag:s10] =	ssyncset.done $0x0  }
0x7e: {  	s16 =	sadd.s32 $0x1780, s16;
	[sflag:s10] =	ssyncadd.s32 $0xFFFFE000  }
0x7f: {  	[tilespmem:s30], [sflag:$0x4] =	stream.indirect.gather [spmem:s2], $0x40, s16, s22, $0xb8;
	[tilespmem:$0x1E440] =	vst v63  }
0x80: {  	_ =	swait.ge [sflag:s0], $0x2000  }
0x81: {  	[sflag:s0] =	ssyncset.done $0x0  }
0x82: {  	[sflag:s0] =	ssyncadd.s32 $0xFFFFE000  }
0x83: {  	[spmem:s3] =	stream.indirect.scatter.add.f32 [tilespmem:s28], [sflag:$0x7], $0x40, s11, s22, $0xb8;
	[tilespmem:$0x1E440] =	vst v63  }
0x84: {  	_ =	swait.ge [sflag:s6], $0x2000  }
0x85: {  	[sflag:s6] =	ssyncset.done $0x0  }
0x86: {  	[sflag:s6] =	ssyncadd.s32 $0xFFFFE000  }
0x87: {  	[spmem:s3] =	stream.indirect.scatter.add.f32 [tilespmem:s30], [sflag:$0x8], $0x40, s12, s22, $0xb8;
	[tilespmem:$0x1E440] =	vst v63  }
0x88: {  	_ =	swait.ge [sflag:s5], $0x2000  }
0x89: {  	[sflag:s5] =	ssyncset.done $0x0  }
0x8a: {  	[sflag:s5] =	ssyncadd.s32 $0xFFFFE000  }
0x8b: {  	_ =	swait.ge [sflag:s8], $0x2000  }
0x8c: {  	[sflag:s8] =	ssyncset.done $0x0  }
0x8d: {  	[sflag:s8] =	ssyncadd.s32 $0xFFFFE000  }
0x8e: {  	_ =	swait.ge [sflag:s9], $0x2000  }
0x8f: {  	[sflag:s9] =	ssyncset.done $0x0  }
0x90: {  	[sflag:s9] =	ssyncadd.s32 $0xFFFFE000  }
0x91: {  	_ =	swait.ge [sflag:s10], $0x2000  }
0x92: {  	[sflag:s10] =	ssyncset.done $0x0  }
0x93: {  	s15 =	simm.s32 $0x0;
	s17 =	rddreg [dreg:$0x9];
	[sflag:s10] =	ssyncadd.s32 $0xFFFFE000  }
0x94: {  	[tilespmem:s15], [sflag:$0x9] =	stream.linear.gather [hbm4b:s17+s15], $0x1400, $0x38;
	[tilespmem:$0x1E440] =	vst v63  }
0x95: {  	_ =	swait.ge [sflag:s20], $0x1400  }
0x96: {  	[sflag:s20] =	ssyncset.done $0x0  }
0x97: {  	s17 =	rddreg [dreg:$0xa];
	[sflag:s20] =	ssyncadd.s32 $0xFFFFEC00  }
0x98: {  	[tilespmem:s21], [sflag:$0x9] =	stream.linear.gather [hbm4b:s17+s15], $0x1400, $0x38;
	[tilespmem:$0x1E440] =	vst v63  }
0x99: {  	_ =	swait.ge [sflag:s20], $0x1400  }
0x9a: {  	[sflag:s20] =	ssyncset.done $0x0  }
0x9b: {  	[sflag:s20] =	ssyncadd.s32 $0xFFFFEC00  }
0x9c: {  	[tilespmem:s23], [sflag:$0x1] =	stream.indirect.gather [spmem:s2], $0x40, s21, s22, $0xb8;
	[tilespmem:$0x1E440] =	vst v63  }
0x9d: {  	_ = 	snop  }
0x9e: {  	[tilespmem:s25], [sflag:$0x2] =	stream.indirect.gather [spmem:s2], $0x40, s24, s22, $0xb8;
	[tilespmem:$0x1E440] =	vst v63  }
0x9f: {  	_ = 	snop  }
0xa0: {  	[tilespmem:s28], [sflag:$0x3] =	stream.indirect.gather [spmem:s2], $0x40, s26, s22, $0xb8;
	[tilespmem:$0x1E440] =	vst v63  }
0xa1: {  	_ = 	snop  }
0xa2: {  	[tilespmem:s30], [sflag:$0x4] =	stream.indirect.gather [spmem:s2], $0x40, s29, s22, $0xb8;
	[tilespmem:$0x1E440] =	vst v63  }
0xa3: {  	_ =	swait.ge [sflag:s31], $0x2000  }
0xa4: {  	[sflag:s31] =	ssyncset.done $0x0  }
0xa5: {  	[sflag:s31] =	ssyncadd.s32 $0xFFFFE000  }
0xa6: {  	[spmem:s3] =	stream.indirect.scatter.add.f32 [tilespmem:s23], [sflag:$0x5], $0x40, s15, s22, $0xb8;
	[tilespmem:$0x1E440] =	vst v63  }
0xa7: {  	_ =	swait.ge [sflag:s1], $0x2000  }
0xa8: {  	[sflag:s1] =	ssyncset.done $0x0  }
0xa9: {  	[sflag:s1] =	ssyncadd.s32 $0xFFFFE000  }
0xaa: {  	[spmem:s3] =	stream.indirect.scatter.add.f32 [tilespmem:s25], [sflag:$0x6], $0x40, s22, s22, $0xb8;
	[tilespmem:$0x1E440] =	vst v63  }
0xab: {  	_ =	swait.ge [sflag:s0], $0x2000  }
0xac: {  	[sflag:s0] =	ssyncset.done $0x0  }
0xad: {  	s17 =	simm.s32 $0x100;
	[sflag:s0] =	ssyncadd.s32 $0xFFFFE000  }
0xae: {  	[spmem:s3] =	stream.indirect.scatter.add.f32 [tilespmem:s28], [sflag:$0x7], $0x40, s17, s22, $0xb8;
	[tilespmem:$0x1E440] =	vst v63  }
0xaf: {  	_ =	swait.ge [sflag:s5], $0x2000  }
0xb0: {  	[sflag:s5] =	ssyncset.done $0x0  }
0xb1: {  	s16 =	simm.s32 $0x1600;
	[sflag:s5] =	ssyncadd.s32 $0xFFFFE000  }
0xb2: {  	[tilespmem:s23], [sflag:$0x1] =	stream.indirect.gather [spmem:s2], $0x40, s16, s22, $0xb8;
	[tilespmem:$0x1E440] =	vst v63  }
0xb3: {  	_ =	swait.ge [sflag:s6], $0x2000  }
0xb4: {  	[sflag:s6] =	ssyncset.done $0x0  }
0xb5: {  	s17 =	simm.s32 $0x180;
	[sflag:s6] =	ssyncadd.s32 $0xFFFFE000  }
0xb6: {  	[spmem:s3] =	stream.indirect.scatter.add.f32 [tilespmem:s30], [sflag:$0x8], $0x40, s17, s22, $0xb8;
	[tilespmem:$0x1E440] =	vst v63  }
0xb7: {  	_ =	swait.ge [sflag:s8], $0x2000  }
0xb8: {  	[sflag:s8] =	ssyncset.done $0x0  }
0xb9: {  	s16 =	simm.s32 $0x1680;
	[sflag:s8] =	ssyncadd.s32 $0xFFFFE000  }
0xba: {  	[tilespmem:s25], [sflag:$0x2] =	stream.indirect.gather [spmem:s2], $0x40, s16, s22, $0xb8;
	[tilespmem:$0x1E440] =	vst v63  }
0xbb: {  	_ =	swait.ge [sflag:s31], $0x2000  }
0xbc: {  	[sflag:s31] =	ssyncset.done $0x0  }
0xbd: {  	s17 =	simm.s32 $0x200;
	[sflag:s31] =	ssyncadd.s32 $0xFFFFE000  }
0xbe: {  	[spmem:s3] =	stream.indirect.scatter.add.f32 [tilespmem:s23], [sflag:$0x5], $0x40, s17, s22, $0xb8;
	[tilespmem:$0x1E440] =	vst v63  }
0xbf: {  	_ =	swait.ge [sflag:s9], $0x2000  }
0xc0: {  	[sflag:s9] =	ssyncset.done $0x0  }
0xc1: {  	s16 =	simm.s32 $0x1700;
	[sflag:s9] =	ssyncadd.s32 $0xFFFFE000  }
0xc2: {  	[tilespmem:s28], [sflag:$0x3] =	stream.indirect.gather [spmem:s2], $0x40, s16, s22, $0xb8;
	[tilespmem:$0x1E440] =	vst v63  }
0xc3: {  	_ =	swait.ge [sflag:s1], $0x2000  }
0xc4: {  	[sflag:s1] =	ssyncset.done $0x0  }
0xc5: {  	s17 =	simm.s32 $0x280;
	[sflag:s1] =	ssyncadd.s32 $0xFFFFE000  }
0xc6: {  	[spmem:s3] =	stream.indirect.scatter.add.f32 [tilespmem:s25], [sflag:$0x6], $0x40, s17, s22, $0xb8;
	[tilespmem:$0x1E440] =	vst v63  }
0xc7: {  	_ =	swait.ge [sflag:s10], $0x2000  }
0xc8: {  	[sflag:s10] =	ssyncset.done $0x0  }
0xc9: {  	s15 =	simm.s32 $0x800;
	s16 =	simm.s32 $0x1780;
	[sflag:s10] =	ssyncadd.s32 $0xFFFFE000  }
.LBB2_4:
0xca: {  	[tilespmem:s30], [sflag:$0x4] =	stream.indirect.gather [spmem:s2], $0x40, s16, s22, $0xb8;
	[tilespmem:$0x1E440] =	vst v63  }
0xcb: {  	s16 =	smov.u32 s15  }
0xcc: {  	p0 =	sne.s32 s15, $0x4000;
	s15 =	sadd.s32 $0x800, s15;
	_ =	swait.ge [sflag:s0], $0x2000  }
0xcd: {  	s16 =	sshra.s32 s16, $0x2;
	[sflag:s0] =	ssyncset.done $0x0  }
0xce: {  	s17 =	sadd.s32 $0x100, s16;
	[sflag:s0] =	ssyncadd.s32 $0xFFFFE000  }
0xcf: {  	[spmem:s3] =	stream.indirect.scatter.add.f32 [tilespmem:s28], [sflag:$0x7], $0x40, s17, s22, $0xb8;
	[tilespmem:$0x1E440] =	vst v63  }
0xd0: {  	_ =	swait.ge [sflag:s5], $0x2000  }
0xd1: {  	[sflag:s5] =	ssyncset.done $0x0  }
0xd2: {  	s17 =	sadd.s32 $0x1600, s16;
	[sflag:s5] =	ssyncadd.s32 $0xFFFFE000  }
0xd3: {  	[tilespmem:s23], [sflag:$0x1] =	stream.indirect.gather [spmem:s2], $0x40, s17, s22, $0xb8;
	[tilespmem:$0x1E440] =	vst v63  }
0xd4: {  	_ =	swait.ge [sflag:s6], $0x2000  }
0xd5: {  	[sflag:s6] =	ssyncset.done $0x0  }
0xd6: {  	s17 =	sadd.s32 $0x180, s16;
	[sflag:s6] =	ssyncadd.s32 $0xFFFFE000  }
0xd7: {  	[spmem:s3] =	stream.indirect.scatter.add.f32 [tilespmem:s30], [sflag:$0x8], $0x40, s17, s22, $0xb8;
	[tilespmem:$0x1E440] =	vst v63  }
0xd8: {  	_ =	swait.ge [sflag:s8], $0x2000  }
0xd9: {  	[sflag:s8] =	ssyncset.done $0x0  }
0xda: {  	s17 =	sadd.s32 $0x1680, s16;
	[sflag:s8] =	ssyncadd.s32 $0xFFFFE000  }
0xdb: {  	[tilespmem:s25], [sflag:$0x2] =	stream.indirect.gather [spmem:s2], $0x40, s17, s22, $0xb8;
	[tilespmem:$0x1E440] =	vst v63  }
0xdc: {  	_ =	swait.ge [sflag:s31], $0x2000  }
0xdd: {  	[sflag:s31] =	ssyncset.done $0x0  }
0xde: {  	s17 =	sadd.s32 $0x200, s16;
	[sflag:s31] =	ssyncadd.s32 $0xFFFFE000  }
0xdf: {  	[spmem:s3] =	stream.indirect.scatter.add.f32 [tilespmem:s23], [sflag:$0x5], $0x40, s17, s22, $0xb8;
	[tilespmem:$0x1E440] =	vst v63  }
0xe0: {  	_ =	swait.ge [sflag:s9], $0x2000  }
0xe1: {  	[sflag:s9] =	ssyncset.done $0x0  }
0xe2: {  	s17 =	sadd.s32 $0x1700, s16;
	[sflag:s9] =	ssyncadd.s32 $0xFFFFE000  }
0xe3: {  	[tilespmem:s28], [sflag:$0x3] =	stream.indirect.gather [spmem:s2], $0x40, s17, s22, $0xb8;
	[tilespmem:$0x1E440] =	vst v63  }
0xe4: {  	_ =	swait.ge [sflag:s1], $0x2000  }
0xe5: {  	[sflag:s1] =	ssyncset.done $0x0  }
.Ltmp1:
0xe6: {  	s17 =	sadd.s32 $0x280, s16;
	[sflag:s1] =	ssyncadd.s32 $0xFFFFE000;
	(pc) =	sbr.rel @p0 .LBB2_4-.Ltmp1, $4  }
0xe7: {  	[spmem:s3] =	stream.indirect.scatter.add.f32 [tilespmem:s25], [sflag:$0x6], $0x40, s17, s22, $0xb8;
	[tilespmem:$0x1E440] =	vst v63  }
0xe8: {  	_ =	swait.ge [sflag:s10], $0x2000  }
0xe9: {  	[sflag:s10] =	ssyncset.done $0x0  }
0xea: {  	s16 =	sadd.s32 $0x1780, s16;
	[sflag:s10] =	ssyncadd.s32 $0xFFFFE000  }
0xeb: {  	[tilespmem:s30], [sflag:$0x4] =	stream.indirect.gather [spmem:s2], $0x40, s16, s22, $0xb8;
	[tilespmem:$0x1E440] =	vst v63  }
0xec: {  	_ =	swait.ge [sflag:s0], $0x2000  }
0xed: {  	[sflag:s0] =	ssyncset.done $0x0  }
0xee: {  	[sflag:s0] =	ssyncadd.s32 $0xFFFFE000  }
0xef: {  	[spmem:s3] =	stream.indirect.scatter.add.f32 [tilespmem:s28], [sflag:$0x7], $0x40, s11, s22, $0xb8;
	[tilespmem:$0x1E440] =	vst v63  }
0xf0: {  	_ =	swait.ge [sflag:s6], $0x2000  }
0xf1: {  	[sflag:s6] =	ssyncset.done $0x0  }
0xf2: {  	[sflag:s6] =	ssyncadd.s32 $0xFFFFE000  }
0xf3: {  	[spmem:s3] =	stream.indirect.scatter.add.f32 [tilespmem:s30], [sflag:$0x8], $0x40, s12, s22, $0xb8;
	[tilespmem:$0x1E440] =	vst v63  }
0xf4: {  	_ =	swait.ge [sflag:s5], $0x2000  }
0xf5: {  	[sflag:s5] =	ssyncset.done $0x0  }
0xf6: {  	[sflag:s5] =	ssyncadd.s32 $0xFFFFE000  }
0xf7: {  	_ =	swait.ge [sflag:s8], $0x2000  }
0xf8: {  	[sflag:s8] =	ssyncset.done $0x0  }
0xf9: {  	[sflag:s8] =	ssyncadd.s32 $0xFFFFE000  }
0xfa: {  	_ =	swait.ge [sflag:s9], $0x2000  }
0xfb: {  	[sflag:s9] =	ssyncset.done $0x0  }
0xfc: {  	[sflag:s9] =	ssyncadd.s32 $0xFFFFE000  }
0xfd: {  	_ =	swait.ge [sflag:s10], $0x2000  }
0xfe: {  	[sflag:s10] =	ssyncset.done $0x0  }
0xff: {  	s15 =	simm.s32 $0x0;
	s17 =	rddreg [dreg:$0xb];
	[sflag:s10] =	ssyncadd.s32 $0xFFFFE000  }
0x100: {  	[tilespmem:s15], [sflag:$0x9] =	stream.linear.gather [hbm4b:s17+s15], $0x1400, $0x38;
	[tilespmem:$0x1E440] =	vst v63  }
0x101: {  	_ =	swait.ge [sflag:s20], $0x1400  }
0x102: {  	[sflag:s20] =	ssyncset.done $0x0  }
0x103: {  	s17 =	rddreg [dreg:$0xc];
	[sflag:s20] =	ssyncadd.s32 $0xFFFFEC00  }
0x104: {  	[tilespmem:s21], [sflag:$0x9] =	stream.linear.gather [hbm4b:s17+s15], $0x1400, $0x38;
	[tilespmem:$0x1E440] =	vst v63  }
0x105: {  	_ =	swait.ge [sflag:s20], $0x1400  }
0x106: {  	[sflag:s20] =	ssyncset.done $0x0  }
0x107: {  	[sflag:s20] =	ssyncadd.s32 $0xFFFFEC00  }
0x108: {  	[tilespmem:s23], [sflag:$0x1] =	stream.indirect.gather [spmem:s2], $0x40, s21, s22, $0xb8;
	[tilespmem:$0x1E440] =	vst v63  }
0x109: {  	_ = 	snop  }
0x10a: {  	[tilespmem:s25], [sflag:$0x2] =	stream.indirect.gather [spmem:s2], $0x40, s24, s22, $0xb8;
	[tilespmem:$0x1E440] =	vst v63  }
0x10b: {  	_ = 	snop  }
0x10c: {  	[tilespmem:s28], [sflag:$0x3] =	stream.indirect.gather [spmem:s2], $0x40, s26, s22, $0xb8;
	[tilespmem:$0x1E440] =	vst v63  }
0x10d: {  	_ = 	snop  }
0x10e: {  	[tilespmem:s30], [sflag:$0x4] =	stream.indirect.gather [spmem:s2], $0x40, s29, s22, $0xb8;
	[tilespmem:$0x1E440] =	vst v63  }
0x10f: {  	_ =	swait.ge [sflag:s31], $0x2000  }
0x110: {  	[sflag:s31] =	ssyncset.done $0x0  }
0x111: {  	[sflag:s31] =	ssyncadd.s32 $0xFFFFE000  }
0x112: {  	[spmem:s3] =	stream.indirect.scatter.add.f32 [tilespmem:s23], [sflag:$0x5], $0x40, s15, s22, $0xb8;
	[tilespmem:$0x1E440] =	vst v63  }
0x113: {  	_ =	swait.ge [sflag:s1], $0x2000  }
0x114: {  	[sflag:s1] =	ssyncset.done $0x0  }
0x115: {  	[sflag:s1] =	ssyncadd.s32 $0xFFFFE000  }
0x116: {  	[spmem:s3] =	stream.indirect.scatter.add.f32 [tilespmem:s25], [sflag:$0x6], $0x40, s22, s22, $0xb8;
	[tilespmem:$0x1E440] =	vst v63  }
0x117: {  	_ =	swait.ge [sflag:s0], $0x2000  }
0x118: {  	[sflag:s0] =	ssyncset.done $0x0  }
0x119: {  	s17 =	simm.s32 $0x100;
	[sflag:s0] =	ssyncadd.s32 $0xFFFFE000  }
0x11a: {  	[spmem:s3] =	stream.indirect.scatter.add.f32 [tilespmem:s28], [sflag:$0x7], $0x40, s17, s22, $0xb8;
	[tilespmem:$0x1E440] =	vst v63  }
0x11b: {  	_ =	swait.ge [sflag:s5], $0x2000  }
0x11c: {  	[sflag:s5] =	ssyncset.done $0x0  }
0x11d: {  	s16 =	simm.s32 $0x1600;
	[sflag:s5] =	ssyncadd.s32 $0xFFFFE000  }
0x11e: {  	[tilespmem:s23], [sflag:$0x1] =	stream.indirect.gather [spmem:s2], $0x40, s16, s22, $0xb8;
	[tilespmem:$0x1E440] =	vst v63  }
0x11f: {  	_ =	swait.ge [sflag:s6], $0x2000  }
0x120: {  	[sflag:s6] =	ssyncset.done $0x0  }
0x121: {  	s17 =	simm.s32 $0x180;
	[sflag:s6] =	ssyncadd.s32 $0xFFFFE000  }
0x122: {  	[spmem:s3] =	stream.indirect.scatter.add.f32 [tilespmem:s30], [sflag:$0x8], $0x40, s17, s22, $0xb8;
	[tilespmem:$0x1E440] =	vst v63  }
0x123: {  	_ =	swait.ge [sflag:s8], $0x2000  }
0x124: {  	[sflag:s8] =	ssyncset.done $0x0  }
0x125: {  	s16 =	simm.s32 $0x1680;
	[sflag:s8] =	ssyncadd.s32 $0xFFFFE000  }
0x126: {  	[tilespmem:s25], [sflag:$0x2] =	stream.indirect.gather [spmem:s2], $0x40, s16, s22, $0xb8;
	[tilespmem:$0x1E440] =	vst v63  }
0x127: {  	_ =	swait.ge [sflag:s31], $0x2000  }
0x128: {  	[sflag:s31] =	ssyncset.done $0x0  }
0x129: {  	s17 =	simm.s32 $0x200;
	[sflag:s31] =	ssyncadd.s32 $0xFFFFE000  }
0x12a: {  	[spmem:s3] =	stream.indirect.scatter.add.f32 [tilespmem:s23], [sflag:$0x5], $0x40, s17, s22, $0xb8;
	[tilespmem:$0x1E440] =	vst v63  }
0x12b: {  	_ =	swait.ge [sflag:s9], $0x2000  }
0x12c: {  	[sflag:s9] =	ssyncset.done $0x0  }
0x12d: {  	s16 =	simm.s32 $0x1700;
	[sflag:s9] =	ssyncadd.s32 $0xFFFFE000  }
0x12e: {  	[tilespmem:s28], [sflag:$0x3] =	stream.indirect.gather [spmem:s2], $0x40, s16, s22, $0xb8;
	[tilespmem:$0x1E440] =	vst v63  }
0x12f: {  	_ =	swait.ge [sflag:s1], $0x2000  }
0x130: {  	[sflag:s1] =	ssyncset.done $0x0  }
0x131: {  	s17 =	simm.s32 $0x280;
	[sflag:s1] =	ssyncadd.s32 $0xFFFFE000  }
0x132: {  	[spmem:s3] =	stream.indirect.scatter.add.f32 [tilespmem:s25], [sflag:$0x6], $0x40, s17, s22, $0xb8;
	[tilespmem:$0x1E440] =	vst v63  }
0x133: {  	_ =	swait.ge [sflag:s10], $0x2000  }
0x134: {  	[sflag:s10] =	ssyncset.done $0x0  }
0x135: {  	s15 =	simm.s32 $0x800;
	s16 =	simm.s32 $0x1780;
	[sflag:s10] =	ssyncadd.s32 $0xFFFFE000  }
.LBB2_6:
0x136: {  	[tilespmem:s30], [sflag:$0x4] =	stream.indirect.gather [spmem:s2], $0x40, s16, s22, $0xb8;
	[tilespmem:$0x1E440] =	vst v63  }
0x137: {  	s16 =	smov.u32 s15  }
0x138: {  	p0 =	sne.s32 s15, $0x4000;
	s15 =	sadd.s32 $0x800, s15;
	_ =	swait.ge [sflag:s0], $0x2000  }
0x139: {  	s16 =	sshra.s32 s16, $0x2;
	[sflag:s0] =	ssyncset.done $0x0  }
0x13a: {  	s17 =	sadd.s32 $0x100, s16;
	[sflag:s0] =	ssyncadd.s32 $0xFFFFE000  }
0x13b: {  	[spmem:s3] =	stream.indirect.scatter.add.f32 [tilespmem:s28], [sflag:$0x7], $0x40, s17, s22, $0xb8;
	[tilespmem:$0x1E440] =	vst v63  }
0x13c: {  	_ =	swait.ge [sflag:s5], $0x2000  }
0x13d: {  	[sflag:s5] =	ssyncset.done $0x0  }
0x13e: {  	s17 =	sadd.s32 $0x1600, s16;
	[sflag:s5] =	ssyncadd.s32 $0xFFFFE000  }
0x13f: {  	[tilespmem:s23], [sflag:$0x1] =	stream.indirect.gather [spmem:s2], $0x40, s17, s22, $0xb8;
	[tilespmem:$0x1E440] =	vst v63  }
0x140: {  	_ =	swait.ge [sflag:s6], $0x2000  }
0x141: {  	[sflag:s6] =	ssyncset.done $0x0  }
0x142: {  	s17 =	sadd.s32 $0x180, s16;
	[sflag:s6] =	ssyncadd.s32 $0xFFFFE000  }
0x143: {  	[spmem:s3] =	stream.indirect.scatter.add.f32 [tilespmem:s30], [sflag:$0x8], $0x40, s17, s22, $0xb8;
	[tilespmem:$0x1E440] =	vst v63  }
0x144: {  	_ =	swait.ge [sflag:s8], $0x2000  }
0x145: {  	[sflag:s8] =	ssyncset.done $0x0  }
0x146: {  	s17 =	sadd.s32 $0x1680, s16;
	[sflag:s8] =	ssyncadd.s32 $0xFFFFE000  }
0x147: {  	[tilespmem:s25], [sflag:$0x2] =	stream.indirect.gather [spmem:s2], $0x40, s17, s22, $0xb8;
	[tilespmem:$0x1E440] =	vst v63  }
0x148: {  	_ =	swait.ge [sflag:s31], $0x2000  }
0x149: {  	[sflag:s31] =	ssyncset.done $0x0  }
0x14a: {  	s17 =	sadd.s32 $0x200, s16;
	[sflag:s31] =	ssyncadd.s32 $0xFFFFE000  }
0x14b: {  	[spmem:s3] =	stream.indirect.scatter.add.f32 [tilespmem:s23], [sflag:$0x5], $0x40, s17, s22, $0xb8;
	[tilespmem:$0x1E440] =	vst v63  }
0x14c: {  	_ =	swait.ge [sflag:s9], $0x2000  }
0x14d: {  	[sflag:s9] =	ssyncset.done $0x0  }
0x14e: {  	s17 =	sadd.s32 $0x1700, s16;
	[sflag:s9] =	ssyncadd.s32 $0xFFFFE000  }
0x14f: {  	[tilespmem:s28], [sflag:$0x3] =	stream.indirect.gather [spmem:s2], $0x40, s17, s22, $0xb8;
	[tilespmem:$0x1E440] =	vst v63  }
0x150: {  	_ =	swait.ge [sflag:s1], $0x2000  }
0x151: {  	[sflag:s1] =	ssyncset.done $0x0  }
.Ltmp2:
0x152: {  	s17 =	sadd.s32 $0x280, s16;
	[sflag:s1] =	ssyncadd.s32 $0xFFFFE000;
	(pc) =	sbr.rel @p0 .LBB2_6-.Ltmp2, $4  }
0x153: {  	[spmem:s3] =	stream.indirect.scatter.add.f32 [tilespmem:s25], [sflag:$0x6], $0x40, s17, s22, $0xb8;
	[tilespmem:$0x1E440] =	vst v63  }
0x154: {  	_ =	swait.ge [sflag:s10], $0x2000  }
0x155: {  	[sflag:s10] =	ssyncset.done $0x0  }
0x156: {  	s16 =	sadd.s32 $0x1780, s16;
	[sflag:s10] =	ssyncadd.s32 $0xFFFFE000  }
0x157: {  	[tilespmem:s30], [sflag:$0x4] =	stream.indirect.gather [spmem:s2], $0x40, s16, s22, $0xb8;
	[tilespmem:$0x1E440] =	vst v63  }
0x158: {  	_ =	swait.ge [sflag:s0], $0x2000  }
0x159: {  	[sflag:s0] =	ssyncset.done $0x0  }
0x15a: {  	[sflag:s0] =	ssyncadd.s32 $0xFFFFE000  }
0x15b: {  	[spmem:s3] =	stream.indirect.scatter.add.f32 [tilespmem:s28], [sflag:$0x7], $0x40, s11, s22, $0xb8;
	[tilespmem:$0x1E440] =	vst v63  }
0x15c: {  	_ =	swait.ge [sflag:s6], $0x2000  }
0x15d: {  	[sflag:s6] =	ssyncset.done $0x0  }
0x15e: {  	[sflag:s6] =	ssyncadd.s32 $0xFFFFE000  }
0x15f: {  	[spmem:s3] =	stream.indirect.scatter.add.f32 [tilespmem:s30], [sflag:$0x8], $0x40, s12, s22, $0xb8;
	[tilespmem:$0x1E440] =	vst v63  }
0x160: {  	_ =	swait.ge [sflag:s5], $0x2000  }
0x161: {  	[sflag:s5] =	ssyncset.done $0x0  }
0x162: {  	[sflag:s5] =	ssyncadd.s32 $0xFFFFE000  }
0x163: {  	_ =	swait.ge [sflag:s8], $0x2000  }
0x164: {  	[sflag:s8] =	ssyncset.done $0x0  }
0x165: {  	[sflag:s8] =	ssyncadd.s32 $0xFFFFE000  }
0x166: {  	_ =	swait.ge [sflag:s9], $0x2000  }
0x167: {  	[sflag:s9] =	ssyncset.done $0x0  }
0x168: {  	[sflag:s9] =	ssyncadd.s32 $0xFFFFE000  }
0x169: {  	_ =	swait.ge [sflag:s10], $0x2000  }
0x16a: {  	[sflag:s10] =	ssyncset.done $0x0  }
0x16b: {  	s15 =	simm.s32 $0x0;
	s17 =	rddreg [dreg:$0xd];
	[sflag:s10] =	ssyncadd.s32 $0xFFFFE000  }
0x16c: {  	[tilespmem:s15], [sflag:$0x9] =	stream.linear.gather [hbm4b:s17+s15], $0x1400, $0x38;
	[tilespmem:$0x1E440] =	vst v63  }
0x16d: {  	_ =	swait.ge [sflag:s20], $0x1400  }
0x16e: {  	[sflag:s20] =	ssyncset.done $0x0  }
0x16f: {  	s17 =	rddreg [dreg:$0xe];
	[sflag:s20] =	ssyncadd.s32 $0xFFFFEC00  }
0x170: {  	[tilespmem:s21], [sflag:$0x9] =	stream.linear.gather [hbm4b:s17+s15], $0x1400, $0x38;
	[tilespmem:$0x1E440] =	vst v63  }
0x171: {  	_ =	swait.ge [sflag:s20], $0x1400  }
0x172: {  	[sflag:s20] =	ssyncset.done $0x0  }
0x173: {  	[sflag:s20] =	ssyncadd.s32 $0xFFFFEC00  }
0x174: {  	[tilespmem:s23], [sflag:$0x1] =	stream.indirect.gather [spmem:s2], $0x40, s21, s22, $0xb8;
	[tilespmem:$0x1E440] =	vst v63  }
0x175: {  	_ = 	snop  }
0x176: {  	[tilespmem:s25], [sflag:$0x2] =	stream.indirect.gather [spmem:s2], $0x40, s24, s22, $0xb8;
	[tilespmem:$0x1E440] =	vst v63  }
0x177: {  	_ = 	snop  }
0x178: {  	[tilespmem:s28], [sflag:$0x3] =	stream.indirect.gather [spmem:s2], $0x40, s26, s22, $0xb8;
	[tilespmem:$0x1E440] =	vst v63  }
0x179: {  	_ = 	snop  }
0x17a: {  	[tilespmem:s30], [sflag:$0x4] =	stream.indirect.gather [spmem:s2], $0x40, s29, s22, $0xb8;
	[tilespmem:$0x1E440] =	vst v63  }
0x17b: {  	_ =	swait.ge [sflag:s31], $0x2000  }
0x17c: {  	[sflag:s31] =	ssyncset.done $0x0  }
0x17d: {  	[sflag:s31] =	ssyncadd.s32 $0xFFFFE000  }
0x17e: {  	[spmem:s3] =	stream.indirect.scatter.add.f32 [tilespmem:s23], [sflag:$0x5], $0x40, s15, s22, $0xb8;
	[tilespmem:$0x1E440] =	vst v63  }
0x17f: {  	_ =	swait.ge [sflag:s1], $0x2000  }
0x180: {  	[sflag:s1] =	ssyncset.done $0x0  }
0x181: {  	[sflag:s1] =	ssyncadd.s32 $0xFFFFE000  }
0x182: {  	[spmem:s3] =	stream.indirect.scatter.add.f32 [tilespmem:s25], [sflag:$0x6], $0x40, s22, s22, $0xb8;
	[tilespmem:$0x1E440] =	vst v63  }
0x183: {  	_ =	swait.ge [sflag:s0], $0x2000  }
0x184: {  	[sflag:s0] =	ssyncset.done $0x0  }
0x185: {  	s17 =	simm.s32 $0x100;
	[sflag:s0] =	ssyncadd.s32 $0xFFFFE000  }
0x186: {  	[spmem:s3] =	stream.indirect.scatter.add.f32 [tilespmem:s28], [sflag:$0x7], $0x40, s17, s22, $0xb8;
	[tilespmem:$0x1E440] =	vst v63  }
0x187: {  	_ =	swait.ge [sflag:s5], $0x2000  }
0x188: {  	[sflag:s5] =	ssyncset.done $0x0  }
0x189: {  	s16 =	simm.s32 $0x1600;
	[sflag:s5] =	ssyncadd.s32 $0xFFFFE000  }
0x18a: {  	[tilespmem:s23], [sflag:$0x1] =	stream.indirect.gather [spmem:s2], $0x40, s16, s22, $0xb8;
	[tilespmem:$0x1E440] =	vst v63  }
0x18b: {  	_ =	swait.ge [sflag:s6], $0x2000  }
0x18c: {  	[sflag:s6] =	ssyncset.done $0x0  }
0x18d: {  	s17 =	simm.s32 $0x180;
	[sflag:s6] =	ssyncadd.s32 $0xFFFFE000  }
0x18e: {  	[spmem:s3] =	stream.indirect.scatter.add.f32 [tilespmem:s30], [sflag:$0x8], $0x40, s17, s22, $0xb8;
	[tilespmem:$0x1E440] =	vst v63  }
0x18f: {  	_ =	swait.ge [sflag:s8], $0x2000  }
0x190: {  	[sflag:s8] =	ssyncset.done $0x0  }
0x191: {  	s16 =	simm.s32 $0x1680;
	[sflag:s8] =	ssyncadd.s32 $0xFFFFE000  }
0x192: {  	[tilespmem:s25], [sflag:$0x2] =	stream.indirect.gather [spmem:s2], $0x40, s16, s22, $0xb8;
	[tilespmem:$0x1E440] =	vst v63  }
0x193: {  	_ =	swait.ge [sflag:s31], $0x2000  }
0x194: {  	[sflag:s31] =	ssyncset.done $0x0  }
0x195: {  	s17 =	simm.s32 $0x200;
	[sflag:s31] =	ssyncadd.s32 $0xFFFFE000  }
0x196: {  	[spmem:s3] =	stream.indirect.scatter.add.f32 [tilespmem:s23], [sflag:$0x5], $0x40, s17, s22, $0xb8;
	[tilespmem:$0x1E440] =	vst v63  }
0x197: {  	_ =	swait.ge [sflag:s9], $0x2000  }
0x198: {  	[sflag:s9] =	ssyncset.done $0x0  }
0x199: {  	s16 =	simm.s32 $0x1700;
	[sflag:s9] =	ssyncadd.s32 $0xFFFFE000  }
0x19a: {  	[tilespmem:s28], [sflag:$0x3] =	stream.indirect.gather [spmem:s2], $0x40, s16, s22, $0xb8;
	[tilespmem:$0x1E440] =	vst v63  }
0x19b: {  	_ =	swait.ge [sflag:s1], $0x2000  }
0x19c: {  	[sflag:s1] =	ssyncset.done $0x0  }
0x19d: {  	s17 =	simm.s32 $0x280;
	[sflag:s1] =	ssyncadd.s32 $0xFFFFE000  }
0x19e: {  	[spmem:s3] =	stream.indirect.scatter.add.f32 [tilespmem:s25], [sflag:$0x6], $0x40, s17, s22, $0xb8;
	[tilespmem:$0x1E440] =	vst v63  }
0x19f: {  	_ =	swait.ge [sflag:s10], $0x2000  }
0x1a0: {  	[sflag:s10] =	ssyncset.done $0x0  }
0x1a1: {  	s15 =	simm.s32 $0x800;
	s16 =	simm.s32 $0x1780;
	[sflag:s10] =	ssyncadd.s32 $0xFFFFE000  }
.LBB2_8:
0x1a2: {  	[tilespmem:s30], [sflag:$0x4] =	stream.indirect.gather [spmem:s2], $0x40, s16, s22, $0xb8;
	[tilespmem:$0x1E440] =	vst v63  }
0x1a3: {  	s16 =	smov.u32 s15  }
0x1a4: {  	p0 =	sne.s32 s15, $0x4000;
	s15 =	sadd.s32 $0x800, s15;
	_ =	swait.ge [sflag:s0], $0x2000  }
0x1a5: {  	s16 =	sshra.s32 s16, $0x2;
	[sflag:s0] =	ssyncset.done $0x0  }
0x1a6: {  	s17 =	sadd.s32 $0x100, s16;
	[sflag:s0] =	ssyncadd.s32 $0xFFFFE000  }
0x1a7: {  	[spmem:s3] =	stream.indirect.scatter.add.f32 [tilespmem:s28], [sflag:$0x7], $0x40, s17, s22, $0xb8;
	[tilespmem:$0x1E440] =	vst v63  }
0x1a8: {  	_ =	swait.ge [sflag:s5], $0x2000  }
0x1a9: {  	[sflag:s5] =	ssyncset.done $0x0  }
0x1aa: {  	s17 =	sadd.s32 $0x1600, s16;
	[sflag:s5] =	ssyncadd.s32 $0xFFFFE000  }
0x1ab: {  	[tilespmem:s23], [sflag:$0x1] =	stream.indirect.gather [spmem:s2], $0x40, s17, s22, $0xb8;
	[tilespmem:$0x1E440] =	vst v63  }
0x1ac: {  	_ =	swait.ge [sflag:s6], $0x2000  }
0x1ad: {  	[sflag:s6] =	ssyncset.done $0x0  }
0x1ae: {  	s17 =	sadd.s32 $0x180, s16;
	[sflag:s6] =	ssyncadd.s32 $0xFFFFE000  }
0x1af: {  	[spmem:s3] =	stream.indirect.scatter.add.f32 [tilespmem:s30], [sflag:$0x8], $0x40, s17, s22, $0xb8;
	[tilespmem:$0x1E440] =	vst v63  }
0x1b0: {  	_ =	swait.ge [sflag:s8], $0x2000  }
0x1b1: {  	[sflag:s8] =	ssyncset.done $0x0  }
0x1b2: {  	s17 =	sadd.s32 $0x1680, s16;
	[sflag:s8] =	ssyncadd.s32 $0xFFFFE000  }
0x1b3: {  	[tilespmem:s25], [sflag:$0x2] =	stream.indirect.gather [spmem:s2], $0x40, s17, s22, $0xb8;
	[tilespmem:$0x1E440] =	vst v63  }
0x1b4: {  	_ =	swait.ge [sflag:s31], $0x2000  }
0x1b5: {  	[sflag:s31] =	ssyncset.done $0x0  }
0x1b6: {  	s17 =	sadd.s32 $0x200, s16;
	[sflag:s31] =	ssyncadd.s32 $0xFFFFE000  }
0x1b7: {  	[spmem:s3] =	stream.indirect.scatter.add.f32 [tilespmem:s23], [sflag:$0x5], $0x40, s17, s22, $0xb8;
	[tilespmem:$0x1E440] =	vst v63  }
0x1b8: {  	_ =	swait.ge [sflag:s9], $0x2000  }
0x1b9: {  	[sflag:s9] =	ssyncset.done $0x0  }
0x1ba: {  	s17 =	sadd.s32 $0x1700, s16;
	[sflag:s9] =	ssyncadd.s32 $0xFFFFE000  }
0x1bb: {  	[tilespmem:s28], [sflag:$0x3] =	stream.indirect.gather [spmem:s2], $0x40, s17, s22, $0xb8;
	[tilespmem:$0x1E440] =	vst v63  }
0x1bc: {  	_ =	swait.ge [sflag:s1], $0x2000  }
0x1bd: {  	[sflag:s1] =	ssyncset.done $0x0  }
.Ltmp3:
0x1be: {  	s17 =	sadd.s32 $0x280, s16;
	[sflag:s1] =	ssyncadd.s32 $0xFFFFE000;
	(pc) =	sbr.rel @p0 .LBB2_8-.Ltmp3, $4  }
0x1bf: {  	[spmem:s3] =	stream.indirect.scatter.add.f32 [tilespmem:s25], [sflag:$0x6], $0x40, s17, s22, $0xb8;
	[tilespmem:$0x1E440] =	vst v63  }
0x1c0: {  	_ =	swait.ge [sflag:s10], $0x2000  }
0x1c1: {  	[sflag:s10] =	ssyncset.done $0x0  }
0x1c2: {  	s16 =	sadd.s32 $0x1780, s16;
	[sflag:s10] =	ssyncadd.s32 $0xFFFFE000  }
0x1c3: {  	[tilespmem:s30], [sflag:$0x4] =	stream.indirect.gather [spmem:s2], $0x40, s16, s22, $0xb8;
	[tilespmem:$0x1E440] =	vst v63  }
0x1c4: {  	_ =	swait.ge [sflag:s0], $0x2000  }
0x1c5: {  	[sflag:s0] =	ssyncset.done $0x0  }
0x1c6: {  	[sflag:s0] =	ssyncadd.s32 $0xFFFFE000  }
0x1c7: {  	[spmem:s3] =	stream.indirect.scatter.add.f32 [tilespmem:s28], [sflag:$0x7], $0x40, s11, s22, $0xb8;
	[tilespmem:$0x1E440] =	vst v63  }
0x1c8: {  	_ =	swait.ge [sflag:s6], $0x2000  }
0x1c9: {  	[sflag:s6] =	ssyncset.done $0x0  }
0x1ca: {  	[sflag:s6] =	ssyncadd.s32 $0xFFFFE000  }
0x1cb: {  	[spmem:s3] =	stream.indirect.scatter.add.f32 [tilespmem:s30], [sflag:$0x8], $0x40, s12, s22, $0xb8;
	[tilespmem:$0x1E440] =	vst v63  }
0x1cc: {  	_ =	swait.ge [sflag:s5], $0x2000  }
0x1cd: {  	[sflag:s5] =	ssyncset.done $0x0  }
0x1ce: {  	[sflag:s5] =	ssyncadd.s32 $0xFFFFE000  }
0x1cf: {  	_ =	swait.ge [sflag:s8], $0x2000  }
0x1d0: {  	[sflag:s8] =	ssyncset.done $0x0  }
0x1d1: {  	[sflag:s8] =	ssyncadd.s32 $0xFFFFE000  }
0x1d2: {  	_ =	swait.ge [sflag:s9], $0x2000  }
0x1d3: {  	[sflag:s9] =	ssyncset.done $0x0  }
0x1d4: {  	[sflag:s9] =	ssyncadd.s32 $0xFFFFE000  }
0x1d5: {  	_ =	swait.ge [sflag:s10], $0x2000  }
0x1d6: {  	[sflag:s10] =	ssyncset.done $0x0  }
0x1d7: {  	s13 =	sadd.s32 $0x1, s13;
	[sflag:s10] =	ssyncadd.s32 $0xFFFFE000  }
0x1d8: {  	p0 =	sne.s32 s13, s18;
	[bflag:$0x0] =	sbarrier.arrive $0xFFFF  }
.Ltmp4:
0x1d9: {  	s15 =	rddreg [dreg:$0xf];
	(pc) =	sbr.rel @p0 .LBB2_1-.Ltmp4, $4  }
0x1da: {  	[hbm:s15], [sflag:s7] =	dma.local [spmem:s14], $0x1400  }
0x1db: {  	_ =	swait.ge [sflag:s20], $0x1400  }
0x1dc: {  	[sflag:s20] =	ssyncset.done $0x0  }
0x1dd: {  	[sflag:s20] =	ssyncadd.s32 $0xFFFFEC00  }
0x1de: {  	_ =	sfence.sel $0x180000  }
0x1df: {  	[bflag:$0x0] =	sbarrier.arrive $0xFFFF  }
0x1e0: {  	_ =	strace $0x9000004A  }
0x1e1: {  	s0 =	stileid.u32;
	[bflag:$0x2] =	sbarrier.arrive $0xFFFF  }
0x1e2: {  	p0 =	sne.s32 s0, $0x0;
	s0 =	rddreg [dreg:$0x3]  }
0x1e3: {  	s0 =	sadd.s32 @!p0 $0x100000, s0  }
0x1e4: {  	[sflag:s0] =	ssyncadd.tile.s32 @!p0 $0x1;
	_ =	shalt  }
.Lfunc_end2:
_tile_overlayer_lowered:
.L_overlay_start_2:
0x1e5: {  	(tag) =	ssettag $0x2  }
0x1e6: {  	s0 =	rddreg [dreg:$0x0];
	s2 =	stileid.u32  }
0x1e7: {  	s1 =	rddreg [dreg:$0x1];
	p0 =	sne.s32 s2, $0x0  }
0x1e8: {  	s3 =	rddreg [dreg:$0x2];
	[bflag:$0x3] =	sbarrier.arrive $0xFFFF;
	s2 =	simm.s32 @!p0 $0x1C09  }
0x1e9: {  	[timem:s3], [sflag:s2] =	dma.local @!p0 [hbm:s0], s1  }
0x1ea: {  	s0 =	simm.s32 @!p0 $0x9  }
0x1eb: {  	_ =	swait.ge @!p0 [sflag:s0], s1  }
0x1ec: {  	s1 =	ssub.s32 @!p0 $0x0, s1;
	[sflag:s0] =	ssyncset.done @!p0 $0x0  }
0x1ed: {  	[sflag:s0] =	ssyncadd.s32 @!p0 s1  }
0x1ee: {  	[bflag:$0x3] =	sbarrier.arrive $0xFFFF  }
0x1ef: {  	_ =	shalt  }

// kernel: kernel.13.cloned.1.call-start
scs
__scs_entry_jumppad:
0x0: {  	(pc) =	sbr.rel $0x88, $3  }
0x1: {  	(tag) =	ssettag $0x0;
	lr =	simm.s32 $0x1  }
0x2: {  	[smem:$0x3F9B] =	sst lr;
	_ =	strace $0xD0000000  }
0x3: {  	_ = 	snop  }
0x4: {  	_ = 	snop  }
0x5: {  	_ = 	snop  }
0x6: {  	_ = 	snop  }
0x7: {  	_ = 	snop  }
__scs_overlays_trampoline_lowered:
0x8: {  	[smem:$0x3FAA] =	sst s0  }
0x9: {  	[smem:$0x3FAB] =	sst s1  }
0xa: {  	[smem:$0x3FAC] =	sst s2  }
0xb: {  	[smem:$0x3FAD] =	sst s3  }
0xc: {  	[smem:$0x3FAE] =	sst s4  }
0xd: {  	[smem:$0x3FAF] =	sst s5  }
0xe: {  	[smem:$0x3FB0] =	sst s6  }
0xf: {  	[smem:$0x3FB1] =	sst s7  }
0x10: {  	[smem:$0x3FB2] =	sst s8  }
0x11: {  	[smem:$0x3FB3] =	sst s9;
	s0 =	simm.s32 @!p0 $0x0  }
0x12: {  	s1 =	sld [smem:$0x3F99];
	s0 =	simm.s32 @p0 $0x1  }
0x13: {  	[smem:$0x3FB4] =	sst s0;
	s0 =	simm.s32 @!p1 $0x0  }
0x14: {  	s2 =	sld [smem:$0x3F98];
	s0 =	simm.s32 @p1 $0x1  }
0x15: {  	[smem:$0x3FB5] =	sst s0;
	s0 =	simm.s32 @!p2 $0x0  }
0x16: {  	s3 =	sld [smem:$0x3FDB];
	s0 =	simm.s32 @p2 $0x1  }
0x17: {  	s4 =	simm.s32 $0x1BF5;
	[smem:$0x3FB7] =	sst s0  }
0x18: {  	s0 =	sld [smem:$0x3F9A];
	_ =	swait.ge [sflag:s4], $0x0  }
0x19: {  	s7 =	sld [smem:$0x3F9B]  }
0x1a: {  	s8 =	sadd.s32 $0xFFFFE003, lr  }
0x1b: {  	s9 =	sadd.s32 $0xFFFFFEF7, lr;
	s5 =	simm.s32 $0xFFFFFFFF;
	p2 =	slt.u32 s8, $0xFFFFF086  }
0x1c: {  	p1 =	slt.u32 s9, $0xF7A;
	s5 =	simm.s32 @!p2 $0x0  }
0x1d: {  	s5 =	simm.s32 @p1 $0x1;
	p0 =	seq.s32 s7, s2  }
0x1e: {  	s7 =	smul.u32 @!p0 $0xF7A, s2;
	p2 =	seq.s32 @!p0 s5, $0x0  }
0x1f: {  	s9 =	smul.u32 $0xF7A, s1;
	s8 =	simm.s32 @!p0 $0x1BF5;
	p2 =	por !p2, p0  }
0x20: {  	[sflag:s8] =	ssyncset.s32 @!p0 $0xFFFFF086;
	s6 =	sadd.s32 @!p0 s3, s7;
	s7 =	simm.s32 @!p0 $0x108  }
0x21: {  	s3 =	sadd.s32 s3, s9;
	s6 =	sadd.s32 @!p0 $0x88, s6;
	s7 =	simm.s32 @p2 $0x1082  }
0x22: {  	[simem:s7], [sflag:s8] =	dma.local @!p0 [hbm:s6], $0xF7A  }
0x23: {  	s9 =	sor.u32 $0xD0000000, s2;
	s6 =	simm.s32 $0x108;
	_ =	swait.ge @!p0 [sflag:s8], $0x0  }
0x24: {  	s3 =	sadd.s32 $0x88, s3;
	s6 =	simm.s32 @!p1 $0x1082;
	[sflag:s4] =	ssyncset.s32 $0xFFFFF086  }
0x25: {  	[simem:s6], [sflag:s4] =	dma.local [hbm:s3], $0xF7A  }
0x26: {  	[smem:$0x3F9B] =	sst s1;
	(tag) =	ssettag s2;
	_ =	strace s9  }
0x27: {  	s1 =	sld [smem:$0x3FAB]  }
0x28: {  	s2 =	sld [smem:$0x3FAC]  }
0x29: {  	s4 =	sld [smem:$0x3FAE]  }
0x2a: {  	p0 =	seq.s32 s5, $0x0;
	s5 =	sld [smem:$0x3FAF]  }
0x2b: {  	s6 =	sld [smem:$0x3FB0]  }
0x2c: {  	s7 =	sld [smem:$0x3FB1]  }
0x2d: {  	s3 =	simm.s32 $0x108;
	s8 =	sld [smem:$0x3FB2]  }
0x2e: {  	s3 =	simm.s32 @!p0 $0x1082;
	s9 =	sld [smem:$0x3FB3]  }
0x2f: {  	lr =	sadd.s32 s0, s3;
	s0 =	sld [smem:$0x3FAA]  }
0x30: {  	s3 =	sld [smem:$0x3FAD]  }
0x31: {  	[smem:$0x3FB6] =	sst s10  }
0x32: {  	s10 =	sld [smem:$0x3FB4];
	_ =	sdelay $0x3  }
0x33: {  	p0 =	seq.s32 s10, $0x1;
	s10 =	sld [smem:$0x3FB6];
	_ =	sdelay $0x3  }
0x34: {  	[smem:$0x3FB6] =	sst s10  }
0x35: {  	s10 =	sld [smem:$0x3FB5];
	_ =	sdelay $0x3  }
0x36: {  	p1 =	seq.s32 s10, $0x1;
	s10 =	sld [smem:$0x3FB6];
	_ =	sdelay $0x3  }
0x37: {  	[smem:$0x3FB6] =	sst s10  }
0x38: {  	s10 =	sld [smem:$0x3FB7]  }
0x39: {  	_ = 	snop;
	(pc) =	sbr.ind lr, $3  }
0x3a: {  	_ = 	snop  }
0x3b: {  	_ = 	snop  }
0x3c: {  	p2 =	seq.s32 s10, $0x1;
	s10 =	sld [smem:$0x3FB6]  }
0x3d: {  	_ =	shalt  }
0x3e: {  	_ =	shalt  }
0x3f: {  	_ =	shalt  }
0x40: {  	_ =	shalt  }
0x41: {  	_ =	shalt  }
0x42: {  	_ =	shalt  }
0x43: {  	_ =	shalt  }
0x44: {  	_ =	shalt  }
0x45: {  	_ =	shalt  }
0x46: {  	_ =	shalt  }
0x47: {  	_ =	shalt  }
0x48: {  	_ =	shalt  }
0x49: {  	_ =	shalt  }
0x4a: {  	_ =	shalt  }
0x4b: {  	_ =	shalt  }
0x4c: {  	_ =	shalt  }
0x4d: {  	_ =	shalt  }
0x4e: {  	_ =	shalt  }
0x4f: {  	_ =	shalt  }
0x50: {  	_ =	shalt  }
0x51: {  	_ =	shalt  }
0x52: {  	_ =	shalt  }
0x53: {  	_ =	shalt  }
0x54: {  	_ =	shalt  }
0x55: {  	_ =	shalt  }
0x56: {  	_ =	shalt  }
0x57: {  	_ =	shalt  }
0x58: {  	_ =	shalt  }
0x59: {  	_ =	shalt  }
0x5a: {  	_ =	shalt  }
0x5b: {  	_ =	shalt  }
0x5c: {  	_ =	shalt  }
0x5d: {  	_ =	shalt  }
0x5e: {  	_ =	shalt  }
0x5f: {  	_ =	shalt  }
0x60: {  	_ =	shalt  }
0x61: {  	_ =	shalt  }
0x62: {  	_ =	shalt  }
0x63: {  	_ =	shalt  }
0x64: {  	_ =	shalt  }
0x65: {  	_ =	shalt  }
0x66: {  	_ =	shalt  }
0x67: {  	_ =	shalt  }
0x68: {  	_ =	shalt  }
0x69: {  	_ =	shalt  }
0x6a: {  	_ =	shalt  }
0x6b: {  	_ =	shalt  }
0x6c: {  	_ =	shalt  }
0x6d: {  	_ =	shalt  }
0x6e: {  	_ =	shalt  }
0x6f: {  	_ =	shalt  }
0x70: {  	_ =	shalt  }
0x71: {  	_ =	shalt  }
0x72: {  	_ =	shalt  }
0x73: {  	_ =	shalt  }
0x74: {  	_ =	shalt  }
0x75: {  	_ =	shalt  }
0x76: {  	_ =	shalt  }
0x77: {  	_ =	shalt  }
0x78: {  	_ =	shalt  }
0x79: {  	_ =	shalt  }
0x7a: {  	_ =	shalt  }
0x7b: {  	_ =	shalt  }
0x7c: {  	_ =	shalt  }
0x7d: {  	_ =	shalt  }
0x7e: {  	_ =	shalt  }
0x7f: {  	_ =	shalt  }
0x80: {  	_ =	shalt  }
0x81: {  	_ =	shalt  }
0x82: {  	_ =	shalt  }
0x83: {  	_ =	shalt  }
0x84: {  	_ =	shalt  }
0x85: {  	_ =	shalt  }
0x86: {  	_ =	shalt  }
0x87: {  	_ =	shalt  }
.Lfunc_end0:
.L_simem_size_0:
called_computation.2_lowered:
.L_overlay_start_0:
0x88: {  	s2 =	sld [smem:$0x3FD9]  }
0x89: {  	s3 =	sld [smem:$0x3FFE];
	_ =	sdelay $0x1  }
0x8a: {  	s1 =	srdreg.scid  }
0x8b: {  	s0 =	sand.u32 $0x1, s1  }
0x8c: {  	s17 =	sshll.u32 s0, $0xA;
	s2 =	sadd.s32 s3, s2  }
0x8d: {  	s2 =	sadd.s32 s2, s17  }
0x8e: {  	[smem:$0x3FC2] =	sst s2  }
0x8f: {  	_ = 	snop  }
0x90: {  	s2 =	sld [smem:$0x3FD0];
	(tm) =	ssettm $0x1  }
0x91: {  	s18 =	sld [smem:$0x3FFB];
	_ =	sdelay $0x3  }
0x92: {  	_ =	strace s18  }
0x93: {  	s3 =	sld [smem:$0x3FFC];
	_ =	sdelay $0x3  }
0x94: {  	_ =	strace s3  }
0x95: {  	s3 =	sld [smem:$0x3FFD];
	_ =	sdelay $0x3  }
0x96: {  	_ =	strace s3  }
0x97: {  	_ =	strace $0x8FFFFFFF  }
0x98: {  	s19 =	sld [smem:$0x3FDB];
	_ =	sdelay $0x1  }
0x99: {  	s4 =	simm.s32 $_scs_section_size  }
0x9a: {  	s5 =	simm.s32 $_size__tile_overlayer_lowered;
	s6 =	simm.s32 $_tile_overlayer_lowered  }
0x9b: {  	s22 =	simm.s32 $0x1BFF;
	s21 =	sshll.u32 s6, $0x1;
	s3 =	sadd.s32 s4, s19  }
0x9c: {  	s7 =	simm.s32 $0x0;
	s20 =	sshll.u32 s5, $0x1;
	s5 =	sadd.s32 s21, s3  }
0x9d: {  	[timem:s7], [sflag:s22] =	dma.local [hbm:s5], s20  }
0x9e: {  	_ =	swait.ge [sflag:s22], s20  }
0x9f: {  	s4 =	ssub.s32 $0x0, s20;
	[sflag:s22] =	ssyncset.done $0x0  }
0xa0: {  	[sflag:s22] =	ssyncadd.s32 s4;
	_ =	sdelay $0x1  }
0xa1: {  	s23 =	simm.s32 $0x1B8B  }
0xa2: {  	_ =	swait.ge [sflag:s23], $0x1  }
0xa3: {  	[sflag:s23] =	ssyncset.done $0x0  }
0xa4: {  	s25 =	simm.s32 $0x1B8E;
	s24 =	sld [smem:$0x3FFE];
	[sflag:s23] =	ssyncadd.s32 $0xFFFFFFFF  }
0xa5: {  	s26 =	simm.s32 $execute0_lowered;
	[smem:$0x3FD2] =	sst s25  }
0xa6: {  	s5 =	sshll.u32 s26, $0x1;
	_ =	strace $0x8000004C;
	[dreg:$0x1] =	wrdreg $0xFFFFFFFF  }
0xa7: {  	s28 =	simm.s32 $_size_execute0_lowered;
	s3 =	sadd.s32 s3, s5;
	[dreg:$0x0] =	wrdreg $0x0  }
0xa8: {  	s5 =	sshll.u32 s28, $0x1;
	[dreg:$0x2] =	wrdreg s3  }
0xa9: {  	[dreg:$0x3] =	wrdreg s5  }
0xaa: {  	[dreg:$0x4] =	wrdreg $0xC0  }
0xab: {  	_ =	task [dreg:s7], $0x5FFFF  }
0xac: {  	[dreg:$0x1] =	wrdreg $0xFFFFFFFF  }
0xad: {  	[dreg:$0x0] =	wrdreg $0x60  }
0xae: {  	[dreg:$0x2] =	wrdreg s2  }
0xaf: {  	[dreg:$0x3] =	wrdreg s24  }
0xb0: {  	[dreg:$0x4] =	wrdreg $0x68000  }
0xb1: {  	[dreg:$0x5] =	wrdreg $0xB6200  }
0xb2: {  	[dreg:$0x6] =	wrdreg $0x9  }
0xb3: {  	_ =	task.clear_ibuf [dreg:s7], $0x7FFFF;
	_ =	strace $0x9000004C  }
0xb4: {  	s29 =	simm.s32 $0x9;
	_ =	strace $0x8000004E  }
0xb5: {  	_ =	swait.ge [sflag:s29], $0x1  }
0xb6: {  	[sflag:s29] =	ssyncadd.s32 $0xFFFFFFFF  }
0xb7: {  	_ =	strace $0x9000004E  }
0xb8: {  	_ =	sfence  }
0xb9: {  	s30 =	sld [smem:$0x0];
	_ =	sdelay $0x2  }
0xba: {  	s31 =	sshll.u32 s1, $0xD;
	s1 =	sshrl.u32 s1, $0x2  }
0xbb: {  	s3 =	sand.u32 $0x4000, s31;
	s1 =	sadd.s32 s1, s30  }
0xbc: {  	s0 =	sor.u32 s3, s0;
	s1 =	sshll.u32 s1, $0x11  }
0xbd: {  	s0 =	sor.u32 s1, s0  }
0xbe: {  	s0 =	sadd.s32 $0x8F2B, s0  }
0xbf: {  	[sflag:s0] =	ssyncadd.remote.s32 $0x1  }
0xc0: {  	_ =	sfence.sel $0xFFFF  }
0xc1: {  	[dreg:$0x0] =	wrdreg $0xFFFFFFFF;
	(pc) =	sbr.abs _section_cstart, $3  }
0xc2: {  	[dreg:$0x1] =	wrdreg $0xFFFFFFFF  }
0xc3: {  	_ =	task.clear_ibuf [dreg:s7], $0x2FFFF;
	_ =	strace $0x9FFFFFFF  }
0xc4: {  	(tm) =	ssettm $0x7FFFFFFF  }
0xc5: {  	_ =	shalt  }
tec
execute0_lowered:
.L_overlay_start_1:
0x0: {  	(tag) =	ssettag $0x1  }
0x1: {  	s0 =	rddreg [dreg:$0x0]  }
0x2: {  	s1 =	rddreg [dreg:$0x1]  }
0x3: {  	s2 =	rddreg [dreg:$0x2]  }
0x4: {  	s3 =	rddreg [dreg:$0x3]  }
0x5: {  	s5 =	srdreg.scid;
	s12 =	stileid.u32;
	s4 =	simm.s32 $0x0  }
0x6: {  	s28 =	simm.s32 $0x4800;
	s29 =	simm.s32 $0x1580;
	s30 =	simm.s32 $0x5800  }
0x7: {  	s31 =	simm.s32 $0x1;
	s5 =	sand.u32 $0x1, s5;
	s6 =	smul.u32 $0x5000, s12  }
0x8: {  	[smem:$0x7FF] =	sst s4;
	s8 =	sadd.s32 $0x1600, s1;
	s11 =	smul.u32 $0x4E20, s12  }
0x9: {  	s9 =	sadd.s32 $0x33000, s1;
	s16 =	sshll.u32 s12, $0x6;
	s12 =	smul.u32 $0xA00, s12  }
0xa: {  	s13 =	sadd.s32 $0xB600, s1;
	s7 =	smul.u32 $0x50000, s5;
	_ =	strace $0x8000004D  }
0xb: {  	s10 =	smul.u32 $0x4E200, s5;
	s5 =	ssub.s32 $0x2, s5;
	[dreg:$0x5] =	wrdreg s13  }
0xc: {  	s13 =	sshrl.u32 s5, $0x1;
	s15 =	sadd.s32 s11, s2;
	s17 =	sshrl.u32 s6, $0x3  }
0xd: {  	s18 =	sadd.s32 s8, s12;
	s20 =	sadd.s32 s9, s12;
	s12 =	simm.s32 $0x1380  }
0xe: {  	s7 =	sadd.s32 s6, s7;
	s5 =	ssub.s32 s5, s13;
	s14 =	sadd.s32 s11, s10  }
0xf: {  	s6 =	sadd.s32 s6, s3;
	[dreg:$0x8] =	wrdreg s18;
	s19 =	sadd.s32 $0x280, s17  }
0x10: {  	[dreg:$0x9] =	wrdreg s20;
	s22 =	sadd.s32 $0x500, s17;
	s20 =	simm.s32 $0x9  }
0x11: {  	s10 =	simm.s32 $0x8;
	s11 =	simm.s32 $0x1300;
	s13 =	simm.s32 $0x0  }
0x12: {  	s7 =	sshrl.u32 s7, $0x3;
	[dreg:$0x7] =	wrdreg s6;
	s21 =	sadd.s32 s8, s19  }
0x13: {  	s6 =	sadd.s32 s9, s19;
	s23 =	sadd.s32 s8, s22;
	s24 =	sadd.s32 s9, s22  }
0x14: {  	s18 =	smax.u32 s5, $0x1;
	s19 =	sshrl.u32 s15, $0x3;
	[dreg:$0xa] =	wrdreg s21  }
0x15: {  	s22 =	simm.s32 $0x80;
	s5 =	simm.s32 $0x5;
	[dreg:$0xb] =	wrdreg s6  }
0x16: {  	s1 =	sadd.s32 s7, s1;
	s7 =	sshrl.u32 s14, $0x3;
	[dreg:$0xc] =	wrdreg s23  }
0x17: {  	[dreg:$0xd] =	wrdreg s24;
	s21 =	simm.s32 $0x1400;
	s23 =	simm.s32 $0x2800  }
0x18: {  	s24 =	simm.s32 $0x1480;
	s6 =	simm.s32 $0x4;
	s0 =	sadd.s32 s0, s7  }
0x19: {  	s7 =	sor.u32 $0x1C09, s16;
	s26 =	sadd.s32 $0xC000, s1;
	[dreg:$0x6] =	wrdreg s0  }
0x1a: {  	s1 =	simm.s32 $0x3;
	s0 =	sadd.s32 $0x780, s17;
	[dreg:$0x10] =	wrdreg s26  }
0x1b: {  	s26 =	simm.s32 $0x1500;
	s25 =	sadd.s32 s8, s0;
	s0 =	sadd.s32 s9, s0  }
0x1c: {  	s8 =	simm.s32 $0x6;
	s9 =	simm.s32 $0x7;
	[dreg:$0xe] =	wrdreg s25  }
0x1d: {  	[dreg:$0xf] =	wrdreg s0;
	s25 =	simm.s32 $0x3800;
	s0 =	simm.s32 $0x2  }
.LBB2_1:
0x1e: {  	s14 =	rddreg [dreg:$0x6]  }
0x1f: {  	[spmem:s19], [sflag:s7] =	dma.local [hbm:s14], $0x9C4  }
0x20: {  	_ =	swait.ge [sflag:s20], $0x9C4  }
0x21: {  	[sflag:s20] =	ssyncset.done $0x0;
	s16 =	rddreg [dreg:$0x7]  }
0x22: {  	s15 =	rddreg [dreg:$0x5];
	[sflag:s20] =	ssyncadd.s32 $0xFFFFF63C;
	s14 =	sshrl.u32 s16, $0x3  }
0x23: {  	[spmem:s14], [sflag:s7] =	dma.local [hbm:s15], $0xA00  }
0x24: {  	_ =	swait.ge [sflag:s20], $0xA00  }
0x25: {  	[sflag:s20] =	ssyncset.done $0x0  }
0x26: {  	[sflag:s20] =	ssyncadd.s32 $0xFFFFF600  }
0x27: {  	[bflag:$0x0] =	sbarrier.arrive $0xFFFF  }
0x28: {  	s17 =	rddreg [dreg:$0x8]  }
0x29: {  	[tilespmem:s4], [sflag:$0x9] =	stream.linear.gather [hbm4b:s17+s4], $0x1400, $0x38;
	[tilespmem:$0x10620] =	vst v63  }
0x2a: {  	_ =	swait.ge [sflag:s20], $0x1400  }
0x2b: {  	[sflag:s20] =	ssyncset.done $0x0  }
0x2c: {  	s16 =	rddreg [dreg:$0x9];
	[sflag:s20] =	ssyncadd.s32 $0xFFFFEC00  }
0x2d: {  	[tilespmem:s21], [sflag:$0x9] =	stream.linear.gather [hbm4b:s16+s4], $0x1400, $0x38;
	[tilespmem:$0x10620] =	vst v63  }
0x2e: {  	_ =	swait.ge [sflag:s20], $0x1400  }
0x2f: {  	[sflag:s20] =	ssyncset.done $0x0  }
0x30: {  	[sflag:s20] =	ssyncadd.s32 $0xFFFFEC00  }
0x31: {  	[tilespmem:s23], [sflag:$0x1] =	stream.indirect.gather [spmem:s2], $0x20, s21, s22, $0xb8;
	[tilespmem:$0x10620] =	vst v63  }
0x32: {  	_ = 	snop  }
0x33: {  	[tilespmem:s25], [sflag:$0x2] =	stream.indirect.gather [spmem:s2], $0x20, s24, s22, $0xb8;
	[tilespmem:$0x10620] =	vst v63  }
0x34: {  	_ = 	snop  }
0x35: {  	[tilespmem:s28], [sflag:$0x3] =	stream.indirect.gather [spmem:s2], $0x20, s26, s22, $0xb8;
	[tilespmem:$0x10620] =	vst v63  }
0x36: {  	_ = 	snop  }
0x37: {  	[tilespmem:s30], [sflag:$0x4] =	stream.indirect.gather [spmem:s2], $0x20, s29, s22, $0xb8;
	[tilespmem:$0x10620] =	vst v63  }
0x38: {  	_ =	swait.ge [sflag:s31], $0x1000  }
0x39: {  	[sflag:s31] =	ssyncset.done $0x0  }
0x3a: {  	[sflag:s31] =	ssyncadd.s32 $0xFFFFF000  }
0x3b: {  	[spmem:s3] =	stream.indirect.scatter.add.f32 [tilespmem:s23], [sflag:$0x5], $0x20, s4, s22, $0xb8;
	[tilespmem:$0x10620] =	vst v63  }
0x3c: {  	_ =	swait.ge [sflag:s0], $0x1000  }
0x3d: {  	[sflag:s0] =	ssyncset.done $0x0  }
0x3e: {  	[sflag:s0] =	ssyncadd.s32 $0xFFFFF000  }
0x3f: {  	[spmem:s3] =	stream.indirect.scatter.add.f32 [tilespmem:s25], [sflag:$0x6], $0x20, s22, s22, $0xb8;
	[tilespmem:$0x10620] =	vst v63  }
0x40: {  	_ =	swait.ge [sflag:s1], $0x1000  }
0x41: {  	[sflag:s1] =	ssyncset.done $0x0  }
0x42: {  	s17 =	simm.s32 $0x100;
	[sflag:s1] =	ssyncadd.s32 $0xFFFFF000  }
0x43: {  	[spmem:s3] =	stream.indirect.scatter.add.f32 [tilespmem:s28], [sflag:$0x7], $0x20, s17, s22, $0xb8;
	[tilespmem:$0x10620] =	vst v63  }
0x44: {  	_ =	swait.ge [sflag:s5], $0x1000  }
0x45: {  	[sflag:s5] =	ssyncset.done $0x0  }
0x46: {  	s16 =	simm.s32 $0x1600;
	[sflag:s5] =	ssyncadd.s32 $0xFFFFF000  }
0x47: {  	[tilespmem:s23], [sflag:$0x1] =	stream.indirect.gather [spmem:s2], $0x20, s16, s22, $0xb8;
	[tilespmem:$0x10620] =	vst v63  }
0x48: {  	_ =	swait.ge [sflag:s6], $0x1000  }
0x49: {  	[sflag:s6] =	ssyncset.done $0x0  }
0x4a: {  	s17 =	simm.s32 $0x180;
	[sflag:s6] =	ssyncadd.s32 $0xFFFFF000  }
0x4b: {  	[spmem:s3] =	stream.indirect.scatter.add.f32 [tilespmem:s30], [sflag:$0x8], $0x20, s17, s22, $0xb8;
	[tilespmem:$0x10620] =	vst v63  }
0x4c: {  	_ =	swait.ge [sflag:s8], $0x1000  }
0x4d: {  	[sflag:s8] =	ssyncset.done $0x0  }
0x4e: {  	s16 =	simm.s32 $0x1680;
	[sflag:s8] =	ssyncadd.s32 $0xFFFFF000  }
0x4f: {  	[tilespmem:s25], [sflag:$0x2] =	stream.indirect.gather [spmem:s2], $0x20, s16, s22, $0xb8;
	[tilespmem:$0x10620] =	vst v63  }
0x50: {  	_ =	swait.ge [sflag:s31], $0x1000  }
0x51: {  	[sflag:s31] =	ssyncset.done $0x0  }
0x52: {  	s17 =	simm.s32 $0x200;
	[sflag:s31] =	ssyncadd.s32 $0xFFFFF000  }
0x53: {  	[spmem:s3] =	stream.indirect.scatter.add.f32 [tilespmem:s23], [sflag:$0x5], $0x20, s17, s22, $0xb8;
	[tilespmem:$0x10620] =	vst v63  }
0x54: {  	_ =	swait.ge [sflag:s9], $0x1000  }
0x55: {  	[sflag:s9] =	ssyncset.done $0x0  }
0x56: {  	s16 =	simm.s32 $0x1700;
	[sflag:s9] =	ssyncadd.s32 $0xFFFFF000  }
0x57: {  	[tilespmem:s28], [sflag:$0x3] =	stream.indirect.gather [spmem:s2], $0x20, s16, s22, $0xb8;
	[tilespmem:$0x10620] =	vst v63  }
0x58: {  	_ =	swait.ge [sflag:s0], $0x1000  }
0x59: {  	[sflag:s0] =	ssyncset.done $0x0  }
0x5a: {  	s17 =	simm.s32 $0x280;
	[sflag:s0] =	ssyncadd.s32 $0xFFFFF000  }
0x5b: {  	[spmem:s3] =	stream.indirect.scatter.add.f32 [tilespmem:s25], [sflag:$0x6], $0x20, s17, s22, $0xb8;
	[tilespmem:$0x10620] =	vst v63  }
0x5c: {  	_ =	swait.ge [sflag:s10], $0x1000  }
0x5d: {  	[sflag:s10] =	ssyncset.done $0x0  }
0x5e: {  	s15 =	simm.s32 $0x800;
	s16 =	simm.s32 $0x1780;
	[sflag:s10] =	ssyncadd.s32 $0xFFFFF000  }
.LBB2_2:
0x5f: {  	[tilespmem:s30], [sflag:$0x4] =	stream.indirect.gather [spmem:s2], $0x20, s16, s22, $0xb8;
	[tilespmem:$0x10620] =	vst v63  }
0x60: {  	s16 =	smov.u32 s15  }
0x61: {  	p0 =	sne.s32 s15, $0x4000;
	s15 =	sadd.s32 $0x800, s15;
	_ =	swait.ge [sflag:s1], $0x1000  }
0x62: {  	s16 =	sshra.s32 s16, $0x2;
	[sflag:s1] =	ssyncset.done $0x0  }
0x63: {  	s17 =	sadd.s32 $0x100, s16;
	[sflag:s1] =	ssyncadd.s32 $0xFFFFF000  }
0x64: {  	[spmem:s3] =	stream.indirect.scatter.add.f32 [tilespmem:s28], [sflag:$0x7], $0x20, s17, s22, $0xb8;
	[tilespmem:$0x10620] =	vst v63  }
0x65: {  	_ =	swait.ge [sflag:s5], $0x1000  }
0x66: {  	[sflag:s5] =	ssyncset.done $0x0  }
0x67: {  	s17 =	sadd.s32 $0x1600, s16;
	[sflag:s5] =	ssyncadd.s32 $0xFFFFF000  }
0x68: {  	[tilespmem:s23], [sflag:$0x1] =	stream.indirect.gather [spmem:s2], $0x20, s17, s22, $0xb8;
	[tilespmem:$0x10620] =	vst v63  }
0x69: {  	_ =	swait.ge [sflag:s6], $0x1000  }
0x6a: {  	[sflag:s6] =	ssyncset.done $0x0  }
0x6b: {  	s17 =	sadd.s32 $0x180, s16;
	[sflag:s6] =	ssyncadd.s32 $0xFFFFF000  }
0x6c: {  	[spmem:s3] =	stream.indirect.scatter.add.f32 [tilespmem:s30], [sflag:$0x8], $0x20, s17, s22, $0xb8;
	[tilespmem:$0x10620] =	vst v63  }
0x6d: {  	_ =	swait.ge [sflag:s8], $0x1000  }
0x6e: {  	[sflag:s8] =	ssyncset.done $0x0  }
0x6f: {  	s17 =	sadd.s32 $0x1680, s16;
	[sflag:s8] =	ssyncadd.s32 $0xFFFFF000  }
0x70: {  	[tilespmem:s25], [sflag:$0x2] =	stream.indirect.gather [spmem:s2], $0x20, s17, s22, $0xb8;
	[tilespmem:$0x10620] =	vst v63  }
0x71: {  	_ =	swait.ge [sflag:s31], $0x1000  }
0x72: {  	[sflag:s31] =	ssyncset.done $0x0  }
0x73: {  	s17 =	sadd.s32 $0x200, s16;
	[sflag:s31] =	ssyncadd.s32 $0xFFFFF000  }
0x74: {  	[spmem:s3] =	stream.indirect.scatter.add.f32 [tilespmem:s23], [sflag:$0x5], $0x20, s17, s22, $0xb8;
	[tilespmem:$0x10620] =	vst v63  }
0x75: {  	_ =	swait.ge [sflag:s9], $0x1000  }
0x76: {  	[sflag:s9] =	ssyncset.done $0x0  }
0x77: {  	s17 =	sadd.s32 $0x1700, s16;
	[sflag:s9] =	ssyncadd.s32 $0xFFFFF000  }
0x78: {  	[tilespmem:s28], [sflag:$0x3] =	stream.indirect.gather [spmem:s2], $0x20, s17, s22, $0xb8;
	[tilespmem:$0x10620] =	vst v63  }
0x79: {  	_ =	swait.ge [sflag:s0], $0x1000  }
0x7a: {  	[sflag:s0] =	ssyncset.done $0x0  }
.Ltmp0:
0x7b: {  	s17 =	sadd.s32 $0x280, s16;
	[sflag:s0] =	ssyncadd.s32 $0xFFFFF000;
	(pc) =	sbr.rel @p0 .LBB2_2-.Ltmp0, $4  }
0x7c: {  	[spmem:s3] =	stream.indirect.scatter.add.f32 [tilespmem:s25], [sflag:$0x6], $0x20, s17, s22, $0xb8;
	[tilespmem:$0x10620] =	vst v63  }
0x7d: {  	_ =	swait.ge [sflag:s10], $0x1000  }
0x7e: {  	[sflag:s10] =	ssyncset.done $0x0  }
0x7f: {  	s16 =	sadd.s32 $0x1780, s16;
	[sflag:s10] =	ssyncadd.s32 $0xFFFFF000  }
0x80: {  	[tilespmem:s30], [sflag:$0x4] =	stream.indirect.gather [spmem:s2], $0x20, s16, s22, $0xb8;
	[tilespmem:$0x10620] =	vst v63  }
0x81: {  	_ =	swait.ge [sflag:s1], $0x1000  }
0x82: {  	[sflag:s1] =	ssyncset.done $0x0  }
0x83: {  	[sflag:s1] =	ssyncadd.s32 $0xFFFFF000  }
0x84: {  	[spmem:s3] =	stream.indirect.scatter.add.f32 [tilespmem:s28], [sflag:$0x7], $0x20, s11, s22, $0xb8;
	[tilespmem:$0x10620] =	vst v63  }
0x85: {  	_ =	swait.ge [sflag:s6], $0x1000  }
0x86: {  	[sflag:s6] =	ssyncset.done $0x0  }
0x87: {  	[sflag:s6] =	ssyncadd.s32 $0xFFFFF000  }
0x88: {  	[spmem:s3] =	stream.indirect.scatter.add.f32 [tilespmem:s30], [sflag:$0x8], $0x20, s12, s22, $0xb8;
	[tilespmem:$0x10620] =	vst v63  }
0x89: {  	_ =	swait.ge [sflag:s5], $0x1000  }
0x8a: {  	[sflag:s5] =	ssyncset.done $0x0  }
0x8b: {  	[sflag:s5] =	ssyncadd.s32 $0xFFFFF000  }
0x8c: {  	_ =	swait.ge [sflag:s8], $0x1000  }
0x8d: {  	[sflag:s8] =	ssyncset.done $0x0  }
0x8e: {  	[sflag:s8] =	ssyncadd.s32 $0xFFFFF000  }
0x8f: {  	_ =	swait.ge [sflag:s9], $0x1000  }
0x90: {  	[sflag:s9] =	ssyncset.done $0x0  }
0x91: {  	[sflag:s9] =	ssyncadd.s32 $0xFFFFF000  }
0x92: {  	_ =	swait.ge [sflag:s10], $0x1000  }
0x93: {  	[sflag:s10] =	ssyncset.done $0x0  }
0x94: {  	s15 =	simm.s32 $0x0;
	s17 =	rddreg [dreg:$0xa];
	[sflag:s10] =	ssyncadd.s32 $0xFFFFF000  }
0x95: {  	[tilespmem:s15], [sflag:$0x9] =	stream.linear.gather [hbm4b:s17+s15], $0x1400, $0x38;
	[tilespmem:$0x10620] =	vst v63  }
0x96: {  	_ =	swait.ge [sflag:s20], $0x1400  }
0x97: {  	[sflag:s20] =	ssyncset.done $0x0  }
0x98: {  	s17 =	rddreg [dreg:$0xb];
	[sflag:s20] =	ssyncadd.s32 $0xFFFFEC00  }
0x99: {  	[tilespmem:s21], [sflag:$0x9] =	stream.linear.gather [hbm4b:s17+s15], $0x1400, $0x38;
	[tilespmem:$0x10620] =	vst v63  }
0x9a: {  	_ =	swait.ge [sflag:s20], $0x1400  }
0x9b: {  	[sflag:s20] =	ssyncset.done $0x0  }
0x9c: {  	[sflag:s20] =	ssyncadd.s32 $0xFFFFEC00  }
0x9d: {  	[tilespmem:s23], [sflag:$0x1] =	stream.indirect.gather [spmem:s2], $0x20, s21, s22, $0xb8;
	[tilespmem:$0x10620] =	vst v63  }
0x9e: {  	_ = 	snop  }
0x9f: {  	[tilespmem:s25], [sflag:$0x2] =	stream.indirect.gather [spmem:s2], $0x20, s24, s22, $0xb8;
	[tilespmem:$0x10620] =	vst v63  }
0xa0: {  	_ = 	snop  }
0xa1: {  	[tilespmem:s28], [sflag:$0x3] =	stream.indirect.gather [spmem:s2], $0x20, s26, s22, $0xb8;
	[tilespmem:$0x10620] =	vst v63  }
0xa2: {  	_ = 	snop  }
0xa3: {  	[tilespmem:s30], [sflag:$0x4] =	stream.indirect.gather [spmem:s2], $0x20, s29, s22, $0xb8;
	[tilespmem:$0x10620] =	vst v63  }
0xa4: {  	_ =	swait.ge [sflag:s31], $0x1000  }
0xa5: {  	[sflag:s31] =	ssyncset.done $0x0  }
0xa6: {  	[sflag:s31] =	ssyncadd.s32 $0xFFFFF000  }
0xa7: {  	[spmem:s3] =	stream.indirect.scatter.add.f32 [tilespmem:s23], [sflag:$0x5], $0x20, s15, s22, $0xb8;
	[tilespmem:$0x10620] =	vst v63  }
0xa8: {  	_ =	swait.ge [sflag:s0], $0x1000  }
0xa9: {  	[sflag:s0] =	ssyncset.done $0x0  }
0xaa: {  	[sflag:s0] =	ssyncadd.s32 $0xFFFFF000  }
0xab: {  	[spmem:s3] =	stream.indirect.scatter.add.f32 [tilespmem:s25], [sflag:$0x6], $0x20, s22, s22, $0xb8;
	[tilespmem:$0x10620] =	vst v63  }
0xac: {  	_ =	swait.ge [sflag:s1], $0x1000  }
0xad: {  	[sflag:s1] =	ssyncset.done $0x0  }
0xae: {  	s17 =	simm.s32 $0x100;
	[sflag:s1] =	ssyncadd.s32 $0xFFFFF000  }
0xaf: {  	[spmem:s3] =	stream.indirect.scatter.add.f32 [tilespmem:s28], [sflag:$0x7], $0x20, s17, s22, $0xb8;
	[tilespmem:$0x10620] =	vst v63  }
0xb0: {  	_ =	swait.ge [sflag:s5], $0x1000  }
0xb1: {  	[sflag:s5] =	ssyncset.done $0x0  }
0xb2: {  	s16 =	simm.s32 $0x1600;
	[sflag:s5] =	ssyncadd.s32 $0xFFFFF000  }
0xb3: {  	[tilespmem:s23], [sflag:$0x1] =	stream.indirect.gather [spmem:s2], $0x20, s16, s22, $0xb8;
	[tilespmem:$0x10620] =	vst v63  }
0xb4: {  	_ =	swait.ge [sflag:s6], $0x1000  }
0xb5: {  	[sflag:s6] =	ssyncset.done $0x0  }
0xb6: {  	s17 =	simm.s32 $0x180;
	[sflag:s6] =	ssyncadd.s32 $0xFFFFF000  }
0xb7: {  	[spmem:s3] =	stream.indirect.scatter.add.f32 [tilespmem:s30], [sflag:$0x8], $0x20, s17, s22, $0xb8;
	[tilespmem:$0x10620] =	vst v63  }
0xb8: {  	_ =	swait.ge [sflag:s8], $0x1000  }
0xb9: {  	[sflag:s8] =	ssyncset.done $0x0  }
0xba: {  	s16 =	simm.s32 $0x1680;
	[sflag:s8] =	ssyncadd.s32 $0xFFFFF000  }
0xbb: {  	[tilespmem:s25], [sflag:$0x2] =	stream.indirect.gather [spmem:s2], $0x20, s16, s22, $0xb8;
	[tilespmem:$0x10620] =	vst v63  }
0xbc: {  	_ =	swait.ge [sflag:s31], $0x1000  }
0xbd: {  	[sflag:s31] =	ssyncset.done $0x0  }
0xbe: {  	s17 =	simm.s32 $0x200;
	[sflag:s31] =	ssyncadd.s32 $0xFFFFF000  }
0xbf: {  	[spmem:s3] =	stream.indirect.scatter.add.f32 [tilespmem:s23], [sflag:$0x5], $0x20, s17, s22, $0xb8;
	[tilespmem:$0x10620] =	vst v63  }
0xc0: {  	_ =	swait.ge [sflag:s9], $0x1000  }
0xc1: {  	[sflag:s9] =	ssyncset.done $0x0  }
0xc2: {  	s16 =	simm.s32 $0x1700;
	[sflag:s9] =	ssyncadd.s32 $0xFFFFF000  }
0xc3: {  	[tilespmem:s28], [sflag:$0x3] =	stream.indirect.gather [spmem:s2], $0x20, s16, s22, $0xb8;
	[tilespmem:$0x10620] =	vst v63  }
0xc4: {  	_ =	swait.ge [sflag:s0], $0x1000  }
0xc5: {  	[sflag:s0] =	ssyncset.done $0x0  }
0xc6: {  	s17 =	simm.s32 $0x280;
	[sflag:s0] =	ssyncadd.s32 $0xFFFFF000  }
0xc7: {  	[spmem:s3] =	stream.indirect.scatter.add.f32 [tilespmem:s25], [sflag:$0x6], $0x20, s17, s22, $0xb8;
	[tilespmem:$0x10620] =	vst v63  }
0xc8: {  	_ =	swait.ge [sflag:s10], $0x1000  }
0xc9: {  	[sflag:s10] =	ssyncset.done $0x0  }
0xca: {  	s15 =	simm.s32 $0x800;
	s16 =	simm.s32 $0x1780;
	[sflag:s10] =	ssyncadd.s32 $0xFFFFF000  }
.LBB2_4:
0xcb: {  	[tilespmem:s30], [sflag:$0x4] =	stream.indirect.gather [spmem:s2], $0x20, s16, s22, $0xb8;
	[tilespmem:$0x10620] =	vst v63  }
0xcc: {  	s16 =	smov.u32 s15  }
0xcd: {  	p0 =	sne.s32 s15, $0x4000;
	s15 =	sadd.s32 $0x800, s15;
	_ =	swait.ge [sflag:s1], $0x1000  }
0xce: {  	s16 =	sshra.s32 s16, $0x2;
	[sflag:s1] =	ssyncset.done $0x0  }
0xcf: {  	s17 =	sadd.s32 $0x100, s16;
	[sflag:s1] =	ssyncadd.s32 $0xFFFFF000  }
0xd0: {  	[spmem:s3] =	stream.indirect.scatter.add.f32 [tilespmem:s28], [sflag:$0x7], $0x20, s17, s22, $0xb8;
	[tilespmem:$0x10620] =	vst v63  }
0xd1: {  	_ =	swait.ge [sflag:s5], $0x1000  }
0xd2: {  	[sflag:s5] =	ssyncset.done $0x0  }
0xd3: {  	s17 =	sadd.s32 $0x1600, s16;
	[sflag:s5] =	ssyncadd.s32 $0xFFFFF000  }
0xd4: {  	[tilespmem:s23], [sflag:$0x1] =	stream.indirect.gather [spmem:s2], $0x20, s17, s22, $0xb8;
	[tilespmem:$0x10620] =	vst v63  }
0xd5: {  	_ =	swait.ge [sflag:s6], $0x1000  }
0xd6: {  	[sflag:s6] =	ssyncset.done $0x0  }
0xd7: {  	s17 =	sadd.s32 $0x180, s16;
	[sflag:s6] =	ssyncadd.s32 $0xFFFFF000  }
0xd8: {  	[spmem:s3] =	stream.indirect.scatter.add.f32 [tilespmem:s30], [sflag:$0x8], $0x20, s17, s22, $0xb8;
	[tilespmem:$0x10620] =	vst v63  }
0xd9: {  	_ =	swait.ge [sflag:s8], $0x1000  }
0xda: {  	[sflag:s8] =	ssyncset.done $0x0  }
0xdb: {  	s17 =	sadd.s32 $0x1680, s16;
	[sflag:s8] =	ssyncadd.s32 $0xFFFFF000  }
0xdc: {  	[tilespmem:s25], [sflag:$0x2] =	stream.indirect.gather [spmem:s2], $0x20, s17, s22, $0xb8;
	[tilespmem:$0x10620] =	vst v63  }
0xdd: {  	_ =	swait.ge [sflag:s31], $0x1000  }
0xde: {  	[sflag:s31] =	ssyncset.done $0x0  }
0xdf: {  	s17 =	sadd.s32 $0x200, s16;
	[sflag:s31] =	ssyncadd.s32 $0xFFFFF000  }
0xe0: {  	[spmem:s3] =	stream.indirect.scatter.add.f32 [tilespmem:s23], [sflag:$0x5], $0x20, s17, s22, $0xb8;
	[tilespmem:$0x10620] =	vst v63  }
0xe1: {  	_ =	swait.ge [sflag:s9], $0x1000  }
0xe2: {  	[sflag:s9] =	ssyncset.done $0x0  }
0xe3: {  	s17 =	sadd.s32 $0x1700, s16;
	[sflag:s9] =	ssyncadd.s32 $0xFFFFF000  }
0xe4: {  	[tilespmem:s28], [sflag:$0x3] =	stream.indirect.gather [spmem:s2], $0x20, s17, s22, $0xb8;
	[tilespmem:$0x10620] =	vst v63  }
0xe5: {  	_ =	swait.ge [sflag:s0], $0x1000  }
0xe6: {  	[sflag:s0] =	ssyncset.done $0x0  }
.Ltmp1:
0xe7: {  	s17 =	sadd.s32 $0x280, s16;
	[sflag:s0] =	ssyncadd.s32 $0xFFFFF000;
	(pc) =	sbr.rel @p0 .LBB2_4-.Ltmp1, $4  }
0xe8: {  	[spmem:s3] =	stream.indirect.scatter.add.f32 [tilespmem:s25], [sflag:$0x6], $0x20, s17, s22, $0xb8;
	[tilespmem:$0x10620] =	vst v63  }
0xe9: {  	_ =	swait.ge [sflag:s10], $0x1000  }
0xea: {  	[sflag:s10] =	ssyncset.done $0x0  }
0xeb: {  	s16 =	sadd.s32 $0x1780, s16;
	[sflag:s10] =	ssyncadd.s32 $0xFFFFF000  }
0xec: {  	[tilespmem:s30], [sflag:$0x4] =	stream.indirect.gather [spmem:s2], $0x20, s16, s22, $0xb8;
	[tilespmem:$0x10620] =	vst v63  }
0xed: {  	_ =	swait.ge [sflag:s1], $0x1000  }
0xee: {  	[sflag:s1] =	ssyncset.done $0x0  }
0xef: {  	[sflag:s1] =	ssyncadd.s32 $0xFFFFF000  }
0xf0: {  	[spmem:s3] =	stream.indirect.scatter.add.f32 [tilespmem:s28], [sflag:$0x7], $0x20, s11, s22, $0xb8;
	[tilespmem:$0x10620] =	vst v63  }
0xf1: {  	_ =	swait.ge [sflag:s6], $0x1000  }
0xf2: {  	[sflag:s6] =	ssyncset.done $0x0  }
0xf3: {  	[sflag:s6] =	ssyncadd.s32 $0xFFFFF000  }
0xf4: {  	[spmem:s3] =	stream.indirect.scatter.add.f32 [tilespmem:s30], [sflag:$0x8], $0x20, s12, s22, $0xb8;
	[tilespmem:$0x10620] =	vst v63  }
0xf5: {  	_ =	swait.ge [sflag:s5], $0x1000  }
0xf6: {  	[sflag:s5] =	ssyncset.done $0x0  }
0xf7: {  	[sflag:s5] =	ssyncadd.s32 $0xFFFFF000  }
0xf8: {  	_ =	swait.ge [sflag:s8], $0x1000  }
0xf9: {  	[sflag:s8] =	ssyncset.done $0x0  }
0xfa: {  	[sflag:s8] =	ssyncadd.s32 $0xFFFFF000  }
0xfb: {  	_ =	swait.ge [sflag:s9], $0x1000  }
0xfc: {  	[sflag:s9] =	ssyncset.done $0x0  }
0xfd: {  	[sflag:s9] =	ssyncadd.s32 $0xFFFFF000  }
0xfe: {  	_ =	swait.ge [sflag:s10], $0x1000  }
0xff: {  	[sflag:s10] =	ssyncset.done $0x0  }
0x100: {  	s15 =	simm.s32 $0x0;
	s17 =	rddreg [dreg:$0xc];
	[sflag:s10] =	ssyncadd.s32 $0xFFFFF000  }
0x101: {  	[tilespmem:s15], [sflag:$0x9] =	stream.linear.gather [hbm4b:s17+s15], $0x1400, $0x38;
	[tilespmem:$0x10620] =	vst v63  }
0x102: {  	_ =	swait.ge [sflag:s20], $0x1400  }
0x103: {  	[sflag:s20] =	ssyncset.done $0x0  }
0x104: {  	s17 =	rddreg [dreg:$0xd];
	[sflag:s20] =	ssyncadd.s32 $0xFFFFEC00  }
0x105: {  	[tilespmem:s21], [sflag:$0x9] =	stream.linear.gather [hbm4b:s17+s15], $0x1400, $0x38;
	[tilespmem:$0x10620] =	vst v63  }
0x106: {  	_ =	swait.ge [sflag:s20], $0x1400  }
0x107: {  	[sflag:s20] =	ssyncset.done $0x0  }
0x108: {  	[sflag:s20] =	ssyncadd.s32 $0xFFFFEC00  }
0x109: {  	[tilespmem:s23], [sflag:$0x1] =	stream.indirect.gather [spmem:s2], $0x20, s21, s22, $0xb8;
	[tilespmem:$0x10620] =	vst v63  }
0x10a: {  	_ = 	snop  }
0x10b: {  	[tilespmem:s25], [sflag:$0x2] =	stream.indirect.gather [spmem:s2], $0x20, s24, s22, $0xb8;
	[tilespmem:$0x10620] =	vst v63  }
0x10c: {  	_ = 	snop  }
0x10d: {  	[tilespmem:s28], [sflag:$0x3] =	stream.indirect.gather [spmem:s2], $0x20, s26, s22, $0xb8;
	[tilespmem:$0x10620] =	vst v63  }
0x10e: {  	_ = 	snop  }
0x10f: {  	[tilespmem:s30], [sflag:$0x4] =	stream.indirect.gather [spmem:s2], $0x20, s29, s22, $0xb8;
	[tilespmem:$0x10620] =	vst v63  }
0x110: {  	_ =	swait.ge [sflag:s31], $0x1000  }
0x111: {  	[sflag:s31] =	ssyncset.done $0x0  }
0x112: {  	[sflag:s31] =	ssyncadd.s32 $0xFFFFF000  }
0x113: {  	[spmem:s3] =	stream.indirect.scatter.add.f32 [tilespmem:s23], [sflag:$0x5], $0x20, s15, s22, $0xb8;
	[tilespmem:$0x10620] =	vst v63  }
0x114: {  	_ =	swait.ge [sflag:s0], $0x1000  }
0x115: {  	[sflag:s0] =	ssyncset.done $0x0  }
0x116: {  	[sflag:s0] =	ssyncadd.s32 $0xFFFFF000  }
0x117: {  	[spmem:s3] =	stream.indirect.scatter.add.f32 [tilespmem:s25], [sflag:$0x6], $0x20, s22, s22, $0xb8;
	[tilespmem:$0x10620] =	vst v63  }
0x118: {  	_ =	swait.ge [sflag:s1], $0x1000  }
0x119: {  	[sflag:s1] =	ssyncset.done $0x0  }
0x11a: {  	s17 =	simm.s32 $0x100;
	[sflag:s1] =	ssyncadd.s32 $0xFFFFF000  }
0x11b: {  	[spmem:s3] =	stream.indirect.scatter.add.f32 [tilespmem:s28], [sflag:$0x7], $0x20, s17, s22, $0xb8;
	[tilespmem:$0x10620] =	vst v63  }
0x11c: {  	_ =	swait.ge [sflag:s5], $0x1000  }
0x11d: {  	[sflag:s5] =	ssyncset.done $0x0  }
0x11e: {  	s16 =	simm.s32 $0x1600;
	[sflag:s5] =	ssyncadd.s32 $0xFFFFF000  }
0x11f: {  	[tilespmem:s23], [sflag:$0x1] =	stream.indirect.gather [spmem:s2], $0x20, s16, s22, $0xb8;
	[tilespmem:$0x10620] =	vst v63  }
0x120: {  	_ =	swait.ge [sflag:s6], $0x1000  }
0x121: {  	[sflag:s6] =	ssyncset.done $0x0  }
0x122: {  	s17 =	simm.s32 $0x180;
	[sflag:s6] =	ssyncadd.s32 $0xFFFFF000  }
0x123: {  	[spmem:s3] =	stream.indirect.scatter.add.f32 [tilespmem:s30], [sflag:$0x8], $0x20, s17, s22, $0xb8;
	[tilespmem:$0x10620] =	vst v63  }
0x124: {  	_ =	swait.ge [sflag:s8], $0x1000  }
0x125: {  	[sflag:s8] =	ssyncset.done $0x0  }
0x126: {  	s16 =	simm.s32 $0x1680;
	[sflag:s8] =	ssyncadd.s32 $0xFFFFF000  }
0x127: {  	[tilespmem:s25], [sflag:$0x2] =	stream.indirect.gather [spmem:s2], $0x20, s16, s22, $0xb8;
	[tilespmem:$0x10620] =	vst v63  }
0x128: {  	_ =	swait.ge [sflag:s31], $0x1000  }
0x129: {  	[sflag:s31] =	ssyncset.done $0x0  }
0x12a: {  	s17 =	simm.s32 $0x200;
	[sflag:s31] =	ssyncadd.s32 $0xFFFFF000  }
0x12b: {  	[spmem:s3] =	stream.indirect.scatter.add.f32 [tilespmem:s23], [sflag:$0x5], $0x20, s17, s22, $0xb8;
	[tilespmem:$0x10620] =	vst v63  }
0x12c: {  	_ =	swait.ge [sflag:s9], $0x1000  }
0x12d: {  	[sflag:s9] =	ssyncset.done $0x0  }
0x12e: {  	s16 =	simm.s32 $0x1700;
	[sflag:s9] =	ssyncadd.s32 $0xFFFFF000  }
0x12f: {  	[tilespmem:s28], [sflag:$0x3] =	stream.indirect.gather [spmem:s2], $0x20, s16, s22, $0xb8;
	[tilespmem:$0x10620] =	vst v63  }
0x130: {  	_ =	swait.ge [sflag:s0], $0x1000  }
0x131: {  	[sflag:s0] =	ssyncset.done $0x0  }
0x132: {  	s17 =	simm.s32 $0x280;
	[sflag:s0] =	ssyncadd.s32 $0xFFFFF000  }
0x133: {  	[spmem:s3] =	stream.indirect.scatter.add.f32 [tilespmem:s25], [sflag:$0x6], $0x20, s17, s22, $0xb8;
	[tilespmem:$0x10620] =	vst v63  }
0x134: {  	_ =	swait.ge [sflag:s10], $0x1000  }
0x135: {  	[sflag:s10] =	ssyncset.done $0x0  }
0x136: {  	s15 =	simm.s32 $0x800;
	s16 =	simm.s32 $0x1780;
	[sflag:s10] =	ssyncadd.s32 $0xFFFFF000  }
.LBB2_6:
0x137: {  	[tilespmem:s30], [sflag:$0x4] =	stream.indirect.gather [spmem:s2], $0x20, s16, s22, $0xb8;
	[tilespmem:$0x10620] =	vst v63  }
0x138: {  	s16 =	smov.u32 s15  }
0x139: {  	p0 =	sne.s32 s15, $0x4000;
	s15 =	sadd.s32 $0x800, s15;
	_ =	swait.ge [sflag:s1], $0x1000  }
0x13a: {  	s16 =	sshra.s32 s16, $0x2;
	[sflag:s1] =	ssyncset.done $0x0  }
0x13b: {  	s17 =	sadd.s32 $0x100, s16;
	[sflag:s1] =	ssyncadd.s32 $0xFFFFF000  }
0x13c: {  	[spmem:s3] =	stream.indirect.scatter.add.f32 [tilespmem:s28], [sflag:$0x7], $0x20, s17, s22, $0xb8;
	[tilespmem:$0x10620] =	vst v63  }
0x13d: {  	_ =	swait.ge [sflag:s5], $0x1000  }
0x13e: {  	[sflag:s5] =	ssyncset.done $0x0  }
0x13f: {  	s17 =	sadd.s32 $0x1600, s16;
	[sflag:s5] =	ssyncadd.s32 $0xFFFFF000  }
0x140: {  	[tilespmem:s23], [sflag:$0x1] =	stream.indirect.gather [spmem:s2], $0x20, s17, s22, $0xb8;
	[tilespmem:$0x10620] =	vst v63  }
0x141: {  	_ =	swait.ge [sflag:s6], $0x1000  }
0x142: {  	[sflag:s6] =	ssyncset.done $0x0  }
0x143: {  	s17 =	sadd.s32 $0x180, s16;
	[sflag:s6] =	ssyncadd.s32 $0xFFFFF000  }
0x144: {  	[spmem:s3] =	stream.indirect.scatter.add.f32 [tilespmem:s30], [sflag:$0x8], $0x20, s17, s22, $0xb8;
	[tilespmem:$0x10620] =	vst v63  }
0x145: {  	_ =	swait.ge [sflag:s8], $0x1000  }
0x146: {  	[sflag:s8] =	ssyncset.done $0x0  }
0x147: {  	s17 =	sadd.s32 $0x1680, s16;
	[sflag:s8] =	ssyncadd.s32 $0xFFFFF000  }
0x148: {  	[tilespmem:s25], [sflag:$0x2] =	stream.indirect.gather [spmem:s2], $0x20, s17, s22, $0xb8;
	[tilespmem:$0x10620] =	vst v63  }
0x149: {  	_ =	swait.ge [sflag:s31], $0x1000  }
0x14a: {  	[sflag:s31] =	ssyncset.done $0x0  }
0x14b: {  	s17 =	sadd.s32 $0x200, s16;
	[sflag:s31] =	ssyncadd.s32 $0xFFFFF000  }
0x14c: {  	[spmem:s3] =	stream.indirect.scatter.add.f32 [tilespmem:s23], [sflag:$0x5], $0x20, s17, s22, $0xb8;
	[tilespmem:$0x10620] =	vst v63  }
0x14d: {  	_ =	swait.ge [sflag:s9], $0x1000  }
0x14e: {  	[sflag:s9] =	ssyncset.done $0x0  }
0x14f: {  	s17 =	sadd.s32 $0x1700, s16;
	[sflag:s9] =	ssyncadd.s32 $0xFFFFF000  }
0x150: {  	[tilespmem:s28], [sflag:$0x3] =	stream.indirect.gather [spmem:s2], $0x20, s17, s22, $0xb8;
	[tilespmem:$0x10620] =	vst v63  }
0x151: {  	_ =	swait.ge [sflag:s0], $0x1000  }
0x152: {  	[sflag:s0] =	ssyncset.done $0x0  }
.Ltmp2:
0x153: {  	s17 =	sadd.s32 $0x280, s16;
	[sflag:s0] =	ssyncadd.s32 $0xFFFFF000;
	(pc) =	sbr.rel @p0 .LBB2_6-.Ltmp2, $4  }
0x154: {  	[spmem:s3] =	stream.indirect.scatter.add.f32 [tilespmem:s25], [sflag:$0x6], $0x20, s17, s22, $0xb8;
	[tilespmem:$0x10620] =	vst v63  }
0x155: {  	_ =	swait.ge [sflag:s10], $0x1000  }
0x156: {  	[sflag:s10] =	ssyncset.done $0x0  }
0x157: {  	s16 =	sadd.s32 $0x1780, s16;
	[sflag:s10] =	ssyncadd.s32 $0xFFFFF000  }
0x158: {  	[tilespmem:s30], [sflag:$0x4] =	stream.indirect.gather [spmem:s2], $0x20, s16, s22, $0xb8;
	[tilespmem:$0x10620] =	vst v63  }
0x159: {  	_ =	swait.ge [sflag:s1], $0x1000  }
0x15a: {  	[sflag:s1] =	ssyncset.done $0x0  }
0x15b: {  	[sflag:s1] =	ssyncadd.s32 $0xFFFFF000  }
0x15c: {  	[spmem:s3] =	stream.indirect.scatter.add.f32 [tilespmem:s28], [sflag:$0x7], $0x20, s11, s22, $0xb8;
	[tilespmem:$0x10620] =	vst v63  }
0x15d: {  	_ =	swait.ge [sflag:s6], $0x1000  }
0x15e: {  	[sflag:s6] =	ssyncset.done $0x0  }
0x15f: {  	[sflag:s6] =	ssyncadd.s32 $0xFFFFF000  }
0x160: {  	[spmem:s3] =	stream.indirect.scatter.add.f32 [tilespmem:s30], [sflag:$0x8], $0x20, s12, s22, $0xb8;
	[tilespmem:$0x10620] =	vst v63  }
0x161: {  	_ =	swait.ge [sflag:s5], $0x1000  }
0x162: {  	[sflag:s5] =	ssyncset.done $0x0  }
0x163: {  	[sflag:s5] =	ssyncadd.s32 $0xFFFFF000  }
0x164: {  	_ =	swait.ge [sflag:s8], $0x1000  }
0x165: {  	[sflag:s8] =	ssyncset.done $0x0  }
0x166: {  	[sflag:s8] =	ssyncadd.s32 $0xFFFFF000  }
0x167: {  	_ =	swait.ge [sflag:s9], $0x1000  }
0x168: {  	[sflag:s9] =	ssyncset.done $0x0  }
0x169: {  	[sflag:s9] =	ssyncadd.s32 $0xFFFFF000  }
0x16a: {  	_ =	swait.ge [sflag:s10], $0x1000  }
0x16b: {  	[sflag:s10] =	ssyncset.done $0x0  }
0x16c: {  	s15 =	simm.s32 $0x0;
	s17 =	rddreg [dreg:$0xe];
	[sflag:s10] =	ssyncadd.s32 $0xFFFFF000  }
0x16d: {  	[tilespmem:s15], [sflag:$0x9] =	stream.linear.gather [hbm4b:s17+s15], $0x1400, $0x38;
	[tilespmem:$0x10620] =	vst v63  }
0x16e: {  	_ =	swait.ge [sflag:s20], $0x1400  }
0x16f: {  	[sflag:s20] =	ssyncset.done $0x0  }
0x170: {  	s17 =	rddreg [dreg:$0xf];
	[sflag:s20] =	ssyncadd.s32 $0xFFFFEC00  }
0x171: {  	[tilespmem:s21], [sflag:$0x9] =	stream.linear.gather [hbm4b:s17+s15], $0x1400, $0x38;
	[tilespmem:$0x10620] =	vst v63  }
0x172: {  	_ =	swait.ge [sflag:s20], $0x1400  }
0x173: {  	[sflag:s20] =	ssyncset.done $0x0  }
0x174: {  	[sflag:s20] =	ssyncadd.s32 $0xFFFFEC00  }
0x175: {  	[tilespmem:s23], [sflag:$0x1] =	stream.indirect.gather [spmem:s2], $0x20, s21, s22, $0xb8;
	[tilespmem:$0x10620] =	vst v63  }
0x176: {  	_ = 	snop  }
0x177: {  	[tilespmem:s25], [sflag:$0x2] =	stream.indirect.gather [spmem:s2], $0x20, s24, s22, $0xb8;
	[tilespmem:$0x10620] =	vst v63  }
0x178: {  	_ = 	snop  }
0x179: {  	[tilespmem:s28], [sflag:$0x3] =	stream.indirect.gather [spmem:s2], $0x20, s26, s22, $0xb8;
	[tilespmem:$0x10620] =	vst v63  }
0x17a: {  	_ = 	snop  }
0x17b: {  	[tilespmem:s30], [sflag:$0x4] =	stream.indirect.gather [spmem:s2], $0x20, s29, s22, $0xb8;
	[tilespmem:$0x10620] =	vst v63  }
0x17c: {  	_ =	swait.ge [sflag:s31], $0x1000  }
0x17d: {  	[sflag:s31] =	ssyncset.done $0x0  }
0x17e: {  	[sflag:s31] =	ssyncadd.s32 $0xFFFFF000  }
0x17f: {  	[spmem:s3] =	stream.indirect.scatter.add.f32 [tilespmem:s23], [sflag:$0x5], $0x20, s15, s22, $0xb8;
	[tilespmem:$0x10620] =	vst v63  }
0x180: {  	_ =	swait.ge [sflag:s0], $0x1000  }
0x181: {  	[sflag:s0] =	ssyncset.done $0x0  }
0x182: {  	[sflag:s0] =	ssyncadd.s32 $0xFFFFF000  }
0x183: {  	[spmem:s3] =	stream.indirect.scatter.add.f32 [tilespmem:s25], [sflag:$0x6], $0x20, s22, s22, $0xb8;
	[tilespmem:$0x10620] =	vst v63  }
0x184: {  	_ =	swait.ge [sflag:s1], $0x1000  }
0x185: {  	[sflag:s1] =	ssyncset.done $0x0  }
0x186: {  	s17 =	simm.s32 $0x100;
	[sflag:s1] =	ssyncadd.s32 $0xFFFFF000  }
0x187: {  	[spmem:s3] =	stream.indirect.scatter.add.f32 [tilespmem:s28], [sflag:$0x7], $0x20, s17, s22, $0xb8;
	[tilespmem:$0x10620] =	vst v63  }
0x188: {  	_ =	swait.ge [sflag:s5], $0x1000  }
0x189: {  	[sflag:s5] =	ssyncset.done $0x0  }
0x18a: {  	s16 =	simm.s32 $0x1600;
	[sflag:s5] =	ssyncadd.s32 $0xFFFFF000  }
0x18b: {  	[tilespmem:s23], [sflag:$0x1] =	stream.indirect.gather [spmem:s2], $0x20, s16, s22, $0xb8;
	[tilespmem:$0x10620] =	vst v63  }
0x18c: {  	_ =	swait.ge [sflag:s6], $0x1000  }
0x18d: {  	[sflag:s6] =	ssyncset.done $0x0  }
0x18e: {  	s17 =	simm.s32 $0x180;
	[sflag:s6] =	ssyncadd.s32 $0xFFFFF000  }
0x18f: {  	[spmem:s3] =	stream.indirect.scatter.add.f32 [tilespmem:s30], [sflag:$0x8], $0x20, s17, s22, $0xb8;
	[tilespmem:$0x10620] =	vst v63  }
0x190: {  	_ =	swait.ge [sflag:s8], $0x1000  }
0x191: {  	[sflag:s8] =	ssyncset.done $0x0  }
0x192: {  	s16 =	simm.s32 $0x1680;
	[sflag:s8] =	ssyncadd.s32 $0xFFFFF000  }
0x193: {  	[tilespmem:s25], [sflag:$0x2] =	stream.indirect.gather [spmem:s2], $0x20, s16, s22, $0xb8;
	[tilespmem:$0x10620] =	vst v63  }
0x194: {  	_ =	swait.ge [sflag:s31], $0x1000  }
0x195: {  	[sflag:s31] =	ssyncset.done $0x0  }
0x196: {  	s17 =	simm.s32 $0x200;
	[sflag:s31] =	ssyncadd.s32 $0xFFFFF000  }
0x197: {  	[spmem:s3] =	stream.indirect.scatter.add.f32 [tilespmem:s23], [sflag:$0x5], $0x20, s17, s22, $0xb8;
	[tilespmem:$0x10620] =	vst v63  }
0x198: {  	_ =	swait.ge [sflag:s9], $0x1000  }
0x199: {  	[sflag:s9] =	ssyncset.done $0x0  }
0x19a: {  	s16 =	simm.s32 $0x1700;
	[sflag:s9] =	ssyncadd.s32 $0xFFFFF000  }
0x19b: {  	[tilespmem:s28], [sflag:$0x3] =	stream.indirect.gather [spmem:s2], $0x20, s16, s22, $0xb8;
	[tilespmem:$0x10620] =	vst v63  }
0x19c: {  	_ =	swait.ge [sflag:s0], $0x1000  }
0x19d: {  	[sflag:s0] =	ssyncset.done $0x0  }
0x19e: {  	s17 =	simm.s32 $0x280;
	[sflag:s0] =	ssyncadd.s32 $0xFFFFF000  }
0x19f: {  	[spmem:s3] =	stream.indirect.scatter.add.f32 [tilespmem:s25], [sflag:$0x6], $0x20, s17, s22, $0xb8;
	[tilespmem:$0x10620] =	vst v63  }
0x1a0: {  	_ =	swait.ge [sflag:s10], $0x1000  }
0x1a1: {  	[sflag:s10] =	ssyncset.done $0x0  }
0x1a2: {  	s15 =	simm.s32 $0x800;
	s16 =	simm.s32 $0x1780;
	[sflag:s10] =	ssyncadd.s32 $0xFFFFF000  }
.LBB2_8:
0x1a3: {  	[tilespmem:s30], [sflag:$0x4] =	stream.indirect.gather [spmem:s2], $0x20, s16, s22, $0xb8;
	[tilespmem:$0x10620] =	vst v63  }
0x1a4: {  	s16 =	smov.u32 s15  }
0x1a5: {  	p0 =	sne.s32 s15, $0x4000;
	s15 =	sadd.s32 $0x800, s15;
	_ =	swait.ge [sflag:s1], $0x1000  }
0x1a6: {  	s16 =	sshra.s32 s16, $0x2;
	[sflag:s1] =	ssyncset.done $0x0  }
0x1a7: {  	s17 =	sadd.s32 $0x100, s16;
	[sflag:s1] =	ssyncadd.s32 $0xFFFFF000  }
0x1a8: {  	[spmem:s3] =	stream.indirect.scatter.add.f32 [tilespmem:s28], [sflag:$0x7], $0x20, s17, s22, $0xb8;
	[tilespmem:$0x10620] =	vst v63  }
0x1a9: {  	_ =	swait.ge [sflag:s5], $0x1000  }
0x1aa: {  	[sflag:s5] =	ssyncset.done $0x0  }
0x1ab: {  	s17 =	sadd.s32 $0x1600, s16;
	[sflag:s5] =	ssyncadd.s32 $0xFFFFF000  }
0x1ac: {  	[tilespmem:s23], [sflag:$0x1] =	stream.indirect.gather [spmem:s2], $0x20, s17, s22, $0xb8;
	[tilespmem:$0x10620] =	vst v63  }
0x1ad: {  	_ =	swait.ge [sflag:s6], $0x1000  }
0x1ae: {  	[sflag:s6] =	ssyncset.done $0x0  }
0x1af: {  	s17 =	sadd.s32 $0x180, s16;
	[sflag:s6] =	ssyncadd.s32 $0xFFFFF000  }
0x1b0: {  	[spmem:s3] =	stream.indirect.scatter.add.f32 [tilespmem:s30], [sflag:$0x8], $0x20, s17, s22, $0xb8;
	[tilespmem:$0x10620] =	vst v63  }
0x1b1: {  	_ =	swait.ge [sflag:s8], $0x1000  }
0x1b2: {  	[sflag:s8] =	ssyncset.done $0x0  }
0x1b3: {  	s17 =	sadd.s32 $0x1680, s16;
	[sflag:s8] =	ssyncadd.s32 $0xFFFFF000  }
0x1b4: {  	[tilespmem:s25], [sflag:$0x2] =	stream.indirect.gather [spmem:s2], $0x20, s17, s22, $0xb8;
	[tilespmem:$0x10620] =	vst v63  }
0x1b5: {  	_ =	swait.ge [sflag:s31], $0x1000  }
0x1b6: {  	[sflag:s31] =	ssyncset.done $0x0  }
0x1b7: {  	s17 =	sadd.s32 $0x200, s16;
	[sflag:s31] =	ssyncadd.s32 $0xFFFFF000  }
0x1b8: {  	[spmem:s3] =	stream.indirect.scatter.add.f32 [tilespmem:s23], [sflag:$0x5], $0x20, s17, s22, $0xb8;
	[tilespmem:$0x10620] =	vst v63  }
0x1b9: {  	_ =	swait.ge [sflag:s9], $0x1000  }
0x1ba: {  	[sflag:s9] =	ssyncset.done $0x0  }
0x1bb: {  	s17 =	sadd.s32 $0x1700, s16;
	[sflag:s9] =	ssyncadd.s32 $0xFFFFF000  }
0x1bc: {  	[tilespmem:s28], [sflag:$0x3] =	stream.indirect.gather [spmem:s2], $0x20, s17, s22, $0xb8;
	[tilespmem:$0x10620] =	vst v63  }
0x1bd: {  	_ =	swait.ge [sflag:s0], $0x1000  }
0x1be: {  	[sflag:s0] =	ssyncset.done $0x0  }
.Ltmp3:
0x1bf: {  	s17 =	sadd.s32 $0x280, s16;
	[sflag:s0] =	ssyncadd.s32 $0xFFFFF000;
	(pc) =	sbr.rel @p0 .LBB2_8-.Ltmp3, $4  }
0x1c0: {  	[spmem:s3] =	stream.indirect.scatter.add.f32 [tilespmem:s25], [sflag:$0x6], $0x20, s17, s22, $0xb8;
	[tilespmem:$0x10620] =	vst v63  }
0x1c1: {  	_ =	swait.ge [sflag:s10], $0x1000  }
0x1c2: {  	[sflag:s10] =	ssyncset.done $0x0  }
0x1c3: {  	s16 =	sadd.s32 $0x1780, s16;
	[sflag:s10] =	ssyncadd.s32 $0xFFFFF000  }
0x1c4: {  	[tilespmem:s30], [sflag:$0x4] =	stream.indirect.gather [spmem:s2], $0x20, s16, s22, $0xb8;
	[tilespmem:$0x10620] =	vst v63  }
0x1c5: {  	_ =	swait.ge [sflag:s1], $0x1000  }
0x1c6: {  	[sflag:s1] =	ssyncset.done $0x0  }
0x1c7: {  	[sflag:s1] =	ssyncadd.s32 $0xFFFFF000  }
0x1c8: {  	[spmem:s3] =	stream.indirect.scatter.add.f32 [tilespmem:s28], [sflag:$0x7], $0x20, s11, s22, $0xb8;
	[tilespmem:$0x10620] =	vst v63  }
0x1c9: {  	_ =	swait.ge [sflag:s6], $0x1000  }
0x1ca: {  	[sflag:s6] =	ssyncset.done $0x0  }
0x1cb: {  	[sflag:s6] =	ssyncadd.s32 $0xFFFFF000  }
0x1cc: {  	[spmem:s3] =	stream.indirect.scatter.add.f32 [tilespmem:s30], [sflag:$0x8], $0x20, s12, s22, $0xb8;
	[tilespmem:$0x10620] =	vst v63  }
0x1cd: {  	_ =	swait.ge [sflag:s5], $0x1000  }
0x1ce: {  	[sflag:s5] =	ssyncset.done $0x0  }
0x1cf: {  	[sflag:s5] =	ssyncadd.s32 $0xFFFFF000  }
0x1d0: {  	_ =	swait.ge [sflag:s8], $0x1000  }
0x1d1: {  	[sflag:s8] =	ssyncset.done $0x0  }
0x1d2: {  	[sflag:s8] =	ssyncadd.s32 $0xFFFFF000  }
0x1d3: {  	_ =	swait.ge [sflag:s9], $0x1000  }
0x1d4: {  	[sflag:s9] =	ssyncset.done $0x0  }
0x1d5: {  	[sflag:s9] =	ssyncadd.s32 $0xFFFFF000  }
0x1d6: {  	_ =	swait.ge [sflag:s10], $0x1000  }
0x1d7: {  	[sflag:s10] =	ssyncset.done $0x0  }
0x1d8: {  	s13 =	sadd.s32 $0x1, s13;
	[sflag:s10] =	ssyncadd.s32 $0xFFFFF000  }
0x1d9: {  	p0 =	sne.s32 s13, s18;
	[bflag:$0x0] =	sbarrier.arrive $0xFFFF  }
.Ltmp4:
0x1da: {  	s15 =	rddreg [dreg:$0x10];
	(pc) =	sbr.rel @p0 .LBB2_1-.Ltmp4, $4  }
0x1db: {  	[hbm:s15], [sflag:s7] =	dma.local [spmem:s14], $0xA00  }
0x1dc: {  	_ =	swait.ge [sflag:s20], $0xA00  }
0x1dd: {  	[sflag:s20] =	ssyncset.done $0x0  }
0x1de: {  	[sflag:s20] =	ssyncadd.s32 $0xFFFFF600  }
0x1df: {  	_ =	sfence.sel $0x180000  }
0x1e0: {  	[bflag:$0x0] =	sbarrier.arrive $0xFFFF  }
0x1e1: {  	_ =	strace $0x9000004D  }
0x1e2: {  	s0 =	stileid.u32;
	[bflag:$0x2] =	sbarrier.arrive $0xFFFF  }
0x1e3: {  	p0 =	sne.s32 s0, $0x0;
	s0 =	rddreg [dreg:$0x4]  }
0x1e4: {  	s0 =	sadd.s32 @!p0 $0x100000, s0  }
0x1e5: {  	[sflag:s0] =	ssyncadd.tile.s32 @!p0 $0x1;
	_ =	shalt  }
.Lfunc_end2:
_tile_overlayer_lowered:
.L_overlay_start_2:
0x1e6: {  	(tag) =	ssettag $0x2  }
0x1e7: {  	s0 =	rddreg [dreg:$0x0];
	s2 =	stileid.u32  }
0x1e8: {  	s1 =	rddreg [dreg:$0x1];
	p0 =	sne.s32 s2, $0x0  }
0x1e9: {  	s3 =	rddreg [dreg:$0x2];
	[bflag:$0x3] =	sbarrier.arrive $0xFFFF;
	s2 =	simm.s32 @!p0 $0x1C09  }
0x1ea: {  	[timem:s3], [sflag:s2] =	dma.local @!p0 [hbm:s0], s1  }
0x1eb: {  	s0 =	simm.s32 @!p0 $0x9  }
0x1ec: {  	_ =	swait.ge @!p0 [sflag:s0], s1  }
0x1ed: {  	s1 =	ssub.s32 @!p0 $0x0, s1;
	[sflag:s0] =	ssyncset.done @!p0 $0x0  }
0x1ee: {  	[sflag:s0] =	ssyncadd.s32 @!p0 s1  }
0x1ef: {  	[bflag:$0x3] =	sbarrier.arrive $0xFFFF  }
0x1f0: {  	_ =	shalt  }

// kernel: kernel.7.cloned.1.call-start
scs
__scs_entry_jumppad:
0x0: {  	(pc) =	sbr.rel $0x88, $3  }
0x1: {  	(tag) =	ssettag $0x0;
	lr =	simm.s32 $0x1  }
0x2: {  	[smem:$0x3F9B] =	sst lr;
	_ =	strace $0xD0000000  }
0x3: {  	_ = 	snop  }
0x4: {  	_ = 	snop  }
0x5: {  	_ = 	snop  }
0x6: {  	_ = 	snop  }
0x7: {  	_ = 	snop  }
__scs_overlays_trampoline_lowered:
0x8: {  	[smem:$0x3FAA] =	sst s0  }
0x9: {  	[smem:$0x3FAB] =	sst s1  }
0xa: {  	[smem:$0x3FAC] =	sst s2  }
0xb: {  	[smem:$0x3FAD] =	sst s3  }
0xc: {  	[smem:$0x3FAE] =	sst s4  }
0xd: {  	[smem:$0x3FAF] =	sst s5  }
0xe: {  	[smem:$0x3FB0] =	sst s6  }
0xf: {  	[smem:$0x3FB1] =	sst s7  }
0x10: {  	[smem:$0x3FB2] =	sst s8  }
0x11: {  	[smem:$0x3FB3] =	sst s9;
	s0 =	simm.s32 @!p0 $0x0  }
0x12: {  	s1 =	sld [smem:$0x3F99];
	s0 =	simm.s32 @p0 $0x1  }
0x13: {  	[smem:$0x3FB4] =	sst s0;
	s0 =	simm.s32 @!p1 $0x0  }
0x14: {  	s2 =	sld [smem:$0x3F98];
	s0 =	simm.s32 @p1 $0x1  }
0x15: {  	[smem:$0x3FB5] =	sst s0;
	s0 =	simm.s32 @!p2 $0x0  }
0x16: {  	s3 =	sld [smem:$0x3FDB];
	s0 =	simm.s32 @p2 $0x1  }
0x17: {  	s4 =	simm.s32 $0x1BF5;
	[smem:$0x3FB7] =	sst s0  }
0x18: {  	s0 =	sld [smem:$0x3F9A];
	_ =	swait.ge [sflag:s4], $0x0  }
0x19: {  	s7 =	sld [smem:$0x3F9B]  }
0x1a: {  	s8 =	sadd.s32 $0xFFFFE003, lr  }
0x1b: {  	s9 =	sadd.s32 $0xFFFFFEF7, lr;
	s5 =	simm.s32 $0xFFFFFFFF;
	p2 =	slt.u32 s8, $0xFFFFF086  }
0x1c: {  	p1 =	slt.u32 s9, $0xF7A;
	s5 =	simm.s32 @!p2 $0x0  }
0x1d: {  	s5 =	simm.s32 @p1 $0x1;
	p0 =	seq.s32 s7, s2  }
0x1e: {  	s7 =	smul.u32 @!p0 $0xF7A, s2;
	p2 =	seq.s32 @!p0 s5, $0x0  }
0x1f: {  	s9 =	smul.u32 $0xF7A, s1;
	s8 =	simm.s32 @!p0 $0x1BF5;
	p2 =	por !p2, p0  }
0x20: {  	[sflag:s8] =	ssyncset.s32 @!p0 $0xFFFFF086;
	s6 =	sadd.s32 @!p0 s3, s7;
	s7 =	simm.s32 @!p0 $0x108  }
0x21: {  	s3 =	sadd.s32 s3, s9;
	s6 =	sadd.s32 @!p0 $0x88, s6;
	s7 =	simm.s32 @p2 $0x1082  }
0x22: {  	[simem:s7], [sflag:s8] =	dma.local @!p0 [hbm:s6], $0xF7A  }
0x23: {  	s9 =	sor.u32 $0xD0000000, s2;
	s6 =	simm.s32 $0x108;
	_ =	swait.ge @!p0 [sflag:s8], $0x0  }
0x24: {  	s3 =	sadd.s32 $0x88, s3;
	s6 =	simm.s32 @!p1 $0x1082;
	[sflag:s4] =	ssyncset.s32 $0xFFFFF086  }
0x25: {  	[simem:s6], [sflag:s4] =	dma.local [hbm:s3], $0xF7A  }
0x26: {  	[smem:$0x3F9B] =	sst s1;
	(tag) =	ssettag s2;
	_ =	strace s9  }
0x27: {  	s1 =	sld [smem:$0x3FAB]  }
0x28: {  	s2 =	sld [smem:$0x3FAC]  }
0x29: {  	s4 =	sld [smem:$0x3FAE]  }
0x2a: {  	p0 =	seq.s32 s5, $0x0;
	s5 =	sld [smem:$0x3FAF]  }
0x2b: {  	s6 =	sld [smem:$0x3FB0]  }
0x2c: {  	s7 =	sld [smem:$0x3FB1]  }
0x2d: {  	s3 =	simm.s32 $0x108;
	s8 =	sld [smem:$0x3FB2]  }
0x2e: {  	s3 =	simm.s32 @!p0 $0x1082;
	s9 =	sld [smem:$0x3FB3]  }
0x2f: {  	lr =	sadd.s32 s0, s3;
	s0 =	sld [smem:$0x3FAA]  }
0x30: {  	s3 =	sld [smem:$0x3FAD]  }
0x31: {  	[smem:$0x3FB6] =	sst s10  }
0x32: {  	s10 =	sld [smem:$0x3FB4];
	_ =	sdelay $0x3  }
0x33: {  	p0 =	seq.s32 s10, $0x1;
	s10 =	sld [smem:$0x3FB6];
	_ =	sdelay $0x3  }
0x34: {  	[smem:$0x3FB6] =	sst s10  }
0x35: {  	s10 =	sld [smem:$0x3FB5];
	_ =	sdelay $0x3  }
0x36: {  	p1 =	seq.s32 s10, $0x1;
	s10 =	sld [smem:$0x3FB6];
	_ =	sdelay $0x3  }
0x37: {  	[smem:$0x3FB6] =	sst s10  }
0x38: {  	s10 =	sld [smem:$0x3FB7]  }
0x39: {  	_ = 	snop;
	(pc) =	sbr.ind lr, $3  }
0x3a: {  	_ = 	snop  }
0x3b: {  	_ = 	snop  }
0x3c: {  	p2 =	seq.s32 s10, $0x1;
	s10 =	sld [smem:$0x3FB6]  }
0x3d: {  	_ =	shalt  }
0x3e: {  	_ =	shalt  }
0x3f: {  	_ =	shalt  }
0x40: {  	_ =	shalt  }
0x41: {  	_ =	shalt  }
0x42: {  	_ =	shalt  }
0x43: {  	_ =	shalt  }
0x44: {  	_ =	shalt  }
0x45: {  	_ =	shalt  }
0x46: {  	_ =	shalt  }
0x47: {  	_ =	shalt  }
0x48: {  	_ =	shalt  }
0x49: {  	_ =	shalt  }
0x4a: {  	_ =	shalt  }
0x4b: {  	_ =	shalt  }
0x4c: {  	_ =	shalt  }
0x4d: {  	_ =	shalt  }
0x4e: {  	_ =	shalt  }
0x4f: {  	_ =	shalt  }
0x50: {  	_ =	shalt  }
0x51: {  	_ =	shalt  }
0x52: {  	_ =	shalt  }
0x53: {  	_ =	shalt  }
0x54: {  	_ =	shalt  }
0x55: {  	_ =	shalt  }
0x56: {  	_ =	shalt  }
0x57: {  	_ =	shalt  }
0x58: {  	_ =	shalt  }
0x59: {  	_ =	shalt  }
0x5a: {  	_ =	shalt  }
0x5b: {  	_ =	shalt  }
0x5c: {  	_ =	shalt  }
0x5d: {  	_ =	shalt  }
0x5e: {  	_ =	shalt  }
0x5f: {  	_ =	shalt  }
0x60: {  	_ =	shalt  }
0x61: {  	_ =	shalt  }
0x62: {  	_ =	shalt  }
0x63: {  	_ =	shalt  }
0x64: {  	_ =	shalt  }
0x65: {  	_ =	shalt  }
0x66: {  	_ =	shalt  }
0x67: {  	_ =	shalt  }
0x68: {  	_ =	shalt  }
0x69: {  	_ =	shalt  }
0x6a: {  	_ =	shalt  }
0x6b: {  	_ =	shalt  }
0x6c: {  	_ =	shalt  }
0x6d: {  	_ =	shalt  }
0x6e: {  	_ =	shalt  }
0x6f: {  	_ =	shalt  }
0x70: {  	_ =	shalt  }
0x71: {  	_ =	shalt  }
0x72: {  	_ =	shalt  }
0x73: {  	_ =	shalt  }
0x74: {  	_ =	shalt  }
0x75: {  	_ =	shalt  }
0x76: {  	_ =	shalt  }
0x77: {  	_ =	shalt  }
0x78: {  	_ =	shalt  }
0x79: {  	_ =	shalt  }
0x7a: {  	_ =	shalt  }
0x7b: {  	_ =	shalt  }
0x7c: {  	_ =	shalt  }
0x7d: {  	_ =	shalt  }
0x7e: {  	_ =	shalt  }
0x7f: {  	_ =	shalt  }
0x80: {  	_ =	shalt  }
0x81: {  	_ =	shalt  }
0x82: {  	_ =	shalt  }
0x83: {  	_ =	shalt  }
0x84: {  	_ =	shalt  }
0x85: {  	_ =	shalt  }
0x86: {  	_ =	shalt  }
0x87: {  	_ =	shalt  }
.Lfunc_end0:
.L_simem_size_0:
called_computation_lowered:
.L_overlay_start_0:
0x88: {  	s2 =	sld [smem:$0x3FD9]  }
0x89: {  	s3 =	sld [smem:$0x3FFE];
	_ =	sdelay $0x1  }
0x8a: {  	s1 =	srdreg.scid  }
0x8b: {  	s0 =	sand.u32 $0x1, s1  }
0x8c: {  	s17 =	sshll.u32 s0, $0xA;
	s2 =	sadd.s32 s3, s2  }
0x8d: {  	s2 =	sadd.s32 s2, s17  }
0x8e: {  	[smem:$0x3FC2] =	sst s2  }
0x8f: {  	_ = 	snop  }
0x90: {  	s2 =	sld [smem:$0x3FD0];
	(tm) =	ssettm $0x1  }
0x91: {  	s18 =	sld [smem:$0x3FFB];
	_ =	sdelay $0x3  }
0x92: {  	_ =	strace s18  }
0x93: {  	s3 =	sld [smem:$0x3FFC];
	_ =	sdelay $0x3  }
0x94: {  	_ =	strace s3  }
0x95: {  	s3 =	sld [smem:$0x3FFD];
	_ =	sdelay $0x3  }
0x96: {  	_ =	strace s3  }
0x97: {  	_ =	strace $0x8FFFFFFF  }
0x98: {  	s19 =	sld [smem:$0x3FDB];
	_ =	sdelay $0x1  }
0x99: {  	s4 =	simm.s32 $_scs_section_size  }
0x9a: {  	s5 =	simm.s32 $_size__tile_overlayer_lowered;
	s6 =	simm.s32 $_tile_overlayer_lowered  }
0x9b: {  	s22 =	simm.s32 $0x1BFF;
	s21 =	sshll.u32 s6, $0x1;
	s3 =	sadd.s32 s4, s19  }
0x9c: {  	s7 =	simm.s32 $0x0;
	s20 =	sshll.u32 s5, $0x1;
	s5 =	sadd.s32 s21, s3  }
0x9d: {  	[timem:s7], [sflag:s22] =	dma.local [hbm:s5], s20  }
0x9e: {  	_ =	swait.ge [sflag:s22], s20  }
0x9f: {  	s4 =	ssub.s32 $0x0, s20;
	[sflag:s22] =	ssyncset.done $0x0  }
0xa0: {  	[sflag:s22] =	ssyncadd.s32 s4;
	_ =	sdelay $0x1  }
0xa1: {  	s23 =	simm.s32 $0x1B8B  }
0xa2: {  	_ =	swait.ge [sflag:s23], $0x1  }
0xa3: {  	[sflag:s23] =	ssyncset.done $0x0  }
0xa4: {  	s25 =	simm.s32 $0x1B8E;
	s24 =	sld [smem:$0x3FFE];
	[sflag:s23] =	ssyncadd.s32 $0xFFFFFFFF  }
0xa5: {  	s26 =	simm.s32 $execute0_lowered;
	[smem:$0x3FD2] =	sst s25  }
0xa6: {  	s5 =	sshll.u32 s26, $0x1;
	_ =	strace $0x80000046;
	[dreg:$0x1] =	wrdreg $0xFFFFFFFF  }
0xa7: {  	s28 =	simm.s32 $_size_execute0_lowered;
	s3 =	sadd.s32 s3, s5;
	[dreg:$0x0] =	wrdreg $0x0  }
0xa8: {  	s5 =	sshll.u32 s28, $0x1;
	[dreg:$0x2] =	wrdreg s3  }
0xa9: {  	[dreg:$0x3] =	wrdreg s5  }
0xaa: {  	[dreg:$0x4] =	wrdreg $0xC0  }
0xab: {  	_ =	task [dreg:s7], $0x5FFFF  }
0xac: {  	[dreg:$0x1] =	wrdreg $0xFFFFFFFF  }
0xad: {  	[dreg:$0x0] =	wrdreg $0x60  }
0xae: {  	[dreg:$0x2] =	wrdreg s24  }
0xaf: {  	[dreg:$0x3] =	wrdreg s2  }
0xb0: {  	[dreg:$0x4] =	wrdreg $0x30000  }
0xb1: {  	[dreg:$0x5] =	wrdreg $0x9  }
0xb2: {  	_ =	task.clear_ibuf [dreg:s7], $0x6FFFF;
	_ =	strace $0x90000046  }
0xb3: {  	s29 =	simm.s32 $0x9;
	_ =	strace $0x80000048  }
0xb4: {  	_ =	swait.ge [sflag:s29], $0x1  }
0xb5: {  	[sflag:s29] =	ssyncadd.s32 $0xFFFFFFFF  }
0xb6: {  	_ =	strace $0x90000048  }
0xb7: {  	_ =	sfence  }
0xb8: {  	s30 =	sld [smem:$0x0];
	_ =	sdelay $0x2  }
0xb9: {  	s31 =	sshll.u32 s1, $0xD;
	s1 =	sshrl.u32 s1, $0x2  }
0xba: {  	s3 =	sand.u32 $0x4000, s31;
	s1 =	sadd.s32 s1, s30  }
0xbb: {  	s0 =	sor.u32 s3, s0;
	s1 =	sshll.u32 s1, $0x11  }
0xbc: {  	s0 =	sor.u32 s1, s0  }
0xbd: {  	s0 =	sadd.s32 $0x8F2B, s0  }
0xbe: {  	[sflag:s0] =	ssyncadd.remote.s32 $0x1  }
0xbf: {  	_ =	sfence.sel $0xFFFF  }
0xc0: {  	[dreg:$0x0] =	wrdreg $0xFFFFFFFF;
	(pc) =	sbr.abs _section_cstart, $3  }
0xc1: {  	[dreg:$0x1] =	wrdreg $0xFFFFFFFF  }
0xc2: {  	_ =	task.clear_ibuf [dreg:s7], $0x2FFFF;
	_ =	strace $0x9FFFFFFF  }
0xc3: {  	(tm) =	ssettm $0x7FFFFFFF  }
tec
execute0_lowered:
.L_overlay_start_1:
0x0: {  	(tag) =	ssettag $0x1  }
0x1: {  	s5 =	rddreg [dreg:$0x0];
	s1 =	srdreg.scid  }
0x2: {  	s0 =	stileid.u32;
	s8 =	rddreg [dreg:$0x1]  }
0x3: {  	s2 =	rddreg [dreg:$0x2];
	s3 =	simm.s32 $0x0;
	s13 =	simm.s32 $0x80  }
0x4: {  	s14 =	simm.s32 $0x0;
	s4 =	sand.u32 $0x1, s1;
	s1 =	rddreg [dreg:$0x3]  }
0x5: {  	s26 =	sshll.u32 s0, $0x1;
	[smem:$0x7FF] =	sst s3;
	s7 =	smul.u32 $0x2800, s0  }
0x6: {  	s31 =	sshll.u32 s0, $0x6;
	s6 =	sor.u32 s4, s26;
	_ =	strace $0x80000047  }
0x7: {  	s9 =	ssub.s32 $0x2, s4;
	s10 =	smul.u32 $0x28000, s4;
	s4 =	sadd.s32 $0xB800, s5  }
0x8: {  	s6 =	smul.u32 $0x500, s6;
	s28 =	sshrl.u32 s9, $0x1;
	s30 =	sadd.s32 s7, s2  }
0x9: {  	s9 =	ssub.s32 s9, s28;
	s29 =	sadd.s32 s7, s10;
	s10 =	sshrl.u32 s30, $0x3  }
0xa: {  	s11 =	sadd.s32 s6, s5;
	s5 =	sadd.s32 $0xB600, s5;
	s12 =	sshrl.u32 s29, $0x3  }
0xb: {  	s6 =	sor.u32 $0x1C01, s31;
	s9 =	smax.u32 s9, $0x1;
	s7 =	sadd.s32 $0x1600, s11  }
0xc: {  	s8 =	sadd.s32 s8, s12;
	s11 =	simm.s32 $0x1;
	s12 =	simm.s32 $0x2800  }
.LBB2_1:
0xd: {  	[spmem:s10], [sflag:s6] =	dma.local [hbm:s4], $0x500  }
0xe: {  	_ =	swait.ge [sflag:s11], $0x500  }
0xf: {  	[sflag:s11] =	ssyncset.done $0x0  }
0x10: {  	[sflag:s11] =	ssyncadd.s32 $0xFFFFFB00  }
0x11: {  	[tilespmem:s12], [sflag:$0x1] =	stream.linear.gather [hbm4b:s5+s3], $0x800, $0x38;
	[tilespmem:$0x5800] =	vst v63  }
0x12: {  	_ =	swait.ge [sflag:s11], $0x800  }
0x13: {  	[sflag:s11] =	ssyncset.done $0x0  }
0x14: {  	[sflag:s11] =	ssyncadd.s32 $0xFFFFF800  }
0x15: {  	[tilespmem:s3], [sflag:$0x1] =	stream.linear.gather [hbm4b:s7+s3], $0x2800, $0x38;
	[tilespmem:$0x5800] =	vst v63  }
0x16: {  	_ =	swait.ge [sflag:s11], $0x2800  }
0x17: {  	[sflag:s11] =	ssyncset.done $0x0  }
0x18: {  	[sflag:s11] =	ssyncadd.s32 $0xFFFFD800  }
0x19: {  	s15 =	simm.s32 $0x0;
	[bflag:$0x0] =	sbarrier.arrive $0xFFFF  }
0x1a: {  	[spmem:s2] =	stream.indirect.scatter.add.f32 [tilespmem:s12], [sflag:$0x1], $0x10, s15, s13, $0xb8;
	[tilespmem:$0x5800] =	vst v63  }
0x1b: {  	_ =	swait.ge [sflag:s11], $0x800  }
0x1c: {  	s15 =	simm.s32 $0x200;
	[sflag:s11] =	ssyncset.done $0x0  }
.LBB2_2:
0x1d: {  	s16 =	sshra.s32 s15, $0x2;
	[sflag:s11] =	ssyncadd.s32 $0xFFFFF800;
	p0 =	sne.s32 s15, $0x9E00  }
0x1e: {  	[spmem:s2] =	stream.indirect.scatter.add.f32 [tilespmem:s12], [sflag:$0x1], $0x10, s16, s13, $0xb8;
	[tilespmem:$0x5800] =	vst v63  }
.Ltmp0:
0x1f: {  	_ = 	snop;
	(pc) =	sbr.rel @p0 .LBB2_2-.Ltmp0, $4  }
0x20: {  	_ = 	snop  }
0x21: {  	s15 =	sadd.s32 $0x200, s15  }
0x22: {  	_ =	swait.ge [sflag:s11], $0x800  }
0x23: {  	[sflag:s11] =	ssyncset.done $0x0  }
0x24: {  	s14 =	sadd.s32 $0x1, s14  }
0x25: {  	[sflag:s11] =	ssyncadd.s32 $0xFFFFF800;
	p0 =	sne.s32 s14, s9  }
.Ltmp1:
0x26: {  	[bflag:$0x0] =	sbarrier.arrive $0xFFFF;
	(pc) =	sbr.rel @p0 .LBB2_1-.Ltmp1, $4  }
0x27: {  	[hbm:s8], [sflag:s6] =	dma.local [spmem:s10], $0x500  }
0x28: {  	_ =	swait.ge [sflag:s11], $0x500  }
0x29: {  	[sflag:s11] =	ssyncset.done $0x0  }
0x2a: {  	[sflag:s11] =	ssyncadd.s32 $0xFFFFFB00  }
0x2b: {  	_ =	sfence.sel $0x180000  }
0x2c: {  	[bflag:$0x0] =	sbarrier.arrive $0xFFFF  }
0x2d: {  	p0 =	sne.s32 s0, $0x0;
	_ =	strace $0x90000047  }
0x2e: {  	s0 =	sadd.s32 @!p0 $0x100000, s1;
	[bflag:$0x2] =	sbarrier.arrive $0xFFFF  }
0x2f: {  	[sflag:s0] =	ssyncadd.tile.s32 @!p0 $0x1;
	_ =	shalt  }
.Lfunc_end2:
_tile_overlayer_lowered:
.L_overlay_start_2:
0x30: {  	(tag) =	ssettag $0x2  }
0x31: {  	s0 =	rddreg [dreg:$0x0];
	s2 =	stileid.u32  }
0x32: {  	s1 =	rddreg [dreg:$0x1];
	p0 =	sne.s32 s2, $0x0  }
0x33: {  	s3 =	rddreg [dreg:$0x2];
	[bflag:$0x3] =	sbarrier.arrive $0xFFFF;
	s2 =	simm.s32 @!p0 $0x1C01  }
0x34: {  	[timem:s3], [sflag:s2] =	dma.local @!p0 [hbm:s0], s1  }
0x35: {  	s0 =	simm.s32 @!p0 $0x1  }
0x36: {  	_ =	swait.ge @!p0 [sflag:s0], s1  }
0x37: {  	s1 =	ssub.s32 @!p0 $0x0, s1;
	[sflag:s0] =	ssyncset.done @!p0 $0x0  }
0x38: {  	[sflag:s0] =	ssyncadd.s32 @!p0 s1  }
0x39: {  	[bflag:$0x3] =	sbarrier.arrive $0xFFFF  }
0x3a: {  	_ =	shalt  }

</sc_bundles>
